<compile_context>
chip_gen: v7x
topology: tpu7x:2x2x1
jax: 0.10.2.dev20260603
libtpu: 0.0.44.dev20260713+nightly
codegen_flags: <defaults>
</compile_context>

<pallas_src>
import functools

import jax
import jax.numpy as jnp
from jax import lax
from jax.experimental import pallas as pl
from jax.experimental.pallas import tpu as pltpu
from jax.experimental.pallas import tpu_sc as plsc

_VOCAB = 1000000
_BATCH = 16384
_HIST = 50
_D = 64
_NC = 2
_NS = 16
_NW = _NC * _NS
_VBLK = _VOCAB // 128
_JB = _BATCH // 128
_JPW = _JB // _NW
_EPS = 1e-5
_MAXN = 1.0 - _EPS
_THR = _MAXN * _MAXN

def _i16():
    return lax.iota(jnp.int32, 16)


def _rsqrt16(a):
    xi = plsc.bitcast(a, jnp.int32)
    y = plsc.bitcast(jnp.int32(0x5F3759DF) - (xi >> 1), jnp.float32)
    for _ in range(4):
        y = y * (1.5 - 0.5 * a * y * y)
    return y



def _pack_body(tt_hbm, tail_hbm, out_hbm, in0, in1, ob0, ob1, is0, is1, os0, os1):
    wid = lax.axis_index("s") * _NC + lax.axis_index("c")
    inb = (in0, in1)
    outb = (ob0, ob1)
    isem = (is0, is1)
    osem = (os0, os1)
    nk = (_VBLK - wid + _NW - 1) // _NW

    def fire_in(k, b):
        j = wid + k * _NW
        pltpu.async_copy(tt_hbm.at[:, pl.ds(j * 128, 128)], inb[b], isem[b])

    def drain_in(b):
        pltpu.make_async_copy(tt_hbm.at[:, pl.ds(0, 128)], inb[b], isem[b]).wait()

    def fire_out(k, b):
        j = wid + k * _NW
        pltpu.async_copy(outb[b], out_hbm.at[pl.ds(j * 64, 64)], osem[b])

    def drain_out(b):
        pltpu.make_async_copy(outb[b], out_hbm.at[pl.ds(0, 64)], osem[b]).wait()

    iota = _i16()
    idx0 = [iota + 16 * a for a in range(4)]

    def transpose(b):
        @plsc.parallel_loop(0, 128, unroll=4)
        def _(v):
            vl = (jnp.full((16,), v, jnp.int32) + iota) & 127
            vh = vl >> 1
            vo = (vl & 1) * 64
            for a in range(4):
                vec = plsc.load_gather(inb[b], [idx0[a], vl])
                plsc.store_scatter(outb[b], [vh, vo + idx0[a]], vec)

    @pl.when(nk > 0)
    def _():
        fire_in(0, 0)

    def body(i, carry):
        for b in range(2):
            k = i * 2 + b

            @pl.when(k < nk)
            def _():
                drain_in(b)

                @pl.when(k >= 1)
                def _():
                    drain_out(1 - b)

                @pl.when(k + 1 < nk)
                def _():
                    fire_in(k + 1, 1 - b)

                transpose(b)
                fire_out(k, b)
        return carry

    lax.fori_loop(0, (nk + 1) // 2, body, 0)
    @pl.when(nk > 0)
    def _():
        @pl.when(nk % 2 == 1)
        def _():
            drain_out(0)

        @pl.when(nk % 2 == 0)
        def _():
            drain_out(1)

    @pl.when(wid == (_VBLK % _NW))
    def _():
        pltpu.sync_copy(tail_hbm, ob0.at[pl.ds(0, 32)])
        pltpu.sync_copy(ob0.at[pl.ds(0, 32)],
                        out_hbm.at[pl.ds(_VBLK * 64, 32)])


_mesh = plsc.VectorSubcoreMesh(core_axis_name="c", subcore_axis_name="s")

_pack = functools.partial(
    pl.kernel,
    mesh=_mesh,
    out_type=jax.ShapeDtypeStruct((_VOCAB // 2, 128), jnp.float32),
    scratch_types=[
        pltpu.VMEM((_D, 128), jnp.float32),
        pltpu.VMEM((_D, 128), jnp.float32),
        pltpu.VMEM((_D, 128), jnp.float32),
        pltpu.VMEM((_D, 128), jnp.float32),
        pltpu.SemaphoreType.DMA,
        pltpu.SemaphoreType.DMA,
        pltpu.SemaphoreType.DMA,
        pltpu.SemaphoreType.DMA,
    ],
    compiler_params=pltpu.CompilerParams(use_tc_tiling_on_sc=True, needs_layout_passes=False),
)(_pack_body)



def _gather_body(ext_hbm, table_hbm, out_hbm, idx_v, r0, r1, t0, t1,
                 is0, is1, os0, os1):
    wid = lax.axis_index("s") * _NC + lax.axis_index("c")
    rows = (r0, r1)
    tb = (t0, t1)
    isem = (is0, is1)
    osem = (os0, os1)
    nblk = _HIST * _JPW

    pltpu.sync_copy(ext_hbm.at[:, pl.ds(wid * (128 * _JPW), 128 * _JPW)], idx_v)

    def fire_in(g, b):
        h = g >> 2
        jj = g & 3
        pltpu.async_copy(table_hbm.at[idx_v.at[h, pl.ds(jj * 128, 128)]],
                         rows[b], isem[b])

    def drain_in(b):
        pltpu.make_async_copy(table_hbm.at[pl.ds(0, 128)], rows[b],
                              isem[b]).wait()

    def fire_out(g, b):
        h = g >> 2
        j = wid * _JPW + (g & 3)
        for i in range(8):
            pltpu.async_copy(tb[b].at[pl.ds(8 * i, 8)], out_hbm.at[h, i, j],
                             osem[b])

    def drain_out(b):
        for i in range(8):
            pltpu.make_async_copy(tb[b].at[pl.ds(8 * i, 8)],
                                  out_hbm.at[0, 0, 0], osem[b]).wait()

    iota = _i16()
    idxs = [iota + 16 * s for s in range(8)]

    def transpose_norm(b):
        zeros = jnp.zeros((16,), jnp.float32)

        @plsc.parallel_loop(0, _D, unroll=4, carry=(zeros,) * 8)
        def frow(f, acc):
            cv = (jnp.full((16,), f, jnp.int32) + iota) & 63
            new = []
            for s in range(8):
                vec = plsc.load_gather(rows[b], [idxs[s], cv])
                plsc.store_scatter(tb[b], [cv, idxs[s]], vec)
                new.append(acc[s] + vec * vec)
            return tuple(new)

        acc = frow
        hot = acc[0] > _THR
        for s in range(1, 8):
            hot = hot | (acc[s] > _THR)
        need = jnp.any(hot)

        @pl.when(need)
        def _():
            scales = [
                jnp.where(acc[s] > _THR, _MAXN * _rsqrt16(acc[s]), 1.0)
                for s in range(8)
            ]

            def fix(f, carry):
                for s in range(8):
                    sl = tb[b].at[f, pl.ds(16 * s, 16)]
                    sl[...] = sl[...] * scales[s]
                return carry

            lax.fori_loop(0, _D, fix, 0)

    fire_in(0, 0)

    def body(i, carry):
        for b in range(2):
            g = i * 2 + b
            drain_in(b)

            @pl.when(g >= 1)
            def _():
                drain_out(1 - b)

            @pl.when(g + 1 < nblk)
            def _():
                fire_in(g + 1, 1 - b)

            transpose_norm(b)
            fire_out(g, b)
        return carry

    lax.fori_loop(0, nblk // 2, body, 0)
    drain_out(1)


_gather = functools.partial(
    pl.kernel,
    mesh=_mesh,
    out_type=jax.ShapeDtypeStruct((_HIST, 8, _JB, 8, 128), jnp.float32),
    scratch_types=[
        pltpu.VMEM((_HIST, 128 * _JPW), jnp.int32),
        pltpu.VMEM((128, _D), jnp.float32),
        pltpu.VMEM((128, _D), jnp.float32),
        pltpu.VMEM((_D, 128), jnp.float32),
        pltpu.VMEM((_D, 128), jnp.float32),
        pltpu.SemaphoreType.DMA,
        pltpu.SemaphoreType.DMA,
        pltpu.SemaphoreType.DMA,
        pltpu.SemaphoreType.DMA,
    ],
    compiler_params=pltpu.CompilerParams(use_tc_tiling_on_sc=False, needs_layout_passes=False),
)(_gather_body)


def kernel(examples, table):
    tail = lax.slice(table, (_VBLK * 128, 0), (_VOCAB, _D)).reshape(32, 128)
    packed = _pack(table.T, tail)
    tlin = packed.reshape(_VOCAB, _D)
    ext = examples.T
    out5 = _gather(ext, tlin)
    return out5.transpose(2, 4, 0, 1, 3).reshape(_BATCH, _HIST, _D)

# --- scband reference (transcript-rebuilt; emitter-appended) ---
"""Pipeline reference for scband-embeddings-29884382445879 (READ-ONLY COPY).

The authoritative reference and input builder live on the scoring server;
editing this copy changes nothing except your own understanding.
"""

import jax, jax.numpy as jnp
import numpy as np

VOCAB = 1000000
DIM = 64
SCALE = 1e-4
EPS = 1e-5
BATCH = 16384
HIST = 50


def _manifold_normalize(x):
    # Poincare-ball style normalize: project points back inside the unit ball
    norm = jnp.linalg.norm(x, axis=-1, keepdims=True)
    maxnorm = 1.0 - EPS
    cond = norm > maxnorm
    safe_norm = jnp.where(norm > 0, norm, 1.0)
    projected = x / safe_norm * maxnorm
    return jnp.where(cond, projected, x)


def setup_inputs(seed: int = 0) -> dict:
    key = jax.random.key(seed)
    k1, k2 = jax.random.split(key)
    # learned embedding table, initialized uniform_(-scale, scale) as in __init__
    table = jax.random.uniform(k1, (VOCAB, DIM), minval=-SCALE, maxval=SCALE, dtype=jnp.float32)
    examples = jax.random.randint(k2, (BATCH, HIST), 0, VOCAB, dtype=jnp.int32)
    return {"examples": examples, "table": table}


def reference(examples, table):
    # embedded = self.embeddings(examples)
    embedded = jnp.take(table, examples, axis=0)
    # with torch.no_grad(): embedded = self.manifold.normalize(embedded)
    embedded = jax.lax.stop_gradient(_manifold_normalize(embedded))
    return embedded

if __name__ == "__main__":
    import jax
    _d = setup_inputs()
    print(jax.jit(kernel)(*tuple(_d.values())))

</pallas_src>

<mosaic_0001>
#map = affine_map<(d0, d1) -> (0, 0)>
module attributes {stable_mosaic.version = 14 : i64} {
  func.func @_pack_body(%arg0: i32, %arg1: i32, %arg2: memref<64x1000000xf32, #tpu.memory_space<hbm>>, %arg3: memref<32x128xf32, #tpu.memory_space<hbm>>, %arg4: memref<500000x128xf32, #tpu.memory_space<hbm>>, %arg5: memref<64x128xf32, #tpu.memory_space<vmem>>, %arg6: memref<64x128xf32, #tpu.memory_space<vmem>>, %arg7: memref<64x128xf32, #tpu.memory_space<vmem>>, %arg8: memref<64x128xf32, #tpu.memory_space<vmem>>, %arg9: memref<!tpu.dma_semaphore, #tpu.memory_space<semaphore_mem>>, %arg10: memref<!tpu.dma_semaphore, #tpu.memory_space<semaphore_mem>>, %arg11: memref<!tpu.dma_semaphore, #tpu.memory_space<semaphore_mem>>, %arg12: memref<!tpu.dma_semaphore, #tpu.memory_space<semaphore_mem>>) attributes {dimension_semantics = [#tpu.dimension_semantics<core_parallel>, #tpu.dimension_semantics<subcore_parallel>], iteration_bounds = array<i64: 2, 16>, scalar_prefetch = 0 : i64, scratch_operands = 8 : i64, tpu.core_type = #tpu.core_type<sc_vector_subcore>, window_params = [{transform_indices = #map}, {transform_indices = #map}, {transform_indices = #map}]} {
    %mul3A = arith.constant 2 : i32
    %mul3A_0 = arith.muli %arg1, %mul3A : i32
    %add3A = arith.addi %mul3A_0, %arg0 : i32
    %sub3A = arith.constant 7812 : i32
    %sub3A_1 = arith.subi %sub3A, %add3A : i32
    %add3A_2 = arith.constant 32 : i32
    %add3A_3 = arith.addi %sub3A_1, %add3A_2 : i32
    %sub3A_4 = arith.constant 1 : i32
    %sub3A_5 = arith.subi %add3A_3, %sub3A_4 : i32
    %jit3A = arith.constant 32 : i32
    %div3A = arith.divsi %sub3A_5, %jit3A : i32
    %sign3A = arith.constant 0 : i32
    %sign3A_6 = arith.cmpi sgt, %sub3A_5, %sign3A : i32
    %sign3A_7 = arith.extui %sign3A_6 : i1 to i32
    %sign3A_8 = arith.constant 0 : i32
    %sign3A_9 = arith.cmpi slt, %sub3A_5, %sign3A_8 : i32
    %sign3A_10 = arith.extui %sign3A_9 : i1 to i32
    %sign3A_11 = arith.subi %sign3A_7, %sign3A_10 : i32
    %sign3A_12 = arith.constant 0 : i32
    %sign3A_13 = arith.cmpi sgt, %jit3A, %sign3A_12 : i32
    %sign3A_14 = arith.extui %sign3A_13 : i1 to i32
    %sign3A_15 = arith.constant 0 : i32
    %sign3A_16 = arith.cmpi slt, %jit3A, %sign3A_15 : i32
    %sign3A_17 = arith.extui %sign3A_16 : i1 to i32
    %sign3A_18 = arith.subi %sign3A_14, %sign3A_17 : i32
    %ne3A = arith.cmpi ne, %sign3A_11, %sign3A_18 : i32
    %rem3A = arith.remsi %sub3A_5, %jit3A : i32
    %ne3A_19 = arith.constant 0 : i32
    %ne3A_20 = arith.cmpi ne, %rem3A, %ne3A_19 : i32
    %and3A = arith.andi %ne3A, %ne3A_20 : i1
    %sub3A_21 = arith.constant 1 : i32
    %sub3A_22 = arith.subi %div3A, %sub3A_21 : i32
    %select_n3A = arith.select %and3A, %sub3A_22, %div3A : i32
    %iota3A = tpu.iota {dimensions = array<i32: 0>} : vector<16xi32>
    %add3A_23 = arith.constant 0 : i32
    %add3A_24 = vector.broadcast %add3A_23 : i32 to vector<16xi32>
    %add3A_25 = arith.addi %iota3A, %add3A_24 : vector<16xi32>
    %add3A_26 = arith.constant 16 : i32
    %add3A_27 = vector.broadcast %add3A_26 : i32 to vector<16xi32>
    %add3A_28 = arith.addi %iota3A, %add3A_27 : vector<16xi32>
    %add3A_29 = arith.constant 32 : i32
    %add3A_30 = vector.broadcast %add3A_29 : i32 to vector<16xi32>
    %add3A_31 = arith.addi %iota3A, %add3A_30 : vector<16xi32>
    %add3A_32 = arith.constant 48 : i32
    %add3A_33 = vector.broadcast %add3A_32 : i32 to vector<16xi32>
    %add3A_34 = arith.addi %iota3A, %add3A_33 : vector<16xi32>
    %gt3A = arith.constant 0 : i32
    %gt3A_35 = arith.cmpi sgt, %select_n3A, %gt3A : i32
    %convert_element_type3A = arith.extui %gt3A_35 : i1 to i32
    %cond3A = arith.constant 0 : i32
    %cond3A_36 = arith.cmpi ne, %convert_element_type3A, %cond3A : i32
    scf.if %cond3A_36 {
      %add3A_81 = arith.constant 0 : i32
      %add3A_82 = arith.addi %add3A, %add3A_81 : i32
      %mul3A_83 = arith.constant 128 : i32
      %mul3A_84 = arith.muli %add3A_82, %mul3A_83 : i32
      %dma_start3A = arith.constant 0 : i32
      %dma_start3A_85 = tpu.memref_slice %arg2[%dma_start3A, %mul3A_84] : memref<64x1000000xf32, #tpu.memory_space<hbm>> -> memref<64x128xf32, #tpu.memory_space<hbm>>
      %dma_start3A_86 = arith.constant 0 : i32
      %dma_start3A_87 = tpu.memref_slice %arg2[%dma_start3A_86, %mul3A_84] : memref<64x1000000xf32, #tpu.memory_space<hbm>> -> memref<64x128xf32, #tpu.memory_space<hbm>>
      tpu.enqueue_dma source(%dma_start3A_87 : memref<64x128xf32, #tpu.memory_space<hbm>>) target(%arg5 : memref<64x128xf32, #tpu.memory_space<vmem>>) target_semaphore(%arg9 : memref<!tpu.dma_semaphore, #tpu.memory_space<semaphore_mem>>)
    } else {
    }
    %add3A_37 = arith.constant 1 : i32
    %add3A_38 = arith.addi %select_n3A, %add3A_37 : i32
    %jit3A_39 = arith.constant 2 : i32
    %div3A_40 = arith.divsi %add3A_38, %jit3A_39 : i32
    %sign3A_41 = arith.constant 0 : i32
    %sign3A_42 = arith.cmpi sgt, %add3A_38, %sign3A_41 : i32
    %sign3A_43 = arith.extui %sign3A_42 : i1 to i32
    %sign3A_44 = arith.constant 0 : i32
    %sign3A_45 = arith.cmpi slt, %add3A_38, %sign3A_44 : i32
    %sign3A_46 = arith.extui %sign3A_45 : i1 to i32
    %sign3A_47 = arith.subi %sign3A_43, %sign3A_46 : i32
    %sign3A_48 = arith.constant 0 : i32
    %sign3A_49 = arith.cmpi sgt, %jit3A_39, %sign3A_48 : i32
    %sign3A_50 = arith.extui %sign3A_49 : i1 to i32
    %sign3A_51 = arith.constant 0 : i32
    %sign3A_52 = arith.cmpi slt, %jit3A_39, %sign3A_51 : i32
    %sign3A_53 = arith.extui %sign3A_52 : i1 to i32
    %sign3A_54 = arith.subi %sign3A_50, %sign3A_53 : i32
    %ne3A_55 = arith.cmpi ne, %sign3A_47, %sign3A_54 : i32
    %rem3A_56 = arith.remsi %add3A_38, %jit3A_39 : i32
    %ne3A_57 = arith.constant 0 : i32
    %ne3A_58 = arith.cmpi ne, %rem3A_56, %ne3A_57 : i32
    %and3A_59 = arith.andi %ne3A_55, %ne3A_58 : i1
    %sub3A_60 = arith.constant 1 : i32
    %sub3A_61 = arith.subi %div3A_40, %sub3A_60 : i32
    %select_n3A_62 = arith.select %and3A_59, %sub3A_61, %div3A_40 : i32
    %while3A = arith.constant 0 : i32
    %while3A_63 = arith.constant 0 : i32
    %while3A_64 = arith.subi %select_n3A_62, %while3A_63 : i32
    %while3A_65 = arith.addi %while3A_63, %while3A_64 : i32
    %while3A_66 = arith.constant 1 : i32
    %while3A_67 = arith.divsi %while3A_64, %while3A_66 : i32
    %while3A_68 = arith.muli %while3A_67, %while3A_66 : i32
    %while3A_69 = arith.addi %while3A_63, %while3A_68 : i32
    %while3A_70 = arith.constant 1 : i32
    scf.for %while3A_81 = %while3A_63 to %while3A_69 step %while3A_70  : i32 {
      %mul3A_82 = arith.constant 2 : i32
      %mul3A_83 = arith.muli %while3A_81, %mul3A_82 : i32
      %add3A_84 = arith.constant 0 : i32
      %add3A_85 = arith.addi %mul3A_83, %add3A_84 : i32
      %lt3A = arith.cmpi slt, %add3A_85, %select_n3A : i32
      %convert_element_type3A_86 = arith.extui %lt3A : i1 to i32
      %cond3A_87 = arith.constant 0 : i32
      %cond3A_88 = arith.cmpi ne, %convert_element_type3A_86, %cond3A_87 : i32
      scf.if %cond3A_88 {
        %dma_wait3A = arith.constant 0 : i32
        %dma_wait3A_97 = arith.constant 0 : i32
        %dma_wait3A_98 = tpu.memref_slice %arg2[%dma_wait3A, %dma_wait3A_97] : memref<64x1000000xf32, #tpu.memory_space<hbm>> -> memref<64x128xf32, #tpu.memory_space<hbm>>
        %dma_wait3A_99 = arith.constant 0 : i32
        %dma_wait3A_100 = arith.constant 0 : i32
        %dma_wait3A_101 = tpu.memref_slice %arg2[%dma_wait3A_99, %dma_wait3A_100] : memref<64x1000000xf32, #tpu.memory_space<hbm>> -> memref<64x128xf32, #tpu.memory_space<hbm>>
        tpu.wait_dma2 semaphore(%arg9 : memref<!tpu.dma_semaphore, #tpu.memory_space<semaphore_mem>>) src(%dma_wait3A_101 : memref<64x128xf32, #tpu.memory_space<hbm>>) dst(%arg5 : memref<64x128xf32, #tpu.memory_space<vmem>>)
        %ge3A = arith.constant 1 : i32
        %ge3A_102 = arith.cmpi sge, %add3A_85, %ge3A : i32
        %convert_element_type3A_103 = arith.extui %ge3A_102 : i1 to i32
        %cond3A_104 = arith.constant 0 : i32
        %cond3A_105 = arith.cmpi ne, %convert_element_type3A_103, %cond3A_104 : i32
        scf.if %cond3A_105 {
          %dma_wait3A_122 = arith.constant 0 : i32
          %dma_wait3A_123 = arith.constant 0 : i32
          %dma_wait3A_124 = tpu.memref_slice %arg4[%dma_wait3A_122, %dma_wait3A_123] : memref<500000x128xf32, #tpu.memory_space<hbm>> -> memref<64x128xf32, #tpu.memory_space<hbm>>
          %dma_wait3A_125 = arith.constant 0 : i32
          %dma_wait3A_126 = arith.constant 0 : i32
          %dma_wait3A_127 = tpu.memref_slice %arg4[%dma_wait3A_125, %dma_wait3A_126] : memref<500000x128xf32, #tpu.memory_space<hbm>> -> memref<64x128xf32, #tpu.memory_space<hbm>>
          tpu.wait_dma2 semaphore(%arg12 : memref<!tpu.dma_semaphore, #tpu.memory_space<semaphore_mem>>) src(%arg8 : memref<64x128xf32, #tpu.memory_space<vmem>>) dst(%dma_wait3A_127 : memref<64x128xf32, #tpu.memory_space<hbm>>)
        } else {
        }
        %add3A_106 = arith.constant 1 : i32
        %add3A_107 = arith.addi %add3A_85, %add3A_106 : i32
        %lt3A_108 = arith.cmpi slt, %add3A_107, %select_n3A : i32
        %convert_element_type3A_109 = arith.extui %lt3A_108 : i1 to i32
        %cond3A_110 = arith.constant 0 : i32
        %cond3A_111 = arith.cmpi ne, %convert_element_type3A_109, %cond3A_110 : i32
        scf.if %cond3A_111 {
          %add3A_122 = arith.constant 1 : i32
          %add3A_123 = arith.addi %add3A_85, %add3A_122 : i32
          %mul3A_124 = arith.constant 32 : i32
          %mul3A_125 = arith.muli %add3A_123, %mul3A_124 : i32
          %add3A_126 = arith.addi %add3A, %mul3A_125 : i32
          %mul3A_127 = arith.constant 128 : i32
          %mul3A_128 = arith.muli %add3A_126, %mul3A_127 : i32
          %dma_start3A_129 = arith.constant 0 : i32
          %dma_start3A_130 = tpu.memref_slice %arg2[%dma_start3A_129, %mul3A_128] : memref<64x1000000xf32, #tpu.memory_space<hbm>> -> memref<64x128xf32, #tpu.memory_space<hbm>>
          %dma_start3A_131 = arith.constant 0 : i32
          %dma_start3A_132 = tpu.memref_slice %arg2[%dma_start3A_131, %mul3A_128] : memref<64x1000000xf32, #tpu.memory_space<hbm>> -> memref<64x128xf32, #tpu.memory_space<hbm>>
          tpu.enqueue_dma source(%dma_start3A_132 : memref<64x128xf32, #tpu.memory_space<hbm>>) target(%arg6 : memref<64x128xf32, #tpu.memory_space<vmem>>) target_semaphore(%arg10 : memref<!tpu.dma_semaphore, #tpu.memory_space<semaphore_mem>>)
        } else {
        }
        %parallel_loop3A = arith.constant 0 : i32
        %parallel_loop3A_112 = arith.constant 128 : i32
        %parallel_loop3A_113 = arith.constant 1 : i32
        scf.for %parallel_loop3A_122 = %parallel_loop3A to %parallel_loop3A_112 step %parallel_loop3A_113  : i32 {
          %parallel_loop3A_123 = vector.broadcast %parallel_loop3A_122 : i32 to vector<16xi32>
          %parallel_loop3A_124 = arith.addi %parallel_loop3A_123, %iota3A : vector<16xi32>
          %parallel_loop3A_125 = arith.constant 127 : i32
          %parallel_loop3A_126 = vector.broadcast %parallel_loop3A_125 : i32 to vector<16xi32>
          %parallel_loop3A_127 = arith.andi %parallel_loop3A_124, %parallel_loop3A_126 : vector<16xi32>
          %parallel_loop3A_128 = arith.constant 1 : i32
          %parallel_loop3A_129 = vector.broadcast %parallel_loop3A_128 : i32 to vector<16xi32>
          %parallel_loop3A_130 = arith.shrsi %parallel_loop3A_127, %parallel_loop3A_129 : vector<16xi32>
          %parallel_loop3A_131 = arith.constant 1 : i32
          %parallel_loop3A_132 = vector.broadcast %parallel_loop3A_131 : i32 to vector<16xi32>
          %parallel_loop3A_133 = arith.andi %parallel_loop3A_127, %parallel_loop3A_132 : vector<16xi32>
          %parallel_loop3A_134 = arith.constant 64 : i32
          %parallel_loop3A_135 = vector.broadcast %parallel_loop3A_134 : i32 to vector<16xi32>
          %parallel_loop3A_136 = arith.muli %parallel_loop3A_133, %parallel_loop3A_135 : vector<16xi32>
          %parallel_loop3A_137 = tpu.vector_load_idx %arg5[%add3A_25, %parallel_loop3A_127] : memref<64x128xf32, #tpu.memory_space<vmem>>[vector<16xi32>, vector<16xi32>], vector<16xf32>,
          %parallel_loop3A_138 = arith.addi %parallel_loop3A_136, %add3A_25 : vector<16xi32>
          tpu.vector_store_idx %arg7[%parallel_loop3A_130, %parallel_loop3A_138], %parallel_loop3A_137 : memref<64x128xf32, #tpu.memory_space<vmem>>[vector<16xi32>, vector<16xi32>], vector<16xf32>,
          %parallel_loop3A_139 = tpu.vector_load_idx %arg5[%add3A_28, %parallel_loop3A_127] : memref<64x128xf32, #tpu.memory_space<vmem>>[vector<16xi32>, vector<16xi32>], vector<16xf32>,
          %parallel_loop3A_140 = arith.addi %parallel_loop3A_136, %add3A_28 : vector<16xi32>
          tpu.vector_store_idx %arg7[%parallel_loop3A_130, %parallel_loop3A_140], %parallel_loop3A_139 : memref<64x128xf32, #tpu.memory_space<vmem>>[vector<16xi32>, vector<16xi32>], vector<16xf32>,
          %parallel_loop3A_141 = tpu.vector_load_idx %arg5[%add3A_31, %parallel_loop3A_127] : memref<64x128xf32, #tpu.memory_space<vmem>>[vector<16xi32>, vector<16xi32>], vector<16xf32>,
          %parallel_loop3A_142 = arith.addi %parallel_loop3A_136, %add3A_31 : vector<16xi32>
          tpu.vector_store_idx %arg7[%parallel_loop3A_130, %parallel_loop3A_142], %parallel_loop3A_141 : memref<64x128xf32, #tpu.memory_space<vmem>>[vector<16xi32>, vector<16xi32>], vector<16xf32>,
          %parallel_loop3A_143 = tpu.vector_load_idx %arg5[%add3A_34, %parallel_loop3A_127] : memref<64x128xf32, #tpu.memory_space<vmem>>[vector<16xi32>, vector<16xi32>], vector<16xf32>,
          %parallel_loop3A_144 = arith.addi %parallel_loop3A_136, %add3A_34 : vector<16xi32>
          tpu.vector_store_idx %arg7[%parallel_loop3A_130, %parallel_loop3A_144], %parallel_loop3A_143 : memref<64x128xf32, #tpu.memory_space<vmem>>[vector<16xi32>, vector<16xi32>], vector<16xf32>,
        } {sc.loop_unroll_factor = 4 : i64, sc.parallel_access}
        %mul3A_114 = arith.constant 32 : i32
        %mul3A_115 = arith.muli %add3A_85, %mul3A_114 : i32
        %add3A_116 = arith.addi %add3A, %mul3A_115 : i32
        %mul3A_117 = arith.constant 64 : i32
        %mul3A_118 = arith.muli %add3A_116, %mul3A_117 : i32
        %dma_start3A = arith.constant 0 : i32
        %dma_start3A_119 = tpu.memref_slice %arg4[%mul3A_118, %dma_start3A] : memref<500000x128xf32, #tpu.memory_space<hbm>> -> memref<64x128xf32, #tpu.memory_space<hbm>>
        %dma_start3A_120 = arith.constant 0 : i32
        %dma_start3A_121 = tpu.memref_slice %arg4[%mul3A_118, %dma_start3A_120] : memref<500000x128xf32, #tpu.memory_space<hbm>> -> memref<64x128xf32, #tpu.memory_space<hbm>>
        tpu.enqueue_dma source(%arg7 : memref<64x128xf32, #tpu.memory_space<vmem>>) target(%dma_start3A_121 : memref<64x128xf32, #tpu.memory_space<hbm>>) target_semaphore(%arg11 : memref<!tpu.dma_semaphore, #tpu.memory_space<semaphore_mem>>)
      } else {
      }
      %mul3A_89 = arith.constant 2 : i32
      %mul3A_90 = arith.muli %while3A_81, %mul3A_89 : i32
      %add3A_91 = arith.constant 1 : i32
      %add3A_92 = arith.addi %mul3A_90, %add3A_91 : i32
      %lt3A_93 = arith.cmpi slt, %add3A_92, %select_n3A : i32
      %convert_element_type3A_94 = arith.extui %lt3A_93 : i1 to i32
      %cond3A_95 = arith.constant 0 : i32
      %cond3A_96 = arith.cmpi ne, %convert_element_type3A_94, %cond3A_95 : i32
      scf.if %cond3A_96 {
        %dma_wait3A = arith.constant 0 : i32
        %dma_wait3A_97 = arith.constant 0 : i32
        %dma_wait3A_98 = tpu.memref_slice %arg2[%dma_wait3A, %dma_wait3A_97] : memref<64x1000000xf32, #tpu.memory_space<hbm>> -> memref<64x128xf32, #tpu.memory_space<hbm>>
        %dma_wait3A_99 = arith.constant 0 : i32
        %dma_wait3A_100 = arith.constant 0 : i32
        %dma_wait3A_101 = tpu.memref_slice %arg2[%dma_wait3A_99, %dma_wait3A_100] : memref<64x1000000xf32, #tpu.memory_space<hbm>> -> memref<64x128xf32, #tpu.memory_space<hbm>>
        tpu.wait_dma2 semaphore(%arg10 : memref<!tpu.dma_semaphore, #tpu.memory_space<semaphore_mem>>) src(%dma_wait3A_101 : memref<64x128xf32, #tpu.memory_space<hbm>>) dst(%arg6 : memref<64x128xf32, #tpu.memory_space<vmem>>)
        %ge3A = arith.constant 1 : i32
        %ge3A_102 = arith.cmpi sge, %add3A_92, %ge3A : i32
        %convert_element_type3A_103 = arith.extui %ge3A_102 : i1 to i32
        %cond3A_104 = arith.constant 0 : i32
        %cond3A_105 = arith.cmpi ne, %convert_element_type3A_103, %cond3A_104 : i32
        scf.if %cond3A_105 {
          %dma_wait3A_122 = arith.constant 0 : i32
          %dma_wait3A_123 = arith.constant 0 : i32
          %dma_wait3A_124 = tpu.memref_slice %arg4[%dma_wait3A_122, %dma_wait3A_123] : memref<500000x128xf32, #tpu.memory_space<hbm>> -> memref<64x128xf32, #tpu.memory_space<hbm>>
          %dma_wait3A_125 = arith.constant 0 : i32
          %dma_wait3A_126 = arith.constant 0 : i32
          %dma_wait3A_127 = tpu.memref_slice %arg4[%dma_wait3A_125, %dma_wait3A_126] : memref<500000x128xf32, #tpu.memory_space<hbm>> -> memref<64x128xf32, #tpu.memory_space<hbm>>
          tpu.wait_dma2 semaphore(%arg11 : memref<!tpu.dma_semaphore, #tpu.memory_space<semaphore_mem>>) src(%arg7 : memref<64x128xf32, #tpu.memory_space<vmem>>) dst(%dma_wait3A_127 : memref<64x128xf32, #tpu.memory_space<hbm>>)
        } else {
        }
        %add3A_106 = arith.constant 1 : i32
        %add3A_107 = arith.addi %add3A_92, %add3A_106 : i32
        %lt3A_108 = arith.cmpi slt, %add3A_107, %select_n3A : i32
        %convert_element_type3A_109 = arith.extui %lt3A_108 : i1 to i32
        %cond3A_110 = arith.constant 0 : i32
        %cond3A_111 = arith.cmpi ne, %convert_element_type3A_109, %cond3A_110 : i32
        scf.if %cond3A_111 {
          %add3A_122 = arith.constant 1 : i32
          %add3A_123 = arith.addi %add3A_92, %add3A_122 : i32
          %mul3A_124 = arith.constant 32 : i32
          %mul3A_125 = arith.muli %add3A_123, %mul3A_124 : i32
          %add3A_126 = arith.addi %add3A, %mul3A_125 : i32
          %mul3A_127 = arith.constant 128 : i32
          %mul3A_128 = arith.muli %add3A_126, %mul3A_127 : i32
          %dma_start3A_129 = arith.constant 0 : i32
          %dma_start3A_130 = tpu.memref_slice %arg2[%dma_start3A_129, %mul3A_128] : memref<64x1000000xf32, #tpu.memory_space<hbm>> -> memref<64x128xf32, #tpu.memory_space<hbm>>
          %dma_start3A_131 = arith.constant 0 : i32
          %dma_start3A_132 = tpu.memref_slice %arg2[%dma_start3A_131, %mul3A_128] : memref<64x1000000xf32, #tpu.memory_space<hbm>> -> memref<64x128xf32, #tpu.memory_space<hbm>>
          tpu.enqueue_dma source(%dma_start3A_132 : memref<64x128xf32, #tpu.memory_space<hbm>>) target(%arg5 : memref<64x128xf32, #tpu.memory_space<vmem>>) target_semaphore(%arg9 : memref<!tpu.dma_semaphore, #tpu.memory_space<semaphore_mem>>)
        } else {
        }
        %parallel_loop3A = arith.constant 0 : i32
        %parallel_loop3A_112 = arith.constant 128 : i32
        %parallel_loop3A_113 = arith.constant 1 : i32
        scf.for %parallel_loop3A_122 = %parallel_loop3A to %parallel_loop3A_112 step %parallel_loop3A_113  : i32 {
          %parallel_loop3A_123 = vector.broadcast %parallel_loop3A_122 : i32 to vector<16xi32>
          %parallel_loop3A_124 = arith.addi %parallel_loop3A_123, %iota3A : vector<16xi32>
          %parallel_loop3A_125 = arith.constant 127 : i32
          %parallel_loop3A_126 = vector.broadcast %parallel_loop3A_125 : i32 to vector<16xi32>
          %parallel_loop3A_127 = arith.andi %parallel_loop3A_124, %parallel_loop3A_126 : vector<16xi32>
          %parallel_loop3A_128 = arith.constant 1 : i32
          %parallel_loop3A_129 = vector.broadcast %parallel_loop3A_128 : i32 to vector<16xi32>
          %parallel_loop3A_130 = arith.shrsi %parallel_loop3A_127, %parallel_loop3A_129 : vector<16xi32>
          %parallel_loop3A_131 = arith.constant 1 : i32
          %parallel_loop3A_132 = vector.broadcast %parallel_loop3A_131 : i32 to vector<16xi32>
          %parallel_loop3A_133 = arith.andi %parallel_loop3A_127, %parallel_loop3A_132 : vector<16xi32>
          %parallel_loop3A_134 = arith.constant 64 : i32
          %parallel_loop3A_135 = vector.broadcast %parallel_loop3A_134 : i32 to vector<16xi32>
          %parallel_loop3A_136 = arith.muli %parallel_loop3A_133, %parallel_loop3A_135 : vector<16xi32>
          %parallel_loop3A_137 = tpu.vector_load_idx %arg6[%add3A_25, %parallel_loop3A_127] : memref<64x128xf32, #tpu.memory_space<vmem>>[vector<16xi32>, vector<16xi32>], vector<16xf32>,
          %parallel_loop3A_138 = arith.addi %parallel_loop3A_136, %add3A_25 : vector<16xi32>
          tpu.vector_store_idx %arg8[%parallel_loop3A_130, %parallel_loop3A_138], %parallel_loop3A_137 : memref<64x128xf32, #tpu.memory_space<vmem>>[vector<16xi32>, vector<16xi32>], vector<16xf32>,
          %parallel_loop3A_139 = tpu.vector_load_idx %arg6[%add3A_28, %parallel_loop3A_127] : memref<64x128xf32, #tpu.memory_space<vmem>>[vector<16xi32>, vector<16xi32>], vector<16xf32>,
          %parallel_loop3A_140 = arith.addi %parallel_loop3A_136, %add3A_28 : vector<16xi32>
          tpu.vector_store_idx %arg8[%parallel_loop3A_130, %parallel_loop3A_140], %parallel_loop3A_139 : memref<64x128xf32, #tpu.memory_space<vmem>>[vector<16xi32>, vector<16xi32>], vector<16xf32>,
          %parallel_loop3A_141 = tpu.vector_load_idx %arg6[%add3A_31, %parallel_loop3A_127] : memref<64x128xf32, #tpu.memory_space<vmem>>[vector<16xi32>, vector<16xi32>], vector<16xf32>,
          %parallel_loop3A_142 = arith.addi %parallel_loop3A_136, %add3A_31 : vector<16xi32>
          tpu.vector_store_idx %arg8[%parallel_loop3A_130, %parallel_loop3A_142], %parallel_loop3A_141 : memref<64x128xf32, #tpu.memory_space<vmem>>[vector<16xi32>, vector<16xi32>], vector<16xf32>,
          %parallel_loop3A_143 = tpu.vector_load_idx %arg6[%add3A_34, %parallel_loop3A_127] : memref<64x128xf32, #tpu.memory_space<vmem>>[vector<16xi32>, vector<16xi32>], vector<16xf32>,
          %parallel_loop3A_144 = arith.addi %parallel_loop3A_136, %add3A_34 : vector<16xi32>
          tpu.vector_store_idx %arg8[%parallel_loop3A_130, %parallel_loop3A_144], %parallel_loop3A_143 : memref<64x128xf32, #tpu.memory_space<vmem>>[vector<16xi32>, vector<16xi32>], vector<16xf32>,
        } {sc.loop_unroll_factor = 4 : i64, sc.parallel_access}
        %mul3A_114 = arith.constant 32 : i32
        %mul3A_115 = arith.muli %add3A_92, %mul3A_114 : i32
        %add3A_116 = arith.addi %add3A, %mul3A_115 : i32
        %mul3A_117 = arith.constant 64 : i32
        %mul3A_118 = arith.muli %add3A_116, %mul3A_117 : i32
        %dma_start3A = arith.constant 0 : i32
        %dma_start3A_119 = tpu.memref_slice %arg4[%mul3A_118, %dma_start3A] : memref<500000x128xf32, #tpu.memory_space<hbm>> -> memref<64x128xf32, #tpu.memory_space<hbm>>
        %dma_start3A_120 = arith.constant 0 : i32
        %dma_start3A_121 = tpu.memref_slice %arg4[%mul3A_118, %dma_start3A_120] : memref<500000x128xf32, #tpu.memory_space<hbm>> -> memref<64x128xf32, #tpu.memory_space<hbm>>
        tpu.enqueue_dma source(%arg8 : memref<64x128xf32, #tpu.memory_space<vmem>>) target(%dma_start3A_121 : memref<64x128xf32, #tpu.memory_space<hbm>>) target_semaphore(%arg12 : memref<!tpu.dma_semaphore, #tpu.memory_space<semaphore_mem>>)
      } else {
      }
    }
    %while3A_71 = arith.constant 1 : i32
    scf.for %while3A_81 = %while3A_69 to %while3A_65 step %while3A_71  : i32 {
      %mul3A_82 = arith.constant 2 : i32
      %mul3A_83 = arith.muli %while3A_81, %mul3A_82 : i32
      %add3A_84 = arith.constant 0 : i32
      %add3A_85 = arith.addi %mul3A_83, %add3A_84 : i32
      %lt3A = arith.cmpi slt, %add3A_85, %select_n3A : i32
      %convert_element_type3A_86 = arith.extui %lt3A : i1 to i32
      %cond3A_87 = arith.constant 0 : i32
      %cond3A_88 = arith.cmpi ne, %convert_element_type3A_86, %cond3A_87 : i32
      scf.if %cond3A_88 {
        %dma_wait3A = arith.constant 0 : i32
        %dma_wait3A_97 = arith.constant 0 : i32
        %dma_wait3A_98 = tpu.memref_slice %arg2[%dma_wait3A, %dma_wait3A_97] : memref<64x1000000xf32, #tpu.memory_space<hbm>> -> memref<64x128xf32, #tpu.memory_space<hbm>>
        %dma_wait3A_99 = arith.constant 0 : i32
        %dma_wait3A_100 = arith.constant 0 : i32
        %dma_wait3A_101 = tpu.memref_slice %arg2[%dma_wait3A_99, %dma_wait3A_100] : memref<64x1000000xf32, #tpu.memory_space<hbm>> -> memref<64x128xf32, #tpu.memory_space<hbm>>
        tpu.wait_dma2 semaphore(%arg9 : memref<!tpu.dma_semaphore, #tpu.memory_space<semaphore_mem>>) src(%dma_wait3A_101 : memref<64x128xf32, #tpu.memory_space<hbm>>) dst(%arg5 : memref<64x128xf32, #tpu.memory_space<vmem>>)
        %ge3A = arith.constant 1 : i32
        %ge3A_102 = arith.cmpi sge, %add3A_85, %ge3A : i32
        %convert_element_type3A_103 = arith.extui %ge3A_102 : i1 to i32
        %cond3A_104 = arith.constant 0 : i32
        %cond3A_105 = arith.cmpi ne, %convert_element_type3A_103, %cond3A_104 : i32
        scf.if %cond3A_105 {
          %dma_wait3A_122 = arith.constant 0 : i32
          %dma_wait3A_123 = arith.constant 0 : i32
          %dma_wait3A_124 = tpu.memref_slice %arg4[%dma_wait3A_122, %dma_wait3A_123] : memref<500000x128xf32, #tpu.memory_space<hbm>> -> memref<64x128xf32, #tpu.memory_space<hbm>>
          %dma_wait3A_125 = arith.constant 0 : i32
          %dma_wait3A_126 = arith.constant 0 : i32
          %dma_wait3A_127 = tpu.memref_slice %arg4[%dma_wait3A_125, %dma_wait3A_126] : memref<500000x128xf32, #tpu.memory_space<hbm>> -> memref<64x128xf32, #tpu.memory_space<hbm>>
          tpu.wait_dma2 semaphore(%arg12 : memref<!tpu.dma_semaphore, #tpu.memory_space<semaphore_mem>>) src(%arg8 : memref<64x128xf32, #tpu.memory_space<vmem>>) dst(%dma_wait3A_127 : memref<64x128xf32, #tpu.memory_space<hbm>>)
        } else {
        }
        %add3A_106 = arith.constant 1 : i32
        %add3A_107 = arith.addi %add3A_85, %add3A_106 : i32
        %lt3A_108 = arith.cmpi slt, %add3A_107, %select_n3A : i32
        %convert_element_type3A_109 = arith.extui %lt3A_108 : i1 to i32
        %cond3A_110 = arith.constant 0 : i32
        %cond3A_111 = arith.cmpi ne, %convert_element_type3A_109, %cond3A_110 : i32
        scf.if %cond3A_111 {
          %add3A_122 = arith.constant 1 : i32
          %add3A_123 = arith.addi %add3A_85, %add3A_122 : i32
          %mul3A_124 = arith.constant 32 : i32
          %mul3A_125 = arith.muli %add3A_123, %mul3A_124 : i32
          %add3A_126 = arith.addi %add3A, %mul3A_125 : i32
          %mul3A_127 = arith.constant 128 : i32
          %mul3A_128 = arith.muli %add3A_126, %mul3A_127 : i32
          %dma_start3A_129 = arith.constant 0 : i32
          %dma_start3A_130 = tpu.memref_slice %arg2[%dma_start3A_129, %mul3A_128] : memref<64x1000000xf32, #tpu.memory_space<hbm>> -> memref<64x128xf32, #tpu.memory_space<hbm>>
          %dma_start3A_131 = arith.constant 0 : i32
          %dma_start3A_132 = tpu.memref_slice %arg2[%dma_start3A_131, %mul3A_128] : memref<64x1000000xf32, #tpu.memory_space<hbm>> -> memref<64x128xf32, #tpu.memory_space<hbm>>
          tpu.enqueue_dma source(%dma_start3A_132 : memref<64x128xf32, #tpu.memory_space<hbm>>) target(%arg6 : memref<64x128xf32, #tpu.memory_space<vmem>>) target_semaphore(%arg10 : memref<!tpu.dma_semaphore, #tpu.memory_space<semaphore_mem>>)
        } else {
        }
        %parallel_loop3A = arith.constant 0 : i32
        %parallel_loop3A_112 = arith.constant 128 : i32
        %parallel_loop3A_113 = arith.constant 1 : i32
        scf.for %parallel_loop3A_122 = %parallel_loop3A to %parallel_loop3A_112 step %parallel_loop3A_113  : i32 {
          %parallel_loop3A_123 = vector.broadcast %parallel_loop3A_122 : i32 to vector<16xi32>
          %parallel_loop3A_124 = arith.addi %parallel_loop3A_123, %iota3A : vector<16xi32>
          %parallel_loop3A_125 = arith.constant 127 : i32
          %parallel_loop3A_126 = vector.broadcast %parallel_loop3A_125 : i32 to vector<16xi32>
          %parallel_loop3A_127 = arith.andi %parallel_loop3A_124, %parallel_loop3A_126 : vector<16xi32>
          %parallel_loop3A_128 = arith.constant 1 : i32
          %parallel_loop3A_129 = vector.broadcast %parallel_loop3A_128 : i32 to vector<16xi32>
          %parallel_loop3A_130 = arith.shrsi %parallel_loop3A_127, %parallel_loop3A_129 : vector<16xi32>
          %parallel_loop3A_131 = arith.constant 1 : i32
          %parallel_loop3A_132 = vector.broadcast %parallel_loop3A_131 : i32 to vector<16xi32>
          %parallel_loop3A_133 = arith.andi %parallel_loop3A_127, %parallel_loop3A_132 : vector<16xi32>
          %parallel_loop3A_134 = arith.constant 64 : i32
          %parallel_loop3A_135 = vector.broadcast %parallel_loop3A_134 : i32 to vector<16xi32>
          %parallel_loop3A_136 = arith.muli %parallel_loop3A_133, %parallel_loop3A_135 : vector<16xi32>
          %parallel_loop3A_137 = tpu.vector_load_idx %arg5[%add3A_25, %parallel_loop3A_127] : memref<64x128xf32, #tpu.memory_space<vmem>>[vector<16xi32>, vector<16xi32>], vector<16xf32>,
          %parallel_loop3A_138 = arith.addi %parallel_loop3A_136, %add3A_25 : vector<16xi32>
          tpu.vector_store_idx %arg7[%parallel_loop3A_130, %parallel_loop3A_138], %parallel_loop3A_137 : memref<64x128xf32, #tpu.memory_space<vmem>>[vector<16xi32>, vector<16xi32>], vector<16xf32>,
          %parallel_loop3A_139 = tpu.vector_load_idx %arg5[%add3A_28, %parallel_loop3A_127] : memref<64x128xf32, #tpu.memory_space<vmem>>[vector<16xi32>, vector<16xi32>], vector<16xf32>,
          %parallel_loop3A_140 = arith.addi %parallel_loop3A_136, %add3A_28 : vector<16xi32>
          tpu.vector_store_idx %arg7[%parallel_loop3A_130, %parallel_loop3A_140], %parallel_loop3A_139 : memref<64x128xf32, #tpu.memory_space<vmem>>[vector<16xi32>, vector<16xi32>], vector<16xf32>,
          %parallel_loop3A_141 = tpu.vector_load_idx %arg5[%add3A_31, %parallel_loop3A_127] : memref<64x128xf32, #tpu.memory_space<vmem>>[vector<16xi32>, vector<16xi32>], vector<16xf32>,
          %parallel_loop3A_142 = arith.addi %parallel_loop3A_136, %add3A_31 : vector<16xi32>
          tpu.vector_store_idx %arg7[%parallel_loop3A_130, %parallel_loop3A_142], %parallel_loop3A_141 : memref<64x128xf32, #tpu.memory_space<vmem>>[vector<16xi32>, vector<16xi32>], vector<16xf32>,
          %parallel_loop3A_143 = tpu.vector_load_idx %arg5[%add3A_34, %parallel_loop3A_127] : memref<64x128xf32, #tpu.memory_space<vmem>>[vector<16xi32>, vector<16xi32>], vector<16xf32>,
          %parallel_loop3A_144 = arith.addi %parallel_loop3A_136, %add3A_34 : vector<16xi32>
          tpu.vector_store_idx %arg7[%parallel_loop3A_130, %parallel_loop3A_144], %parallel_loop3A_143 : memref<64x128xf32, #tpu.memory_space<vmem>>[vector<16xi32>, vector<16xi32>], vector<16xf32>,
        } {sc.loop_unroll_factor = 4 : i64, sc.parallel_access}
        %mul3A_114 = arith.constant 32 : i32
        %mul3A_115 = arith.muli %add3A_85, %mul3A_114 : i32
        %add3A_116 = arith.addi %add3A, %mul3A_115 : i32
        %mul3A_117 = arith.constant 64 : i32
        %mul3A_118 = arith.muli %add3A_116, %mul3A_117 : i32
        %dma_start3A = arith.constant 0 : i32
        %dma_start3A_119 = tpu.memref_slice %arg4[%mul3A_118, %dma_start3A] : memref<500000x128xf32, #tpu.memory_space<hbm>> -> memref<64x128xf32, #tpu.memory_space<hbm>>
        %dma_start3A_120 = arith.constant 0 : i32
        %dma_start3A_121 = tpu.memref_slice %arg4[%mul3A_118, %dma_start3A_120] : memref<500000x128xf32, #tpu.memory_space<hbm>> -> memref<64x128xf32, #tpu.memory_space<hbm>>
        tpu.enqueue_dma source(%arg7 : memref<64x128xf32, #tpu.memory_space<vmem>>) target(%dma_start3A_121 : memref<64x128xf32, #tpu.memory_space<hbm>>) target_semaphore(%arg11 : memref<!tpu.dma_semaphore, #tpu.memory_space<semaphore_mem>>)
      } else {
      }
      %mul3A_89 = arith.constant 2 : i32
      %mul3A_90 = arith.muli %while3A_81, %mul3A_89 : i32
      %add3A_91 = arith.constant 1 : i32
      %add3A_92 = arith.addi %mul3A_90, %add3A_91 : i32
      %lt3A_93 = arith.cmpi slt, %add3A_92, %select_n3A : i32
      %convert_element_type3A_94 = arith.extui %lt3A_93 : i1 to i32
      %cond3A_95 = arith.constant 0 : i32
      %cond3A_96 = arith.cmpi ne, %convert_element_type3A_94, %cond3A_95 : i32
      scf.if %cond3A_96 {
        %dma_wait3A = arith.constant 0 : i32
        %dma_wait3A_97 = arith.constant 0 : i32
        %dma_wait3A_98 = tpu.memref_slice %arg2[%dma_wait3A, %dma_wait3A_97] : memref<64x1000000xf32, #tpu.memory_space<hbm>> -> memref<64x128xf32, #tpu.memory_space<hbm>>
        %dma_wait3A_99 = arith.constant 0 : i32
        %dma_wait3A_100 = arith.constant 0 : i32
        %dma_wait3A_101 = tpu.memref_slice %arg2[%dma_wait3A_99, %dma_wait3A_100] : memref<64x1000000xf32, #tpu.memory_space<hbm>> -> memref<64x128xf32, #tpu.memory_space<hbm>>
        tpu.wait_dma2 semaphore(%arg10 : memref<!tpu.dma_semaphore, #tpu.memory_space<semaphore_mem>>) src(%dma_wait3A_101 : memref<64x128xf32, #tpu.memory_space<hbm>>) dst(%arg6 : memref<64x128xf32, #tpu.memory_space<vmem>>)
        %ge3A = arith.constant 1 : i32
        %ge3A_102 = arith.cmpi sge, %add3A_92, %ge3A : i32
        %convert_element_type3A_103 = arith.extui %ge3A_102 : i1 to i32
        %cond3A_104 = arith.constant 0 : i32
        %cond3A_105 = arith.cmpi ne, %convert_element_type3A_103, %cond3A_104 : i32
        scf.if %cond3A_105 {
          %dma_wait3A_122 = arith.constant 0 : i32
          %dma_wait3A_123 = arith.constant 0 : i32
          %dma_wait3A_124 = tpu.memref_slice %arg4[%dma_wait3A_122, %dma_wait3A_123] : memref<500000x128xf32, #tpu.memory_space<hbm>> -> memref<64x128xf32, #tpu.memory_space<hbm>>
          %dma_wait3A_125 = arith.constant 0 : i32
          %dma_wait3A_126 = arith.constant 0 : i32
          %dma_wait3A_127 = tpu.memref_slice %arg4[%dma_wait3A_125, %dma_wait3A_126] : memref<500000x128xf32, #tpu.memory_space<hbm>> -> memref<64x128xf32, #tpu.memory_space<hbm>>
          tpu.wait_dma2 semaphore(%arg11 : memref<!tpu.dma_semaphore, #tpu.memory_space<semaphore_mem>>) src(%arg7 : memref<64x128xf32, #tpu.memory_space<vmem>>) dst(%dma_wait3A_127 : memref<64x128xf32, #tpu.memory_space<hbm>>)
        } else {
        }
        %add3A_106 = arith.constant 1 : i32
        %add3A_107 = arith.addi %add3A_92, %add3A_106 : i32
        %lt3A_108 = arith.cmpi slt, %add3A_107, %select_n3A : i32
        %convert_element_type3A_109 = arith.extui %lt3A_108 : i1 to i32
        %cond3A_110 = arith.constant 0 : i32
        %cond3A_111 = arith.cmpi ne, %convert_element_type3A_109, %cond3A_110 : i32
        scf.if %cond3A_111 {
          %add3A_122 = arith.constant 1 : i32
          %add3A_123 = arith.addi %add3A_92, %add3A_122 : i32
          %mul3A_124 = arith.constant 32 : i32
          %mul3A_125 = arith.muli %add3A_123, %mul3A_124 : i32
          %add3A_126 = arith.addi %add3A, %mul3A_125 : i32
          %mul3A_127 = arith.constant 128 : i32
          %mul3A_128 = arith.muli %add3A_126, %mul3A_127 : i32
          %dma_start3A_129 = arith.constant 0 : i32
          %dma_start3A_130 = tpu.memref_slice %arg2[%dma_start3A_129, %mul3A_128] : memref<64x1000000xf32, #tpu.memory_space<hbm>> -> memref<64x128xf32, #tpu.memory_space<hbm>>
          %dma_start3A_131 = arith.constant 0 : i32
          %dma_start3A_132 = tpu.memref_slice %arg2[%dma_start3A_131, %mul3A_128] : memref<64x1000000xf32, #tpu.memory_space<hbm>> -> memref<64x128xf32, #tpu.memory_space<hbm>>
          tpu.enqueue_dma source(%dma_start3A_132 : memref<64x128xf32, #tpu.memory_space<hbm>>) target(%arg5 : memref<64x128xf32, #tpu.memory_space<vmem>>) target_semaphore(%arg9 : memref<!tpu.dma_semaphore, #tpu.memory_space<semaphore_mem>>)
        } else {
        }
        %parallel_loop3A = arith.constant 0 : i32
        %parallel_loop3A_112 = arith.constant 128 : i32
        %parallel_loop3A_113 = arith.constant 1 : i32
        scf.for %parallel_loop3A_122 = %parallel_loop3A to %parallel_loop3A_112 step %parallel_loop3A_113  : i32 {
          %parallel_loop3A_123 = vector.broadcast %parallel_loop3A_122 : i32 to vector<16xi32>
          %parallel_loop3A_124 = arith.addi %parallel_loop3A_123, %iota3A : vector<16xi32>
          %parallel_loop3A_125 = arith.constant 127 : i32
          %parallel_loop3A_126 = vector.broadcast %parallel_loop3A_125 : i32 to vector<16xi32>
          %parallel_loop3A_127 = arith.andi %parallel_loop3A_124, %parallel_loop3A_126 : vector<16xi32>
          %parallel_loop3A_128 = arith.constant 1 : i32
          %parallel_loop3A_129 = vector.broadcast %parallel_loop3A_128 : i32 to vector<16xi32>
          %parallel_loop3A_130 = arith.shrsi %parallel_loop3A_127, %parallel_loop3A_129 : vector<16xi32>
          %parallel_loop3A_131 = arith.constant 1 : i32
          %parallel_loop3A_132 = vector.broadcast %parallel_loop3A_131 : i32 to vector<16xi32>
          %parallel_loop3A_133 = arith.andi %parallel_loop3A_127, %parallel_loop3A_132 : vector<16xi32>
          %parallel_loop3A_134 = arith.constant 64 : i32
          %parallel_loop3A_135 = vector.broadcast %parallel_loop3A_134 : i32 to vector<16xi32>
          %parallel_loop3A_136 = arith.muli %parallel_loop3A_133, %parallel_loop3A_135 : vector<16xi32>
          %parallel_loop3A_137 = tpu.vector_load_idx %arg6[%add3A_25, %parallel_loop3A_127] : memref<64x128xf32, #tpu.memory_space<vmem>>[vector<16xi32>, vector<16xi32>], vector<16xf32>,
          %parallel_loop3A_138 = arith.addi %parallel_loop3A_136, %add3A_25 : vector<16xi32>
          tpu.vector_store_idx %arg8[%parallel_loop3A_130, %parallel_loop3A_138], %parallel_loop3A_137 : memref<64x128xf32, #tpu.memory_space<vmem>>[vector<16xi32>, vector<16xi32>], vector<16xf32>,
          %parallel_loop3A_139 = tpu.vector_load_idx %arg6[%add3A_28, %parallel_loop3A_127] : memref<64x128xf32, #tpu.memory_space<vmem>>[vector<16xi32>, vector<16xi32>], vector<16xf32>,
          %parallel_loop3A_140 = arith.addi %parallel_loop3A_136, %add3A_28 : vector<16xi32>
          tpu.vector_store_idx %arg8[%parallel_loop3A_130, %parallel_loop3A_140], %parallel_loop3A_139 : memref<64x128xf32, #tpu.memory_space<vmem>>[vector<16xi32>, vector<16xi32>], vector<16xf32>,
          %parallel_loop3A_141 = tpu.vector_load_idx %arg6[%add3A_31, %parallel_loop3A_127] : memref<64x128xf32, #tpu.memory_space<vmem>>[vector<16xi32>, vector<16xi32>], vector<16xf32>,
          %parallel_loop3A_142 = arith.addi %parallel_loop3A_136, %add3A_31 : vector<16xi32>
          tpu.vector_store_idx %arg8[%parallel_loop3A_130, %parallel_loop3A_142], %parallel_loop3A_141 : memref<64x128xf32, #tpu.memory_space<vmem>>[vector<16xi32>, vector<16xi32>], vector<16xf32>,
          %parallel_loop3A_143 = tpu.vector_load_idx %arg6[%add3A_34, %parallel_loop3A_127] : memref<64x128xf32, #tpu.memory_space<vmem>>[vector<16xi32>, vector<16xi32>], vector<16xf32>,
          %parallel_loop3A_144 = arith.addi %parallel_loop3A_136, %add3A_34 : vector<16xi32>
          tpu.vector_store_idx %arg8[%parallel_loop3A_130, %parallel_loop3A_144], %parallel_loop3A_143 : memref<64x128xf32, #tpu.memory_space<vmem>>[vector<16xi32>, vector<16xi32>], vector<16xf32>,
        } {sc.loop_unroll_factor = 4 : i64, sc.parallel_access}
        %mul3A_114 = arith.constant 32 : i32
        %mul3A_115 = arith.muli %add3A_92, %mul3A_114 : i32
        %add3A_116 = arith.addi %add3A, %mul3A_115 : i32
        %mul3A_117 = arith.constant 64 : i32
        %mul3A_118 = arith.muli %add3A_116, %mul3A_117 : i32
        %dma_start3A = arith.constant 0 : i32
        %dma_start3A_119 = tpu.memref_slice %arg4[%mul3A_118, %dma_start3A] : memref<500000x128xf32, #tpu.memory_space<hbm>> -> memref<64x128xf32, #tpu.memory_space<hbm>>
        %dma_start3A_120 = arith.constant 0 : i32
        %dma_start3A_121 = tpu.memref_slice %arg4[%mul3A_118, %dma_start3A_120] : memref<500000x128xf32, #tpu.memory_space<hbm>> -> memref<64x128xf32, #tpu.memory_space<hbm>>
        tpu.enqueue_dma source(%arg8 : memref<64x128xf32, #tpu.memory_space<vmem>>) target(%dma_start3A_121 : memref<64x128xf32, #tpu.memory_space<hbm>>) target_semaphore(%arg12 : memref<!tpu.dma_semaphore, #tpu.memory_space<semaphore_mem>>)
      } else {
      }
    }
    %gt3A_72 = arith.constant 0 : i32
    %gt3A_73 = arith.cmpi sgt, %select_n3A, %gt3A_72 : i32
    %convert_element_type3A_74 = arith.extui %gt3A_73 : i1 to i32
    %cond3A_75 = arith.constant 0 : i32
    %cond3A_76 = arith.cmpi ne, %convert_element_type3A_74, %cond3A_75 : i32
    scf.if %cond3A_76 {
      %jit3A_81 = arith.constant 2 : i32
      %eq3A_82 = arith.constant 0 : i32
      %eq3A_83 = arith.cmpi eq, %jit3A_81, %eq3A_82 : i32
      %jit3A_84 = arith.constant 1 : i32
      %select_n3A_85 = arith.select %eq3A_83, %jit3A_84, %jit3A_81 : i32
      %rem3A_86 = arith.remsi %select_n3A, %select_n3A_85 : i32
      %ne3A_87 = arith.constant 0 : i32
      %ne3A_88 = arith.cmpi ne, %rem3A_86, %ne3A_87 : i32
      %lt3A = arith.constant 0 : i32
      %lt3A_89 = arith.cmpi slt, %rem3A_86, %lt3A : i32
      %lt3A_90 = arith.constant 0 : i32
      %lt3A_91 = arith.cmpi slt, %select_n3A_85, %lt3A_90 : i32
      %ne3A_92 = arith.xori %lt3A_89, %lt3A_91 : i1
      %and3A_93 = arith.andi %ne3A_92, %ne3A_88 : i1
      %add3A_94 = arith.addi %rem3A_86, %select_n3A_85 : i32
      %select_n3A_95 = arith.select %and3A_93, %add3A_94, %rem3A_86 : i32
      %eq3A_96 = arith.constant 1 : i32
      %eq3A_97 = arith.cmpi eq, %select_n3A_95, %eq3A_96 : i32
      %convert_element_type3A_98 = arith.extui %eq3A_97 : i1 to i32
      %cond3A_99 = arith.constant 0 : i32
      %cond3A_100 = arith.cmpi ne, %convert_element_type3A_98, %cond3A_99 : i32
      scf.if %cond3A_100 {
        %dma_wait3A = arith.constant 0 : i32
        %dma_wait3A_122 = arith.constant 0 : i32
        %dma_wait3A_123 = tpu.memref_slice %arg4[%dma_wait3A, %dma_wait3A_122] : memref<500000x128xf32, #tpu.memory_space<hbm>> -> memref<64x128xf32, #tpu.memory_space<hbm>>
        %dma_wait3A_124 = arith.constant 0 : i32
        %dma_wait3A_125 = arith.constant 0 : i32
        %dma_wait3A_126 = tpu.memref_slice %arg4[%dma_wait3A_124, %dma_wait3A_125] : memref<500000x128xf32, #tpu.memory_space<hbm>> -> memref<64x128xf32, #tpu.memory_space<hbm>>
        tpu.wait_dma2 semaphore(%arg11 : memref<!tpu.dma_semaphore, #tpu.memory_space<semaphore_mem>>) src(%arg7 : memref<64x128xf32, #tpu.memory_space<vmem>>) dst(%dma_wait3A_126 : memref<64x128xf32, #tpu.memory_space<hbm>>)
      } else {
      }
      %jit3A_101 = arith.constant 2 : i32
      %eq3A_102 = arith.constant 0 : i32
      %eq3A_103 = arith.cmpi eq, %jit3A_101, %eq3A_102 : i32
      %jit3A_104 = arith.constant 1 : i32
      %select_n3A_105 = arith.select %eq3A_103, %jit3A_104, %jit3A_101 : i32
      %rem3A_106 = arith.remsi %select_n3A, %select_n3A_105 : i32
      %ne3A_107 = arith.constant 0 : i32
      %ne3A_108 = arith.cmpi ne, %rem3A_106, %ne3A_107 : i32
      %lt3A_109 = arith.constant 0 : i32
      %lt3A_110 = arith.cmpi slt, %rem3A_106, %lt3A_109 : i32
      %lt3A_111 = arith.constant 0 : i32
      %lt3A_112 = arith.cmpi slt, %select_n3A_105, %lt3A_111 : i32
      %ne3A_113 = arith.xori %lt3A_110, %lt3A_112 : i1
      %and3A_114 = arith.andi %ne3A_113, %ne3A_108 : i1
      %add3A_115 = arith.addi %rem3A_106, %select_n3A_105 : i32
      %select_n3A_116 = arith.select %and3A_114, %add3A_115, %rem3A_106 : i32
      %eq3A_117 = arith.constant 0 : i32
      %eq3A_118 = arith.cmpi eq, %select_n3A_116, %eq3A_117 : i32
      %convert_element_type3A_119 = arith.extui %eq3A_118 : i1 to i32
      %cond3A_120 = arith.constant 0 : i32
      %cond3A_121 = arith.cmpi ne, %convert_element_type3A_119, %cond3A_120 : i32
      scf.if %cond3A_121 {
        %dma_wait3A = arith.constant 0 : i32
        %dma_wait3A_122 = arith.constant 0 : i32
        %dma_wait3A_123 = tpu.memref_slice %arg4[%dma_wait3A, %dma_wait3A_122] : memref<500000x128xf32, #tpu.memory_space<hbm>> -> memref<64x128xf32, #tpu.memory_space<hbm>>
        %dma_wait3A_124 = arith.constant 0 : i32
        %dma_wait3A_125 = arith.constant 0 : i32
        %dma_wait3A_126 = tpu.memref_slice %arg4[%dma_wait3A_124, %dma_wait3A_125] : memref<500000x128xf32, #tpu.memory_space<hbm>> -> memref<64x128xf32, #tpu.memory_space<hbm>>
        tpu.wait_dma2 semaphore(%arg12 : memref<!tpu.dma_semaphore, #tpu.memory_space<semaphore_mem>>) src(%arg8 : memref<64x128xf32, #tpu.memory_space<vmem>>) dst(%dma_wait3A_126 : memref<64x128xf32, #tpu.memory_space<hbm>>)
      } else {
      }
    } else {
    }
    %eq3A = arith.constant 4 : i32
    %eq3A_77 = arith.cmpi eq, %add3A, %eq3A : i32
    %convert_element_type3A_78 = arith.extui %eq3A_77 : i1 to i32
    %cond3A_79 = arith.constant 0 : i32
    %cond3A_80 = arith.cmpi ne, %convert_element_type3A_78, %cond3A_79 : i32
    scf.if %cond3A_80 {
      "tpu.region"() ({
        %run_scoped3A = tpu.sem_alloc : memref<!tpu.dma_semaphore, #tpu.memory_space<semaphore_mem>>
        %dma_start3A = arith.constant 0 : i32
        %dma_start3A_81 = arith.constant 0 : i32
        %dma_start3A_82 = tpu.memref_slice %arg7[%dma_start3A, %dma_start3A_81] : memref<64x128xf32, #tpu.memory_space<vmem>> -> memref<32x128xf32, #tpu.memory_space<vmem>>
        %dma_start3A_83 = arith.constant 0 : i32
        %dma_start3A_84 = arith.constant 0 : i32
        %dma_start3A_85 = tpu.memref_slice %arg7[%dma_start3A_83, %dma_start3A_84] : memref<64x128xf32, #tpu.memory_space<vmem>> -> memref<32x128xf32, #tpu.memory_space<vmem>>
        tpu.enqueue_dma source(%arg3 : memref<32x128xf32, #tpu.memory_space<hbm>>) target(%dma_start3A_85 : memref<32x128xf32, #tpu.memory_space<vmem>>) target_semaphore(%run_scoped3A : memref<!tpu.dma_semaphore, #tpu.memory_space<semaphore_mem>>)
        %dma_wait3A = arith.constant 0 : i32
        %dma_wait3A_86 = arith.constant 0 : i32
        %dma_wait3A_87 = tpu.memref_slice %arg7[%dma_wait3A, %dma_wait3A_86] : memref<64x128xf32, #tpu.memory_space<vmem>> -> memref<32x128xf32, #tpu.memory_space<vmem>>
        %dma_wait3A_88 = arith.constant 0 : i32
        %dma_wait3A_89 = arith.constant 0 : i32
        %dma_wait3A_90 = tpu.memref_slice %arg7[%dma_wait3A_88, %dma_wait3A_89] : memref<64x128xf32, #tpu.memory_space<vmem>> -> memref<32x128xf32, #tpu.memory_space<vmem>>
        tpu.wait_dma2 semaphore(%run_scoped3A : memref<!tpu.dma_semaphore, #tpu.memory_space<semaphore_mem>>) src(%arg3 : memref<32x128xf32, #tpu.memory_space<hbm>>) dst(%dma_wait3A_90 : memref<32x128xf32, #tpu.memory_space<vmem>>)
        tpu.yield
      }) : () -> ()
      "tpu.region"() ({
        %run_scoped3A = tpu.sem_alloc : memref<!tpu.dma_semaphore, #tpu.memory_space<semaphore_mem>>
        %dma_start3A = arith.constant 0 : i32
        %dma_start3A_81 = arith.constant 0 : i32
        %dma_start3A_82 = tpu.memref_slice %arg7[%dma_start3A, %dma_start3A_81] : memref<64x128xf32, #tpu.memory_space<vmem>> -> memref<32x128xf32, #tpu.memory_space<vmem>>
        %dma_start3A_83 = arith.constant 499968 : i32
        %dma_start3A_84 = arith.constant 0 : i32
        %dma_start3A_85 = tpu.memref_slice %arg4[%dma_start3A_83, %dma_start3A_84] : memref<500000x128xf32, #tpu.memory_space<hbm>> -> memref<32x128xf32, #tpu.memory_space<hbm>>
        %dma_start3A_86 = arith.constant 499968 : i32
        %dma_start3A_87 = arith.constant 0 : i32
        %dma_start3A_88 = tpu.memref_slice %arg4[%dma_start3A_86, %dma_start3A_87] : memref<500000x128xf32, #tpu.memory_space<hbm>> -> memref<32x128xf32, #tpu.memory_space<hbm>>
        %dma_start3A_89 = arith.constant 0 : i32
        %dma_start3A_90 = arith.constant 0 : i32
        %dma_start3A_91 = tpu.memref_slice %arg7[%dma_start3A_89, %dma_start3A_90] : memref<64x128xf32, #tpu.memory_space<vmem>> -> memref<32x128xf32, #tpu.memory_space<vmem>>
        tpu.enqueue_dma source(%dma_start3A_91 : memref<32x128xf32, #tpu.memory_space<vmem>>) target(%dma_start3A_88 : memref<32x128xf32, #tpu.memory_space<hbm>>) target_semaphore(%run_scoped3A : memref<!tpu.dma_semaphore, #tpu.memory_space<semaphore_mem>>)
        %dma_wait3A = arith.constant 0 : i32
        %dma_wait3A_92 = arith.constant 0 : i32
        %dma_wait3A_93 = tpu.memref_slice %arg7[%dma_wait3A, %dma_wait3A_92] : memref<64x128xf32, #tpu.memory_space<vmem>> -> memref<32x128xf32, #tpu.memory_space<vmem>>
        %dma_wait3A_94 = arith.constant 499968 : i32
        %dma_wait3A_95 = arith.constant 0 : i32
        %dma_wait3A_96 = tpu.memref_slice %arg4[%dma_wait3A_94, %dma_wait3A_95] : memref<500000x128xf32, #tpu.memory_space<hbm>> -> memref<32x128xf32, #tpu.memory_space<hbm>>
        %dma_wait3A_97 = arith.constant 499968 : i32
        %dma_wait3A_98 = arith.constant 0 : i32
        %dma_wait3A_99 = tpu.memref_slice %arg4[%dma_wait3A_97, %dma_wait3A_98] : memref<500000x128xf32, #tpu.memory_space<hbm>> -> memref<32x128xf32, #tpu.memory_space<hbm>>
        %dma_wait3A_100 = arith.constant 0 : i32
        %dma_wait3A_101 = arith.constant 0 : i32
        %dma_wait3A_102 = tpu.memref_slice %arg7[%dma_wait3A_100, %dma_wait3A_101] : memref<64x128xf32, #tpu.memory_space<vmem>> -> memref<32x128xf32, #tpu.memory_space<vmem>>
        tpu.wait_dma2 semaphore(%run_scoped3A : memref<!tpu.dma_semaphore, #tpu.memory_space<semaphore_mem>>) src(%dma_wait3A_102 : memref<32x128xf32, #tpu.memory_space<vmem>>) dst(%dma_wait3A_99 : memref<32x128xf32, #tpu.memory_space<hbm>>)
        tpu.yield
      }) : () -> ()
    } else {
    }
    return
  }
}

#map = affine_map<(d0, d1) -> (0, 0)>
#map1 = affine_map<(d0, d1) -> (0, 0, 0, 0, 0)>
module attributes {stable_mosaic.version = 14 : i64} {
  func.func @_gather_body(%arg0: i32, %arg1: i32, %arg2: memref<50x16384xi32, #tpu.memory_space<hbm>>, %arg3: memref<1000000x64xf32, #tpu.memory_space<hbm>>, %arg4: memref<50x8x128x8x128xf32, #tpu.memory_space<hbm>>, %arg5: memref<50x512xi32, #tpu.memory_space<vmem>>, %arg6: memref<128x64xf32, #tpu.memory_space<vmem>>, %arg7: memref<128x64xf32, #tpu.memory_space<vmem>>, %arg8: memref<64x128xf32, #tpu.memory_space<vmem>>, %arg9: memref<64x128xf32, #tpu.memory_space<vmem>>, %arg10: memref<!tpu.dma_semaphore, #tpu.memory_space<semaphore_mem>>, %arg11: memref<!tpu.dma_semaphore, #tpu.memory_space<semaphore_mem>>, %arg12: memref<!tpu.dma_semaphore, #tpu.memory_space<semaphore_mem>>, %arg13: memref<!tpu.dma_semaphore, #tpu.memory_space<semaphore_mem>>) attributes {dimension_semantics = [#tpu.dimension_semantics<core_parallel>, #tpu.dimension_semantics<subcore_parallel>], iteration_bounds = array<i64: 2, 16>, scalar_prefetch = 0 : i64, scratch_operands = 9 : i64, tpu.core_type = #tpu.core_type<sc_vector_subcore>, window_params = [{transform_indices = #map}, {transform_indices = #map}, {transform_indices = #map1}]} {
    %mul3A = arith.constant 2 : i32
    %mul3A_0 = arith.muli %arg1, %mul3A : i32
    %add3A = arith.addi %mul3A_0, %arg0 : i32
    %mul3A_1 = arith.constant 512 : i32
    %mul3A_2 = arith.muli %add3A, %mul3A_1 : i32
    "tpu.region"() ({
      %run_scoped3A = tpu.sem_alloc : memref<!tpu.dma_semaphore, #tpu.memory_space<semaphore_mem>>
      %dma_start3A_173 = arith.constant 0 : i32
      %dma_start3A_174 = tpu.memref_slice %arg2[%dma_start3A_173, %mul3A_2] : memref<50x16384xi32, #tpu.memory_space<hbm>> -> memref<50x512xi32, #tpu.memory_space<hbm>>
      %dma_start3A_175 = arith.constant 0 : i32
      %dma_start3A_176 = tpu.memref_slice %arg2[%dma_start3A_175, %mul3A_2] : memref<50x16384xi32, #tpu.memory_space<hbm>> -> memref<50x512xi32, #tpu.memory_space<hbm>>
      tpu.enqueue_dma source(%dma_start3A_176 : memref<50x512xi32, #tpu.memory_space<hbm>>) target(%arg5 : memref<50x512xi32, #tpu.memory_space<vmem>>) target_semaphore(%run_scoped3A : memref<!tpu.dma_semaphore, #tpu.memory_space<semaphore_mem>>)
      %dma_wait3A_177 = arith.constant 0 : i32
      %dma_wait3A_178 = tpu.memref_slice %arg2[%dma_wait3A_177, %mul3A_2] : memref<50x16384xi32, #tpu.memory_space<hbm>> -> memref<50x512xi32, #tpu.memory_space<hbm>>
      %dma_wait3A_179 = arith.constant 0 : i32
      %dma_wait3A_180 = tpu.memref_slice %arg2[%dma_wait3A_179, %mul3A_2] : memref<50x16384xi32, #tpu.memory_space<hbm>> -> memref<50x512xi32, #tpu.memory_space<hbm>>
      tpu.wait_dma2 semaphore(%run_scoped3A : memref<!tpu.dma_semaphore, #tpu.memory_space<semaphore_mem>>) src(%dma_wait3A_180 : memref<50x512xi32, #tpu.memory_space<hbm>>) dst(%arg5 : memref<50x512xi32, #tpu.memory_space<vmem>>)
      tpu.yield
    }) : () -> ()
    %iota3A = tpu.iota {dimensions = array<i32: 0>} : vector<16xi32>
    %add3A_3 = arith.constant 0 : i32
    %add3A_4 = vector.broadcast %add3A_3 : i32 to vector<16xi32>
    %add3A_5 = arith.addi %iota3A, %add3A_4 : vector<16xi32>
    %add3A_6 = arith.constant 16 : i32
    %add3A_7 = vector.broadcast %add3A_6 : i32 to vector<16xi32>
    %add3A_8 = arith.addi %iota3A, %add3A_7 : vector<16xi32>
    %add3A_9 = arith.constant 32 : i32
    %add3A_10 = vector.broadcast %add3A_9 : i32 to vector<16xi32>
    %add3A_11 = arith.addi %iota3A, %add3A_10 : vector<16xi32>
    %add3A_12 = arith.constant 48 : i32
    %add3A_13 = vector.broadcast %add3A_12 : i32 to vector<16xi32>
    %add3A_14 = arith.addi %iota3A, %add3A_13 : vector<16xi32>
    %add3A_15 = arith.constant 64 : i32
    %add3A_16 = vector.broadcast %add3A_15 : i32 to vector<16xi32>
    %add3A_17 = arith.addi %iota3A, %add3A_16 : vector<16xi32>
    %add3A_18 = arith.constant 80 : i32
    %add3A_19 = vector.broadcast %add3A_18 : i32 to vector<16xi32>
    %add3A_20 = arith.addi %iota3A, %add3A_19 : vector<16xi32>
    %add3A_21 = arith.constant 96 : i32
    %add3A_22 = vector.broadcast %add3A_21 : i32 to vector<16xi32>
    %add3A_23 = arith.addi %iota3A, %add3A_22 : vector<16xi32>
    %add3A_24 = arith.constant 112 : i32
    %add3A_25 = vector.broadcast %add3A_24 : i32 to vector<16xi32>
    %add3A_26 = arith.addi %iota3A, %add3A_25 : vector<16xi32>
    %dma_start3A = arith.constant 0 : i32
    %dma_start3A_27 = arith.constant 0 : i32
    %dma_start3A_28 = tpu.memref_slice %arg5[%dma_start3A, %dma_start3A_27] : memref<50x512xi32, #tpu.memory_space<vmem>> -> memref<1x128xi32, #tpu.memory_space<vmem>>
    %dma_start3A_29 = tpu.memref_squeeze %dma_start3A_28 : memref<1x128xi32, #tpu.memory_space<vmem>> -> memref<128xi32, #tpu.memory_space<vmem>>
    %dma_start3A_30 = arith.constant 0 : i32
    %dma_start3A_31 = arith.constant 0 : i32
    %dma_start3A_32 = tpu.memref_slice %arg3[%dma_start3A_30, %dma_start3A_31] : memref<1000000x64xf32, #tpu.memory_space<hbm>> -> memref<1000000x64xf32, #tpu.memory_space<hbm>>
    tpu.enqueue_indirect_dma source(%dma_start3A_32 : memref<1000000x64xf32, #tpu.memory_space<hbm>>) target(%arg6 : memref<128x64xf32, #tpu.memory_space<vmem>>) offsets(%dma_start3A_29 : memref<128xi32, #tpu.memory_space<vmem>>) semaphore(%arg10 : memref<!tpu.dma_semaphore, #tpu.memory_space<semaphore_mem>>)
    %scan3A = arith.constant 0 : i32
    %scan3A_33 = arith.constant 0 : i32
    %scan3A_34 = arith.constant 100 : i32
    %scan3A_35 = arith.addi %scan3A_33, %scan3A_34 : i32
    %scan3A_36 = arith.constant 1 : i32
    scf.for %scan3A_173 = %scan3A_33 to %scan3A_35 step %scan3A_36  : i32 {
      %mul3A_174 = arith.constant 2 : i32
      %mul3A_175 = arith.muli %scan3A_173, %mul3A_174 : i32
      %add3A_176 = arith.constant 0 : i32
      %add3A_177 = arith.addi %mul3A_175, %add3A_176 : i32
      %dma_wait3A_178 = arith.constant 0 : i32
      %dma_wait3A_179 = arith.constant 0 : i32
      %dma_wait3A_180 = tpu.memref_slice %arg3[%dma_wait3A_178, %dma_wait3A_179] : memref<1000000x64xf32, #tpu.memory_space<hbm>> -> memref<128x64xf32, #tpu.memory_space<hbm>>
      %dma_wait3A_181 = arith.constant 0 : i32
      %dma_wait3A_182 = arith.constant 0 : i32
      %dma_wait3A_183 = tpu.memref_slice %arg3[%dma_wait3A_181, %dma_wait3A_182] : memref<1000000x64xf32, #tpu.memory_space<hbm>> -> memref<128x64xf32, #tpu.memory_space<hbm>>
      tpu.wait_dma2 semaphore(%arg10 : memref<!tpu.dma_semaphore, #tpu.memory_space<semaphore_mem>>) src(%dma_wait3A_183 : memref<128x64xf32, #tpu.memory_space<hbm>>) dst(%arg6 : memref<128x64xf32, #tpu.memory_space<vmem>>)
      %ge3A = arith.constant 1 : i32
      %ge3A_184 = arith.cmpi sge, %add3A_177, %ge3A : i32
      %convert_element_type3A = arith.extui %ge3A_184 : i1 to i32
      %cond3A = arith.constant 0 : i32
      %cond3A_185 = arith.cmpi ne, %convert_element_type3A, %cond3A : i32
      scf.if %cond3A_185 {
        %dma_wait3A_563 = arith.constant 0 : i32
        %dma_wait3A_564 = arith.constant 0 : i32
        %dma_wait3A_565 = arith.constant 0 : i32
        %dma_wait3A_566 = arith.constant 0 : i32
        %dma_wait3A_567 = arith.constant 0 : i32
        %dma_wait3A_568 = tpu.memref_slice %arg9[%dma_wait3A_566, %dma_wait3A_567] : memref<64x128xf32, #tpu.memory_space<vmem>> -> memref<8x128xf32, #tpu.memory_space<vmem>>
        %dma_wait3A_569 = arith.constant 0 : i32
        %dma_wait3A_570 = arith.constant 0 : i32
        %dma_wait3A_571 = tpu.memref_slice %arg4[%dma_wait3A_563, %dma_wait3A_564, %dma_wait3A_565, %dma_wait3A_569, %dma_wait3A_570] : memref<50x8x128x8x128xf32, #tpu.memory_space<hbm>> -> memref<1x1x1x8x128xf32, #tpu.memory_space<hbm>>
        %dma_wait3A_572 = tpu.memref_squeeze %dma_wait3A_571 : memref<1x1x1x8x128xf32, #tpu.memory_space<hbm>> -> memref<8x128xf32, #tpu.memory_space<hbm>>
        %dma_wait3A_573 = arith.constant 0 : i32
        %dma_wait3A_574 = arith.constant 0 : i32
        %dma_wait3A_575 = tpu.memref_slice %arg4[%dma_wait3A_563, %dma_wait3A_564, %dma_wait3A_565, %dma_wait3A_573, %dma_wait3A_574] : memref<50x8x128x8x128xf32, #tpu.memory_space<hbm>> -> memref<1x1x1x8x128xf32, #tpu.memory_space<hbm>>
        %dma_wait3A_576 = tpu.memref_squeeze %dma_wait3A_575 : memref<1x1x1x8x128xf32, #tpu.memory_space<hbm>> -> memref<8x128xf32, #tpu.memory_space<hbm>>
        %dma_wait3A_577 = arith.constant 0 : i32
        %dma_wait3A_578 = arith.constant 0 : i32
        %dma_wait3A_579 = tpu.memref_slice %arg9[%dma_wait3A_577, %dma_wait3A_578] : memref<64x128xf32, #tpu.memory_space<vmem>> -> memref<8x128xf32, #tpu.memory_space<vmem>>
        tpu.wait_dma2 semaphore(%arg13 : memref<!tpu.dma_semaphore, #tpu.memory_space<semaphore_mem>>) src(%dma_wait3A_579 : memref<8x128xf32, #tpu.memory_space<vmem>>) dst(%dma_wait3A_576 : memref<8x128xf32, #tpu.memory_space<hbm>>)
        %dma_wait3A_580 = arith.constant 0 : i32
        %dma_wait3A_581 = arith.constant 0 : i32
        %dma_wait3A_582 = arith.constant 0 : i32
        %dma_wait3A_583 = arith.constant 8 : i32
        %dma_wait3A_584 = arith.constant 0 : i32
        %dma_wait3A_585 = tpu.memref_slice %arg9[%dma_wait3A_583, %dma_wait3A_584] : memref<64x128xf32, #tpu.memory_space<vmem>> -> memref<8x128xf32, #tpu.memory_space<vmem>>
        %dma_wait3A_586 = arith.constant 0 : i32
        %dma_wait3A_587 = arith.constant 0 : i32
        %dma_wait3A_588 = tpu.memref_slice %arg4[%dma_wait3A_580, %dma_wait3A_581, %dma_wait3A_582, %dma_wait3A_586, %dma_wait3A_587] : memref<50x8x128x8x128xf32, #tpu.memory_space<hbm>> -> memref<1x1x1x8x128xf32, #tpu.memory_space<hbm>>
        %dma_wait3A_589 = tpu.memref_squeeze %dma_wait3A_588 : memref<1x1x1x8x128xf32, #tpu.memory_space<hbm>> -> memref<8x128xf32, #tpu.memory_space<hbm>>
        %dma_wait3A_590 = arith.constant 0 : i32
        %dma_wait3A_591 = arith.constant 0 : i32
        %dma_wait3A_592 = tpu.memref_slice %arg4[%dma_wait3A_580, %dma_wait3A_581, %dma_wait3A_582, %dma_wait3A_590, %dma_wait3A_591] : memref<50x8x128x8x128xf32, #tpu.memory_space<hbm>> -> memref<1x1x1x8x128xf32, #tpu.memory_space<hbm>>
        %dma_wait3A_593 = tpu.memref_squeeze %dma_wait3A_592 : memref<1x1x1x8x128xf32, #tpu.memory_space<hbm>> -> memref<8x128xf32, #tpu.memory_space<hbm>>
        %dma_wait3A_594 = arith.constant 8 : i32
        %dma_wait3A_595 = arith.constant 0 : i32
        %dma_wait3A_596 = tpu.memref_slice %arg9[%dma_wait3A_594, %dma_wait3A_595] : memref<64x128xf32, #tpu.memory_space<vmem>> -> memref<8x128xf32, #tpu.memory_space<vmem>>
        tpu.wait_dma2 semaphore(%arg13 : memref<!tpu.dma_semaphore, #tpu.memory_space<semaphore_mem>>) src(%dma_wait3A_596 : memref<8x128xf32, #tpu.memory_space<vmem>>) dst(%dma_wait3A_593 : memref<8x128xf32, #tpu.memory_space<hbm>>)
        %dma_wait3A_597 = arith.constant 0 : i32
        %dma_wait3A_598 = arith.constant 0 : i32
        %dma_wait3A_599 = arith.constant 0 : i32
        %dma_wait3A_600 = arith.constant 16 : i32
        %dma_wait3A_601 = arith.constant 0 : i32
        %dma_wait3A_602 = tpu.memref_slice %arg9[%dma_wait3A_600, %dma_wait3A_601] : memref<64x128xf32, #tpu.memory_space<vmem>> -> memref<8x128xf32, #tpu.memory_space<vmem>>
        %dma_wait3A_603 = arith.constant 0 : i32
        %dma_wait3A_604 = arith.constant 0 : i32
        %dma_wait3A_605 = tpu.memref_slice %arg4[%dma_wait3A_597, %dma_wait3A_598, %dma_wait3A_599, %dma_wait3A_603, %dma_wait3A_604] : memref<50x8x128x8x128xf32, #tpu.memory_space<hbm>> -> memref<1x1x1x8x128xf32, #tpu.memory_space<hbm>>
        %dma_wait3A_606 = tpu.memref_squeeze %dma_wait3A_605 : memref<1x1x1x8x128xf32, #tpu.memory_space<hbm>> -> memref<8x128xf32, #tpu.memory_space<hbm>>
        %dma_wait3A_607 = arith.constant 0 : i32
        %dma_wait3A_608 = arith.constant 0 : i32
        %dma_wait3A_609 = tpu.memref_slice %arg4[%dma_wait3A_597, %dma_wait3A_598, %dma_wait3A_599, %dma_wait3A_607, %dma_wait3A_608] : memref<50x8x128x8x128xf32, #tpu.memory_space<hbm>> -> memref<1x1x1x8x128xf32, #tpu.memory_space<hbm>>
        %dma_wait3A_610 = tpu.memref_squeeze %dma_wait3A_609 : memref<1x1x1x8x128xf32, #tpu.memory_space<hbm>> -> memref<8x128xf32, #tpu.memory_space<hbm>>
        %dma_wait3A_611 = arith.constant 16 : i32
        %dma_wait3A_612 = arith.constant 0 : i32
        %dma_wait3A_613 = tpu.memref_slice %arg9[%dma_wait3A_611, %dma_wait3A_612] : memref<64x128xf32, #tpu.memory_space<vmem>> -> memref<8x128xf32, #tpu.memory_space<vmem>>
        tpu.wait_dma2 semaphore(%arg13 : memref<!tpu.dma_semaphore, #tpu.memory_space<semaphore_mem>>) src(%dma_wait3A_613 : memref<8x128xf32, #tpu.memory_space<vmem>>) dst(%dma_wait3A_610 : memref<8x128xf32, #tpu.memory_space<hbm>>)
        %dma_wait3A_614 = arith.constant 0 : i32
        %dma_wait3A_615 = arith.constant 0 : i32
        %dma_wait3A_616 = arith.constant 0 : i32
        %dma_wait3A_617 = arith.constant 24 : i32
        %dma_wait3A_618 = arith.constant 0 : i32
        %dma_wait3A_619 = tpu.memref_slice %arg9[%dma_wait3A_617, %dma_wait3A_618] : memref<64x128xf32, #tpu.memory_space<vmem>> -> memref<8x128xf32, #tpu.memory_space<vmem>>
        %dma_wait3A_620 = arith.constant 0 : i32
        %dma_wait3A_621 = arith.constant 0 : i32
        %dma_wait3A_622 = tpu.memref_slice %arg4[%dma_wait3A_614, %dma_wait3A_615, %dma_wait3A_616, %dma_wait3A_620, %dma_wait3A_621] : memref<50x8x128x8x128xf32, #tpu.memory_space<hbm>> -> memref<1x1x1x8x128xf32, #tpu.memory_space<hbm>>
        %dma_wait3A_623 = tpu.memref_squeeze %dma_wait3A_622 : memref<1x1x1x8x128xf32, #tpu.memory_space<hbm>> -> memref<8x128xf32, #tpu.memory_space<hbm>>
        %dma_wait3A_624 = arith.constant 0 : i32
        %dma_wait3A_625 = arith.constant 0 : i32
        %dma_wait3A_626 = tpu.memref_slice %arg4[%dma_wait3A_614, %dma_wait3A_615, %dma_wait3A_616, %dma_wait3A_624, %dma_wait3A_625] : memref<50x8x128x8x128xf32, #tpu.memory_space<hbm>> -> memref<1x1x1x8x128xf32, #tpu.memory_space<hbm>>
        %dma_wait3A_627 = tpu.memref_squeeze %dma_wait3A_626 : memref<1x1x1x8x128xf32, #tpu.memory_space<hbm>> -> memref<8x128xf32, #tpu.memory_space<hbm>>
        %dma_wait3A_628 = arith.constant 24 : i32
        %dma_wait3A_629 = arith.constant 0 : i32
        %dma_wait3A_630 = tpu.memref_slice %arg9[%dma_wait3A_628, %dma_wait3A_629] : memref<64x128xf32, #tpu.memory_space<vmem>> -> memref<8x128xf32, #tpu.memory_space<vmem>>
        tpu.wait_dma2 semaphore(%arg13 : memref<!tpu.dma_semaphore, #tpu.memory_space<semaphore_mem>>) src(%dma_wait3A_630 : memref<8x128xf32, #tpu.memory_space<vmem>>) dst(%dma_wait3A_627 : memref<8x128xf32, #tpu.memory_space<hbm>>)
        %dma_wait3A_631 = arith.constant 0 : i32
        %dma_wait3A_632 = arith.constant 0 : i32
        %dma_wait3A_633 = arith.constant 0 : i32
        %dma_wait3A_634 = arith.constant 32 : i32
        %dma_wait3A_635 = arith.constant 0 : i32
        %dma_wait3A_636 = tpu.memref_slice %arg9[%dma_wait3A_634, %dma_wait3A_635] : memref<64x128xf32, #tpu.memory_space<vmem>> -> memref<8x128xf32, #tpu.memory_space<vmem>>
        %dma_wait3A_637 = arith.constant 0 : i32
        %dma_wait3A_638 = arith.constant 0 : i32
        %dma_wait3A_639 = tpu.memref_slice %arg4[%dma_wait3A_631, %dma_wait3A_632, %dma_wait3A_633, %dma_wait3A_637, %dma_wait3A_638] : memref<50x8x128x8x128xf32, #tpu.memory_space<hbm>> -> memref<1x1x1x8x128xf32, #tpu.memory_space<hbm>>
        %dma_wait3A_640 = tpu.memref_squeeze %dma_wait3A_639 : memref<1x1x1x8x128xf32, #tpu.memory_space<hbm>> -> memref<8x128xf32, #tpu.memory_space<hbm>>
        %dma_wait3A_641 = arith.constant 0 : i32
        %dma_wait3A_642 = arith.constant 0 : i32
        %dma_wait3A_643 = tpu.memref_slice %arg4[%dma_wait3A_631, %dma_wait3A_632, %dma_wait3A_633, %dma_wait3A_641, %dma_wait3A_642] : memref<50x8x128x8x128xf32, #tpu.memory_space<hbm>> -> memref<1x1x1x8x128xf32, #tpu.memory_space<hbm>>
        %dma_wait3A_644 = tpu.memref_squeeze %dma_wait3A_643 : memref<1x1x1x8x128xf32, #tpu.memory_space<hbm>> -> memref<8x128xf32, #tpu.memory_space<hbm>>
        %dma_wait3A_645 = arith.constant 32 : i32
        %dma_wait3A_646 = arith.constant 0 : i32
        %dma_wait3A_647 = tpu.memref_slice %arg9[%dma_wait3A_645, %dma_wait3A_646] : memref<64x128xf32, #tpu.memory_space<vmem>> -> memref<8x128xf32, #tpu.memory_space<vmem>>
        tpu.wait_dma2 semaphore(%arg13 : memref<!tpu.dma_semaphore, #tpu.memory_space<semaphore_mem>>) src(%dma_wait3A_647 : memref<8x128xf32, #tpu.memory_space<vmem>>) dst(%dma_wait3A_644 : memref<8x128xf32, #tpu.memory_space<hbm>>)
        %dma_wait3A_648 = arith.constant 0 : i32
        %dma_wait3A_649 = arith.constant 0 : i32
        %dma_wait3A_650 = arith.constant 0 : i32
        %dma_wait3A_651 = arith.constant 40 : i32
        %dma_wait3A_652 = arith.constant 0 : i32
        %dma_wait3A_653 = tpu.memref_slice %arg9[%dma_wait3A_651, %dma_wait3A_652] : memref<64x128xf32, #tpu.memory_space<vmem>> -> memref<8x128xf32, #tpu.memory_space<vmem>>
        %dma_wait3A_654 = arith.constant 0 : i32
        %dma_wait3A_655 = arith.constant 0 : i32
        %dma_wait3A_656 = tpu.memref_slice %arg4[%dma_wait3A_648, %dma_wait3A_649, %dma_wait3A_650, %dma_wait3A_654, %dma_wait3A_655] : memref<50x8x128x8x128xf32, #tpu.memory_space<hbm>> -> memref<1x1x1x8x128xf32, #tpu.memory_space<hbm>>
        %dma_wait3A_657 = tpu.memref_squeeze %dma_wait3A_656 : memref<1x1x1x8x128xf32, #tpu.memory_space<hbm>> -> memref<8x128xf32, #tpu.memory_space<hbm>>
        %dma_wait3A_658 = arith.constant 0 : i32
        %dma_wait3A_659 = arith.constant 0 : i32
        %dma_wait3A_660 = tpu.memref_slice %arg4[%dma_wait3A_648, %dma_wait3A_649, %dma_wait3A_650, %dma_wait3A_658, %dma_wait3A_659] : memref<50x8x128x8x128xf32, #tpu.memory_space<hbm>> -> memref<1x1x1x8x128xf32, #tpu.memory_space<hbm>>
        %dma_wait3A_661 = tpu.memref_squeeze %dma_wait3A_660 : memref<1x1x1x8x128xf32, #tpu.memory_space<hbm>> -> memref<8x128xf32, #tpu.memory_space<hbm>>
        %dma_wait3A_662 = arith.constant 40 : i32
        %dma_wait3A_663 = arith.constant 0 : i32
        %dma_wait3A_664 = tpu.memref_slice %arg9[%dma_wait3A_662, %dma_wait3A_663] : memref<64x128xf32, #tpu.memory_space<vmem>> -> memref<8x128xf32, #tpu.memory_space<vmem>>
        tpu.wait_dma2 semaphore(%arg13 : memref<!tpu.dma_semaphore, #tpu.memory_space<semaphore_mem>>) src(%dma_wait3A_664 : memref<8x128xf32, #tpu.memory_space<vmem>>) dst(%dma_wait3A_661 : memref<8x128xf32, #tpu.memory_space<hbm>>)
        %dma_wait3A_665 = arith.constant 0 : i32
        %dma_wait3A_666 = arith.constant 0 : i32
        %dma_wait3A_667 = arith.constant 0 : i32
        %dma_wait3A_668 = arith.constant 48 : i32
        %dma_wait3A_669 = arith.constant 0 : i32
        %dma_wait3A_670 = tpu.memref_slice %arg9[%dma_wait3A_668, %dma_wait3A_669] : memref<64x128xf32, #tpu.memory_space<vmem>> -> memref<8x128xf32, #tpu.memory_space<vmem>>
        %dma_wait3A_671 = arith.constant 0 : i32
        %dma_wait3A_672 = arith.constant 0 : i32
        %dma_wait3A_673 = tpu.memref_slice %arg4[%dma_wait3A_665, %dma_wait3A_666, %dma_wait3A_667, %dma_wait3A_671, %dma_wait3A_672] : memref<50x8x128x8x128xf32, #tpu.memory_space<hbm>> -> memref<1x1x1x8x128xf32, #tpu.memory_space<hbm>>
        %dma_wait3A_674 = tpu.memref_squeeze %dma_wait3A_673 : memref<1x1x1x8x128xf32, #tpu.memory_space<hbm>> -> memref<8x128xf32, #tpu.memory_space<hbm>>
        %dma_wait3A_675 = arith.constant 0 : i32
        %dma_wait3A_676 = arith.constant 0 : i32
        %dma_wait3A_677 = tpu.memref_slice %arg4[%dma_wait3A_665, %dma_wait3A_666, %dma_wait3A_667, %dma_wait3A_675, %dma_wait3A_676] : memref<50x8x128x8x128xf32, #tpu.memory_space<hbm>> -> memref<1x1x1x8x128xf32, #tpu.memory_space<hbm>>
        %dma_wait3A_678 = tpu.memref_squeeze %dma_wait3A_677 : memref<1x1x1x8x128xf32, #tpu.memory_space<hbm>> -> memref<8x128xf32, #tpu.memory_space<hbm>>
        %dma_wait3A_679 = arith.constant 48 : i32
        %dma_wait3A_680 = arith.constant 0 : i32
        %dma_wait3A_681 = tpu.memref_slice %arg9[%dma_wait3A_679, %dma_wait3A_680] : memref<64x128xf32, #tpu.memory_space<vmem>> -> memref<8x128xf32, #tpu.memory_space<vmem>>
        tpu.wait_dma2 semaphore(%arg13 : memref<!tpu.dma_semaphore, #tpu.memory_space<semaphore_mem>>) src(%dma_wait3A_681 : memref<8x128xf32, #tpu.memory_space<vmem>>) dst(%dma_wait3A_678 : memref<8x128xf32, #tpu.memory_space<hbm>>)
        %dma_wait3A_682 = arith.constant 0 : i32
        %dma_wait3A_683 = arith.constant 0 : i32
        %dma_wait3A_684 = arith.constant 0 : i32
        %dma_wait3A_685 = arith.constant 56 : i32
        %dma_wait3A_686 = arith.constant 0 : i32
        %dma_wait3A_687 = tpu.memref_slice %arg9[%dma_wait3A_685, %dma_wait3A_686] : memref<64x128xf32, #tpu.memory_space<vmem>> -> memref<8x128xf32, #tpu.memory_space<vmem>>
        %dma_wait3A_688 = arith.constant 0 : i32
        %dma_wait3A_689 = arith.constant 0 : i32
        %dma_wait3A_690 = tpu.memref_slice %arg4[%dma_wait3A_682, %dma_wait3A_683, %dma_wait3A_684, %dma_wait3A_688, %dma_wait3A_689] : memref<50x8x128x8x128xf32, #tpu.memory_space<hbm>> -> memref<1x1x1x8x128xf32, #tpu.memory_space<hbm>>
        %dma_wait3A_691 = tpu.memref_squeeze %dma_wait3A_690 : memref<1x1x1x8x128xf32, #tpu.memory_space<hbm>> -> memref<8x128xf32, #tpu.memory_space<hbm>>
        %dma_wait3A_692 = arith.constant 0 : i32
        %dma_wait3A_693 = arith.constant 0 : i32
        %dma_wait3A_694 = tpu.memref_slice %arg4[%dma_wait3A_682, %dma_wait3A_683, %dma_wait3A_684, %dma_wait3A_692, %dma_wait3A_693] : memref<50x8x128x8x128xf32, #tpu.memory_space<hbm>> -> memref<1x1x1x8x128xf32, #tpu.memory_space<hbm>>
        %dma_wait3A_695 = tpu.memref_squeeze %dma_wait3A_694 : memref<1x1x1x8x128xf32, #tpu.memory_space<hbm>> -> memref<8x128xf32, #tpu.memory_space<hbm>>
        %dma_wait3A_696 = arith.constant 56 : i32
        %dma_wait3A_697 = arith.constant 0 : i32
        %dma_wait3A_698 = tpu.memref_slice %arg9[%dma_wait3A_696, %dma_wait3A_697] : memref<64x128xf32, #tpu.memory_space<vmem>> -> memref<8x128xf32, #tpu.memory_space<vmem>>
        tpu.wait_dma2 semaphore(%arg13 : memref<!tpu.dma_semaphore, #tpu.memory_space<semaphore_mem>>) src(%dma_wait3A_698 : memref<8x128xf32, #tpu.memory_space<vmem>>) dst(%dma_wait3A_695 : memref<8x128xf32, #tpu.memory_space<hbm>>)
      } else {
      }
      %add3A_186 = arith.constant 1 : i32
      %add3A_187 = arith.addi %add3A_177, %add3A_186 : i32
      %lt3A = arith.constant 200 : i32
      %lt3A_188 = arith.cmpi slt, %add3A_187, %lt3A : i32
      %convert_element_type3A_189 = arith.extui %lt3A_188 : i1 to i32
      %cond3A_190 = arith.constant 0 : i32
      %cond3A_191 = arith.cmpi ne, %convert_element_type3A_189, %cond3A_190 : i32
      scf.if %cond3A_191 {
        %add3A_563 = arith.constant 1 : i32
        %add3A_564 = arith.addi %add3A_177, %add3A_563 : i32
        %shift_right_arithmetic3A_565 = arith.constant 2 : i32
        %shift_right_arithmetic3A_566 = arith.shrsi %add3A_564, %shift_right_arithmetic3A_565 : i32
        %and3A_567 = arith.constant 3 : i32
        %and3A_568 = arith.andi %add3A_564, %and3A_567 : i32
        %mul3A_569 = arith.constant 128 : i32
        %mul3A_570 = arith.muli %and3A_568, %mul3A_569 : i32
        %dma_start3A_571 = tpu.memref_slice %arg5[%shift_right_arithmetic3A_566, %mul3A_570] : memref<50x512xi32, #tpu.memory_space<vmem>> -> memref<1x128xi32, #tpu.memory_space<vmem>>
        %dma_start3A_572 = tpu.memref_squeeze %dma_start3A_571 : memref<1x128xi32, #tpu.memory_space<vmem>> -> memref<128xi32, #tpu.memory_space<vmem>>
        %dma_start3A_573 = arith.constant 0 : i32
        %dma_start3A_574 = arith.constant 0 : i32
        %dma_start3A_575 = tpu.memref_slice %arg3[%dma_start3A_573, %dma_start3A_574] : memref<1000000x64xf32, #tpu.memory_space<hbm>> -> memref<1000000x64xf32, #tpu.memory_space<hbm>>
        tpu.enqueue_indirect_dma source(%dma_start3A_575 : memref<1000000x64xf32, #tpu.memory_space<hbm>>) target(%arg7 : memref<128x64xf32, #tpu.memory_space<vmem>>) offsets(%dma_start3A_572 : memref<128xi32, #tpu.memory_space<vmem>>) semaphore(%arg11 : memref<!tpu.dma_semaphore, #tpu.memory_space<semaphore_mem>>)
      } else {
      }
      %broadcast_in_dim3A = arith.constant 0.000000e+00 : f32
      %broadcast_in_dim3A_192 = vector.broadcast %broadcast_in_dim3A : f32 to vector<16xf32>
      %parallel_loop3A = arith.constant 0 : i32
      %parallel_loop3A_193 = arith.constant 64 : i32
      %parallel_loop3A_194 = arith.constant 1 : i32
      %parallel_loop3A_195:8 = scf.for %parallel_loop3A_563 = %parallel_loop3A to %parallel_loop3A_193 step %parallel_loop3A_194 iter_args(%parallel_loop3A_564 = %broadcast_in_dim3A_192, %parallel_loop3A_565 = %broadcast_in_dim3A_192, %parallel_loop3A_566 = %broadcast_in_dim3A_192, %parallel_loop3A_567 = %broadcast_in_dim3A_192, %parallel_loop3A_568 = %broadcast_in_dim3A_192, %parallel_loop3A_569 = %broadcast_in_dim3A_192, %parallel_loop3A_570 = %broadcast_in_dim3A_192, %parallel_loop3A_571 = %broadcast_in_dim3A_192) -> (vector<16xf32>, vector<16xf32>, vector<16xf32>, vector<16xf32>, vector<16xf32>, vector<16xf32>, vector<16xf32>, vector<16xf32>)  : i32 {
        %parallel_loop3A_572 = vector.broadcast %parallel_loop3A_563 : i32 to vector<16xi32>
        %parallel_loop3A_573 = arith.addi %parallel_loop3A_572, %iota3A : vector<16xi32>
        %parallel_loop3A_574 = arith.constant 63 : i32
        %parallel_loop3A_575 = vector.broadcast %parallel_loop3A_574 : i32 to vector<16xi32>
        %parallel_loop3A_576 = arith.andi %parallel_loop3A_573, %parallel_loop3A_575 : vector<16xi32>
        %parallel_loop3A_577 = tpu.vector_load_idx %arg6[%add3A_5, %parallel_loop3A_576] : memref<128x64xf32, #tpu.memory_space<vmem>>[vector<16xi32>, vector<16xi32>], vector<16xf32>,
        tpu.vector_store_idx %arg8[%parallel_loop3A_576, %add3A_5], %parallel_loop3A_577 : memref<64x128xf32, #tpu.memory_space<vmem>>[vector<16xi32>, vector<16xi32>], vector<16xf32>,
        %parallel_loop3A_578 = arith.mulf %parallel_loop3A_577, %parallel_loop3A_577 : vector<16xf32>
        %parallel_loop3A_579 = arith.addf %parallel_loop3A_564, %parallel_loop3A_578 : vector<16xf32>
        %parallel_loop3A_580 = tpu.vector_load_idx %arg6[%add3A_8, %parallel_loop3A_576] : memref<128x64xf32, #tpu.memory_space<vmem>>[vector<16xi32>, vector<16xi32>], vector<16xf32>,
        tpu.vector_store_idx %arg8[%parallel_loop3A_576, %add3A_8], %parallel_loop3A_580 : memref<64x128xf32, #tpu.memory_space<vmem>>[vector<16xi32>, vector<16xi32>], vector<16xf32>,
        %parallel_loop3A_581 = arith.mulf %parallel_loop3A_580, %parallel_loop3A_580 : vector<16xf32>
        %parallel_loop3A_582 = arith.addf %parallel_loop3A_565, %parallel_loop3A_581 : vector<16xf32>
        %parallel_loop3A_583 = tpu.vector_load_idx %arg6[%add3A_11, %parallel_loop3A_576] : memref<128x64xf32, #tpu.memory_space<vmem>>[vector<16xi32>, vector<16xi32>], vector<16xf32>,
        tpu.vector_store_idx %arg8[%parallel_loop3A_576, %add3A_11], %parallel_loop3A_583 : memref<64x128xf32, #tpu.memory_space<vmem>>[vector<16xi32>, vector<16xi32>], vector<16xf32>,
        %parallel_loop3A_584 = arith.mulf %parallel_loop3A_583, %parallel_loop3A_583 : vector<16xf32>
        %parallel_loop3A_585 = arith.addf %parallel_loop3A_566, %parallel_loop3A_584 : vector<16xf32>
        %parallel_loop3A_586 = tpu.vector_load_idx %arg6[%add3A_14, %parallel_loop3A_576] : memref<128x64xf32, #tpu.memory_space<vmem>>[vector<16xi32>, vector<16xi32>], vector<16xf32>,
        tpu.vector_store_idx %arg8[%parallel_loop3A_576, %add3A_14], %parallel_loop3A_586 : memref<64x128xf32, #tpu.memory_space<vmem>>[vector<16xi32>, vector<16xi32>], vector<16xf32>,
        %parallel_loop3A_587 = arith.mulf %parallel_loop3A_586, %parallel_loop3A_586 : vector<16xf32>
        %parallel_loop3A_588 = arith.addf %parallel_loop3A_567, %parallel_loop3A_587 : vector<16xf32>
        %parallel_loop3A_589 = tpu.vector_load_idx %arg6[%add3A_17, %parallel_loop3A_576] : memref<128x64xf32, #tpu.memory_space<vmem>>[vector<16xi32>, vector<16xi32>], vector<16xf32>,
        tpu.vector_store_idx %arg8[%parallel_loop3A_576, %add3A_17], %parallel_loop3A_589 : memref<64x128xf32, #tpu.memory_space<vmem>>[vector<16xi32>, vector<16xi32>], vector<16xf32>,
        %parallel_loop3A_590 = arith.mulf %parallel_loop3A_589, %parallel_loop3A_589 : vector<16xf32>
        %parallel_loop3A_591 = arith.addf %parallel_loop3A_568, %parallel_loop3A_590 : vector<16xf32>
        %parallel_loop3A_592 = tpu.vector_load_idx %arg6[%add3A_20, %parallel_loop3A_576] : memref<128x64xf32, #tpu.memory_space<vmem>>[vector<16xi32>, vector<16xi32>], vector<16xf32>,
        tpu.vector_store_idx %arg8[%parallel_loop3A_576, %add3A_20], %parallel_loop3A_592 : memref<64x128xf32, #tpu.memory_space<vmem>>[vector<16xi32>, vector<16xi32>], vector<16xf32>,
        %parallel_loop3A_593 = arith.mulf %parallel_loop3A_592, %parallel_loop3A_592 : vector<16xf32>
        %parallel_loop3A_594 = arith.addf %parallel_loop3A_569, %parallel_loop3A_593 : vector<16xf32>
        %parallel_loop3A_595 = tpu.vector_load_idx %arg6[%add3A_23, %parallel_loop3A_576] : memref<128x64xf32, #tpu.memory_space<vmem>>[vector<16xi32>, vector<16xi32>], vector<16xf32>,
        tpu.vector_store_idx %arg8[%parallel_loop3A_576, %add3A_23], %parallel_loop3A_595 : memref<64x128xf32, #tpu.memory_space<vmem>>[vector<16xi32>, vector<16xi32>], vector<16xf32>,
        %parallel_loop3A_596 = arith.mulf %parallel_loop3A_595, %parallel_loop3A_595 : vector<16xf32>
        %parallel_loop3A_597 = arith.addf %parallel_loop3A_570, %parallel_loop3A_596 : vector<16xf32>
        %parallel_loop3A_598 = tpu.vector_load_idx %arg6[%add3A_26, %parallel_loop3A_576] : memref<128x64xf32, #tpu.memory_space<vmem>>[vector<16xi32>, vector<16xi32>], vector<16xf32>,
        tpu.vector_store_idx %arg8[%parallel_loop3A_576, %add3A_26], %parallel_loop3A_598 : memref<64x128xf32, #tpu.memory_space<vmem>>[vector<16xi32>, vector<16xi32>], vector<16xf32>,
        %parallel_loop3A_599 = arith.mulf %parallel_loop3A_598, %parallel_loop3A_598 : vector<16xf32>
        %parallel_loop3A_600 = arith.addf %parallel_loop3A_571, %parallel_loop3A_599 : vector<16xf32>
        scf.yield %parallel_loop3A_579, %parallel_loop3A_582, %parallel_loop3A_585, %parallel_loop3A_588, %parallel_loop3A_591, %parallel_loop3A_594, %parallel_loop3A_597, %parallel_loop3A_600 : vector<16xf32>, vector<16xf32>, vector<16xf32>, vector<16xf32>, vector<16xf32>, vector<16xf32>, vector<16xf32>, vector<16xf32>
      } {sc.loop_unroll_factor = 4 : i64, sc.parallel_access}
      %gt3A = arith.constant 0.999979972 : f32
      %gt3A_196 = vector.broadcast %gt3A : f32 to vector<16xf32>
      %gt3A_197 = arith.cmpf ogt, %parallel_loop3A_195#0, %gt3A_196 : vector<16xf32>
      %gt3A_198 = arith.constant 0.999979972 : f32
      %gt3A_199 = vector.broadcast %gt3A_198 : f32 to vector<16xf32>
      %gt3A_200 = arith.cmpf ogt, %parallel_loop3A_195#1, %gt3A_199 : vector<16xf32>
      %or3A = arith.ori %gt3A_197, %gt3A_200 : vector<16xi1>
      %gt3A_201 = arith.constant 0.999979972 : f32
      %gt3A_202 = vector.broadcast %gt3A_201 : f32 to vector<16xf32>
      %gt3A_203 = arith.cmpf ogt, %parallel_loop3A_195#2, %gt3A_202 : vector<16xf32>
      %or3A_204 = arith.ori %or3A, %gt3A_203 : vector<16xi1>
      %gt3A_205 = arith.constant 0.999979972 : f32
      %gt3A_206 = vector.broadcast %gt3A_205 : f32 to vector<16xf32>
      %gt3A_207 = arith.cmpf ogt, %parallel_loop3A_195#3, %gt3A_206 : vector<16xf32>
      %or3A_208 = arith.ori %or3A_204, %gt3A_207 : vector<16xi1>
      %gt3A_209 = arith.constant 0.999979972 : f32
      %gt3A_210 = vector.broadcast %gt3A_209 : f32 to vector<16xf32>
      %gt3A_211 = arith.cmpf ogt, %parallel_loop3A_195#4, %gt3A_210 : vector<16xf32>
      %or3A_212 = arith.ori %or3A_208, %gt3A_211 : vector<16xi1>
      %gt3A_213 = arith.constant 0.999979972 : f32
      %gt3A_214 = vector.broadcast %gt3A_213 : f32 to vector<16xf32>
      %gt3A_215 = arith.cmpf ogt, %parallel_loop3A_195#5, %gt3A_214 : vector<16xf32>
      %or3A_216 = arith.ori %or3A_212, %gt3A_215 : vector<16xi1>
      %gt3A_217 = arith.constant 0.999979972 : f32
      %gt3A_218 = vector.broadcast %gt3A_217 : f32 to vector<16xf32>
      %gt3A_219 = arith.cmpf ogt, %parallel_loop3A_195#6, %gt3A_218 : vector<16xf32>
      %or3A_220 = arith.ori %or3A_216, %gt3A_219 : vector<16xi1>
      %gt3A_221 = arith.constant 0.999979972 : f32
      %gt3A_222 = vector.broadcast %gt3A_221 : f32 to vector<16xf32>
      %gt3A_223 = arith.cmpf ogt, %parallel_loop3A_195#7, %gt3A_222 : vector<16xf32>
      %or3A_224 = arith.ori %or3A_220, %gt3A_223 : vector<16xi1>
      %reduce_or3A = arith.constant 1.000000e+00 : f32
      %reduce_or3A_225 = arith.constant 0.000000e+00 : f32
      %reduce_or3A_226 = vector.broadcast %reduce_or3A : f32 to vector<16xf32>
      %reduce_or3A_227 = vector.broadcast %reduce_or3A_225 : f32 to vector<16xf32>
      %reduce_or3A_228 = arith.select %or3A_224, %reduce_or3A_226, %reduce_or3A_227 : vector<16xi1>, vector<16xf32>
      %reduce_or3A_229 = arith.constant true
      %reduce_or3A_230 = vector.broadcast %reduce_or3A_229 : i1 to vector<16xi1>
      %reduce_or3A_231 = tpu.scan <max>, %reduce_or3A_228 masked %reduce_or3A_230 : vector<16xf32>, vector<16xi1> -> vector<16xf32>
      %reduce_or3A_232 = vector.extract %reduce_or3A_231[15] : f32 from vector<16xf32>
      %reduce_or3A_233 = arith.constant 0.000000e+00 : f32
      %reduce_or3A_234 = arith.cmpf ogt, %reduce_or3A_232, %reduce_or3A_233 : f32
      %convert_element_type3A_235 = arith.extui %reduce_or3A_234 : i1 to i32
      %cond3A_236 = arith.constant 0 : i32
      %cond3A_237 = arith.cmpi ne, %convert_element_type3A_235, %cond3A_236 : i32
      scf.if %cond3A_237 {
        %gt3A_563 = arith.constant 0.999979972 : f32
        %gt3A_564 = vector.broadcast %gt3A_563 : f32 to vector<16xf32>
        %gt3A_565 = arith.cmpf ogt, %parallel_loop3A_195#0, %gt3A_564 : vector<16xf32>
        %bitcast3A = vector.bitcast %parallel_loop3A_195#0 : vector<16xf32> to vector<16xi32>
        %shift_right_arithmetic3A_566 = arith.constant 1 : i32
        %shift_right_arithmetic3A_567 = vector.broadcast %shift_right_arithmetic3A_566 : i32 to vector<16xi32>
        %shift_right_arithmetic3A_568 = arith.shrsi %bitcast3A, %shift_right_arithmetic3A_567 : vector<16xi32>
        %sub3A = arith.constant 1597463007 : i32
        %sub3A_569 = vector.broadcast %sub3A : i32 to vector<16xi32>
        %sub3A_570 = arith.subi %sub3A_569, %shift_right_arithmetic3A_568 : vector<16xi32>
        %bitcast3A_571 = vector.bitcast %sub3A_570 : vector<16xi32> to vector<16xf32>
        %mul3A_572 = arith.constant 5.000000e-01 : f32
        %mul3A_573 = vector.broadcast %mul3A_572 : f32 to vector<16xf32>
        %mul3A_574 = arith.mulf %mul3A_573, %parallel_loop3A_195#0 : vector<16xf32>
        %mul3A_575 = arith.mulf %mul3A_574, %bitcast3A_571 : vector<16xf32>
        %mul3A_576 = arith.mulf %mul3A_575, %bitcast3A_571 : vector<16xf32>
        %sub3A_577 = arith.constant 1.500000e+00 : f32
        %sub3A_578 = vector.broadcast %sub3A_577 : f32 to vector<16xf32>
        %sub3A_579 = arith.subf %sub3A_578, %mul3A_576 : vector<16xf32>
        %mul3A_580 = arith.mulf %bitcast3A_571, %sub3A_579 : vector<16xf32>
        %mul3A_581 = arith.constant 5.000000e-01 : f32
        %mul3A_582 = vector.broadcast %mul3A_581 : f32 to vector<16xf32>
        %mul3A_583 = arith.mulf %mul3A_582, %parallel_loop3A_195#0 : vector<16xf32>
        %mul3A_584 = arith.mulf %mul3A_583, %mul3A_580 : vector<16xf32>
        %mul3A_585 = arith.mulf %mul3A_584, %mul3A_580 : vector<16xf32>
        %sub3A_586 = arith.constant 1.500000e+00 : f32
        %sub3A_587 = vector.broadcast %sub3A_586 : f32 to vector<16xf32>
        %sub3A_588 = arith.subf %sub3A_587, %mul3A_585 : vector<16xf32>
        %mul3A_589 = arith.mulf %mul3A_580, %sub3A_588 : vector<16xf32>
        %mul3A_590 = arith.constant 5.000000e-01 : f32
        %mul3A_591 = vector.broadcast %mul3A_590 : f32 to vector<16xf32>
        %mul3A_592 = arith.mulf %mul3A_591, %parallel_loop3A_195#0 : vector<16xf32>
        %mul3A_593 = arith.mulf %mul3A_592, %mul3A_589 : vector<16xf32>
        %mul3A_594 = arith.mulf %mul3A_593, %mul3A_589 : vector<16xf32>
        %sub3A_595 = arith.constant 1.500000e+00 : f32
        %sub3A_596 = vector.broadcast %sub3A_595 : f32 to vector<16xf32>
        %sub3A_597 = arith.subf %sub3A_596, %mul3A_594 : vector<16xf32>
        %mul3A_598 = arith.mulf %mul3A_589, %sub3A_597 : vector<16xf32>
        %mul3A_599 = arith.constant 5.000000e-01 : f32
        %mul3A_600 = vector.broadcast %mul3A_599 : f32 to vector<16xf32>
        %mul3A_601 = arith.mulf %mul3A_600, %parallel_loop3A_195#0 : vector<16xf32>
        %mul3A_602 = arith.mulf %mul3A_601, %mul3A_598 : vector<16xf32>
        %mul3A_603 = arith.mulf %mul3A_602, %mul3A_598 : vector<16xf32>
        %sub3A_604 = arith.constant 1.500000e+00 : f32
        %sub3A_605 = vector.broadcast %sub3A_604 : f32 to vector<16xf32>
        %sub3A_606 = arith.subf %sub3A_605, %mul3A_603 : vector<16xf32>
        %mul3A_607 = arith.mulf %mul3A_598, %sub3A_606 : vector<16xf32>
        %mul3A_608 = arith.constant 0.999989986 : f32
        %mul3A_609 = vector.broadcast %mul3A_608 : f32 to vector<16xf32>
        %mul3A_610 = arith.mulf %mul3A_609, %mul3A_607 : vector<16xf32>
        %jit3A = arith.constant 1.000000e+00 : f32
        %broadcast_in_dim3A_611 = vector.broadcast %jit3A : f32 to vector<16xf32>
        %select_n3A = arith.select %gt3A_565, %mul3A_610, %broadcast_in_dim3A_611 : vector<16xi1>, vector<16xf32>
        %gt3A_612 = arith.constant 0.999979972 : f32
        %gt3A_613 = vector.broadcast %gt3A_612 : f32 to vector<16xf32>
        %gt3A_614 = arith.cmpf ogt, %parallel_loop3A_195#1, %gt3A_613 : vector<16xf32>
        %bitcast3A_615 = vector.bitcast %parallel_loop3A_195#1 : vector<16xf32> to vector<16xi32>
        %shift_right_arithmetic3A_616 = arith.constant 1 : i32
        %shift_right_arithmetic3A_617 = vector.broadcast %shift_right_arithmetic3A_616 : i32 to vector<16xi32>
        %shift_right_arithmetic3A_618 = arith.shrsi %bitcast3A_615, %shift_right_arithmetic3A_617 : vector<16xi32>
        %sub3A_619 = arith.constant 1597463007 : i32
        %sub3A_620 = vector.broadcast %sub3A_619 : i32 to vector<16xi32>
        %sub3A_621 = arith.subi %sub3A_620, %shift_right_arithmetic3A_618 : vector<16xi32>
        %bitcast3A_622 = vector.bitcast %sub3A_621 : vector<16xi32> to vector<16xf32>
        %mul3A_623 = arith.constant 5.000000e-01 : f32
        %mul3A_624 = vector.broadcast %mul3A_623 : f32 to vector<16xf32>
        %mul3A_625 = arith.mulf %mul3A_624, %parallel_loop3A_195#1 : vector<16xf32>
        %mul3A_626 = arith.mulf %mul3A_625, %bitcast3A_622 : vector<16xf32>
        %mul3A_627 = arith.mulf %mul3A_626, %bitcast3A_622 : vector<16xf32>
        %sub3A_628 = arith.constant 1.500000e+00 : f32
        %sub3A_629 = vector.broadcast %sub3A_628 : f32 to vector<16xf32>
        %sub3A_630 = arith.subf %sub3A_629, %mul3A_627 : vector<16xf32>
        %mul3A_631 = arith.mulf %bitcast3A_622, %sub3A_630 : vector<16xf32>
        %mul3A_632 = arith.constant 5.000000e-01 : f32
        %mul3A_633 = vector.broadcast %mul3A_632 : f32 to vector<16xf32>
        %mul3A_634 = arith.mulf %mul3A_633, %parallel_loop3A_195#1 : vector<16xf32>
        %mul3A_635 = arith.mulf %mul3A_634, %mul3A_631 : vector<16xf32>
        %mul3A_636 = arith.mulf %mul3A_635, %mul3A_631 : vector<16xf32>
        %sub3A_637 = arith.constant 1.500000e+00 : f32
        %sub3A_638 = vector.broadcast %sub3A_637 : f32 to vector<16xf32>
        %sub3A_639 = arith.subf %sub3A_638, %mul3A_636 : vector<16xf32>
        %mul3A_640 = arith.mulf %mul3A_631, %sub3A_639 : vector<16xf32>
        %mul3A_641 = arith.constant 5.000000e-01 : f32
        %mul3A_642 = vector.broadcast %mul3A_641 : f32 to vector<16xf32>
        %mul3A_643 = arith.mulf %mul3A_642, %parallel_loop3A_195#1 : vector<16xf32>
        %mul3A_644 = arith.mulf %mul3A_643, %mul3A_640 : vector<16xf32>
        %mul3A_645 = arith.mulf %mul3A_644, %mul3A_640 : vector<16xf32>
        %sub3A_646 = arith.constant 1.500000e+00 : f32
        %sub3A_647 = vector.broadcast %sub3A_646 : f32 to vector<16xf32>
        %sub3A_648 = arith.subf %sub3A_647, %mul3A_645 : vector<16xf32>
        %mul3A_649 = arith.mulf %mul3A_640, %sub3A_648 : vector<16xf32>
        %mul3A_650 = arith.constant 5.000000e-01 : f32
        %mul3A_651 = vector.broadcast %mul3A_650 : f32 to vector<16xf32>
        %mul3A_652 = arith.mulf %mul3A_651, %parallel_loop3A_195#1 : vector<16xf32>
        %mul3A_653 = arith.mulf %mul3A_652, %mul3A_649 : vector<16xf32>
        %mul3A_654 = arith.mulf %mul3A_653, %mul3A_649 : vector<16xf32>
        %sub3A_655 = arith.constant 1.500000e+00 : f32
        %sub3A_656 = vector.broadcast %sub3A_655 : f32 to vector<16xf32>
        %sub3A_657 = arith.subf %sub3A_656, %mul3A_654 : vector<16xf32>
        %mul3A_658 = arith.mulf %mul3A_649, %sub3A_657 : vector<16xf32>
        %mul3A_659 = arith.constant 0.999989986 : f32
        %mul3A_660 = vector.broadcast %mul3A_659 : f32 to vector<16xf32>
        %mul3A_661 = arith.mulf %mul3A_660, %mul3A_658 : vector<16xf32>
        %jit3A_662 = arith.constant 1.000000e+00 : f32
        %broadcast_in_dim3A_663 = vector.broadcast %jit3A_662 : f32 to vector<16xf32>
        %select_n3A_664 = arith.select %gt3A_614, %mul3A_661, %broadcast_in_dim3A_663 : vector<16xi1>, vector<16xf32>
        %gt3A_665 = arith.constant 0.999979972 : f32
        %gt3A_666 = vector.broadcast %gt3A_665 : f32 to vector<16xf32>
        %gt3A_667 = arith.cmpf ogt, %parallel_loop3A_195#2, %gt3A_666 : vector<16xf32>
        %bitcast3A_668 = vector.bitcast %parallel_loop3A_195#2 : vector<16xf32> to vector<16xi32>
        %shift_right_arithmetic3A_669 = arith.constant 1 : i32
        %shift_right_arithmetic3A_670 = vector.broadcast %shift_right_arithmetic3A_669 : i32 to vector<16xi32>
        %shift_right_arithmetic3A_671 = arith.shrsi %bitcast3A_668, %shift_right_arithmetic3A_670 : vector<16xi32>
        %sub3A_672 = arith.constant 1597463007 : i32
        %sub3A_673 = vector.broadcast %sub3A_672 : i32 to vector<16xi32>
        %sub3A_674 = arith.subi %sub3A_673, %shift_right_arithmetic3A_671 : vector<16xi32>
        %bitcast3A_675 = vector.bitcast %sub3A_674 : vector<16xi32> to vector<16xf32>
        %mul3A_676 = arith.constant 5.000000e-01 : f32
        %mul3A_677 = vector.broadcast %mul3A_676 : f32 to vector<16xf32>
        %mul3A_678 = arith.mulf %mul3A_677, %parallel_loop3A_195#2 : vector<16xf32>
        %mul3A_679 = arith.mulf %mul3A_678, %bitcast3A_675 : vector<16xf32>
        %mul3A_680 = arith.mulf %mul3A_679, %bitcast3A_675 : vector<16xf32>
        %sub3A_681 = arith.constant 1.500000e+00 : f32
        %sub3A_682 = vector.broadcast %sub3A_681 : f32 to vector<16xf32>
        %sub3A_683 = arith.subf %sub3A_682, %mul3A_680 : vector<16xf32>
        %mul3A_684 = arith.mulf %bitcast3A_675, %sub3A_683 : vector<16xf32>
        %mul3A_685 = arith.constant 5.000000e-01 : f32
        %mul3A_686 = vector.broadcast %mul3A_685 : f32 to vector<16xf32>
        %mul3A_687 = arith.mulf %mul3A_686, %parallel_loop3A_195#2 : vector<16xf32>
        %mul3A_688 = arith.mulf %mul3A_687, %mul3A_684 : vector<16xf32>
        %mul3A_689 = arith.mulf %mul3A_688, %mul3A_684 : vector<16xf32>
        %sub3A_690 = arith.constant 1.500000e+00 : f32
        %sub3A_691 = vector.broadcast %sub3A_690 : f32 to vector<16xf32>
        %sub3A_692 = arith.subf %sub3A_691, %mul3A_689 : vector<16xf32>
        %mul3A_693 = arith.mulf %mul3A_684, %sub3A_692 : vector<16xf32>
        %mul3A_694 = arith.constant 5.000000e-01 : f32
        %mul3A_695 = vector.broadcast %mul3A_694 : f32 to vector<16xf32>
        %mul3A_696 = arith.mulf %mul3A_695, %parallel_loop3A_195#2 : vector<16xf32>
        %mul3A_697 = arith.mulf %mul3A_696, %mul3A_693 : vector<16xf32>
        %mul3A_698 = arith.mulf %mul3A_697, %mul3A_693 : vector<16xf32>
        %sub3A_699 = arith.constant 1.500000e+00 : f32
        %sub3A_700 = vector.broadcast %sub3A_699 : f32 to vector<16xf32>
        %sub3A_701 = arith.subf %sub3A_700, %mul3A_698 : vector<16xf32>
        %mul3A_702 = arith.mulf %mul3A_693, %sub3A_701 : vector<16xf32>
        %mul3A_703 = arith.constant 5.000000e-01 : f32
        %mul3A_704 = vector.broadcast %mul3A_703 : f32 to vector<16xf32>
        %mul3A_705 = arith.mulf %mul3A_704, %parallel_loop3A_195#2 : vector<16xf32>
        %mul3A_706 = arith.mulf %mul3A_705, %mul3A_702 : vector<16xf32>
        %mul3A_707 = arith.mulf %mul3A_706, %mul3A_702 : vector<16xf32>
        %sub3A_708 = arith.constant 1.500000e+00 : f32
        %sub3A_709 = vector.broadcast %sub3A_708 : f32 to vector<16xf32>
        %sub3A_710 = arith.subf %sub3A_709, %mul3A_707 : vector<16xf32>
        %mul3A_711 = arith.mulf %mul3A_702, %sub3A_710 : vector<16xf32>
        %mul3A_712 = arith.constant 0.999989986 : f32
        %mul3A_713 = vector.broadcast %mul3A_712 : f32 to vector<16xf32>
        %mul3A_714 = arith.mulf %mul3A_713, %mul3A_711 : vector<16xf32>
        %jit3A_715 = arith.constant 1.000000e+00 : f32
        %broadcast_in_dim3A_716 = vector.broadcast %jit3A_715 : f32 to vector<16xf32>
        %select_n3A_717 = arith.select %gt3A_667, %mul3A_714, %broadcast_in_dim3A_716 : vector<16xi1>, vector<16xf32>
        %gt3A_718 = arith.constant 0.999979972 : f32
        %gt3A_719 = vector.broadcast %gt3A_718 : f32 to vector<16xf32>
        %gt3A_720 = arith.cmpf ogt, %parallel_loop3A_195#3, %gt3A_719 : vector<16xf32>
        %bitcast3A_721 = vector.bitcast %parallel_loop3A_195#3 : vector<16xf32> to vector<16xi32>
        %shift_right_arithmetic3A_722 = arith.constant 1 : i32
        %shift_right_arithmetic3A_723 = vector.broadcast %shift_right_arithmetic3A_722 : i32 to vector<16xi32>
        %shift_right_arithmetic3A_724 = arith.shrsi %bitcast3A_721, %shift_right_arithmetic3A_723 : vector<16xi32>
        %sub3A_725 = arith.constant 1597463007 : i32
        %sub3A_726 = vector.broadcast %sub3A_725 : i32 to vector<16xi32>
        %sub3A_727 = arith.subi %sub3A_726, %shift_right_arithmetic3A_724 : vector<16xi32>
        %bitcast3A_728 = vector.bitcast %sub3A_727 : vector<16xi32> to vector<16xf32>
        %mul3A_729 = arith.constant 5.000000e-01 : f32
        %mul3A_730 = vector.broadcast %mul3A_729 : f32 to vector<16xf32>
        %mul3A_731 = arith.mulf %mul3A_730, %parallel_loop3A_195#3 : vector<16xf32>
        %mul3A_732 = arith.mulf %mul3A_731, %bitcast3A_728 : vector<16xf32>
        %mul3A_733 = arith.mulf %mul3A_732, %bitcast3A_728 : vector<16xf32>
        %sub3A_734 = arith.constant 1.500000e+00 : f32
        %sub3A_735 = vector.broadcast %sub3A_734 : f32 to vector<16xf32>
        %sub3A_736 = arith.subf %sub3A_735, %mul3A_733 : vector<16xf32>
        %mul3A_737 = arith.mulf %bitcast3A_728, %sub3A_736 : vector<16xf32>
        %mul3A_738 = arith.constant 5.000000e-01 : f32
        %mul3A_739 = vector.broadcast %mul3A_738 : f32 to vector<16xf32>
        %mul3A_740 = arith.mulf %mul3A_739, %parallel_loop3A_195#3 : vector<16xf32>
        %mul3A_741 = arith.mulf %mul3A_740, %mul3A_737 : vector<16xf32>
        %mul3A_742 = arith.mulf %mul3A_741, %mul3A_737 : vector<16xf32>
        %sub3A_743 = arith.constant 1.500000e+00 : f32
        %sub3A_744 = vector.broadcast %sub3A_743 : f32 to vector<16xf32>
        %sub3A_745 = arith.subf %sub3A_744, %mul3A_742 : vector<16xf32>
        %mul3A_746 = arith.mulf %mul3A_737, %sub3A_745 : vector<16xf32>
        %mul3A_747 = arith.constant 5.000000e-01 : f32
        %mul3A_748 = vector.broadcast %mul3A_747 : f32 to vector<16xf32>
        %mul3A_749 = arith.mulf %mul3A_748, %parallel_loop3A_195#3 : vector<16xf32>
        %mul3A_750 = arith.mulf %mul3A_749, %mul3A_746 : vector<16xf32>
        %mul3A_751 = arith.mulf %mul3A_750, %mul3A_746 : vector<16xf32>
        %sub3A_752 = arith.constant 1.500000e+00 : f32
        %sub3A_753 = vector.broadcast %sub3A_752 : f32 to vector<16xf32>
        %sub3A_754 = arith.subf %sub3A_753, %mul3A_751 : vector<16xf32>
        %mul3A_755 = arith.mulf %mul3A_746, %sub3A_754 : vector<16xf32>
        %mul3A_756 = arith.constant 5.000000e-01 : f32
        %mul3A_757 = vector.broadcast %mul3A_756 : f32 to vector<16xf32>
        %mul3A_758 = arith.mulf %mul3A_757, %parallel_loop3A_195#3 : vector<16xf32>
        %mul3A_759 = arith.mulf %mul3A_758, %mul3A_755 : vector<16xf32>
        %mul3A_760 = arith.mulf %mul3A_759, %mul3A_755 : vector<16xf32>
        %sub3A_761 = arith.constant 1.500000e+00 : f32
        %sub3A_762 = vector.broadcast %sub3A_761 : f32 to vector<16xf32>
        %sub3A_763 = arith.subf %sub3A_762, %mul3A_760 : vector<16xf32>
        %mul3A_764 = arith.mulf %mul3A_755, %sub3A_763 : vector<16xf32>
        %mul3A_765 = arith.constant 0.999989986 : f32
        %mul3A_766 = vector.broadcast %mul3A_765 : f32 to vector<16xf32>
        %mul3A_767 = arith.mulf %mul3A_766, %mul3A_764 : vector<16xf32>
        %jit3A_768 = arith.constant 1.000000e+00 : f32
        %broadcast_in_dim3A_769 = vector.broadcast %jit3A_768 : f32 to vector<16xf32>
        %select_n3A_770 = arith.select %gt3A_720, %mul3A_767, %broadcast_in_dim3A_769 : vector<16xi1>, vector<16xf32>
        %gt3A_771 = arith.constant 0.999979972 : f32
        %gt3A_772 = vector.broadcast %gt3A_771 : f32 to vector<16xf32>
        %gt3A_773 = arith.cmpf ogt, %parallel_loop3A_195#4, %gt3A_772 : vector<16xf32>
        %bitcast3A_774 = vector.bitcast %parallel_loop3A_195#4 : vector<16xf32> to vector<16xi32>
        %shift_right_arithmetic3A_775 = arith.constant 1 : i32
        %shift_right_arithmetic3A_776 = vector.broadcast %shift_right_arithmetic3A_775 : i32 to vector<16xi32>
        %shift_right_arithmetic3A_777 = arith.shrsi %bitcast3A_774, %shift_right_arithmetic3A_776 : vector<16xi32>
        %sub3A_778 = arith.constant 1597463007 : i32
        %sub3A_779 = vector.broadcast %sub3A_778 : i32 to vector<16xi32>
        %sub3A_780 = arith.subi %sub3A_779, %shift_right_arithmetic3A_777 : vector<16xi32>
        %bitcast3A_781 = vector.bitcast %sub3A_780 : vector<16xi32> to vector<16xf32>
        %mul3A_782 = arith.constant 5.000000e-01 : f32
        %mul3A_783 = vector.broadcast %mul3A_782 : f32 to vector<16xf32>
        %mul3A_784 = arith.mulf %mul3A_783, %parallel_loop3A_195#4 : vector<16xf32>
        %mul3A_785 = arith.mulf %mul3A_784, %bitcast3A_781 : vector<16xf32>
        %mul3A_786 = arith.mulf %mul3A_785, %bitcast3A_781 : vector<16xf32>
        %sub3A_787 = arith.constant 1.500000e+00 : f32
        %sub3A_788 = vector.broadcast %sub3A_787 : f32 to vector<16xf32>
        %sub3A_789 = arith.subf %sub3A_788, %mul3A_786 : vector<16xf32>
        %mul3A_790 = arith.mulf %bitcast3A_781, %sub3A_789 : vector<16xf32>
        %mul3A_791 = arith.constant 5.000000e-01 : f32
        %mul3A_792 = vector.broadcast %mul3A_791 : f32 to vector<16xf32>
        %mul3A_793 = arith.mulf %mul3A_792, %parallel_loop3A_195#4 : vector<16xf32>
        %mul3A_794 = arith.mulf %mul3A_793, %mul3A_790 : vector<16xf32>
        %mul3A_795 = arith.mulf %mul3A_794, %mul3A_790 : vector<16xf32>
        %sub3A_796 = arith.constant 1.500000e+00 : f32
        %sub3A_797 = vector.broadcast %sub3A_796 : f32 to vector<16xf32>
        %sub3A_798 = arith.subf %sub3A_797, %mul3A_795 : vector<16xf32>
        %mul3A_799 = arith.mulf %mul3A_790, %sub3A_798 : vector<16xf32>
        %mul3A_800 = arith.constant 5.000000e-01 : f32
        %mul3A_801 = vector.broadcast %mul3A_800 : f32 to vector<16xf32>
        %mul3A_802 = arith.mulf %mul3A_801, %parallel_loop3A_195#4 : vector<16xf32>
        %mul3A_803 = arith.mulf %mul3A_802, %mul3A_799 : vector<16xf32>
        %mul3A_804 = arith.mulf %mul3A_803, %mul3A_799 : vector<16xf32>
        %sub3A_805 = arith.constant 1.500000e+00 : f32
        %sub3A_806 = vector.broadcast %sub3A_805 : f32 to vector<16xf32>
        %sub3A_807 = arith.subf %sub3A_806, %mul3A_804 : vector<16xf32>
        %mul3A_808 = arith.mulf %mul3A_799, %sub3A_807 : vector<16xf32>
        %mul3A_809 = arith.constant 5.000000e-01 : f32
        %mul3A_810 = vector.broadcast %mul3A_809 : f32 to vector<16xf32>
        %mul3A_811 = arith.mulf %mul3A_810, %parallel_loop3A_195#4 : vector<16xf32>
        %mul3A_812 = arith.mulf %mul3A_811, %mul3A_808 : vector<16xf32>
        %mul3A_813 = arith.mulf %mul3A_812, %mul3A_808 : vector<16xf32>
        %sub3A_814 = arith.constant 1.500000e+00 : f32
        %sub3A_815 = vector.broadcast %sub3A_814 : f32 to vector<16xf32>
        %sub3A_816 = arith.subf %sub3A_815, %mul3A_813 : vector<16xf32>
        %mul3A_817 = arith.mulf %mul3A_808, %sub3A_816 : vector<16xf32>
        %mul3A_818 = arith.constant 0.999989986 : f32
        %mul3A_819 = vector.broadcast %mul3A_818 : f32 to vector<16xf32>
        %mul3A_820 = arith.mulf %mul3A_819, %mul3A_817 : vector<16xf32>
        %jit3A_821 = arith.constant 1.000000e+00 : f32
        %broadcast_in_dim3A_822 = vector.broadcast %jit3A_821 : f32 to vector<16xf32>
        %select_n3A_823 = arith.select %gt3A_773, %mul3A_820, %broadcast_in_dim3A_822 : vector<16xi1>, vector<16xf32>
        %gt3A_824 = arith.constant 0.999979972 : f32
        %gt3A_825 = vector.broadcast %gt3A_824 : f32 to vector<16xf32>
        %gt3A_826 = arith.cmpf ogt, %parallel_loop3A_195#5, %gt3A_825 : vector<16xf32>
        %bitcast3A_827 = vector.bitcast %parallel_loop3A_195#5 : vector<16xf32> to vector<16xi32>
        %shift_right_arithmetic3A_828 = arith.constant 1 : i32
        %shift_right_arithmetic3A_829 = vector.broadcast %shift_right_arithmetic3A_828 : i32 to vector<16xi32>
        %shift_right_arithmetic3A_830 = arith.shrsi %bitcast3A_827, %shift_right_arithmetic3A_829 : vector<16xi32>
        %sub3A_831 = arith.constant 1597463007 : i32
        %sub3A_832 = vector.broadcast %sub3A_831 : i32 to vector<16xi32>
        %sub3A_833 = arith.subi %sub3A_832, %shift_right_arithmetic3A_830 : vector<16xi32>
        %bitcast3A_834 = vector.bitcast %sub3A_833 : vector<16xi32> to vector<16xf32>
        %mul3A_835 = arith.constant 5.000000e-01 : f32
        %mul3A_836 = vector.broadcast %mul3A_835 : f32 to vector<16xf32>
        %mul3A_837 = arith.mulf %mul3A_836, %parallel_loop3A_195#5 : vector<16xf32>
        %mul3A_838 = arith.mulf %mul3A_837, %bitcast3A_834 : vector<16xf32>
        %mul3A_839 = arith.mulf %mul3A_838, %bitcast3A_834 : vector<16xf32>
        %sub3A_840 = arith.constant 1.500000e+00 : f32
        %sub3A_841 = vector.broadcast %sub3A_840 : f32 to vector<16xf32>
        %sub3A_842 = arith.subf %sub3A_841, %mul3A_839 : vector<16xf32>
        %mul3A_843 = arith.mulf %bitcast3A_834, %sub3A_842 : vector<16xf32>
        %mul3A_844 = arith.constant 5.000000e-01 : f32
        %mul3A_845 = vector.broadcast %mul3A_844 : f32 to vector<16xf32>
        %mul3A_846 = arith.mulf %mul3A_845, %parallel_loop3A_195#5 : vector<16xf32>
        %mul3A_847 = arith.mulf %mul3A_846, %mul3A_843 : vector<16xf32>
        %mul3A_848 = arith.mulf %mul3A_847, %mul3A_843 : vector<16xf32>
        %sub3A_849 = arith.constant 1.500000e+00 : f32
        %sub3A_850 = vector.broadcast %sub3A_849 : f32 to vector<16xf32>
        %sub3A_851 = arith.subf %sub3A_850, %mul3A_848 : vector<16xf32>
        %mul3A_852 = arith.mulf %mul3A_843, %sub3A_851 : vector<16xf32>
        %mul3A_853 = arith.constant 5.000000e-01 : f32
        %mul3A_854 = vector.broadcast %mul3A_853 : f32 to vector<16xf32>
        %mul3A_855 = arith.mulf %mul3A_854, %parallel_loop3A_195#5 : vector<16xf32>
        %mul3A_856 = arith.mulf %mul3A_855, %mul3A_852 : vector<16xf32>
        %mul3A_857 = arith.mulf %mul3A_856, %mul3A_852 : vector<16xf32>
        %sub3A_858 = arith.constant 1.500000e+00 : f32
        %sub3A_859 = vector.broadcast %sub3A_858 : f32 to vector<16xf32>
        %sub3A_860 = arith.subf %sub3A_859, %mul3A_857 : vector<16xf32>
        %mul3A_861 = arith.mulf %mul3A_852, %sub3A_860 : vector<16xf32>
        %mul3A_862 = arith.constant 5.000000e-01 : f32
        %mul3A_863 = vector.broadcast %mul3A_862 : f32 to vector<16xf32>
        %mul3A_864 = arith.mulf %mul3A_863, %parallel_loop3A_195#5 : vector<16xf32>
        %mul3A_865 = arith.mulf %mul3A_864, %mul3A_861 : vector<16xf32>
        %mul3A_866 = arith.mulf %mul3A_865, %mul3A_861 : vector<16xf32>
        %sub3A_867 = arith.constant 1.500000e+00 : f32
        %sub3A_868 = vector.broadcast %sub3A_867 : f32 to vector<16xf32>
        %sub3A_869 = arith.subf %sub3A_868, %mul3A_866 : vector<16xf32>
        %mul3A_870 = arith.mulf %mul3A_861, %sub3A_869 : vector<16xf32>
        %mul3A_871 = arith.constant 0.999989986 : f32
        %mul3A_872 = vector.broadcast %mul3A_871 : f32 to vector<16xf32>
        %mul3A_873 = arith.mulf %mul3A_872, %mul3A_870 : vector<16xf32>
        %jit3A_874 = arith.constant 1.000000e+00 : f32
        %broadcast_in_dim3A_875 = vector.broadcast %jit3A_874 : f32 to vector<16xf32>
        %select_n3A_876 = arith.select %gt3A_826, %mul3A_873, %broadcast_in_dim3A_875 : vector<16xi1>, vector<16xf32>
        %gt3A_877 = arith.constant 0.999979972 : f32
        %gt3A_878 = vector.broadcast %gt3A_877 : f32 to vector<16xf32>
        %gt3A_879 = arith.cmpf ogt, %parallel_loop3A_195#6, %gt3A_878 : vector<16xf32>
        %bitcast3A_880 = vector.bitcast %parallel_loop3A_195#6 : vector<16xf32> to vector<16xi32>
        %shift_right_arithmetic3A_881 = arith.constant 1 : i32
        %shift_right_arithmetic3A_882 = vector.broadcast %shift_right_arithmetic3A_881 : i32 to vector<16xi32>
        %shift_right_arithmetic3A_883 = arith.shrsi %bitcast3A_880, %shift_right_arithmetic3A_882 : vector<16xi32>
        %sub3A_884 = arith.constant 1597463007 : i32
        %sub3A_885 = vector.broadcast %sub3A_884 : i32 to vector<16xi32>
        %sub3A_886 = arith.subi %sub3A_885, %shift_right_arithmetic3A_883 : vector<16xi32>
        %bitcast3A_887 = vector.bitcast %sub3A_886 : vector<16xi32> to vector<16xf32>
        %mul3A_888 = arith.constant 5.000000e-01 : f32
        %mul3A_889 = vector.broadcast %mul3A_888 : f32 to vector<16xf32>
        %mul3A_890 = arith.mulf %mul3A_889, %parallel_loop3A_195#6 : vector<16xf32>
        %mul3A_891 = arith.mulf %mul3A_890, %bitcast3A_887 : vector<16xf32>
        %mul3A_892 = arith.mulf %mul3A_891, %bitcast3A_887 : vector<16xf32>
        %sub3A_893 = arith.constant 1.500000e+00 : f32
        %sub3A_894 = vector.broadcast %sub3A_893 : f32 to vector<16xf32>
        %sub3A_895 = arith.subf %sub3A_894, %mul3A_892 : vector<16xf32>
        %mul3A_896 = arith.mulf %bitcast3A_887, %sub3A_895 : vector<16xf32>
        %mul3A_897 = arith.constant 5.000000e-01 : f32
        %mul3A_898 = vector.broadcast %mul3A_897 : f32 to vector<16xf32>
        %mul3A_899 = arith.mulf %mul3A_898, %parallel_loop3A_195#6 : vector<16xf32>
        %mul3A_900 = arith.mulf %mul3A_899, %mul3A_896 : vector<16xf32>
        %mul3A_901 = arith.mulf %mul3A_900, %mul3A_896 : vector<16xf32>
        %sub3A_902 = arith.constant 1.500000e+00 : f32
        %sub3A_903 = vector.broadcast %sub3A_902 : f32 to vector<16xf32>
        %sub3A_904 = arith.subf %sub3A_903, %mul3A_901 : vector<16xf32>
        %mul3A_905 = arith.mulf %mul3A_896, %sub3A_904 : vector<16xf32>
        %mul3A_906 = arith.constant 5.000000e-01 : f32
        %mul3A_907 = vector.broadcast %mul3A_906 : f32 to vector<16xf32>
        %mul3A_908 = arith.mulf %mul3A_907, %parallel_loop3A_195#6 : vector<16xf32>
        %mul3A_909 = arith.mulf %mul3A_908, %mul3A_905 : vector<16xf32>
        %mul3A_910 = arith.mulf %mul3A_909, %mul3A_905 : vector<16xf32>
        %sub3A_911 = arith.constant 1.500000e+00 : f32
        %sub3A_912 = vector.broadcast %sub3A_911 : f32 to vector<16xf32>
        %sub3A_913 = arith.subf %sub3A_912, %mul3A_910 : vector<16xf32>
        %mul3A_914 = arith.mulf %mul3A_905, %sub3A_913 : vector<16xf32>
        %mul3A_915 = arith.constant 5.000000e-01 : f32
        %mul3A_916 = vector.broadcast %mul3A_915 : f32 to vector<16xf32>
        %mul3A_917 = arith.mulf %mul3A_916, %parallel_loop3A_195#6 : vector<16xf32>
        %mul3A_918 = arith.mulf %mul3A_917, %mul3A_914 : vector<16xf32>
        %mul3A_919 = arith.mulf %mul3A_918, %mul3A_914 : vector<16xf32>
        %sub3A_920 = arith.constant 1.500000e+00 : f32
        %sub3A_921 = vector.broadcast %sub3A_920 : f32 to vector<16xf32>
        %sub3A_922 = arith.subf %sub3A_921, %mul3A_919 : vector<16xf32>
        %mul3A_923 = arith.mulf %mul3A_914, %sub3A_922 : vector<16xf32>
        %mul3A_924 = arith.constant 0.999989986 : f32
        %mul3A_925 = vector.broadcast %mul3A_924 : f32 to vector<16xf32>
        %mul3A_926 = arith.mulf %mul3A_925, %mul3A_923 : vector<16xf32>
        %jit3A_927 = arith.constant 1.000000e+00 : f32
        %broadcast_in_dim3A_928 = vector.broadcast %jit3A_927 : f32 to vector<16xf32>
        %select_n3A_929 = arith.select %gt3A_879, %mul3A_926, %broadcast_in_dim3A_928 : vector<16xi1>, vector<16xf32>
        %gt3A_930 = arith.constant 0.999979972 : f32
        %gt3A_931 = vector.broadcast %gt3A_930 : f32 to vector<16xf32>
        %gt3A_932 = arith.cmpf ogt, %parallel_loop3A_195#7, %gt3A_931 : vector<16xf32>
        %bitcast3A_933 = vector.bitcast %parallel_loop3A_195#7 : vector<16xf32> to vector<16xi32>
        %shift_right_arithmetic3A_934 = arith.constant 1 : i32
        %shift_right_arithmetic3A_935 = vector.broadcast %shift_right_arithmetic3A_934 : i32 to vector<16xi32>
        %shift_right_arithmetic3A_936 = arith.shrsi %bitcast3A_933, %shift_right_arithmetic3A_935 : vector<16xi32>
        %sub3A_937 = arith.constant 1597463007 : i32
        %sub3A_938 = vector.broadcast %sub3A_937 : i32 to vector<16xi32>
        %sub3A_939 = arith.subi %sub3A_938, %shift_right_arithmetic3A_936 : vector<16xi32>
        %bitcast3A_940 = vector.bitcast %sub3A_939 : vector<16xi32> to vector<16xf32>
        %mul3A_941 = arith.constant 5.000000e-01 : f32
        %mul3A_942 = vector.broadcast %mul3A_941 : f32 to vector<16xf32>
        %mul3A_943 = arith.mulf %mul3A_942, %parallel_loop3A_195#7 : vector<16xf32>
        %mul3A_944 = arith.mulf %mul3A_943, %bitcast3A_940 : vector<16xf32>
        %mul3A_945 = arith.mulf %mul3A_944, %bitcast3A_940 : vector<16xf32>
        %sub3A_946 = arith.constant 1.500000e+00 : f32
        %sub3A_947 = vector.broadcast %sub3A_946 : f32 to vector<16xf32>
        %sub3A_948 = arith.subf %sub3A_947, %mul3A_945 : vector<16xf32>
        %mul3A_949 = arith.mulf %bitcast3A_940, %sub3A_948 : vector<16xf32>
        %mul3A_950 = arith.constant 5.000000e-01 : f32
        %mul3A_951 = vector.broadcast %mul3A_950 : f32 to vector<16xf32>
        %mul3A_952 = arith.mulf %mul3A_951, %parallel_loop3A_195#7 : vector<16xf32>
        %mul3A_953 = arith.mulf %mul3A_952, %mul3A_949 : vector<16xf32>
        %mul3A_954 = arith.mulf %mul3A_953, %mul3A_949 : vector<16xf32>
        %sub3A_955 = arith.constant 1.500000e+00 : f32
        %sub3A_956 = vector.broadcast %sub3A_955 : f32 to vector<16xf32>
        %sub3A_957 = arith.subf %sub3A_956, %mul3A_954 : vector<16xf32>
        %mul3A_958 = arith.mulf %mul3A_949, %sub3A_957 : vector<16xf32>
        %mul3A_959 = arith.constant 5.000000e-01 : f32
        %mul3A_960 = vector.broadcast %mul3A_959 : f32 to vector<16xf32>
        %mul3A_961 = arith.mulf %mul3A_960, %parallel_loop3A_195#7 : vector<16xf32>
        %mul3A_962 = arith.mulf %mul3A_961, %mul3A_958 : vector<16xf32>
        %mul3A_963 = arith.mulf %mul3A_962, %mul3A_958 : vector<16xf32>
        %sub3A_964 = arith.constant 1.500000e+00 : f32
        %sub3A_965 = vector.broadcast %sub3A_964 : f32 to vector<16xf32>
        %sub3A_966 = arith.subf %sub3A_965, %mul3A_963 : vector<16xf32>
        %mul3A_967 = arith.mulf %mul3A_958, %sub3A_966 : vector<16xf32>
        %mul3A_968 = arith.constant 5.000000e-01 : f32
        %mul3A_969 = vector.broadcast %mul3A_968 : f32 to vector<16xf32>
        %mul3A_970 = arith.mulf %mul3A_969, %parallel_loop3A_195#7 : vector<16xf32>
        %mul3A_971 = arith.mulf %mul3A_970, %mul3A_967 : vector<16xf32>
        %mul3A_972 = arith.mulf %mul3A_971, %mul3A_967 : vector<16xf32>
        %sub3A_973 = arith.constant 1.500000e+00 : f32
        %sub3A_974 = vector.broadcast %sub3A_973 : f32 to vector<16xf32>
        %sub3A_975 = arith.subf %sub3A_974, %mul3A_972 : vector<16xf32>
        %mul3A_976 = arith.mulf %mul3A_967, %sub3A_975 : vector<16xf32>
        %mul3A_977 = arith.constant 0.999989986 : f32
        %mul3A_978 = vector.broadcast %mul3A_977 : f32 to vector<16xf32>
        %mul3A_979 = arith.mulf %mul3A_978, %mul3A_976 : vector<16xf32>
        %jit3A_980 = arith.constant 1.000000e+00 : f32
        %broadcast_in_dim3A_981 = vector.broadcast %jit3A_980 : f32 to vector<16xf32>
        %select_n3A_982 = arith.select %gt3A_932, %mul3A_979, %broadcast_in_dim3A_981 : vector<16xi1>, vector<16xf32>
        %scan3A_983 = arith.constant 0 : i32
        %scan3A_984 = arith.constant 0 : i32
        %scan3A_985 = arith.constant 64 : i32
        %scan3A_986 = arith.addi %scan3A_984, %scan3A_985 : i32
        %scan3A_987 = arith.constant 1 : i32
        scf.for %scan3A_989 = %scan3A_984 to %scan3A_986 step %scan3A_987  : i32 {
          %get3A = arith.index_cast %scan3A_989 : i32 to index
          %get3A_990 = arith.constant 0 : index
          %get3A_991 = tpu.vector_load %arg8[%get3A, %get3A_990] {strides = array<i32>} : memref<64x128xf32, #tpu.memory_space<vmem>>, vector<16xf32>,
          %mul3A_992 = arith.mulf %get3A_991, %select_n3A : vector<16xf32>
          %swap3A = arith.index_cast %scan3A_989 : i32 to index
          %swap3A_993 = arith.constant 0 : index
          %swap3A_994 = tpu.vector_load %arg8[%swap3A, %swap3A_993] {strides = array<i32>} : memref<64x128xf32, #tpu.memory_space<vmem>>, vector<16xf32>,
          tpu.vector_store %arg8[%swap3A, %swap3A_993], %mul3A_992 {strides = array<i32>} : memref<64x128xf32, #tpu.memory_space<vmem>>, vector<16xf32>,
          %get3A_995 = arith.index_cast %scan3A_989 : i32 to index
          %get3A_996 = arith.constant 16 : index
          %get3A_997 = tpu.vector_load %arg8[%get3A_995, %get3A_996] {strides = array<i32>} : memref<64x128xf32, #tpu.memory_space<vmem>>, vector<16xf32>,
          %mul3A_998 = arith.mulf %get3A_997, %select_n3A_664 : vector<16xf32>
          %swap3A_999 = arith.index_cast %scan3A_989 : i32 to index
          %swap3A_1000 = arith.constant 16 : index
          %swap3A_1001 = tpu.vector_load %arg8[%swap3A_999, %swap3A_1000] {strides = array<i32>} : memref<64x128xf32, #tpu.memory_space<vmem>>, vector<16xf32>,
          tpu.vector_store %arg8[%swap3A_999, %swap3A_1000], %mul3A_998 {strides = array<i32>} : memref<64x128xf32, #tpu.memory_space<vmem>>, vector<16xf32>,
          %get3A_1002 = arith.index_cast %scan3A_989 : i32 to index
          %get3A_1003 = arith.constant 32 : index
          %get3A_1004 = tpu.vector_load %arg8[%get3A_1002, %get3A_1003] {strides = array<i32>} : memref<64x128xf32, #tpu.memory_space<vmem>>, vector<16xf32>,
          %mul3A_1005 = arith.mulf %get3A_1004, %select_n3A_717 : vector<16xf32>
          %swap3A_1006 = arith.index_cast %scan3A_989 : i32 to index
          %swap3A_1007 = arith.constant 32 : index
          %swap3A_1008 = tpu.vector_load %arg8[%swap3A_1006, %swap3A_1007] {strides = array<i32>} : memref<64x128xf32, #tpu.memory_space<vmem>>, vector<16xf32>,
          tpu.vector_store %arg8[%swap3A_1006, %swap3A_1007], %mul3A_1005 {strides = array<i32>} : memref<64x128xf32, #tpu.memory_space<vmem>>, vector<16xf32>,
          %get3A_1009 = arith.index_cast %scan3A_989 : i32 to index
          %get3A_1010 = arith.constant 48 : index
          %get3A_1011 = tpu.vector_load %arg8[%get3A_1009, %get3A_1010] {strides = array<i32>} : memref<64x128xf32, #tpu.memory_space<vmem>>, vector<16xf32>,
          %mul3A_1012 = arith.mulf %get3A_1011, %select_n3A_770 : vector<16xf32>
          %swap3A_1013 = arith.index_cast %scan3A_989 : i32 to index
          %swap3A_1014 = arith.constant 48 : index
          %swap3A_1015 = tpu.vector_load %arg8[%swap3A_1013, %swap3A_1014] {strides = array<i32>} : memref<64x128xf32, #tpu.memory_space<vmem>>, vector<16xf32>,
          tpu.vector_store %arg8[%swap3A_1013, %swap3A_1014], %mul3A_1012 {strides = array<i32>} : memref<64x128xf32, #tpu.memory_space<vmem>>, vector<16xf32>,
          %get3A_1016 = arith.index_cast %scan3A_989 : i32 to index
          %get3A_1017 = arith.constant 64 : index
          %get3A_1018 = tpu.vector_load %arg8[%get3A_1016, %get3A_1017] {strides = array<i32>} : memref<64x128xf32, #tpu.memory_space<vmem>>, vector<16xf32>,
          %mul3A_1019 = arith.mulf %get3A_1018, %select_n3A_823 : vector<16xf32>
          %swap3A_1020 = arith.index_cast %scan3A_989 : i32 to index
          %swap3A_1021 = arith.constant 64 : index
          %swap3A_1022 = tpu.vector_load %arg8[%swap3A_1020, %swap3A_1021] {strides = array<i32>} : memref<64x128xf32, #tpu.memory_space<vmem>>, vector<16xf32>,
          tpu.vector_store %arg8[%swap3A_1020, %swap3A_1021], %mul3A_1019 {strides = array<i32>} : memref<64x128xf32, #tpu.memory_space<vmem>>, vector<16xf32>,
          %get3A_1023 = arith.index_cast %scan3A_989 : i32 to index
          %get3A_1024 = arith.constant 80 : index
          %get3A_1025 = tpu.vector_load %arg8[%get3A_1023, %get3A_1024] {strides = array<i32>} : memref<64x128xf32, #tpu.memory_space<vmem>>, vector<16xf32>,
          %mul3A_1026 = arith.mulf %get3A_1025, %select_n3A_876 : vector<16xf32>
          %swap3A_1027 = arith.index_cast %scan3A_989 : i32 to index
          %swap3A_1028 = arith.constant 80 : index
          %swap3A_1029 = tpu.vector_load %arg8[%swap3A_1027, %swap3A_1028] {strides = array<i32>} : memref<64x128xf32, #tpu.memory_space<vmem>>, vector<16xf32>,
          tpu.vector_store %arg8[%swap3A_1027, %swap3A_1028], %mul3A_1026 {strides = array<i32>} : memref<64x128xf32, #tpu.memory_space<vmem>>, vector<16xf32>,
          %get3A_1030 = arith.index_cast %scan3A_989 : i32 to index
          %get3A_1031 = arith.constant 96 : index
          %get3A_1032 = tpu.vector_load %arg8[%get3A_1030, %get3A_1031] {strides = array<i32>} : memref<64x128xf32, #tpu.memory_space<vmem>>, vector<16xf32>,
          %mul3A_1033 = arith.mulf %get3A_1032, %select_n3A_929 : vector<16xf32>
          %swap3A_1034 = arith.index_cast %scan3A_989 : i32 to index
          %swap3A_1035 = arith.constant 96 : index
          %swap3A_1036 = tpu.vector_load %arg8[%swap3A_1034, %swap3A_1035] {strides = array<i32>} : memref<64x128xf32, #tpu.memory_space<vmem>>, vector<16xf32>,
          tpu.vector_store %arg8[%swap3A_1034, %swap3A_1035], %mul3A_1033 {strides = array<i32>} : memref<64x128xf32, #tpu.memory_space<vmem>>, vector<16xf32>,
          %get3A_1037 = arith.index_cast %scan3A_989 : i32 to index
          %get3A_1038 = arith.constant 112 : index
          %get3A_1039 = tpu.vector_load %arg8[%get3A_1037, %get3A_1038] {strides = array<i32>} : memref<64x128xf32, #tpu.memory_space<vmem>>, vector<16xf32>,
          %mul3A_1040 = arith.mulf %get3A_1039, %select_n3A_982 : vector<16xf32>
          %swap3A_1041 = arith.index_cast %scan3A_989 : i32 to index
          %swap3A_1042 = arith.constant 112 : index
          %swap3A_1043 = tpu.vector_load %arg8[%swap3A_1041, %swap3A_1042] {strides = array<i32>} : memref<64x128xf32, #tpu.memory_space<vmem>>, vector<16xf32>,
          tpu.vector_store %arg8[%swap3A_1041, %swap3A_1042], %mul3A_1040 {strides = array<i32>} : memref<64x128xf32, #tpu.memory_space<vmem>>, vector<16xf32>,
        }
        %scan3A_988 = arith.constant 64 : i32
      } else {
      }
      %shift_right_arithmetic3A = arith.constant 2 : i32
      %shift_right_arithmetic3A_238 = arith.shrsi %add3A_177, %shift_right_arithmetic3A : i32
      %mul3A_239 = arith.constant 4 : i32
      %mul3A_240 = arith.muli %add3A, %mul3A_239 : i32
      %and3A = arith.constant 3 : i32
      %and3A_241 = arith.andi %add3A_177, %and3A : i32
      %add3A_242 = arith.addi %mul3A_240, %and3A_241 : i32
      %dma_start3A_243 = arith.constant 0 : i32
      %dma_start3A_244 = arith.constant 0 : i32
      %dma_start3A_245 = arith.constant 0 : i32
      %dma_start3A_246 = tpu.memref_slice %arg8[%dma_start3A_244, %dma_start3A_245] : memref<64x128xf32, #tpu.memory_space<vmem>> -> memref<8x128xf32, #tpu.memory_space<vmem>>
      %dma_start3A_247 = arith.constant 0 : i32
      %dma_start3A_248 = arith.constant 0 : i32
      %dma_start3A_249 = tpu.memref_slice %arg4[%shift_right_arithmetic3A_238, %dma_start3A_243, %add3A_242, %dma_start3A_247, %dma_start3A_248] : memref<50x8x128x8x128xf32, #tpu.memory_space<hbm>> -> memref<1x1x1x8x128xf32, #tpu.memory_space<hbm>>
      %dma_start3A_250 = tpu.memref_squeeze %dma_start3A_249 : memref<1x1x1x8x128xf32, #tpu.memory_space<hbm>> -> memref<8x128xf32, #tpu.memory_space<hbm>>
      %dma_start3A_251 = arith.constant 0 : i32
      %dma_start3A_252 = arith.constant 0 : i32
      %dma_start3A_253 = tpu.memref_slice %arg4[%shift_right_arithmetic3A_238, %dma_start3A_243, %add3A_242, %dma_start3A_251, %dma_start3A_252] : memref<50x8x128x8x128xf32, #tpu.memory_space<hbm>> -> memref<1x1x1x8x128xf32, #tpu.memory_space<hbm>>
      %dma_start3A_254 = tpu.memref_squeeze %dma_start3A_253 : memref<1x1x1x8x128xf32, #tpu.memory_space<hbm>> -> memref<8x128xf32, #tpu.memory_space<hbm>>
      %dma_start3A_255 = arith.constant 0 : i32
      %dma_start3A_256 = arith.constant 0 : i32
      %dma_start3A_257 = tpu.memref_slice %arg8[%dma_start3A_255, %dma_start3A_256] : memref<64x128xf32, #tpu.memory_space<vmem>> -> memref<8x128xf32, #tpu.memory_space<vmem>>
      tpu.enqueue_dma source(%dma_start3A_257 : memref<8x128xf32, #tpu.memory_space<vmem>>) target(%dma_start3A_254 : memref<8x128xf32, #tpu.memory_space<hbm>>) target_semaphore(%arg12 : memref<!tpu.dma_semaphore, #tpu.memory_space<semaphore_mem>>)
      %dma_start3A_258 = arith.constant 1 : i32
      %dma_start3A_259 = arith.constant 8 : i32
      %dma_start3A_260 = arith.constant 0 : i32
      %dma_start3A_261 = tpu.memref_slice %arg8[%dma_start3A_259, %dma_start3A_260] : memref<64x128xf32, #tpu.memory_space<vmem>> -> memref<8x128xf32, #tpu.memory_space<vmem>>
      %dma_start3A_262 = arith.constant 0 : i32
      %dma_start3A_263 = arith.constant 0 : i32
      %dma_start3A_264 = tpu.memref_slice %arg4[%shift_right_arithmetic3A_238, %dma_start3A_258, %add3A_242, %dma_start3A_262, %dma_start3A_263] : memref<50x8x128x8x128xf32, #tpu.memory_space<hbm>> -> memref<1x1x1x8x128xf32, #tpu.memory_space<hbm>>
      %dma_start3A_265 = tpu.memref_squeeze %dma_start3A_264 : memref<1x1x1x8x128xf32, #tpu.memory_space<hbm>> -> memref<8x128xf32, #tpu.memory_space<hbm>>
      %dma_start3A_266 = arith.constant 0 : i32
      %dma_start3A_267 = arith.constant 0 : i32
      %dma_start3A_268 = tpu.memref_slice %arg4[%shift_right_arithmetic3A_238, %dma_start3A_258, %add3A_242, %dma_start3A_266, %dma_start3A_267] : memref<50x8x128x8x128xf32, #tpu.memory_space<hbm>> -> memref<1x1x1x8x128xf32, #tpu.memory_space<hbm>>
      %dma_start3A_269 = tpu.memref_squeeze %dma_start3A_268 : memref<1x1x1x8x128xf32, #tpu.memory_space<hbm>> -> memref<8x128xf32, #tpu.memory_space<hbm>>
      %dma_start3A_270 = arith.constant 8 : i32
      %dma_start3A_271 = arith.constant 0 : i32
      %dma_start3A_272 = tpu.memref_slice %arg8[%dma_start3A_270, %dma_start3A_271] : memref<64x128xf32, #tpu.memory_space<vmem>> -> memref<8x128xf32, #tpu.memory_space<vmem>>
      tpu.enqueue_dma source(%dma_start3A_272 : memref<8x128xf32, #tpu.memory_space<vmem>>) target(%dma_start3A_269 : memref<8x128xf32, #tpu.memory_space<hbm>>) target_semaphore(%arg12 : memref<!tpu.dma_semaphore, #tpu.memory_space<semaphore_mem>>)
      %dma_start3A_273 = arith.constant 2 : i32
      %dma_start3A_274 = arith.constant 16 : i32
      %dma_start3A_275 = arith.constant 0 : i32
      %dma_start3A_276 = tpu.memref_slice %arg8[%dma_start3A_274, %dma_start3A_275] : memref<64x128xf32, #tpu.memory_space<vmem>> -> memref<8x128xf32, #tpu.memory_space<vmem>>
      %dma_start3A_277 = arith.constant 0 : i32
      %dma_start3A_278 = arith.constant 0 : i32
      %dma_start3A_279 = tpu.memref_slice %arg4[%shift_right_arithmetic3A_238, %dma_start3A_273, %add3A_242, %dma_start3A_277, %dma_start3A_278] : memref<50x8x128x8x128xf32, #tpu.memory_space<hbm>> -> memref<1x1x1x8x128xf32, #tpu.memory_space<hbm>>
      %dma_start3A_280 = tpu.memref_squeeze %dma_start3A_279 : memref<1x1x1x8x128xf32, #tpu.memory_space<hbm>> -> memref<8x128xf32, #tpu.memory_space<hbm>>
      %dma_start3A_281 = arith.constant 0 : i32
      %dma_start3A_282 = arith.constant 0 : i32
      %dma_start3A_283 = tpu.memref_slice %arg4[%shift_right_arithmetic3A_238, %dma_start3A_273, %add3A_242, %dma_start3A_281, %dma_start3A_282] : memref<50x8x128x8x128xf32, #tpu.memory_space<hbm>> -> memref<1x1x1x8x128xf32, #tpu.memory_space<hbm>>
      %dma_start3A_284 = tpu.memref_squeeze %dma_start3A_283 : memref<1x1x1x8x128xf32, #tpu.memory_space<hbm>> -> memref<8x128xf32, #tpu.memory_space<hbm>>
      %dma_start3A_285 = arith.constant 16 : i32
      %dma_start3A_286 = arith.constant 0 : i32
      %dma_start3A_287 = tpu.memref_slice %arg8[%dma_start3A_285, %dma_start3A_286] : memref<64x128xf32, #tpu.memory_space<vmem>> -> memref<8x128xf32, #tpu.memory_space<vmem>>
      tpu.enqueue_dma source(%dma_start3A_287 : memref<8x128xf32, #tpu.memory_space<vmem>>) target(%dma_start3A_284 : memref<8x128xf32, #tpu.memory_space<hbm>>) target_semaphore(%arg12 : memref<!tpu.dma_semaphore, #tpu.memory_space<semaphore_mem>>)
      %dma_start3A_288 = arith.constant 3 : i32
      %dma_start3A_289 = arith.constant 24 : i32
      %dma_start3A_290 = arith.constant 0 : i32
      %dma_start3A_291 = tpu.memref_slice %arg8[%dma_start3A_289, %dma_start3A_290] : memref<64x128xf32, #tpu.memory_space<vmem>> -> memref<8x128xf32, #tpu.memory_space<vmem>>
      %dma_start3A_292 = arith.constant 0 : i32
      %dma_start3A_293 = arith.constant 0 : i32
      %dma_start3A_294 = tpu.memref_slice %arg4[%shift_right_arithmetic3A_238, %dma_start3A_288, %add3A_242, %dma_start3A_292, %dma_start3A_293] : memref<50x8x128x8x128xf32, #tpu.memory_space<hbm>> -> memref<1x1x1x8x128xf32, #tpu.memory_space<hbm>>
      %dma_start3A_295 = tpu.memref_squeeze %dma_start3A_294 : memref<1x1x1x8x128xf32, #tpu.memory_space<hbm>> -> memref<8x128xf32, #tpu.memory_space<hbm>>
      %dma_start3A_296 = arith.constant 0 : i32
      %dma_start3A_297 = arith.constant 0 : i32
      %dma_start3A_298 = tpu.memref_slice %arg4[%shift_right_arithmetic3A_238, %dma_start3A_288, %add3A_242, %dma_start3A_296, %dma_start3A_297] : memref<50x8x128x8x128xf32, #tpu.memory_space<hbm>> -> memref<1x1x1x8x128xf32, #tpu.memory_space<hbm>>
      %dma_start3A_299 = tpu.memref_squeeze %dma_start3A_298 : memref<1x1x1x8x128xf32, #tpu.memory_space<hbm>> -> memref<8x128xf32, #tpu.memory_space<hbm>>
      %dma_start3A_300 = arith.constant 24 : i32
      %dma_start3A_301 = arith.constant 0 : i32
      %dma_start3A_302 = tpu.memref_slice %arg8[%dma_start3A_300, %dma_start3A_301] : memref<64x128xf32, #tpu.memory_space<vmem>> -> memref<8x128xf32, #tpu.memory_space<vmem>>
      tpu.enqueue_dma source(%dma_start3A_302 : memref<8x128xf32, #tpu.memory_space<vmem>>) target(%dma_start3A_299 : memref<8x128xf32, #tpu.memory_space<hbm>>) target_semaphore(%arg12 : memref<!tpu.dma_semaphore, #tpu.memory_space<semaphore_mem>>)
      %dma_start3A_303 = arith.constant 4 : i32
      %dma_start3A_304 = arith.constant 32 : i32
      %dma_start3A_305 = arith.constant 0 : i32
      %dma_start3A_306 = tpu.memref_slice %arg8[%dma_start3A_304, %dma_start3A_305] : memref<64x128xf32, #tpu.memory_space<vmem>> -> memref<8x128xf32, #tpu.memory_space<vmem>>
      %dma_start3A_307 = arith.constant 0 : i32
      %dma_start3A_308 = arith.constant 0 : i32
      %dma_start3A_309 = tpu.memref_slice %arg4[%shift_right_arithmetic3A_238, %dma_start3A_303, %add3A_242, %dma_start3A_307, %dma_start3A_308] : memref<50x8x128x8x128xf32, #tpu.memory_space<hbm>> -> memref<1x1x1x8x128xf32, #tpu.memory_space<hbm>>
      %dma_start3A_310 = tpu.memref_squeeze %dma_start3A_309 : memref<1x1x1x8x128xf32, #tpu.memory_space<hbm>> -> memref<8x128xf32, #tpu.memory_space<hbm>>
      %dma_start3A_311 = arith.constant 0 : i32
      %dma_start3A_312 = arith.constant 0 : i32
      %dma_start3A_313 = tpu.memref_slice %arg4[%shift_right_arithmetic3A_238, %dma_start3A_303, %add3A_242, %dma_start3A_311, %dma_start3A_312] : memref<50x8x128x8x128xf32, #tpu.memory_space<hbm>> -> memref<1x1x1x8x128xf32, #tpu.memory_space<hbm>>
      %dma_start3A_314 = tpu.memref_squeeze %dma_start3A_313 : memref<1x1x1x8x128xf32, #tpu.memory_space<hbm>> -> memref<8x128xf32, #tpu.memory_space<hbm>>
      %dma_start3A_315 = arith.constant 32 : i32
      %dma_start3A_316 = arith.constant 0 : i32
      %dma_start3A_317 = tpu.memref_slice %arg8[%dma_start3A_315, %dma_start3A_316] : memref<64x128xf32, #tpu.memory_space<vmem>> -> memref<8x128xf32, #tpu.memory_space<vmem>>
      tpu.enqueue_dma source(%dma_start3A_317 : memref<8x128xf32, #tpu.memory_space<vmem>>) target(%dma_start3A_314 : memref<8x128xf32, #tpu.memory_space<hbm>>) target_semaphore(%arg12 : memref<!tpu.dma_semaphore, #tpu.memory_space<semaphore_mem>>)
      %dma_start3A_318 = arith.constant 5 : i32
      %dma_start3A_319 = arith.constant 40 : i32
      %dma_start3A_320 = arith.constant 0 : i32
      %dma_start3A_321 = tpu.memref_slice %arg8[%dma_start3A_319, %dma_start3A_320] : memref<64x128xf32, #tpu.memory_space<vmem>> -> memref<8x128xf32, #tpu.memory_space<vmem>>
      %dma_start3A_322 = arith.constant 0 : i32
      %dma_start3A_323 = arith.constant 0 : i32
      %dma_start3A_324 = tpu.memref_slice %arg4[%shift_right_arithmetic3A_238, %dma_start3A_318, %add3A_242, %dma_start3A_322, %dma_start3A_323] : memref<50x8x128x8x128xf32, #tpu.memory_space<hbm>> -> memref<1x1x1x8x128xf32, #tpu.memory_space<hbm>>
      %dma_start3A_325 = tpu.memref_squeeze %dma_start3A_324 : memref<1x1x1x8x128xf32, #tpu.memory_space<hbm>> -> memref<8x128xf32, #tpu.memory_space<hbm>>
      %dma_start3A_326 = arith.constant 0 : i32
      %dma_start3A_327 = arith.constant 0 : i32
      %dma_start3A_328 = tpu.memref_slice %arg4[%shift_right_arithmetic3A_238, %dma_start3A_318, %add3A_242, %dma_start3A_326, %dma_start3A_327] : memref<50x8x128x8x128xf32, #tpu.memory_space<hbm>> -> memref<1x1x1x8x128xf32, #tpu.memory_space<hbm>>
      %dma_start3A_329 = tpu.memref_squeeze %dma_start3A_328 : memref<1x1x1x8x128xf32, #tpu.memory_space<hbm>> -> memref<8x128xf32, #tpu.memory_space<hbm>>
      %dma_start3A_330 = arith.constant 40 : i32
      %dma_start3A_331 = arith.constant 0 : i32
      %dma_start3A_332 = tpu.memref_slice %arg8[%dma_start3A_330, %dma_start3A_331] : memref<64x128xf32, #tpu.memory_space<vmem>> -> memref<8x128xf32, #tpu.memory_space<vmem>>
      tpu.enqueue_dma source(%dma_start3A_332 : memref<8x128xf32, #tpu.memory_space<vmem>>) target(%dma_start3A_329 : memref<8x128xf32, #tpu.memory_space<hbm>>) target_semaphore(%arg12 : memref<!tpu.dma_semaphore, #tpu.memory_space<semaphore_mem>>)
      %dma_start3A_333 = arith.constant 6 : i32
      %dma_start3A_334 = arith.constant 48 : i32
      %dma_start3A_335 = arith.constant 0 : i32
      %dma_start3A_336 = tpu.memref_slice %arg8[%dma_start3A_334, %dma_start3A_335] : memref<64x128xf32, #tpu.memory_space<vmem>> -> memref<8x128xf32, #tpu.memory_space<vmem>>
      %dma_start3A_337 = arith.constant 0 : i32
      %dma_start3A_338 = arith.constant 0 : i32
      %dma_start3A_339 = tpu.memref_slice %arg4[%shift_right_arithmetic3A_238, %dma_start3A_333, %add3A_242, %dma_start3A_337, %dma_start3A_338] : memref<50x8x128x8x128xf32, #tpu.memory_space<hbm>> -> memref<1x1x1x8x128xf32, #tpu.memory_space<hbm>>
      %dma_start3A_340 = tpu.memref_squeeze %dma_start3A_339 : memref<1x1x1x8x128xf32, #tpu.memory_space<hbm>> -> memref<8x128xf32, #tpu.memory_space<hbm>>
      %dma_start3A_341 = arith.constant 0 : i32
      %dma_start3A_342 = arith.constant 0 : i32
      %dma_start3A_343 = tpu.memref_slice %arg4[%shift_right_arithmetic3A_238, %dma_start3A_333, %add3A_242, %dma_start3A_341, %dma_start3A_342] : memref<50x8x128x8x128xf32, #tpu.memory_space<hbm>> -> memref<1x1x1x8x128xf32, #tpu.memory_space<hbm>>
      %dma_start3A_344 = tpu.memref_squeeze %dma_start3A_343 : memref<1x1x1x8x128xf32, #tpu.memory_space<hbm>> -> memref<8x128xf32, #tpu.memory_space<hbm>>
      %dma_start3A_345 = arith.constant 48 : i32
      %dma_start3A_346 = arith.constant 0 : i32
      %dma_start3A_347 = tpu.memref_slice %arg8[%dma_start3A_345, %dma_start3A_346] : memref<64x128xf32, #tpu.memory_space<vmem>> -> memref<8x128xf32, #tpu.memory_space<vmem>>
      tpu.enqueue_dma source(%dma_start3A_347 : memref<8x128xf32, #tpu.memory_space<vmem>>) target(%dma_start3A_344 : memref<8x128xf32, #tpu.memory_space<hbm>>) target_semaphore(%arg12 : memref<!tpu.dma_semaphore, #tpu.memory_space<semaphore_mem>>)
      %dma_start3A_348 = arith.constant 7 : i32
      %dma_start3A_349 = arith.constant 56 : i32
      %dma_start3A_350 = arith.constant 0 : i32
      %dma_start3A_351 = tpu.memref_slice %arg8[%dma_start3A_349, %dma_start3A_350] : memref<64x128xf32, #tpu.memory_space<vmem>> -> memref<8x128xf32, #tpu.memory_space<vmem>>
      %dma_start3A_352 = arith.constant 0 : i32
      %dma_start3A_353 = arith.constant 0 : i32
      %dma_start3A_354 = tpu.memref_slice %arg4[%shift_right_arithmetic3A_238, %dma_start3A_348, %add3A_242, %dma_start3A_352, %dma_start3A_353] : memref<50x8x128x8x128xf32, #tpu.memory_space<hbm>> -> memref<1x1x1x8x128xf32, #tpu.memory_space<hbm>>
      %dma_start3A_355 = tpu.memref_squeeze %dma_start3A_354 : memref<1x1x1x8x128xf32, #tpu.memory_space<hbm>> -> memref<8x128xf32, #tpu.memory_space<hbm>>
      %dma_start3A_356 = arith.constant 0 : i32
      %dma_start3A_357 = arith.constant 0 : i32
      %dma_start3A_358 = tpu.memref_slice %arg4[%shift_right_arithmetic3A_238, %dma_start3A_348, %add3A_242, %dma_start3A_356, %dma_start3A_357] : memref<50x8x128x8x128xf32, #tpu.memory_space<hbm>> -> memref<1x1x1x8x128xf32, #tpu.memory_space<hbm>>
      %dma_start3A_359 = tpu.memref_squeeze %dma_start3A_358 : memref<1x1x1x8x128xf32, #tpu.memory_space<hbm>> -> memref<8x128xf32, #tpu.memory_space<hbm>>
      %dma_start3A_360 = arith.constant 56 : i32
      %dma_start3A_361 = arith.constant 0 : i32
      %dma_start3A_362 = tpu.memref_slice %arg8[%dma_start3A_360, %dma_start3A_361] : memref<64x128xf32, #tpu.memory_space<vmem>> -> memref<8x128xf32, #tpu.memory_space<vmem>>
      tpu.enqueue_dma source(%dma_start3A_362 : memref<8x128xf32, #tpu.memory_space<vmem>>) target(%dma_start3A_359 : memref<8x128xf32, #tpu.memory_space<hbm>>) target_semaphore(%arg12 : memref<!tpu.dma_semaphore, #tpu.memory_space<semaphore_mem>>)
      %mul3A_363 = arith.constant 2 : i32
      %mul3A_364 = arith.muli %scan3A_173, %mul3A_363 : i32
      %add3A_365 = arith.constant 1 : i32
      %add3A_366 = arith.addi %mul3A_364, %add3A_365 : i32
      %dma_wait3A_367 = arith.constant 0 : i32
      %dma_wait3A_368 = arith.constant 0 : i32
      %dma_wait3A_369 = tpu.memref_slice %arg3[%dma_wait3A_367, %dma_wait3A_368] : memref<1000000x64xf32, #tpu.memory_space<hbm>> -> memref<128x64xf32, #tpu.memory_space<hbm>>
      %dma_wait3A_370 = arith.constant 0 : i32
      %dma_wait3A_371 = arith.constant 0 : i32
      %dma_wait3A_372 = tpu.memref_slice %arg3[%dma_wait3A_370, %dma_wait3A_371] : memref<1000000x64xf32, #tpu.memory_space<hbm>> -> memref<128x64xf32, #tpu.memory_space<hbm>>
      tpu.wait_dma2 semaphore(%arg11 : memref<!tpu.dma_semaphore, #tpu.memory_space<semaphore_mem>>) src(%dma_wait3A_372 : memref<128x64xf32, #tpu.memory_space<hbm>>) dst(%arg7 : memref<128x64xf32, #tpu.memory_space<vmem>>)
      %ge3A_373 = arith.constant 1 : i32
      %ge3A_374 = arith.cmpi sge, %add3A_366, %ge3A_373 : i32
      %convert_element_type3A_375 = arith.extui %ge3A_374 : i1 to i32
      %cond3A_376 = arith.constant 0 : i32
      %cond3A_377 = arith.cmpi ne, %convert_element_type3A_375, %cond3A_376 : i32
      scf.if %cond3A_377 {
        %dma_wait3A_563 = arith.constant 0 : i32
        %dma_wait3A_564 = arith.constant 0 : i32
        %dma_wait3A_565 = arith.constant 0 : i32
        %dma_wait3A_566 = arith.constant 0 : i32
        %dma_wait3A_567 = arith.constant 0 : i32
        %dma_wait3A_568 = tpu.memref_slice %arg8[%dma_wait3A_566, %dma_wait3A_567] : memref<64x128xf32, #tpu.memory_space<vmem>> -> memref<8x128xf32, #tpu.memory_space<vmem>>
        %dma_wait3A_569 = arith.constant 0 : i32
        %dma_wait3A_570 = arith.constant 0 : i32
        %dma_wait3A_571 = tpu.memref_slice %arg4[%dma_wait3A_563, %dma_wait3A_564, %dma_wait3A_565, %dma_wait3A_569, %dma_wait3A_570] : memref<50x8x128x8x128xf32, #tpu.memory_space<hbm>> -> memref<1x1x1x8x128xf32, #tpu.memory_space<hbm>>
        %dma_wait3A_572 = tpu.memref_squeeze %dma_wait3A_571 : memref<1x1x1x8x128xf32, #tpu.memory_space<hbm>> -> memref<8x128xf32, #tpu.memory_space<hbm>>
        %dma_wait3A_573 = arith.constant 0 : i32
        %dma_wait3A_574 = arith.constant 0 : i32
        %dma_wait3A_575 = tpu.memref_slice %arg4[%dma_wait3A_563, %dma_wait3A_564, %dma_wait3A_565, %dma_wait3A_573, %dma_wait3A_574] : memref<50x8x128x8x128xf32, #tpu.memory_space<hbm>> -> memref<1x1x1x8x128xf32, #tpu.memory_space<hbm>>
        %dma_wait3A_576 = tpu.memref_squeeze %dma_wait3A_575 : memref<1x1x1x8x128xf32, #tpu.memory_space<hbm>> -> memref<8x128xf32, #tpu.memory_space<hbm>>
        %dma_wait3A_577 = arith.constant 0 : i32
        %dma_wait3A_578 = arith.constant 0 : i32
        %dma_wait3A_579 = tpu.memref_slice %arg8[%dma_wait3A_577, %dma_wait3A_578] : memref<64x128xf32, #tpu.memory_space<vmem>> -> memref<8x128xf32, #tpu.memory_space<vmem>>
        tpu.wait_dma2 semaphore(%arg12 : memref<!tpu.dma_semaphore, #tpu.memory_space<semaphore_mem>>) src(%dma_wait3A_579 : memref<8x128xf32, #tpu.memory_space<vmem>>) dst(%dma_wait3A_576 : memref<8x128xf32, #tpu.memory_space<hbm>>)
        %dma_wait3A_580 = arith.constant 0 : i32
        %dma_wait3A_581 = arith.constant 0 : i32
        %dma_wait3A_582 = arith.constant 0 : i32
        %dma_wait3A_583 = arith.constant 8 : i32
        %dma_wait3A_584 = arith.constant 0 : i32
        %dma_wait3A_585 = tpu.memref_slice %arg8[%dma_wait3A_583, %dma_wait3A_584] : memref<64x128xf32, #tpu.memory_space<vmem>> -> memref<8x128xf32, #tpu.memory_space<vmem>>
        %dma_wait3A_586 = arith.constant 0 : i32
        %dma_wait3A_587 = arith.constant 0 : i32
        %dma_wait3A_588 = tpu.memref_slice %arg4[%dma_wait3A_580, %dma_wait3A_581, %dma_wait3A_582, %dma_wait3A_586, %dma_wait3A_587] : memref<50x8x128x8x128xf32, #tpu.memory_space<hbm>> -> memref<1x1x1x8x128xf32, #tpu.memory_space<hbm>>
        %dma_wait3A_589 = tpu.memref_squeeze %dma_wait3A_588 : memref<1x1x1x8x128xf32, #tpu.memory_space<hbm>> -> memref<8x128xf32, #tpu.memory_space<hbm>>
        %dma_wait3A_590 = arith.constant 0 : i32
        %dma_wait3A_591 = arith.constant 0 : i32
        %dma_wait3A_592 = tpu.memref_slice %arg4[%dma_wait3A_580, %dma_wait3A_581, %dma_wait3A_582, %dma_wait3A_590, %dma_wait3A_591] : memref<50x8x128x8x128xf32, #tpu.memory_space<hbm>> -> memref<1x1x1x8x128xf32, #tpu.memory_space<hbm>>
        %dma_wait3A_593 = tpu.memref_squeeze %dma_wait3A_592 : memref<1x1x1x8x128xf32, #tpu.memory_space<hbm>> -> memref<8x128xf32, #tpu.memory_space<hbm>>
        %dma_wait3A_594 = arith.constant 8 : i32
        %dma_wait3A_595 = arith.constant 0 : i32
        %dma_wait3A_596 = tpu.memref_slice %arg8[%dma_wait3A_594, %dma_wait3A_595] : memref<64x128xf32, #tpu.memory_space<vmem>> -> memref<8x128xf32, #tpu.memory_space<vmem>>
        tpu.wait_dma2 semaphore(%arg12 : memref<!tpu.dma_semaphore, #tpu.memory_space<semaphore_mem>>) src(%dma_wait3A_596 : memref<8x128xf32, #tpu.memory_space<vmem>>) dst(%dma_wait3A_593 : memref<8x128xf32, #tpu.memory_space<hbm>>)
        %dma_wait3A_597 = arith.constant 0 : i32
        %dma_wait3A_598 = arith.constant 0 : i32
        %dma_wait3A_599 = arith.constant 0 : i32
        %dma_wait3A_600 = arith.constant 16 : i32
        %dma_wait3A_601 = arith.constant 0 : i32
        %dma_wait3A_602 = tpu.memref_slice %arg8[%dma_wait3A_600, %dma_wait3A_601] : memref<64x128xf32, #tpu.memory_space<vmem>> -> memref<8x128xf32, #tpu.memory_space<vmem>>
        %dma_wait3A_603 = arith.constant 0 : i32
        %dma_wait3A_604 = arith.constant 0 : i32
        %dma_wait3A_605 = tpu.memref_slice %arg4[%dma_wait3A_597, %dma_wait3A_598, %dma_wait3A_599, %dma_wait3A_603, %dma_wait3A_604] : memref<50x8x128x8x128xf32, #tpu.memory_space<hbm>> -> memref<1x1x1x8x128xf32, #tpu.memory_space<hbm>>
        %dma_wait3A_606 = tpu.memref_squeeze %dma_wait3A_605 : memref<1x1x1x8x128xf32, #tpu.memory_space<hbm>> -> memref<8x128xf32, #tpu.memory_space<hbm>>
        %dma_wait3A_607 = arith.constant 0 : i32
        %dma_wait3A_608 = arith.constant 0 : i32
        %dma_wait3A_609 = tpu.memref_slice %arg4[%dma_wait3A_597, %dma_wait3A_598, %dma_wait3A_599, %dma_wait3A_607, %dma_wait3A_608] : memref<50x8x128x8x128xf32, #tpu.memory_space<hbm>> -> memref<1x1x1x8x128xf32, #tpu.memory_space<hbm>>
        %dma_wait3A_610 = tpu.memref_squeeze %dma_wait3A_609 : memref<1x1x1x8x128xf32, #tpu.memory_space<hbm>> -> memref<8x128xf32, #tpu.memory_space<hbm>>
        %dma_wait3A_611 = arith.constant 16 : i32
        %dma_wait3A_612 = arith.constant 0 : i32
        %dma_wait3A_613 = tpu.memref_slice %arg8[%dma_wait3A_611, %dma_wait3A_612] : memref<64x128xf32, #tpu.memory_space<vmem>> -> memref<8x128xf32, #tpu.memory_space<vmem>>
        tpu.wait_dma2 semaphore(%arg12 : memref<!tpu.dma_semaphore, #tpu.memory_space<semaphore_mem>>) src(%dma_wait3A_613 : memref<8x128xf32, #tpu.memory_space<vmem>>) dst(%dma_wait3A_610 : memref<8x128xf32, #tpu.memory_space<hbm>>)
        %dma_wait3A_614 = arith.constant 0 : i32
        %dma_wait3A_615 = arith.constant 0 : i32
        %dma_wait3A_616 = arith.constant 0 : i32
        %dma_wait3A_617 = arith.constant 24 : i32
        %dma_wait3A_618 = arith.constant 0 : i32
        %dma_wait3A_619 = tpu.memref_slice %arg8[%dma_wait3A_617, %dma_wait3A_618] : memref<64x128xf32, #tpu.memory_space<vmem>> -> memref<8x128xf32, #tpu.memory_space<vmem>>
        %dma_wait3A_620 = arith.constant 0 : i32
        %dma_wait3A_621 = arith.constant 0 : i32
        %dma_wait3A_622 = tpu.memref_slice %arg4[%dma_wait3A_614, %dma_wait3A_615, %dma_wait3A_616, %dma_wait3A_620, %dma_wait3A_621] : memref<50x8x128x8x128xf32, #tpu.memory_space<hbm>> -> memref<1x1x1x8x128xf32, #tpu.memory_space<hbm>>
        %dma_wait3A_623 = tpu.memref_squeeze %dma_wait3A_622 : memref<1x1x1x8x128xf32, #tpu.memory_space<hbm>> -> memref<8x128xf32, #tpu.memory_space<hbm>>
        %dma_wait3A_624 = arith.constant 0 : i32
        %dma_wait3A_625 = arith.constant 0 : i32
        %dma_wait3A_626 = tpu.memref_slice %arg4[%dma_wait3A_614, %dma_wait3A_615, %dma_wait3A_616, %dma_wait3A_624, %dma_wait3A_625] : memref<50x8x128x8x128xf32, #tpu.memory_space<hbm>> -> memref<1x1x1x8x128xf32, #tpu.memory_space<hbm>>
        %dma_wait3A_627 = tpu.memref_squeeze %dma_wait3A_626 : memref<1x1x1x8x128xf32, #tpu.memory_space<hbm>> -> memref<8x128xf32, #tpu.memory_space<hbm>>
        %dma_wait3A_628 = arith.constant 24 : i32
        %dma_wait3A_629 = arith.constant 0 : i32
        %dma_wait3A_630 = tpu.memref_slice %arg8[%dma_wait3A_628, %dma_wait3A_629] : memref<64x128xf32, #tpu.memory_space<vmem>> -> memref<8x128xf32, #tpu.memory_space<vmem>>
        tpu.wait_dma2 semaphore(%arg12 : memref<!tpu.dma_semaphore, #tpu.memory_space<semaphore_mem>>) src(%dma_wait3A_630 : memref<8x128xf32, #tpu.memory_space<vmem>>) dst(%dma_wait3A_627 : memref<8x128xf32, #tpu.memory_space<hbm>>)
        %dma_wait3A_631 = arith.constant 0 : i32
        %dma_wait3A_632 = arith.constant 0 : i32
        %dma_wait3A_633 = arith.constant 0 : i32
        %dma_wait3A_634 = arith.constant 32 : i32
        %dma_wait3A_635 = arith.constant 0 : i32
        %dma_wait3A_636 = tpu.memref_slice %arg8[%dma_wait3A_634, %dma_wait3A_635] : memref<64x128xf32, #tpu.memory_space<vmem>> -> memref<8x128xf32, #tpu.memory_space<vmem>>
        %dma_wait3A_637 = arith.constant 0 : i32
        %dma_wait3A_638 = arith.constant 0 : i32
        %dma_wait3A_639 = tpu.memref_slice %arg4[%dma_wait3A_631, %dma_wait3A_632, %dma_wait3A_633, %dma_wait3A_637, %dma_wait3A_638] : memref<50x8x128x8x128xf32, #tpu.memory_space<hbm>> -> memref<1x1x1x8x128xf32, #tpu.memory_space<hbm>>
        %dma_wait3A_640 = tpu.memref_squeeze %dma_wait3A_639 : memref<1x1x1x8x128xf32, #tpu.memory_space<hbm>> -> memref<8x128xf32, #tpu.memory_space<hbm>>
        %dma_wait3A_641 = arith.constant 0 : i32
        %dma_wait3A_642 = arith.constant 0 : i32
        %dma_wait3A_643 = tpu.memref_slice %arg4[%dma_wait3A_631, %dma_wait3A_632, %dma_wait3A_633, %dma_wait3A_641, %dma_wait3A_642] : memref<50x8x128x8x128xf32, #tpu.memory_space<hbm>> -> memref<1x1x1x8x128xf32, #tpu.memory_space<hbm>>
        %dma_wait3A_644 = tpu.memref_squeeze %dma_wait3A_643 : memref<1x1x1x8x128xf32, #tpu.memory_space<hbm>> -> memref<8x128xf32, #tpu.memory_space<hbm>>
        %dma_wait3A_645 = arith.constant 32 : i32
        %dma_wait3A_646 = arith.constant 0 : i32
        %dma_wait3A_647 = tpu.memref_slice %arg8[%dma_wait3A_645, %dma_wait3A_646] : memref<64x128xf32, #tpu.memory_space<vmem>> -> memref<8x128xf32, #tpu.memory_space<vmem>>
        tpu.wait_dma2 semaphore(%arg12 : memref<!tpu.dma_semaphore, #tpu.memory_space<semaphore_mem>>) src(%dma_wait3A_647 : memref<8x128xf32, #tpu.memory_space<vmem>>) dst(%dma_wait3A_644 : memref<8x128xf32, #tpu.memory_space<hbm>>)
        %dma_wait3A_648 = arith.constant 0 : i32
        %dma_wait3A_649 = arith.constant 0 : i32
        %dma_wait3A_650 = arith.constant 0 : i32
        %dma_wait3A_651 = arith.constant 40 : i32
        %dma_wait3A_652 = arith.constant 0 : i32
        %dma_wait3A_653 = tpu.memref_slice %arg8[%dma_wait3A_651, %dma_wait3A_652] : memref<64x128xf32, #tpu.memory_space<vmem>> -> memref<8x128xf32, #tpu.memory_space<vmem>>
        %dma_wait3A_654 = arith.constant 0 : i32
        %dma_wait3A_655 = arith.constant 0 : i32
        %dma_wait3A_656 = tpu.memref_slice %arg4[%dma_wait3A_648, %dma_wait3A_649, %dma_wait3A_650, %dma_wait3A_654, %dma_wait3A_655] : memref<50x8x128x8x128xf32, #tpu.memory_space<hbm>> -> memref<1x1x1x8x128xf32, #tpu.memory_space<hbm>>
        %dma_wait3A_657 = tpu.memref_squeeze %dma_wait3A_656 : memref<1x1x1x8x128xf32, #tpu.memory_space<hbm>> -> memref<8x128xf32, #tpu.memory_space<hbm>>
        %dma_wait3A_658 = arith.constant 0 : i32
        %dma_wait3A_659 = arith.constant 0 : i32
        %dma_wait3A_660 = tpu.memref_slice %arg4[%dma_wait3A_648, %dma_wait3A_649, %dma_wait3A_650, %dma_wait3A_658, %dma_wait3A_659] : memref<50x8x128x8x128xf32, #tpu.memory_space<hbm>> -> memref<1x1x1x8x128xf32, #tpu.memory_space<hbm>>
        %dma_wait3A_661 = tpu.memref_squeeze %dma_wait3A_660 : memref<1x1x1x8x128xf32, #tpu.memory_space<hbm>> -> memref<8x128xf32, #tpu.memory_space<hbm>>
        %dma_wait3A_662 = arith.constant 40 : i32
        %dma_wait3A_663 = arith.constant 0 : i32
        %dma_wait3A_664 = tpu.memref_slice %arg8[%dma_wait3A_662, %dma_wait3A_663] : memref<64x128xf32, #tpu.memory_space<vmem>> -> memref<8x128xf32, #tpu.memory_space<vmem>>
        tpu.wait_dma2 semaphore(%arg12 : memref<!tpu.dma_semaphore, #tpu.memory_space<semaphore_mem>>) src(%dma_wait3A_664 : memref<8x128xf32, #tpu.memory_space<vmem>>) dst(%dma_wait3A_661 : memref<8x128xf32, #tpu.memory_space<hbm>>)
        %dma_wait3A_665 = arith.constant 0 : i32
        %dma_wait3A_666 = arith.constant 0 : i32
        %dma_wait3A_667 = arith.constant 0 : i32
        %dma_wait3A_668 = arith.constant 48 : i32
        %dma_wait3A_669 = arith.constant 0 : i32
        %dma_wait3A_670 = tpu.memref_slice %arg8[%dma_wait3A_668, %dma_wait3A_669] : memref<64x128xf32, #tpu.memory_space<vmem>> -> memref<8x128xf32, #tpu.memory_space<vmem>>
        %dma_wait3A_671 = arith.constant 0 : i32
        %dma_wait3A_672 = arith.constant 0 : i32
        %dma_wait3A_673 = tpu.memref_slice %arg4[%dma_wait3A_665, %dma_wait3A_666, %dma_wait3A_667, %dma_wait3A_671, %dma_wait3A_672] : memref<50x8x128x8x128xf32, #tpu.memory_space<hbm>> -> memref<1x1x1x8x128xf32, #tpu.memory_space<hbm>>
        %dma_wait3A_674 = tpu.memref_squeeze %dma_wait3A_673 : memref<1x1x1x8x128xf32, #tpu.memory_space<hbm>> -> memref<8x128xf32, #tpu.memory_space<hbm>>
        %dma_wait3A_675 = arith.constant 0 : i32
        %dma_wait3A_676 = arith.constant 0 : i32
        %dma_wait3A_677 = tpu.memref_slice %arg4[%dma_wait3A_665, %dma_wait3A_666, %dma_wait3A_667, %dma_wait3A_675, %dma_wait3A_676] : memref<50x8x128x8x128xf32, #tpu.memory_space<hbm>> -> memref<1x1x1x8x128xf32, #tpu.memory_space<hbm>>
        %dma_wait3A_678 = tpu.memref_squeeze %dma_wait3A_677 : memref<1x1x1x8x128xf32, #tpu.memory_space<hbm>> -> memref<8x128xf32, #tpu.memory_space<hbm>>
        %dma_wait3A_679 = arith.constant 48 : i32
        %dma_wait3A_680 = arith.constant 0 : i32
        %dma_wait3A_681 = tpu.memref_slice %arg8[%dma_wait3A_679, %dma_wait3A_680] : memref<64x128xf32, #tpu.memory_space<vmem>> -> memref<8x128xf32, #tpu.memory_space<vmem>>
        tpu.wait_dma2 semaphore(%arg12 : memref<!tpu.dma_semaphore, #tpu.memory_space<semaphore_mem>>) src(%dma_wait3A_681 : memref<8x128xf32, #tpu.memory_space<vmem>>) dst(%dma_wait3A_678 : memref<8x128xf32, #tpu.memory_space<hbm>>)
        %dma_wait3A_682 = arith.constant 0 : i32
        %dma_wait3A_683 = arith.constant 0 : i32
        %dma_wait3A_684 = arith.constant 0 : i32
        %dma_wait3A_685 = arith.constant 56 : i32
        %dma_wait3A_686 = arith.constant 0 : i32
        %dma_wait3A_687 = tpu.memref_slice %arg8[%dma_wait3A_685, %dma_wait3A_686] : memref<64x128xf32, #tpu.memory_space<vmem>> -> memref<8x128xf32, #tpu.memory_space<vmem>>
        %dma_wait3A_688 = arith.constant 0 : i32
        %dma_wait3A_689 = arith.constant 0 : i32
        %dma_wait3A_690 = tpu.memref_slice %arg4[%dma_wait3A_682, %dma_wait3A_683, %dma_wait3A_684, %dma_wait3A_688, %dma_wait3A_689] : memref<50x8x128x8x128xf32, #tpu.memory_space<hbm>> -> memref<1x1x1x8x128xf32, #tpu.memory_space<hbm>>
        %dma_wait3A_691 = tpu.memref_squeeze %dma_wait3A_690 : memref<1x1x1x8x128xf32, #tpu.memory_space<hbm>> -> memref<8x128xf32, #tpu.memory_space<hbm>>
        %dma_wait3A_692 = arith.constant 0 : i32
        %dma_wait3A_693 = arith.constant 0 : i32
        %dma_wait3A_694 = tpu.memref_slice %arg4[%dma_wait3A_682, %dma_wait3A_683, %dma_wait3A_684, %dma_wait3A_692, %dma_wait3A_693] : memref<50x8x128x8x128xf32, #tpu.memory_space<hbm>> -> memref<1x1x1x8x128xf32, #tpu.memory_space<hbm>>
        %dma_wait3A_695 = tpu.memref_squeeze %dma_wait3A_694 : memref<1x1x1x8x128xf32, #tpu.memory_space<hbm>> -> memref<8x128xf32, #tpu.memory_space<hbm>>
        %dma_wait3A_696 = arith.constant 56 : i32
        %dma_wait3A_697 = arith.constant 0 : i32
        %dma_wait3A_698 = tpu.memref_slice %arg8[%dma_wait3A_696, %dma_wait3A_697] : memref<64x128xf32, #tpu.memory_space<vmem>> -> memref<8x128xf32, #tpu.memory_space<vmem>>
        tpu.wait_dma2 semaphore(%arg12 : memref<!tpu.dma_semaphore, #tpu.memory_space<semaphore_mem>>) src(%dma_wait3A_698 : memref<8x128xf32, #tpu.memory_space<vmem>>) dst(%dma_wait3A_695 : memref<8x128xf32, #tpu.memory_space<hbm>>)
      } else {
      }
      %add3A_378 = arith.constant 1 : i32
      %add3A_379 = arith.addi %add3A_366, %add3A_378 : i32
      %lt3A_380 = arith.constant 200 : i32
      %lt3A_381 = arith.cmpi slt, %add3A_379, %lt3A_380 : i32
      %convert_element_type3A_382 = arith.extui %lt3A_381 : i1 to i32
      %cond3A_383 = arith.constant 0 : i32
      %cond3A_384 = arith.cmpi ne, %convert_element_type3A_382, %cond3A_383 : i32
      scf.if %cond3A_384 {
        %add3A_563 = arith.constant 1 : i32
        %add3A_564 = arith.addi %add3A_366, %add3A_563 : i32
        %shift_right_arithmetic3A_565 = arith.constant 2 : i32
        %shift_right_arithmetic3A_566 = arith.shrsi %add3A_564, %shift_right_arithmetic3A_565 : i32
        %and3A_567 = arith.constant 3 : i32
        %and3A_568 = arith.andi %add3A_564, %and3A_567 : i32
        %mul3A_569 = arith.constant 128 : i32
        %mul3A_570 = arith.muli %and3A_568, %mul3A_569 : i32
        %dma_start3A_571 = tpu.memref_slice %arg5[%shift_right_arithmetic3A_566, %mul3A_570] : memref<50x512xi32, #tpu.memory_space<vmem>> -> memref<1x128xi32, #tpu.memory_space<vmem>>
        %dma_start3A_572 = tpu.memref_squeeze %dma_start3A_571 : memref<1x128xi32, #tpu.memory_space<vmem>> -> memref<128xi32, #tpu.memory_space<vmem>>
        %dma_start3A_573 = arith.constant 0 : i32
        %dma_start3A_574 = arith.constant 0 : i32
        %dma_start3A_575 = tpu.memref_slice %arg3[%dma_start3A_573, %dma_start3A_574] : memref<1000000x64xf32, #tpu.memory_space<hbm>> -> memref<1000000x64xf32, #tpu.memory_space<hbm>>
        tpu.enqueue_indirect_dma source(%dma_start3A_575 : memref<1000000x64xf32, #tpu.memory_space<hbm>>) target(%arg6 : memref<128x64xf32, #tpu.memory_space<vmem>>) offsets(%dma_start3A_572 : memref<128xi32, #tpu.memory_space<vmem>>) semaphore(%arg10 : memref<!tpu.dma_semaphore, #tpu.memory_space<semaphore_mem>>)
      } else {
      }
      %broadcast_in_dim3A_385 = arith.constant 0.000000e+00 : f32
      %broadcast_in_dim3A_386 = vector.broadcast %broadcast_in_dim3A_385 : f32 to vector<16xf32>
      %parallel_loop3A_387 = arith.constant 0 : i32
      %parallel_loop3A_388 = arith.constant 64 : i32
      %parallel_loop3A_389 = arith.constant 1 : i32
      %parallel_loop3A_390:8 = scf.for %parallel_loop3A_563 = %parallel_loop3A_387 to %parallel_loop3A_388 step %parallel_loop3A_389 iter_args(%parallel_loop3A_564 = %broadcast_in_dim3A_386, %parallel_loop3A_565 = %broadcast_in_dim3A_386, %parallel_loop3A_566 = %broadcast_in_dim3A_386, %parallel_loop3A_567 = %broadcast_in_dim3A_386, %parallel_loop3A_568 = %broadcast_in_dim3A_386, %parallel_loop3A_569 = %broadcast_in_dim3A_386, %parallel_loop3A_570 = %broadcast_in_dim3A_386, %parallel_loop3A_571 = %broadcast_in_dim3A_386) -> (vector<16xf32>, vector<16xf32>, vector<16xf32>, vector<16xf32>, vector<16xf32>, vector<16xf32>, vector<16xf32>, vector<16xf32>)  : i32 {
        %parallel_loop3A_572 = vector.broadcast %parallel_loop3A_563 : i32 to vector<16xi32>
        %parallel_loop3A_573 = arith.addi %parallel_loop3A_572, %iota3A : vector<16xi32>
        %parallel_loop3A_574 = arith.constant 63 : i32
        %parallel_loop3A_575 = vector.broadcast %parallel_loop3A_574 : i32 to vector<16xi32>
        %parallel_loop3A_576 = arith.andi %parallel_loop3A_573, %parallel_loop3A_575 : vector<16xi32>
        %parallel_loop3A_577 = tpu.vector_load_idx %arg7[%add3A_5, %parallel_loop3A_576] : memref<128x64xf32, #tpu.memory_space<vmem>>[vector<16xi32>, vector<16xi32>], vector<16xf32>,
        tpu.vector_store_idx %arg9[%parallel_loop3A_576, %add3A_5], %parallel_loop3A_577 : memref<64x128xf32, #tpu.memory_space<vmem>>[vector<16xi32>, vector<16xi32>], vector<16xf32>,
        %parallel_loop3A_578 = arith.mulf %parallel_loop3A_577, %parallel_loop3A_577 : vector<16xf32>
        %parallel_loop3A_579 = arith.addf %parallel_loop3A_564, %parallel_loop3A_578 : vector<16xf32>
        %parallel_loop3A_580 = tpu.vector_load_idx %arg7[%add3A_8, %parallel_loop3A_576] : memref<128x64xf32, #tpu.memory_space<vmem>>[vector<16xi32>, vector<16xi32>], vector<16xf32>,
        tpu.vector_store_idx %arg9[%parallel_loop3A_576, %add3A_8], %parallel_loop3A_580 : memref<64x128xf32, #tpu.memory_space<vmem>>[vector<16xi32>, vector<16xi32>], vector<16xf32>,
        %parallel_loop3A_581 = arith.mulf %parallel_loop3A_580, %parallel_loop3A_580 : vector<16xf32>
        %parallel_loop3A_582 = arith.addf %parallel_loop3A_565, %parallel_loop3A_581 : vector<16xf32>
        %parallel_loop3A_583 = tpu.vector_load_idx %arg7[%add3A_11, %parallel_loop3A_576] : memref<128x64xf32, #tpu.memory_space<vmem>>[vector<16xi32>, vector<16xi32>], vector<16xf32>,
        tpu.vector_store_idx %arg9[%parallel_loop3A_576, %add3A_11], %parallel_loop3A_583 : memref<64x128xf32, #tpu.memory_space<vmem>>[vector<16xi32>, vector<16xi32>], vector<16xf32>,
        %parallel_loop3A_584 = arith.mulf %parallel_loop3A_583, %parallel_loop3A_583 : vector<16xf32>
        %parallel_loop3A_585 = arith.addf %parallel_loop3A_566, %parallel_loop3A_584 : vector<16xf32>
        %parallel_loop3A_586 = tpu.vector_load_idx %arg7[%add3A_14, %parallel_loop3A_576] : memref<128x64xf32, #tpu.memory_space<vmem>>[vector<16xi32>, vector<16xi32>], vector<16xf32>,
        tpu.vector_store_idx %arg9[%parallel_loop3A_576, %add3A_14], %parallel_loop3A_586 : memref<64x128xf32, #tpu.memory_space<vmem>>[vector<16xi32>, vector<16xi32>], vector<16xf32>,
        %parallel_loop3A_587 = arith.mulf %parallel_loop3A_586, %parallel_loop3A_586 : vector<16xf32>
        %parallel_loop3A_588 = arith.addf %parallel_loop3A_567, %parallel_loop3A_587 : vector<16xf32>
        %parallel_loop3A_589 = tpu.vector_load_idx %arg7[%add3A_17, %parallel_loop3A_576] : memref<128x64xf32, #tpu.memory_space<vmem>>[vector<16xi32>, vector<16xi32>], vector<16xf32>,
        tpu.vector_store_idx %arg9[%parallel_loop3A_576, %add3A_17], %parallel_loop3A_589 : memref<64x128xf32, #tpu.memory_space<vmem>>[vector<16xi32>, vector<16xi32>], vector<16xf32>,
        %parallel_loop3A_590 = arith.mulf %parallel_loop3A_589, %parallel_loop3A_589 : vector<16xf32>
        %parallel_loop3A_591 = arith.addf %parallel_loop3A_568, %parallel_loop3A_590 : vector<16xf32>
        %parallel_loop3A_592 = tpu.vector_load_idx %arg7[%add3A_20, %parallel_loop3A_576] : memref<128x64xf32, #tpu.memory_space<vmem>>[vector<16xi32>, vector<16xi32>], vector<16xf32>,
        tpu.vector_store_idx %arg9[%parallel_loop3A_576, %add3A_20], %parallel_loop3A_592 : memref<64x128xf32, #tpu.memory_space<vmem>>[vector<16xi32>, vector<16xi32>], vector<16xf32>,
        %parallel_loop3A_593 = arith.mulf %parallel_loop3A_592, %parallel_loop3A_592 : vector<16xf32>
        %parallel_loop3A_594 = arith.addf %parallel_loop3A_569, %parallel_loop3A_593 : vector<16xf32>
        %parallel_loop3A_595 = tpu.vector_load_idx %arg7[%add3A_23, %parallel_loop3A_576] : memref<128x64xf32, #tpu.memory_space<vmem>>[vector<16xi32>, vector<16xi32>], vector<16xf32>,
        tpu.vector_store_idx %arg9[%parallel_loop3A_576, %add3A_23], %parallel_loop3A_595 : memref<64x128xf32, #tpu.memory_space<vmem>>[vector<16xi32>, vector<16xi32>], vector<16xf32>,
        %parallel_loop3A_596 = arith.mulf %parallel_loop3A_595, %parallel_loop3A_595 : vector<16xf32>
        %parallel_loop3A_597 = arith.addf %parallel_loop3A_570, %parallel_loop3A_596 : vector<16xf32>
        %parallel_loop3A_598 = tpu.vector_load_idx %arg7[%add3A_26, %parallel_loop3A_576] : memref<128x64xf32, #tpu.memory_space<vmem>>[vector<16xi32>, vector<16xi32>], vector<16xf32>,
        tpu.vector_store_idx %arg9[%parallel_loop3A_576, %add3A_26], %parallel_loop3A_598 : memref<64x128xf32, #tpu.memory_space<vmem>>[vector<16xi32>, vector<16xi32>], vector<16xf32>,
        %parallel_loop3A_599 = arith.mulf %parallel_loop3A_598, %parallel_loop3A_598 : vector<16xf32>
        %parallel_loop3A_600 = arith.addf %parallel_loop3A_571, %parallel_loop3A_599 : vector<16xf32>
        scf.yield %parallel_loop3A_579, %parallel_loop3A_582, %parallel_loop3A_585, %parallel_loop3A_588, %parallel_loop3A_591, %parallel_loop3A_594, %parallel_loop3A_597, %parallel_loop3A_600 : vector<16xf32>, vector<16xf32>, vector<16xf32>, vector<16xf32>, vector<16xf32>, vector<16xf32>, vector<16xf32>, vector<16xf32>
      } {sc.loop_unroll_factor = 4 : i64, sc.parallel_access}
      %gt3A_391 = arith.constant 0.999979972 : f32
      %gt3A_392 = vector.broadcast %gt3A_391 : f32 to vector<16xf32>
      %gt3A_393 = arith.cmpf ogt, %parallel_loop3A_390#0, %gt3A_392 : vector<16xf32>
      %gt3A_394 = arith.constant 0.999979972 : f32
      %gt3A_395 = vector.broadcast %gt3A_394 : f32 to vector<16xf32>
      %gt3A_396 = arith.cmpf ogt, %parallel_loop3A_390#1, %gt3A_395 : vector<16xf32>
      %or3A_397 = arith.ori %gt3A_393, %gt3A_396 : vector<16xi1>
      %gt3A_398 = arith.constant 0.999979972 : f32
      %gt3A_399 = vector.broadcast %gt3A_398 : f32 to vector<16xf32>
      %gt3A_400 = arith.cmpf ogt, %parallel_loop3A_390#2, %gt3A_399 : vector<16xf32>
      %or3A_401 = arith.ori %or3A_397, %gt3A_400 : vector<16xi1>
      %gt3A_402 = arith.constant 0.999979972 : f32
      %gt3A_403 = vector.broadcast %gt3A_402 : f32 to vector<16xf32>
      %gt3A_404 = arith.cmpf ogt, %parallel_loop3A_390#3, %gt3A_403 : vector<16xf32>
      %or3A_405 = arith.ori %or3A_401, %gt3A_404 : vector<16xi1>
      %gt3A_406 = arith.constant 0.999979972 : f32
      %gt3A_407 = vector.broadcast %gt3A_406 : f32 to vector<16xf32>
      %gt3A_408 = arith.cmpf ogt, %parallel_loop3A_390#4, %gt3A_407 : vector<16xf32>
      %or3A_409 = arith.ori %or3A_405, %gt3A_408 : vector<16xi1>
      %gt3A_410 = arith.constant 0.999979972 : f32
      %gt3A_411 = vector.broadcast %gt3A_410 : f32 to vector<16xf32>
      %gt3A_412 = arith.cmpf ogt, %parallel_loop3A_390#5, %gt3A_411 : vector<16xf32>
      %or3A_413 = arith.ori %or3A_409, %gt3A_412 : vector<16xi1>
      %gt3A_414 = arith.constant 0.999979972 : f32
      %gt3A_415 = vector.broadcast %gt3A_414 : f32 to vector<16xf32>
      %gt3A_416 = arith.cmpf ogt, %parallel_loop3A_390#6, %gt3A_415 : vector<16xf32>
      %or3A_417 = arith.ori %or3A_413, %gt3A_416 : vector<16xi1>
      %gt3A_418 = arith.constant 0.999979972 : f32
      %gt3A_419 = vector.broadcast %gt3A_418 : f32 to vector<16xf32>
      %gt3A_420 = arith.cmpf ogt, %parallel_loop3A_390#7, %gt3A_419 : vector<16xf32>
      %or3A_421 = arith.ori %or3A_417, %gt3A_420 : vector<16xi1>
      %reduce_or3A_422 = arith.constant 1.000000e+00 : f32
      %reduce_or3A_423 = arith.constant 0.000000e+00 : f32
      %reduce_or3A_424 = vector.broadcast %reduce_or3A_422 : f32 to vector<16xf32>
      %reduce_or3A_425 = vector.broadcast %reduce_or3A_423 : f32 to vector<16xf32>
      %reduce_or3A_426 = arith.select %or3A_421, %reduce_or3A_424, %reduce_or3A_425 : vector<16xi1>, vector<16xf32>
      %reduce_or3A_427 = arith.constant true
      %reduce_or3A_428 = vector.broadcast %reduce_or3A_427 : i1 to vector<16xi1>
      %reduce_or3A_429 = tpu.scan <max>, %reduce_or3A_426 masked %reduce_or3A_428 : vector<16xf32>, vector<16xi1> -> vector<16xf32>
      %reduce_or3A_430 = vector.extract %reduce_or3A_429[15] : f32 from vector<16xf32>
      %reduce_or3A_431 = arith.constant 0.000000e+00 : f32
      %reduce_or3A_432 = arith.cmpf ogt, %reduce_or3A_430, %reduce_or3A_431 : f32
      %convert_element_type3A_433 = arith.extui %reduce_or3A_432 : i1 to i32
      %cond3A_434 = arith.constant 0 : i32
      %cond3A_435 = arith.cmpi ne, %convert_element_type3A_433, %cond3A_434 : i32
      scf.if %cond3A_435 {
        %gt3A_563 = arith.constant 0.999979972 : f32
        %gt3A_564 = vector.broadcast %gt3A_563 : f32 to vector<16xf32>
        %gt3A_565 = arith.cmpf ogt, %parallel_loop3A_390#0, %gt3A_564 : vector<16xf32>
        %bitcast3A = vector.bitcast %parallel_loop3A_390#0 : vector<16xf32> to vector<16xi32>
        %shift_right_arithmetic3A_566 = arith.constant 1 : i32
        %shift_right_arithmetic3A_567 = vector.broadcast %shift_right_arithmetic3A_566 : i32 to vector<16xi32>
        %shift_right_arithmetic3A_568 = arith.shrsi %bitcast3A, %shift_right_arithmetic3A_567 : vector<16xi32>
        %sub3A = arith.constant 1597463007 : i32
        %sub3A_569 = vector.broadcast %sub3A : i32 to vector<16xi32>
        %sub3A_570 = arith.subi %sub3A_569, %shift_right_arithmetic3A_568 : vector<16xi32>
        %bitcast3A_571 = vector.bitcast %sub3A_570 : vector<16xi32> to vector<16xf32>
        %mul3A_572 = arith.constant 5.000000e-01 : f32
        %mul3A_573 = vector.broadcast %mul3A_572 : f32 to vector<16xf32>
        %mul3A_574 = arith.mulf %mul3A_573, %parallel_loop3A_390#0 : vector<16xf32>
        %mul3A_575 = arith.mulf %mul3A_574, %bitcast3A_571 : vector<16xf32>
        %mul3A_576 = arith.mulf %mul3A_575, %bitcast3A_571 : vector<16xf32>
        %sub3A_577 = arith.constant 1.500000e+00 : f32
        %sub3A_578 = vector.broadcast %sub3A_577 : f32 to vector<16xf32>
        %sub3A_579 = arith.subf %sub3A_578, %mul3A_576 : vector<16xf32>
        %mul3A_580 = arith.mulf %bitcast3A_571, %sub3A_579 : vector<16xf32>
        %mul3A_581 = arith.constant 5.000000e-01 : f32
        %mul3A_582 = vector.broadcast %mul3A_581 : f32 to vector<16xf32>
        %mul3A_583 = arith.mulf %mul3A_582, %parallel_loop3A_390#0 : vector<16xf32>
        %mul3A_584 = arith.mulf %mul3A_583, %mul3A_580 : vector<16xf32>
        %mul3A_585 = arith.mulf %mul3A_584, %mul3A_580 : vector<16xf32>
        %sub3A_586 = arith.constant 1.500000e+00 : f32
        %sub3A_587 = vector.broadcast %sub3A_586 : f32 to vector<16xf32>
        %sub3A_588 = arith.subf %sub3A_587, %mul3A_585 : vector<16xf32>
        %mul3A_589 = arith.mulf %mul3A_580, %sub3A_588 : vector<16xf32>
        %mul3A_590 = arith.constant 5.000000e-01 : f32
        %mul3A_591 = vector.broadcast %mul3A_590 : f32 to vector<16xf32>
        %mul3A_592 = arith.mulf %mul3A_591, %parallel_loop3A_390#0 : vector<16xf32>
        %mul3A_593 = arith.mulf %mul3A_592, %mul3A_589 : vector<16xf32>
        %mul3A_594 = arith.mulf %mul3A_593, %mul3A_589 : vector<16xf32>
        %sub3A_595 = arith.constant 1.500000e+00 : f32
        %sub3A_596 = vector.broadcast %sub3A_595 : f32 to vector<16xf32>
        %sub3A_597 = arith.subf %sub3A_596, %mul3A_594 : vector<16xf32>
        %mul3A_598 = arith.mulf %mul3A_589, %sub3A_597 : vector<16xf32>
        %mul3A_599 = arith.constant 5.000000e-01 : f32
        %mul3A_600 = vector.broadcast %mul3A_599 : f32 to vector<16xf32>
        %mul3A_601 = arith.mulf %mul3A_600, %parallel_loop3A_390#0 : vector<16xf32>
        %mul3A_602 = arith.mulf %mul3A_601, %mul3A_598 : vector<16xf32>
        %mul3A_603 = arith.mulf %mul3A_602, %mul3A_598 : vector<16xf32>
        %sub3A_604 = arith.constant 1.500000e+00 : f32
        %sub3A_605 = vector.broadcast %sub3A_604 : f32 to vector<16xf32>
        %sub3A_606 = arith.subf %sub3A_605, %mul3A_603 : vector<16xf32>
        %mul3A_607 = arith.mulf %mul3A_598, %sub3A_606 : vector<16xf32>
        %mul3A_608 = arith.constant 0.999989986 : f32
        %mul3A_609 = vector.broadcast %mul3A_608 : f32 to vector<16xf32>
        %mul3A_610 = arith.mulf %mul3A_609, %mul3A_607 : vector<16xf32>
        %jit3A = arith.constant 1.000000e+00 : f32
        %broadcast_in_dim3A_611 = vector.broadcast %jit3A : f32 to vector<16xf32>
        %select_n3A = arith.select %gt3A_565, %mul3A_610, %broadcast_in_dim3A_611 : vector<16xi1>, vector<16xf32>
        %gt3A_612 = arith.constant 0.999979972 : f32
        %gt3A_613 = vector.broadcast %gt3A_612 : f32 to vector<16xf32>
        %gt3A_614 = arith.cmpf ogt, %parallel_loop3A_390#1, %gt3A_613 : vector<16xf32>
        %bitcast3A_615 = vector.bitcast %parallel_loop3A_390#1 : vector<16xf32> to vector<16xi32>
        %shift_right_arithmetic3A_616 = arith.constant 1 : i32
        %shift_right_arithmetic3A_617 = vector.broadcast %shift_right_arithmetic3A_616 : i32 to vector<16xi32>
        %shift_right_arithmetic3A_618 = arith.shrsi %bitcast3A_615, %shift_right_arithmetic3A_617 : vector<16xi32>
        %sub3A_619 = arith.constant 1597463007 : i32
        %sub3A_620 = vector.broadcast %sub3A_619 : i32 to vector<16xi32>
        %sub3A_621 = arith.subi %sub3A_620, %shift_right_arithmetic3A_618 : vector<16xi32>
        %bitcast3A_622 = vector.bitcast %sub3A_621 : vector<16xi32> to vector<16xf32>
        %mul3A_623 = arith.constant 5.000000e-01 : f32
        %mul3A_624 = vector.broadcast %mul3A_623 : f32 to vector<16xf32>
        %mul3A_625 = arith.mulf %mul3A_624, %parallel_loop3A_390#1 : vector<16xf32>
        %mul3A_626 = arith.mulf %mul3A_625, %bitcast3A_622 : vector<16xf32>
        %mul3A_627 = arith.mulf %mul3A_626, %bitcast3A_622 : vector<16xf32>
        %sub3A_628 = arith.constant 1.500000e+00 : f32
        %sub3A_629 = vector.broadcast %sub3A_628 : f32 to vector<16xf32>
        %sub3A_630 = arith.subf %sub3A_629, %mul3A_627 : vector<16xf32>
        %mul3A_631 = arith.mulf %bitcast3A_622, %sub3A_630 : vector<16xf32>
        %mul3A_632 = arith.constant 5.000000e-01 : f32
        %mul3A_633 = vector.broadcast %mul3A_632 : f32 to vector<16xf32>
        %mul3A_634 = arith.mulf %mul3A_633, %parallel_loop3A_390#1 : vector<16xf32>
        %mul3A_635 = arith.mulf %mul3A_634, %mul3A_631 : vector<16xf32>
        %mul3A_636 = arith.mulf %mul3A_635, %mul3A_631 : vector<16xf32>
        %sub3A_637 = arith.constant 1.500000e+00 : f32
        %sub3A_638 = vector.broadcast %sub3A_637 : f32 to vector<16xf32>
        %sub3A_639 = arith.subf %sub3A_638, %mul3A_636 : vector<16xf32>
        %mul3A_640 = arith.mulf %mul3A_631, %sub3A_639 : vector<16xf32>
        %mul3A_641 = arith.constant 5.000000e-01 : f32
        %mul3A_642 = vector.broadcast %mul3A_641 : f32 to vector<16xf32>
        %mul3A_643 = arith.mulf %mul3A_642, %parallel_loop3A_390#1 : vector<16xf32>
        %mul3A_644 = arith.mulf %mul3A_643, %mul3A_640 : vector<16xf32>
        %mul3A_645 = arith.mulf %mul3A_644, %mul3A_640 : vector<16xf32>
        %sub3A_646 = arith.constant 1.500000e+00 : f32
        %sub3A_647 = vector.broadcast %sub3A_646 : f32 to vector<16xf32>
        %sub3A_648 = arith.subf %sub3A_647, %mul3A_645 : vector<16xf32>
        %mul3A_649 = arith.mulf %mul3A_640, %sub3A_648 : vector<16xf32>
        %mul3A_650 = arith.constant 5.000000e-01 : f32
        %mul3A_651 = vector.broadcast %mul3A_650 : f32 to vector<16xf32>
        %mul3A_652 = arith.mulf %mul3A_651, %parallel_loop3A_390#1 : vector<16xf32>
        %mul3A_653 = arith.mulf %mul3A_652, %mul3A_649 : vector<16xf32>
        %mul3A_654 = arith.mulf %mul3A_653, %mul3A_649 : vector<16xf32>
        %sub3A_655 = arith.constant 1.500000e+00 : f32
        %sub3A_656 = vector.broadcast %sub3A_655 : f32 to vector<16xf32>
        %sub3A_657 = arith.subf %sub3A_656, %mul3A_654 : vector<16xf32>
        %mul3A_658 = arith.mulf %mul3A_649, %sub3A_657 : vector<16xf32>
        %mul3A_659 = arith.constant 0.999989986 : f32
        %mul3A_660 = vector.broadcast %mul3A_659 : f32 to vector<16xf32>
        %mul3A_661 = arith.mulf %mul3A_660, %mul3A_658 : vector<16xf32>
        %jit3A_662 = arith.constant 1.000000e+00 : f32
        %broadcast_in_dim3A_663 = vector.broadcast %jit3A_662 : f32 to vector<16xf32>
        %select_n3A_664 = arith.select %gt3A_614, %mul3A_661, %broadcast_in_dim3A_663 : vector<16xi1>, vector<16xf32>
        %gt3A_665 = arith.constant 0.999979972 : f32
        %gt3A_666 = vector.broadcast %gt3A_665 : f32 to vector<16xf32>
        %gt3A_667 = arith.cmpf ogt, %parallel_loop3A_390#2, %gt3A_666 : vector<16xf32>
        %bitcast3A_668 = vector.bitcast %parallel_loop3A_390#2 : vector<16xf32> to vector<16xi32>
        %shift_right_arithmetic3A_669 = arith.constant 1 : i32
        %shift_right_arithmetic3A_670 = vector.broadcast %shift_right_arithmetic3A_669 : i32 to vector<16xi32>
        %shift_right_arithmetic3A_671 = arith.shrsi %bitcast3A_668, %shift_right_arithmetic3A_670 : vector<16xi32>
        %sub3A_672 = arith.constant 1597463007 : i32
        %sub3A_673 = vector.broadcast %sub3A_672 : i32 to vector<16xi32>
        %sub3A_674 = arith.subi %sub3A_673, %shift_right_arithmetic3A_671 : vector<16xi32>
        %bitcast3A_675 = vector.bitcast %sub3A_674 : vector<16xi32> to vector<16xf32>
        %mul3A_676 = arith.constant 5.000000e-01 : f32
        %mul3A_677 = vector.broadcast %mul3A_676 : f32 to vector<16xf32>
        %mul3A_678 = arith.mulf %mul3A_677, %parallel_loop3A_390#2 : vector<16xf32>
        %mul3A_679 = arith.mulf %mul3A_678, %bitcast3A_675 : vector<16xf32>
        %mul3A_680 = arith.mulf %mul3A_679, %bitcast3A_675 : vector<16xf32>
        %sub3A_681 = arith.constant 1.500000e+00 : f32
        %sub3A_682 = vector.broadcast %sub3A_681 : f32 to vector<16xf32>
        %sub3A_683 = arith.subf %sub3A_682, %mul3A_680 : vector<16xf32>
        %mul3A_684 = arith.mulf %bitcast3A_675, %sub3A_683 : vector<16xf32>
        %mul3A_685 = arith.constant 5.000000e-01 : f32
        %mul3A_686 = vector.broadcast %mul3A_685 : f32 to vector<16xf32>
        %mul3A_687 = arith.mulf %mul3A_686, %parallel_loop3A_390#2 : vector<16xf32>
        %mul3A_688 = arith.mulf %mul3A_687, %mul3A_684 : vector<16xf32>
        %mul3A_689 = arith.mulf %mul3A_688, %mul3A_684 : vector<16xf32>
        %sub3A_690 = arith.constant 1.500000e+00 : f32
        %sub3A_691 = vector.broadcast %sub3A_690 : f32 to vector<16xf32>
        %sub3A_692 = arith.subf %sub3A_691, %mul3A_689 : vector<16xf32>
        %mul3A_693 = arith.mulf %mul3A_684, %sub3A_692 : vector<16xf32>
        %mul3A_694 = arith.constant 5.000000e-01 : f32
        %mul3A_695 = vector.broadcast %mul3A_694 : f32 to vector<16xf32>
        %mul3A_696 = arith.mulf %mul3A_695, %parallel_loop3A_390#2 : vector<16xf32>
        %mul3A_697 = arith.mulf %mul3A_696, %mul3A_693 : vector<16xf32>
        %mul3A_698 = arith.mulf %mul3A_697, %mul3A_693 : vector<16xf32>
        %sub3A_699 = arith.constant 1.500000e+00 : f32
        %sub3A_700 = vector.broadcast %sub3A_699 : f32 to vector<16xf32>
        %sub3A_701 = arith.subf %sub3A_700, %mul3A_698 : vector<16xf32>
        %mul3A_702 = arith.mulf %mul3A_693, %sub3A_701 : vector<16xf32>
        %mul3A_703 = arith.constant 5.000000e-01 : f32
        %mul3A_704 = vector.broadcast %mul3A_703 : f32 to vector<16xf32>
        %mul3A_705 = arith.mulf %mul3A_704, %parallel_loop3A_390#2 : vector<16xf32>
        %mul3A_706 = arith.mulf %mul3A_705, %mul3A_702 : vector<16xf32>
        %mul3A_707 = arith.mulf %mul3A_706, %mul3A_702 : vector<16xf32>
        %sub3A_708 = arith.constant 1.500000e+00 : f32
        %sub3A_709 = vector.broadcast %sub3A_708 : f32 to vector<16xf32>
        %sub3A_710 = arith.subf %sub3A_709, %mul3A_707 : vector<16xf32>
        %mul3A_711 = arith.mulf %mul3A_702, %sub3A_710 : vector<16xf32>
        %mul3A_712 = arith.constant 0.999989986 : f32
        %mul3A_713 = vector.broadcast %mul3A_712 : f32 to vector<16xf32>
        %mul3A_714 = arith.mulf %mul3A_713, %mul3A_711 : vector<16xf32>
        %jit3A_715 = arith.constant 1.000000e+00 : f32
        %broadcast_in_dim3A_716 = vector.broadcast %jit3A_715 : f32 to vector<16xf32>
        %select_n3A_717 = arith.select %gt3A_667, %mul3A_714, %broadcast_in_dim3A_716 : vector<16xi1>, vector<16xf32>
        %gt3A_718 = arith.constant 0.999979972 : f32
        %gt3A_719 = vector.broadcast %gt3A_718 : f32 to vector<16xf32>
        %gt3A_720 = arith.cmpf ogt, %parallel_loop3A_390#3, %gt3A_719 : vector<16xf32>
        %bitcast3A_721 = vector.bitcast %parallel_loop3A_390#3 : vector<16xf32> to vector<16xi32>
        %shift_right_arithmetic3A_722 = arith.constant 1 : i32
        %shift_right_arithmetic3A_723 = vector.broadcast %shift_right_arithmetic3A_722 : i32 to vector<16xi32>
        %shift_right_arithmetic3A_724 = arith.shrsi %bitcast3A_721, %shift_right_arithmetic3A_723 : vector<16xi32>
        %sub3A_725 = arith.constant 1597463007 : i32
        %sub3A_726 = vector.broadcast %sub3A_725 : i32 to vector<16xi32>
        %sub3A_727 = arith.subi %sub3A_726, %shift_right_arithmetic3A_724 : vector<16xi32>
        %bitcast3A_728 = vector.bitcast %sub3A_727 : vector<16xi32> to vector<16xf32>
        %mul3A_729 = arith.constant 5.000000e-01 : f32
        %mul3A_730 = vector.broadcast %mul3A_729 : f32 to vector<16xf32>
        %mul3A_731 = arith.mulf %mul3A_730, %parallel_loop3A_390#3 : vector<16xf32>
        %mul3A_732 = arith.mulf %mul3A_731, %bitcast3A_728 : vector<16xf32>
        %mul3A_733 = arith.mulf %mul3A_732, %bitcast3A_728 : vector<16xf32>
        %sub3A_734 = arith.constant 1.500000e+00 : f32
        %sub3A_735 = vector.broadcast %sub3A_734 : f32 to vector<16xf32>
        %sub3A_736 = arith.subf %sub3A_735, %mul3A_733 : vector<16xf32>
        %mul3A_737 = arith.mulf %bitcast3A_728, %sub3A_736 : vector<16xf32>
        %mul3A_738 = arith.constant 5.000000e-01 : f32
        %mul3A_739 = vector.broadcast %mul3A_738 : f32 to vector<16xf32>
        %mul3A_740 = arith.mulf %mul3A_739, %parallel_loop3A_390#3 : vector<16xf32>
        %mul3A_741 = arith.mulf %mul3A_740, %mul3A_737 : vector<16xf32>
        %mul3A_742 = arith.mulf %mul3A_741, %mul3A_737 : vector<16xf32>
        %sub3A_743 = arith.constant 1.500000e+00 : f32
        %sub3A_744 = vector.broadcast %sub3A_743 : f32 to vector<16xf32>
        %sub3A_745 = arith.subf %sub3A_744, %mul3A_742 : vector<16xf32>
        %mul3A_746 = arith.mulf %mul3A_737, %sub3A_745 : vector<16xf32>
        %mul3A_747 = arith.constant 5.000000e-01 : f32
        %mul3A_748 = vector.broadcast %mul3A_747 : f32 to vector<16xf32>
        %mul3A_749 = arith.mulf %mul3A_748, %parallel_loop3A_390#3 : vector<16xf32>
        %mul3A_750 = arith.mulf %mul3A_749, %mul3A_746 : vector<16xf32>
        %mul3A_751 = arith.mulf %mul3A_750, %mul3A_746 : vector<16xf32>
        %sub3A_752 = arith.constant 1.500000e+00 : f32
        %sub3A_753 = vector.broadcast %sub3A_752 : f32 to vector<16xf32>
        %sub3A_754 = arith.subf %sub3A_753, %mul3A_751 : vector<16xf32>
        %mul3A_755 = arith.mulf %mul3A_746, %sub3A_754 : vector<16xf32>
        %mul3A_756 = arith.constant 5.000000e-01 : f32
        %mul3A_757 = vector.broadcast %mul3A_756 : f32 to vector<16xf32>
        %mul3A_758 = arith.mulf %mul3A_757, %parallel_loop3A_390#3 : vector<16xf32>
        %mul3A_759 = arith.mulf %mul3A_758, %mul3A_755 : vector<16xf32>
        %mul3A_760 = arith.mulf %mul3A_759, %mul3A_755 : vector<16xf32>
        %sub3A_761 = arith.constant 1.500000e+00 : f32
        %sub3A_762 = vector.broadcast %sub3A_761 : f32 to vector<16xf32>
        %sub3A_763 = arith.subf %sub3A_762, %mul3A_760 : vector<16xf32>
        %mul3A_764 = arith.mulf %mul3A_755, %sub3A_763 : vector<16xf32>
        %mul3A_765 = arith.constant 0.999989986 : f32
        %mul3A_766 = vector.broadcast %mul3A_765 : f32 to vector<16xf32>
        %mul3A_767 = arith.mulf %mul3A_766, %mul3A_764 : vector<16xf32>
        %jit3A_768 = arith.constant 1.000000e+00 : f32
        %broadcast_in_dim3A_769 = vector.broadcast %jit3A_768 : f32 to vector<16xf32>
        %select_n3A_770 = arith.select %gt3A_720, %mul3A_767, %broadcast_in_dim3A_769 : vector<16xi1>, vector<16xf32>
        %gt3A_771 = arith.constant 0.999979972 : f32
        %gt3A_772 = vector.broadcast %gt3A_771 : f32 to vector<16xf32>
        %gt3A_773 = arith.cmpf ogt, %parallel_loop3A_390#4, %gt3A_772 : vector<16xf32>
        %bitcast3A_774 = vector.bitcast %parallel_loop3A_390#4 : vector<16xf32> to vector<16xi32>
        %shift_right_arithmetic3A_775 = arith.constant 1 : i32
        %shift_right_arithmetic3A_776 = vector.broadcast %shift_right_arithmetic3A_775 : i32 to vector<16xi32>
        %shift_right_arithmetic3A_777 = arith.shrsi %bitcast3A_774, %shift_right_arithmetic3A_776 : vector<16xi32>
        %sub3A_778 = arith.constant 1597463007 : i32
        %sub3A_779 = vector.broadcast %sub3A_778 : i32 to vector<16xi32>
        %sub3A_780 = arith.subi %sub3A_779, %shift_right_arithmetic3A_777 : vector<16xi32>
        %bitcast3A_781 = vector.bitcast %sub3A_780 : vector<16xi32> to vector<16xf32>
        %mul3A_782 = arith.constant 5.000000e-01 : f32
        %mul3A_783 = vector.broadcast %mul3A_782 : f32 to vector<16xf32>
        %mul3A_784 = arith.mulf %mul3A_783, %parallel_loop3A_390#4 : vector<16xf32>
        %mul3A_785 = arith.mulf %mul3A_784, %bitcast3A_781 : vector<16xf32>
        %mul3A_786 = arith.mulf %mul3A_785, %bitcast3A_781 : vector<16xf32>
        %sub3A_787 = arith.constant 1.500000e+00 : f32
        %sub3A_788 = vector.broadcast %sub3A_787 : f32 to vector<16xf32>
        %sub3A_789 = arith.subf %sub3A_788, %mul3A_786 : vector<16xf32>
        %mul3A_790 = arith.mulf %bitcast3A_781, %sub3A_789 : vector<16xf32>
        %mul3A_791 = arith.constant 5.000000e-01 : f32
        %mul3A_792 = vector.broadcast %mul3A_791 : f32 to vector<16xf32>
        %mul3A_793 = arith.mulf %mul3A_792, %parallel_loop3A_390#4 : vector<16xf32>
        %mul3A_794 = arith.mulf %mul3A_793, %mul3A_790 : vector<16xf32>
        %mul3A_795 = arith.mulf %mul3A_794, %mul3A_790 : vector<16xf32>
        %sub3A_796 = arith.constant 1.500000e+00 : f32
        %sub3A_797 = vector.broadcast %sub3A_796 : f32 to vector<16xf32>
        %sub3A_798 = arith.subf %sub3A_797, %mul3A_795 : vector<16xf32>
        %mul3A_799 = arith.mulf %mul3A_790, %sub3A_798 : vector<16xf32>
        %mul3A_800 = arith.constant 5.000000e-01 : f32
        %mul3A_801 = vector.broadcast %mul3A_800 : f32 to vector<16xf32>
        %mul3A_802 = arith.mulf %mul3A_801, %parallel_loop3A_390#4 : vector<16xf32>
        %mul3A_803 = arith.mulf %mul3A_802, %mul3A_799 : vector<16xf32>
        %mul3A_804 = arith.mulf %mul3A_803, %mul3A_799 : vector<16xf32>
        %sub3A_805 = arith.constant 1.500000e+00 : f32
        %sub3A_806 = vector.broadcast %sub3A_805 : f32 to vector<16xf32>
        %sub3A_807 = arith.subf %sub3A_806, %mul3A_804 : vector<16xf32>
        %mul3A_808 = arith.mulf %mul3A_799, %sub3A_807 : vector<16xf32>
        %mul3A_809 = arith.constant 5.000000e-01 : f32
        %mul3A_810 = vector.broadcast %mul3A_809 : f32 to vector<16xf32>
        %mul3A_811 = arith.mulf %mul3A_810, %parallel_loop3A_390#4 : vector<16xf32>
        %mul3A_812 = arith.mulf %mul3A_811, %mul3A_808 : vector<16xf32>
        %mul3A_813 = arith.mulf %mul3A_812, %mul3A_808 : vector<16xf32>
        %sub3A_814 = arith.constant 1.500000e+00 : f32
        %sub3A_815 = vector.broadcast %sub3A_814 : f32 to vector<16xf32>
        %sub3A_816 = arith.subf %sub3A_815, %mul3A_813 : vector<16xf32>
        %mul3A_817 = arith.mulf %mul3A_808, %sub3A_816 : vector<16xf32>
        %mul3A_818 = arith.constant 0.999989986 : f32
        %mul3A_819 = vector.broadcast %mul3A_818 : f32 to vector<16xf32>
        %mul3A_820 = arith.mulf %mul3A_819, %mul3A_817 : vector<16xf32>
        %jit3A_821 = arith.constant 1.000000e+00 : f32
        %broadcast_in_dim3A_822 = vector.broadcast %jit3A_821 : f32 to vector<16xf32>
        %select_n3A_823 = arith.select %gt3A_773, %mul3A_820, %broadcast_in_dim3A_822 : vector<16xi1>, vector<16xf32>
        %gt3A_824 = arith.constant 0.999979972 : f32
        %gt3A_825 = vector.broadcast %gt3A_824 : f32 to vector<16xf32>
        %gt3A_826 = arith.cmpf ogt, %parallel_loop3A_390#5, %gt3A_825 : vector<16xf32>
        %bitcast3A_827 = vector.bitcast %parallel_loop3A_390#5 : vector<16xf32> to vector<16xi32>
        %shift_right_arithmetic3A_828 = arith.constant 1 : i32
        %shift_right_arithmetic3A_829 = vector.broadcast %shift_right_arithmetic3A_828 : i32 to vector<16xi32>
        %shift_right_arithmetic3A_830 = arith.shrsi %bitcast3A_827, %shift_right_arithmetic3A_829 : vector<16xi32>
        %sub3A_831 = arith.constant 1597463007 : i32
        %sub3A_832 = vector.broadcast %sub3A_831 : i32 to vector<16xi32>
        %sub3A_833 = arith.subi %sub3A_832, %shift_right_arithmetic3A_830 : vector<16xi32>
        %bitcast3A_834 = vector.bitcast %sub3A_833 : vector<16xi32> to vector<16xf32>
        %mul3A_835 = arith.constant 5.000000e-01 : f32
        %mul3A_836 = vector.broadcast %mul3A_835 : f32 to vector<16xf32>
        %mul3A_837 = arith.mulf %mul3A_836, %parallel_loop3A_390#5 : vector<16xf32>
        %mul3A_838 = arith.mulf %mul3A_837, %bitcast3A_834 : vector<16xf32>
        %mul3A_839 = arith.mulf %mul3A_838, %bitcast3A_834 : vector<16xf32>
        %sub3A_840 = arith.constant 1.500000e+00 : f32
        %sub3A_841 = vector.broadcast %sub3A_840 : f32 to vector<16xf32>
        %sub3A_842 = arith.subf %sub3A_841, %mul3A_839 : vector<16xf32>
        %mul3A_843 = arith.mulf %bitcast3A_834, %sub3A_842 : vector<16xf32>
        %mul3A_844 = arith.constant 5.000000e-01 : f32
        %mul3A_845 = vector.broadcast %mul3A_844 : f32 to vector<16xf32>
        %mul3A_846 = arith.mulf %mul3A_845, %parallel_loop3A_390#5 : vector<16xf32>
        %mul3A_847 = arith.mulf %mul3A_846, %mul3A_843 : vector<16xf32>
        %mul3A_848 = arith.mulf %mul3A_847, %mul3A_843 : vector<16xf32>
        %sub3A_849 = arith.constant 1.500000e+00 : f32
        %sub3A_850 = vector.broadcast %sub3A_849 : f32 to vector<16xf32>
        %sub3A_851 = arith.subf %sub3A_850, %mul3A_848 : vector<16xf32>
        %mul3A_852 = arith.mulf %mul3A_843, %sub3A_851 : vector<16xf32>
        %mul3A_853 = arith.constant 5.000000e-01 : f32
        %mul3A_854 = vector.broadcast %mul3A_853 : f32 to vector<16xf32>
        %mul3A_855 = arith.mulf %mul3A_854, %parallel_loop3A_390#5 : vector<16xf32>
        %mul3A_856 = arith.mulf %mul3A_855, %mul3A_852 : vector<16xf32>
        %mul3A_857 = arith.mulf %mul3A_856, %mul3A_852 : vector<16xf32>
        %sub3A_858 = arith.constant 1.500000e+00 : f32
        %sub3A_859 = vector.broadcast %sub3A_858 : f32 to vector<16xf32>
        %sub3A_860 = arith.subf %sub3A_859, %mul3A_857 : vector<16xf32>
        %mul3A_861 = arith.mulf %mul3A_852, %sub3A_860 : vector<16xf32>
        %mul3A_862 = arith.constant 5.000000e-01 : f32
        %mul3A_863 = vector.broadcast %mul3A_862 : f32 to vector<16xf32>
        %mul3A_864 = arith.mulf %mul3A_863, %parallel_loop3A_390#5 : vector<16xf32>
        %mul3A_865 = arith.mulf %mul3A_864, %mul3A_861 : vector<16xf32>
        %mul3A_866 = arith.mulf %mul3A_865, %mul3A_861 : vector<16xf32>
        %sub3A_867 = arith.constant 1.500000e+00 : f32
        %sub3A_868 = vector.broadcast %sub3A_867 : f32 to vector<16xf32>
        %sub3A_869 = arith.subf %sub3A_868, %mul3A_866 : vector<16xf32>
        %mul3A_870 = arith.mulf %mul3A_861, %sub3A_869 : vector<16xf32>
        %mul3A_871 = arith.constant 0.999989986 : f32
        %mul3A_872 = vector.broadcast %mul3A_871 : f32 to vector<16xf32>
        %mul3A_873 = arith.mulf %mul3A_872, %mul3A_870 : vector<16xf32>
        %jit3A_874 = arith.constant 1.000000e+00 : f32
        %broadcast_in_dim3A_875 = vector.broadcast %jit3A_874 : f32 to vector<16xf32>
        %select_n3A_876 = arith.select %gt3A_826, %mul3A_873, %broadcast_in_dim3A_875 : vector<16xi1>, vector<16xf32>
        %gt3A_877 = arith.constant 0.999979972 : f32
        %gt3A_878 = vector.broadcast %gt3A_877 : f32 to vector<16xf32>
        %gt3A_879 = arith.cmpf ogt, %parallel_loop3A_390#6, %gt3A_878 : vector<16xf32>
        %bitcast3A_880 = vector.bitcast %parallel_loop3A_390#6 : vector<16xf32> to vector<16xi32>
        %shift_right_arithmetic3A_881 = arith.constant 1 : i32
        %shift_right_arithmetic3A_882 = vector.broadcast %shift_right_arithmetic3A_881 : i32 to vector<16xi32>
        %shift_right_arithmetic3A_883 = arith.shrsi %bitcast3A_880, %shift_right_arithmetic3A_882 : vector<16xi32>
        %sub3A_884 = arith.constant 1597463007 : i32
        %sub3A_885 = vector.broadcast %sub3A_884 : i32 to vector<16xi32>
        %sub3A_886 = arith.subi %sub3A_885, %shift_right_arithmetic3A_883 : vector<16xi32>
        %bitcast3A_887 = vector.bitcast %sub3A_886 : vector<16xi32> to vector<16xf32>
        %mul3A_888 = arith.constant 5.000000e-01 : f32
        %mul3A_889 = vector.broadcast %mul3A_888 : f32 to vector<16xf32>
        %mul3A_890 = arith.mulf %mul3A_889, %parallel_loop3A_390#6 : vector<16xf32>
        %mul3A_891 = arith.mulf %mul3A_890, %bitcast3A_887 : vector<16xf32>
        %mul3A_892 = arith.mulf %mul3A_891, %bitcast3A_887 : vector<16xf32>
        %sub3A_893 = arith.constant 1.500000e+00 : f32
        %sub3A_894 = vector.broadcast %sub3A_893 : f32 to vector<16xf32>
        %sub3A_895 = arith.subf %sub3A_894, %mul3A_892 : vector<16xf32>
        %mul3A_896 = arith.mulf %bitcast3A_887, %sub3A_895 : vector<16xf32>
        %mul3A_897 = arith.constant 5.000000e-01 : f32
        %mul3A_898 = vector.broadcast %mul3A_897 : f32 to vector<16xf32>
        %mul3A_899 = arith.mulf %mul3A_898, %parallel_loop3A_390#6 : vector<16xf32>
        %mul3A_900 = arith.mulf %mul3A_899, %mul3A_896 : vector<16xf32>
        %mul3A_901 = arith.mulf %mul3A_900, %mul3A_896 : vector<16xf32>
        %sub3A_902 = arith.constant 1.500000e+00 : f32
        %sub3A_903 = vector.broadcast %sub3A_902 : f32 to vector<16xf32>
        %sub3A_904 = arith.subf %sub3A_903, %mul3A_901 : vector<16xf32>
        %mul3A_905 = arith.mulf %mul3A_896, %sub3A_904 : vector<16xf32>
        %mul3A_906 = arith.constant 5.000000e-01 : f32
        %mul3A_907 = vector.broadcast %mul3A_906 : f32 to vector<16xf32>
        %mul3A_908 = arith.mulf %mul3A_907, %parallel_loop3A_390#6 : vector<16xf32>
        %mul3A_909 = arith.mulf %mul3A_908, %mul3A_905 : vector<16xf32>
        %mul3A_910 = arith.mulf %mul3A_909, %mul3A_905 : vector<16xf32>
        %sub3A_911 = arith.constant 1.500000e+00 : f32
        %sub3A_912 = vector.broadcast %sub3A_911 : f32 to vector<16xf32>
        %sub3A_913 = arith.subf %sub3A_912, %mul3A_910 : vector<16xf32>
        %mul3A_914 = arith.mulf %mul3A_905, %sub3A_913 : vector<16xf32>
        %mul3A_915 = arith.constant 5.000000e-01 : f32
        %mul3A_916 = vector.broadcast %mul3A_915 : f32 to vector<16xf32>
        %mul3A_917 = arith.mulf %mul3A_916, %parallel_loop3A_390#6 : vector<16xf32>
        %mul3A_918 = arith.mulf %mul3A_917, %mul3A_914 : vector<16xf32>
        %mul3A_919 = arith.mulf %mul3A_918, %mul3A_914 : vector<16xf32>
        %sub3A_920 = arith.constant 1.500000e+00 : f32
        %sub3A_921 = vector.broadcast %sub3A_920 : f32 to vector<16xf32>
        %sub3A_922 = arith.subf %sub3A_921, %mul3A_919 : vector<16xf32>
        %mul3A_923 = arith.mulf %mul3A_914, %sub3A_922 : vector<16xf32>
        %mul3A_924 = arith.constant 0.999989986 : f32
        %mul3A_925 = vector.broadcast %mul3A_924 : f32 to vector<16xf32>
        %mul3A_926 = arith.mulf %mul3A_925, %mul3A_923 : vector<16xf32>
        %jit3A_927 = arith.constant 1.000000e+00 : f32
        %broadcast_in_dim3A_928 = vector.broadcast %jit3A_927 : f32 to vector<16xf32>
        %select_n3A_929 = arith.select %gt3A_879, %mul3A_926, %broadcast_in_dim3A_928 : vector<16xi1>, vector<16xf32>
        %gt3A_930 = arith.constant 0.999979972 : f32
        %gt3A_931 = vector.broadcast %gt3A_930 : f32 to vector<16xf32>
        %gt3A_932 = arith.cmpf ogt, %parallel_loop3A_390#7, %gt3A_931 : vector<16xf32>
        %bitcast3A_933 = vector.bitcast %parallel_loop3A_390#7 : vector<16xf32> to vector<16xi32>
        %shift_right_arithmetic3A_934 = arith.constant 1 : i32
        %shift_right_arithmetic3A_935 = vector.broadcast %shift_right_arithmetic3A_934 : i32 to vector<16xi32>
        %shift_right_arithmetic3A_936 = arith.shrsi %bitcast3A_933, %shift_right_arithmetic3A_935 : vector<16xi32>
        %sub3A_937 = arith.constant 1597463007 : i32
        %sub3A_938 = vector.broadcast %sub3A_937 : i32 to vector<16xi32>
        %sub3A_939 = arith.subi %sub3A_938, %shift_right_arithmetic3A_936 : vector<16xi32>
        %bitcast3A_940 = vector.bitcast %sub3A_939 : vector<16xi32> to vector<16xf32>
        %mul3A_941 = arith.constant 5.000000e-01 : f32
        %mul3A_942 = vector.broadcast %mul3A_941 : f32 to vector<16xf32>
        %mul3A_943 = arith.mulf %mul3A_942, %parallel_loop3A_390#7 : vector<16xf32>
        %mul3A_944 = arith.mulf %mul3A_943, %bitcast3A_940 : vector<16xf32>
        %mul3A_945 = arith.mulf %mul3A_944, %bitcast3A_940 : vector<16xf32>
        %sub3A_946 = arith.constant 1.500000e+00 : f32
        %sub3A_947 = vector.broadcast %sub3A_946 : f32 to vector<16xf32>
        %sub3A_948 = arith.subf %sub3A_947, %mul3A_945 : vector<16xf32>
        %mul3A_949 = arith.mulf %bitcast3A_940, %sub3A_948 : vector<16xf32>
        %mul3A_950 = arith.constant 5.000000e-01 : f32
        %mul3A_951 = vector.broadcast %mul3A_950 : f32 to vector<16xf32>
        %mul3A_952 = arith.mulf %mul3A_951, %parallel_loop3A_390#7 : vector<16xf32>
        %mul3A_953 = arith.mulf %mul3A_952, %mul3A_949 : vector<16xf32>
        %mul3A_954 = arith.mulf %mul3A_953, %mul3A_949 : vector<16xf32>
        %sub3A_955 = arith.constant 1.500000e+00 : f32
        %sub3A_956 = vector.broadcast %sub3A_955 : f32 to vector<16xf32>
        %sub3A_957 = arith.subf %sub3A_956, %mul3A_954 : vector<16xf32>
        %mul3A_958 = arith.mulf %mul3A_949, %sub3A_957 : vector<16xf32>
        %mul3A_959 = arith.constant 5.000000e-01 : f32
        %mul3A_960 = vector.broadcast %mul3A_959 : f32 to vector<16xf32>
        %mul3A_961 = arith.mulf %mul3A_960, %parallel_loop3A_390#7 : vector<16xf32>
        %mul3A_962 = arith.mulf %mul3A_961, %mul3A_958 : vector<16xf32>
        %mul3A_963 = arith.mulf %mul3A_962, %mul3A_958 : vector<16xf32>
        %sub3A_964 = arith.constant 1.500000e+00 : f32
        %sub3A_965 = vector.broadcast %sub3A_964 : f32 to vector<16xf32>
        %sub3A_966 = arith.subf %sub3A_965, %mul3A_963 : vector<16xf32>
        %mul3A_967 = arith.mulf %mul3A_958, %sub3A_966 : vector<16xf32>
        %mul3A_968 = arith.constant 5.000000e-01 : f32
        %mul3A_969 = vector.broadcast %mul3A_968 : f32 to vector<16xf32>
        %mul3A_970 = arith.mulf %mul3A_969, %parallel_loop3A_390#7 : vector<16xf32>
        %mul3A_971 = arith.mulf %mul3A_970, %mul3A_967 : vector<16xf32>
        %mul3A_972 = arith.mulf %mul3A_971, %mul3A_967 : vector<16xf32>
        %sub3A_973 = arith.constant 1.500000e+00 : f32
        %sub3A_974 = vector.broadcast %sub3A_973 : f32 to vector<16xf32>
        %sub3A_975 = arith.subf %sub3A_974, %mul3A_972 : vector<16xf32>
        %mul3A_976 = arith.mulf %mul3A_967, %sub3A_975 : vector<16xf32>
        %mul3A_977 = arith.constant 0.999989986 : f32
        %mul3A_978 = vector.broadcast %mul3A_977 : f32 to vector<16xf32>
        %mul3A_979 = arith.mulf %mul3A_978, %mul3A_976 : vector<16xf32>
        %jit3A_980 = arith.constant 1.000000e+00 : f32
        %broadcast_in_dim3A_981 = vector.broadcast %jit3A_980 : f32 to vector<16xf32>
        %select_n3A_982 = arith.select %gt3A_932, %mul3A_979, %broadcast_in_dim3A_981 : vector<16xi1>, vector<16xf32>
        %scan3A_983 = arith.constant 0 : i32
        %scan3A_984 = arith.constant 0 : i32
        %scan3A_985 = arith.constant 64 : i32
        %scan3A_986 = arith.addi %scan3A_984, %scan3A_985 : i32
        %scan3A_987 = arith.constant 1 : i32
        scf.for %scan3A_989 = %scan3A_984 to %scan3A_986 step %scan3A_987  : i32 {
          %get3A = arith.index_cast %scan3A_989 : i32 to index
          %get3A_990 = arith.constant 0 : index
          %get3A_991 = tpu.vector_load %arg9[%get3A, %get3A_990] {strides = array<i32>} : memref<64x128xf32, #tpu.memory_space<vmem>>, vector<16xf32>,
          %mul3A_992 = arith.mulf %get3A_991, %select_n3A : vector<16xf32>
          %swap3A = arith.index_cast %scan3A_989 : i32 to index
          %swap3A_993 = arith.constant 0 : index
          %swap3A_994 = tpu.vector_load %arg9[%swap3A, %swap3A_993] {strides = array<i32>} : memref<64x128xf32, #tpu.memory_space<vmem>>, vector<16xf32>,
          tpu.vector_store %arg9[%swap3A, %swap3A_993], %mul3A_992 {strides = array<i32>} : memref<64x128xf32, #tpu.memory_space<vmem>>, vector<16xf32>,
          %get3A_995 = arith.index_cast %scan3A_989 : i32 to index
          %get3A_996 = arith.constant 16 : index
          %get3A_997 = tpu.vector_load %arg9[%get3A_995, %get3A_996] {strides = array<i32>} : memref<64x128xf32, #tpu.memory_space<vmem>>, vector<16xf32>,
          %mul3A_998 = arith.mulf %get3A_997, %select_n3A_664 : vector<16xf32>
          %swap3A_999 = arith.index_cast %scan3A_989 : i32 to index
          %swap3A_1000 = arith.constant 16 : index
          %swap3A_1001 = tpu.vector_load %arg9[%swap3A_999, %swap3A_1000] {strides = array<i32>} : memref<64x128xf32, #tpu.memory_space<vmem>>, vector<16xf32>,
          tpu.vector_store %arg9[%swap3A_999, %swap3A_1000], %mul3A_998 {strides = array<i32>} : memref<64x128xf32, #tpu.memory_space<vmem>>, vector<16xf32>,
          %get3A_1002 = arith.index_cast %scan3A_989 : i32 to index
          %get3A_1003 = arith.constant 32 : index
          %get3A_1004 = tpu.vector_load %arg9[%get3A_1002, %get3A_1003] {strides = array<i32>} : memref<64x128xf32, #tpu.memory_space<vmem>>, vector<16xf32>,
          %mul3A_1005 = arith.mulf %get3A_1004, %select_n3A_717 : vector<16xf32>
          %swap3A_1006 = arith.index_cast %scan3A_989 : i32 to index
          %swap3A_1007 = arith.constant 32 : index
          %swap3A_1008 = tpu.vector_load %arg9[%swap3A_1006, %swap3A_1007] {strides = array<i32>} : memref<64x128xf32, #tpu.memory_space<vmem>>, vector<16xf32>,
          tpu.vector_store %arg9[%swap3A_1006, %swap3A_1007], %mul3A_1005 {strides = array<i32>} : memref<64x128xf32, #tpu.memory_space<vmem>>, vector<16xf32>,
          %get3A_1009 = arith.index_cast %scan3A_989 : i32 to index
          %get3A_1010 = arith.constant 48 : index
          %get3A_1011 = tpu.vector_load %arg9[%get3A_1009, %get3A_1010] {strides = array<i32>} : memref<64x128xf32, #tpu.memory_space<vmem>>, vector<16xf32>,
          %mul3A_1012 = arith.mulf %get3A_1011, %select_n3A_770 : vector<16xf32>
          %swap3A_1013 = arith.index_cast %scan3A_989 : i32 to index
          %swap3A_1014 = arith.constant 48 : index
          %swap3A_1015 = tpu.vector_load %arg9[%swap3A_1013, %swap3A_1014] {strides = array<i32>} : memref<64x128xf32, #tpu.memory_space<vmem>>, vector<16xf32>,
          tpu.vector_store %arg9[%swap3A_1013, %swap3A_1014], %mul3A_1012 {strides = array<i32>} : memref<64x128xf32, #tpu.memory_space<vmem>>, vector<16xf32>,
          %get3A_1016 = arith.index_cast %scan3A_989 : i32 to index
          %get3A_1017 = arith.constant 64 : index
          %get3A_1018 = tpu.vector_load %arg9[%get3A_1016, %get3A_1017] {strides = array<i32>} : memref<64x128xf32, #tpu.memory_space<vmem>>, vector<16xf32>,
          %mul3A_1019 = arith.mulf %get3A_1018, %select_n3A_823 : vector<16xf32>
          %swap3A_1020 = arith.index_cast %scan3A_989 : i32 to index
          %swap3A_1021 = arith.constant 64 : index
          %swap3A_1022 = tpu.vector_load %arg9[%swap3A_1020, %swap3A_1021] {strides = array<i32>} : memref<64x128xf32, #tpu.memory_space<vmem>>, vector<16xf32>,
          tpu.vector_store %arg9[%swap3A_1020, %swap3A_1021], %mul3A_1019 {strides = array<i32>} : memref<64x128xf32, #tpu.memory_space<vmem>>, vector<16xf32>,
          %get3A_1023 = arith.index_cast %scan3A_989 : i32 to index
          %get3A_1024 = arith.constant 80 : index
          %get3A_1025 = tpu.vector_load %arg9[%get3A_1023, %get3A_1024] {strides = array<i32>} : memref<64x128xf32, #tpu.memory_space<vmem>>, vector<16xf32>,
          %mul3A_1026 = arith.mulf %get3A_1025, %select_n3A_876 : vector<16xf32>
          %swap3A_1027 = arith.index_cast %scan3A_989 : i32 to index
          %swap3A_1028 = arith.constant 80 : index
          %swap3A_1029 = tpu.vector_load %arg9[%swap3A_1027, %swap3A_1028] {strides = array<i32>} : memref<64x128xf32, #tpu.memory_space<vmem>>, vector<16xf32>,
          tpu.vector_store %arg9[%swap3A_1027, %swap3A_1028], %mul3A_1026 {strides = array<i32>} : memref<64x128xf32, #tpu.memory_space<vmem>>, vector<16xf32>,
          %get3A_1030 = arith.index_cast %scan3A_989 : i32 to index
          %get3A_1031 = arith.constant 96 : index
          %get3A_1032 = tpu.vector_load %arg9[%get3A_1030, %get3A_1031] {strides = array<i32>} : memref<64x128xf32, #tpu.memory_space<vmem>>, vector<16xf32>,
          %mul3A_1033 = arith.mulf %get3A_1032, %select_n3A_929 : vector<16xf32>
          %swap3A_1034 = arith.index_cast %scan3A_989 : i32 to index
          %swap3A_1035 = arith.constant 96 : index
          %swap3A_1036 = tpu.vector_load %arg9[%swap3A_1034, %swap3A_1035] {strides = array<i32>} : memref<64x128xf32, #tpu.memory_space<vmem>>, vector<16xf32>,
          tpu.vector_store %arg9[%swap3A_1034, %swap3A_1035], %mul3A_1033 {strides = array<i32>} : memref<64x128xf32, #tpu.memory_space<vmem>>, vector<16xf32>,
          %get3A_1037 = arith.index_cast %scan3A_989 : i32 to index
          %get3A_1038 = arith.constant 112 : index
          %get3A_1039 = tpu.vector_load %arg9[%get3A_1037, %get3A_1038] {strides = array<i32>} : memref<64x128xf32, #tpu.memory_space<vmem>>, vector<16xf32>,
          %mul3A_1040 = arith.mulf %get3A_1039, %select_n3A_982 : vector<16xf32>
          %swap3A_1041 = arith.index_cast %scan3A_989 : i32 to index
          %swap3A_1042 = arith.constant 112 : index
          %swap3A_1043 = tpu.vector_load %arg9[%swap3A_1041, %swap3A_1042] {strides = array<i32>} : memref<64x128xf32, #tpu.memory_space<vmem>>, vector<16xf32>,
          tpu.vector_store %arg9[%swap3A_1041, %swap3A_1042], %mul3A_1040 {strides = array<i32>} : memref<64x128xf32, #tpu.memory_space<vmem>>, vector<16xf32>,
        }
        %scan3A_988 = arith.constant 64 : i32
      } else {
      }
      %shift_right_arithmetic3A_436 = arith.constant 2 : i32
      %shift_right_arithmetic3A_437 = arith.shrsi %add3A_366, %shift_right_arithmetic3A_436 : i32
      %mul3A_438 = arith.constant 4 : i32
      %mul3A_439 = arith.muli %add3A, %mul3A_438 : i32
      %and3A_440 = arith.constant 3 : i32
      %and3A_441 = arith.andi %add3A_366, %and3A_440 : i32
      %add3A_442 = arith.addi %mul3A_439, %and3A_441 : i32
      %dma_start3A_443 = arith.constant 0 : i32
      %dma_start3A_444 = arith.constant 0 : i32
      %dma_start3A_445 = arith.constant 0 : i32
      %dma_start3A_446 = tpu.memref_slice %arg9[%dma_start3A_444, %dma_start3A_445] : memref<64x128xf32, #tpu.memory_space<vmem>> -> memref<8x128xf32, #tpu.memory_space<vmem>>
      %dma_start3A_447 = arith.constant 0 : i32
      %dma_start3A_448 = arith.constant 0 : i32
      %dma_start3A_449 = tpu.memref_slice %arg4[%shift_right_arithmetic3A_437, %dma_start3A_443, %add3A_442, %dma_start3A_447, %dma_start3A_448] : memref<50x8x128x8x128xf32, #tpu.memory_space<hbm>> -> memref<1x1x1x8x128xf32, #tpu.memory_space<hbm>>
      %dma_start3A_450 = tpu.memref_squeeze %dma_start3A_449 : memref<1x1x1x8x128xf32, #tpu.memory_space<hbm>> -> memref<8x128xf32, #tpu.memory_space<hbm>>
      %dma_start3A_451 = arith.constant 0 : i32
      %dma_start3A_452 = arith.constant 0 : i32
      %dma_start3A_453 = tpu.memref_slice %arg4[%shift_right_arithmetic3A_437, %dma_start3A_443, %add3A_442, %dma_start3A_451, %dma_start3A_452] : memref<50x8x128x8x128xf32, #tpu.memory_space<hbm>> -> memref<1x1x1x8x128xf32, #tpu.memory_space<hbm>>
      %dma_start3A_454 = tpu.memref_squeeze %dma_start3A_453 : memref<1x1x1x8x128xf32, #tpu.memory_space<hbm>> -> memref<8x128xf32, #tpu.memory_space<hbm>>
      %dma_start3A_455 = arith.constant 0 : i32
      %dma_start3A_456 = arith.constant 0 : i32
      %dma_start3A_457 = tpu.memref_slice %arg9[%dma_start3A_455, %dma_start3A_456] : memref<64x128xf32, #tpu.memory_space<vmem>> -> memref<8x128xf32, #tpu.memory_space<vmem>>
      tpu.enqueue_dma source(%dma_start3A_457 : memref<8x128xf32, #tpu.memory_space<vmem>>) target(%dma_start3A_454 : memref<8x128xf32, #tpu.memory_space<hbm>>) target_semaphore(%arg13 : memref<!tpu.dma_semaphore, #tpu.memory_space<semaphore_mem>>)
      %dma_start3A_458 = arith.constant 1 : i32
      %dma_start3A_459 = arith.constant 8 : i32
      %dma_start3A_460 = arith.constant 0 : i32
      %dma_start3A_461 = tpu.memref_slice %arg9[%dma_start3A_459, %dma_start3A_460] : memref<64x128xf32, #tpu.memory_space<vmem>> -> memref<8x128xf32, #tpu.memory_space<vmem>>
      %dma_start3A_462 = arith.constant 0 : i32
      %dma_start3A_463 = arith.constant 0 : i32
      %dma_start3A_464 = tpu.memref_slice %arg4[%shift_right_arithmetic3A_437, %dma_start3A_458, %add3A_442, %dma_start3A_462, %dma_start3A_463] : memref<50x8x128x8x128xf32, #tpu.memory_space<hbm>> -> memref<1x1x1x8x128xf32, #tpu.memory_space<hbm>>
      %dma_start3A_465 = tpu.memref_squeeze %dma_start3A_464 : memref<1x1x1x8x128xf32, #tpu.memory_space<hbm>> -> memref<8x128xf32, #tpu.memory_space<hbm>>
      %dma_start3A_466 = arith.constant 0 : i32
      %dma_start3A_467 = arith.constant 0 : i32
      %dma_start3A_468 = tpu.memref_slice %arg4[%shift_right_arithmetic3A_437, %dma_start3A_458, %add3A_442, %dma_start3A_466, %dma_start3A_467] : memref<50x8x128x8x128xf32, #tpu.memory_space<hbm>> -> memref<1x1x1x8x128xf32, #tpu.memory_space<hbm>>
      %dma_start3A_469 = tpu.memref_squeeze %dma_start3A_468 : memref<1x1x1x8x128xf32, #tpu.memory_space<hbm>> -> memref<8x128xf32, #tpu.memory_space<hbm>>
      %dma_start3A_470 = arith.constant 8 : i32
      %dma_start3A_471 = arith.constant 0 : i32
      %dma_start3A_472 = tpu.memref_slice %arg9[%dma_start3A_470, %dma_start3A_471] : memref<64x128xf32, #tpu.memory_space<vmem>> -> memref<8x128xf32, #tpu.memory_space<vmem>>
      tpu.enqueue_dma source(%dma_start3A_472 : memref<8x128xf32, #tpu.memory_space<vmem>>) target(%dma_start3A_469 : memref<8x128xf32, #tpu.memory_space<hbm>>) target_semaphore(%arg13 : memref<!tpu.dma_semaphore, #tpu.memory_space<semaphore_mem>>)
      %dma_start3A_473 = arith.constant 2 : i32
      %dma_start3A_474 = arith.constant 16 : i32
      %dma_start3A_475 = arith.constant 0 : i32
      %dma_start3A_476 = tpu.memref_slice %arg9[%dma_start3A_474, %dma_start3A_475] : memref<64x128xf32, #tpu.memory_space<vmem>> -> memref<8x128xf32, #tpu.memory_space<vmem>>
      %dma_start3A_477 = arith.constant 0 : i32
      %dma_start3A_478 = arith.constant 0 : i32
      %dma_start3A_479 = tpu.memref_slice %arg4[%shift_right_arithmetic3A_437, %dma_start3A_473, %add3A_442, %dma_start3A_477, %dma_start3A_478] : memref<50x8x128x8x128xf32, #tpu.memory_space<hbm>> -> memref<1x1x1x8x128xf32, #tpu.memory_space<hbm>>
      %dma_start3A_480 = tpu.memref_squeeze %dma_start3A_479 : memref<1x1x1x8x128xf32, #tpu.memory_space<hbm>> -> memref<8x128xf32, #tpu.memory_space<hbm>>
      %dma_start3A_481 = arith.constant 0 : i32
      %dma_start3A_482 = arith.constant 0 : i32
      %dma_start3A_483 = tpu.memref_slice %arg4[%shift_right_arithmetic3A_437, %dma_start3A_473, %add3A_442, %dma_start3A_481, %dma_start3A_482] : memref<50x8x128x8x128xf32, #tpu.memory_space<hbm>> -> memref<1x1x1x8x128xf32, #tpu.memory_space<hbm>>
      %dma_start3A_484 = tpu.memref_squeeze %dma_start3A_483 : memref<1x1x1x8x128xf32, #tpu.memory_space<hbm>> -> memref<8x128xf32, #tpu.memory_space<hbm>>
      %dma_start3A_485 = arith.constant 16 : i32
      %dma_start3A_486 = arith.constant 0 : i32
      %dma_start3A_487 = tpu.memref_slice %arg9[%dma_start3A_485, %dma_start3A_486] : memref<64x128xf32, #tpu.memory_space<vmem>> -> memref<8x128xf32, #tpu.memory_space<vmem>>
      tpu.enqueue_dma source(%dma_start3A_487 : memref<8x128xf32, #tpu.memory_space<vmem>>) target(%dma_start3A_484 : memref<8x128xf32, #tpu.memory_space<hbm>>) target_semaphore(%arg13 : memref<!tpu.dma_semaphore, #tpu.memory_space<semaphore_mem>>)
      %dma_start3A_488 = arith.constant 3 : i32
      %dma_start3A_489 = arith.constant 24 : i32
      %dma_start3A_490 = arith.constant 0 : i32
      %dma_start3A_491 = tpu.memref_slice %arg9[%dma_start3A_489, %dma_start3A_490] : memref<64x128xf32, #tpu.memory_space<vmem>> -> memref<8x128xf32, #tpu.memory_space<vmem>>
      %dma_start3A_492 = arith.constant 0 : i32
      %dma_start3A_493 = arith.constant 0 : i32
      %dma_start3A_494 = tpu.memref_slice %arg4[%shift_right_arithmetic3A_437, %dma_start3A_488, %add3A_442, %dma_start3A_492, %dma_start3A_493] : memref<50x8x128x8x128xf32, #tpu.memory_space<hbm>> -> memref<1x1x1x8x128xf32, #tpu.memory_space<hbm>>
      %dma_start3A_495 = tpu.memref_squeeze %dma_start3A_494 : memref<1x1x1x8x128xf32, #tpu.memory_space<hbm>> -> memref<8x128xf32, #tpu.memory_space<hbm>>
      %dma_start3A_496 = arith.constant 0 : i32
      %dma_start3A_497 = arith.constant 0 : i32
      %dma_start3A_498 = tpu.memref_slice %arg4[%shift_right_arithmetic3A_437, %dma_start3A_488, %add3A_442, %dma_start3A_496, %dma_start3A_497] : memref<50x8x128x8x128xf32, #tpu.memory_space<hbm>> -> memref<1x1x1x8x128xf32, #tpu.memory_space<hbm>>
      %dma_start3A_499 = tpu.memref_squeeze %dma_start3A_498 : memref<1x1x1x8x128xf32, #tpu.memory_space<hbm>> -> memref<8x128xf32, #tpu.memory_space<hbm>>
      %dma_start3A_500 = arith.constant 24 : i32
      %dma_start3A_501 = arith.constant 0 : i32
      %dma_start3A_502 = tpu.memref_slice %arg9[%dma_start3A_500, %dma_start3A_501] : memref<64x128xf32, #tpu.memory_space<vmem>> -> memref<8x128xf32, #tpu.memory_space<vmem>>
      tpu.enqueue_dma source(%dma_start3A_502 : memref<8x128xf32, #tpu.memory_space<vmem>>) target(%dma_start3A_499 : memref<8x128xf32, #tpu.memory_space<hbm>>) target_semaphore(%arg13 : memref<!tpu.dma_semaphore, #tpu.memory_space<semaphore_mem>>)
      %dma_start3A_503 = arith.constant 4 : i32
      %dma_start3A_504 = arith.constant 32 : i32
      %dma_start3A_505 = arith.constant 0 : i32
      %dma_start3A_506 = tpu.memref_slice %arg9[%dma_start3A_504, %dma_start3A_505] : memref<64x128xf32, #tpu.memory_space<vmem>> -> memref<8x128xf32, #tpu.memory_space<vmem>>
      %dma_start3A_507 = arith.constant 0 : i32
      %dma_start3A_508 = arith.constant 0 : i32
      %dma_start3A_509 = tpu.memref_slice %arg4[%shift_right_arithmetic3A_437, %dma_start3A_503, %add3A_442, %dma_start3A_507, %dma_start3A_508] : memref<50x8x128x8x128xf32, #tpu.memory_space<hbm>> -> memref<1x1x1x8x128xf32, #tpu.memory_space<hbm>>
      %dma_start3A_510 = tpu.memref_squeeze %dma_start3A_509 : memref<1x1x1x8x128xf32, #tpu.memory_space<hbm>> -> memref<8x128xf32, #tpu.memory_space<hbm>>
      %dma_start3A_511 = arith.constant 0 : i32
      %dma_start3A_512 = arith.constant 0 : i32
      %dma_start3A_513 = tpu.memref_slice %arg4[%shift_right_arithmetic3A_437, %dma_start3A_503, %add3A_442, %dma_start3A_511, %dma_start3A_512] : memref<50x8x128x8x128xf32, #tpu.memory_space<hbm>> -> memref<1x1x1x8x128xf32, #tpu.memory_space<hbm>>
      %dma_start3A_514 = tpu.memref_squeeze %dma_start3A_513 : memref<1x1x1x8x128xf32, #tpu.memory_space<hbm>> -> memref<8x128xf32, #tpu.memory_space<hbm>>
      %dma_start3A_515 = arith.constant 32 : i32
      %dma_start3A_516 = arith.constant 0 : i32
      %dma_start3A_517 = tpu.memref_slice %arg9[%dma_start3A_515, %dma_start3A_516] : memref<64x128xf32, #tpu.memory_space<vmem>> -> memref<8x128xf32, #tpu.memory_space<vmem>>
      tpu.enqueue_dma source(%dma_start3A_517 : memref<8x128xf32, #tpu.memory_space<vmem>>) target(%dma_start3A_514 : memref<8x128xf32, #tpu.memory_space<hbm>>) target_semaphore(%arg13 : memref<!tpu.dma_semaphore, #tpu.memory_space<semaphore_mem>>)
      %dma_start3A_518 = arith.constant 5 : i32
      %dma_start3A_519 = arith.constant 40 : i32
      %dma_start3A_520 = arith.constant 0 : i32
      %dma_start3A_521 = tpu.memref_slice %arg9[%dma_start3A_519, %dma_start3A_520] : memref<64x128xf32, #tpu.memory_space<vmem>> -> memref<8x128xf32, #tpu.memory_space<vmem>>
      %dma_start3A_522 = arith.constant 0 : i32
      %dma_start3A_523 = arith.constant 0 : i32
      %dma_start3A_524 = tpu.memref_slice %arg4[%shift_right_arithmetic3A_437, %dma_start3A_518, %add3A_442, %dma_start3A_522, %dma_start3A_523] : memref<50x8x128x8x128xf32, #tpu.memory_space<hbm>> -> memref<1x1x1x8x128xf32, #tpu.memory_space<hbm>>
      %dma_start3A_525 = tpu.memref_squeeze %dma_start3A_524 : memref<1x1x1x8x128xf32, #tpu.memory_space<hbm>> -> memref<8x128xf32, #tpu.memory_space<hbm>>
      %dma_start3A_526 = arith.constant 0 : i32
      %dma_start3A_527 = arith.constant 0 : i32
      %dma_start3A_528 = tpu.memref_slice %arg4[%shift_right_arithmetic3A_437, %dma_start3A_518, %add3A_442, %dma_start3A_526, %dma_start3A_527] : memref<50x8x128x8x128xf32, #tpu.memory_space<hbm>> -> memref<1x1x1x8x128xf32, #tpu.memory_space<hbm>>
      %dma_start3A_529 = tpu.memref_squeeze %dma_start3A_528 : memref<1x1x1x8x128xf32, #tpu.memory_space<hbm>> -> memref<8x128xf32, #tpu.memory_space<hbm>>
      %dma_start3A_530 = arith.constant 40 : i32
      %dma_start3A_531 = arith.constant 0 : i32
      %dma_start3A_532 = tpu.memref_slice %arg9[%dma_start3A_530, %dma_start3A_531] : memref<64x128xf32, #tpu.memory_space<vmem>> -> memref<8x128xf32, #tpu.memory_space<vmem>>
      tpu.enqueue_dma source(%dma_start3A_532 : memref<8x128xf32, #tpu.memory_space<vmem>>) target(%dma_start3A_529 : memref<8x128xf32, #tpu.memory_space<hbm>>) target_semaphore(%arg13 : memref<!tpu.dma_semaphore, #tpu.memory_space<semaphore_mem>>)
      %dma_start3A_533 = arith.constant 6 : i32
      %dma_start3A_534 = arith.constant 48 : i32
      %dma_start3A_535 = arith.constant 0 : i32
      %dma_start3A_536 = tpu.memref_slice %arg9[%dma_start3A_534, %dma_start3A_535] : memref<64x128xf32, #tpu.memory_space<vmem>> -> memref<8x128xf32, #tpu.memory_space<vmem>>
      %dma_start3A_537 = arith.constant 0 : i32
      %dma_start3A_538 = arith.constant 0 : i32
      %dma_start3A_539 = tpu.memref_slice %arg4[%shift_right_arithmetic3A_437, %dma_start3A_533, %add3A_442, %dma_start3A_537, %dma_start3A_538] : memref<50x8x128x8x128xf32, #tpu.memory_space<hbm>> -> memref<1x1x1x8x128xf32, #tpu.memory_space<hbm>>
      %dma_start3A_540 = tpu.memref_squeeze %dma_start3A_539 : memref<1x1x1x8x128xf32, #tpu.memory_space<hbm>> -> memref<8x128xf32, #tpu.memory_space<hbm>>
      %dma_start3A_541 = arith.constant 0 : i32
      %dma_start3A_542 = arith.constant 0 : i32
      %dma_start3A_543 = tpu.memref_slice %arg4[%shift_right_arithmetic3A_437, %dma_start3A_533, %add3A_442, %dma_start3A_541, %dma_start3A_542] : memref<50x8x128x8x128xf32, #tpu.memory_space<hbm>> -> memref<1x1x1x8x128xf32, #tpu.memory_space<hbm>>
      %dma_start3A_544 = tpu.memref_squeeze %dma_start3A_543 : memref<1x1x1x8x128xf32, #tpu.memory_space<hbm>> -> memref<8x128xf32, #tpu.memory_space<hbm>>
      %dma_start3A_545 = arith.constant 48 : i32
      %dma_start3A_546 = arith.constant 0 : i32
      %dma_start3A_547 = tpu.memref_slice %arg9[%dma_start3A_545, %dma_start3A_546] : memref<64x128xf32, #tpu.memory_space<vmem>> -> memref<8x128xf32, #tpu.memory_space<vmem>>
      tpu.enqueue_dma source(%dma_start3A_547 : memref<8x128xf32, #tpu.memory_space<vmem>>) target(%dma_start3A_544 : memref<8x128xf32, #tpu.memory_space<hbm>>) target_semaphore(%arg13 : memref<!tpu.dma_semaphore, #tpu.memory_space<semaphore_mem>>)
      %dma_start3A_548 = arith.constant 7 : i32
      %dma_start3A_549 = arith.constant 56 : i32
      %dma_start3A_550 = arith.constant 0 : i32
      %dma_start3A_551 = tpu.memref_slice %arg9[%dma_start3A_549, %dma_start3A_550] : memref<64x128xf32, #tpu.memory_space<vmem>> -> memref<8x128xf32, #tpu.memory_space<vmem>>
      %dma_start3A_552 = arith.constant 0 : i32
      %dma_start3A_553 = arith.constant 0 : i32
      %dma_start3A_554 = tpu.memref_slice %arg4[%shift_right_arithmetic3A_437, %dma_start3A_548, %add3A_442, %dma_start3A_552, %dma_start3A_553] : memref<50x8x128x8x128xf32, #tpu.memory_space<hbm>> -> memref<1x1x1x8x128xf32, #tpu.memory_space<hbm>>
      %dma_start3A_555 = tpu.memref_squeeze %dma_start3A_554 : memref<1x1x1x8x128xf32, #tpu.memory_space<hbm>> -> memref<8x128xf32, #tpu.memory_space<hbm>>
      %dma_start3A_556 = arith.constant 0 : i32
      %dma_start3A_557 = arith.constant 0 : i32
      %dma_start3A_558 = tpu.memref_slice %arg4[%shift_right_arithmetic3A_437, %dma_start3A_548, %add3A_442, %dma_start3A_556, %dma_start3A_557] : memref<50x8x128x8x128xf32, #tpu.memory_space<hbm>> -> memref<1x1x1x8x128xf32, #tpu.memory_space<hbm>>
      %dma_start3A_559 = tpu.memref_squeeze %dma_start3A_558 : memref<1x1x1x8x128xf32, #tpu.memory_space<hbm>> -> memref<8x128xf32, #tpu.memory_space<hbm>>
      %dma_start3A_560 = arith.constant 56 : i32
      %dma_start3A_561 = arith.constant 0 : i32
      %dma_start3A_562 = tpu.memref_slice %arg9[%dma_start3A_560, %dma_start3A_561] : memref<64x128xf32, #tpu.memory_space<vmem>> -> memref<8x128xf32, #tpu.memory_space<vmem>>
      tpu.enqueue_dma source(%dma_start3A_562 : memref<8x128xf32, #tpu.memory_space<vmem>>) target(%dma_start3A_559 : memref<8x128xf32, #tpu.memory_space<hbm>>) target_semaphore(%arg13 : memref<!tpu.dma_semaphore, #tpu.memory_space<semaphore_mem>>)
    }
    %scan3A_37 = arith.constant 100 : i32
    %dma_wait3A = arith.constant 0 : i32
    %dma_wait3A_38 = arith.constant 0 : i32
    %dma_wait3A_39 = arith.constant 0 : i32
    %dma_wait3A_40 = arith.constant 0 : i32
    %dma_wait3A_41 = arith.constant 0 : i32
    %dma_wait3A_42 = tpu.memref_slice %arg9[%dma_wait3A_40, %dma_wait3A_41] : memref<64x128xf32, #tpu.memory_space<vmem>> -> memref<8x128xf32, #tpu.memory_space<vmem>>
    %dma_wait3A_43 = arith.constant 0 : i32
    %dma_wait3A_44 = arith.constant 0 : i32
    %dma_wait3A_45 = tpu.memref_slice %arg4[%dma_wait3A, %dma_wait3A_38, %dma_wait3A_39, %dma_wait3A_43, %dma_wait3A_44] : memref<50x8x128x8x128xf32, #tpu.memory_space<hbm>> -> memref<1x1x1x8x128xf32, #tpu.memory_space<hbm>>
    %dma_wait3A_46 = tpu.memref_squeeze %dma_wait3A_45 : memref<1x1x1x8x128xf32, #tpu.memory_space<hbm>> -> memref<8x128xf32, #tpu.memory_space<hbm>>
    %dma_wait3A_47 = arith.constant 0 : i32
    %dma_wait3A_48 = arith.constant 0 : i32
    %dma_wait3A_49 = tpu.memref_slice %arg4[%dma_wait3A, %dma_wait3A_38, %dma_wait3A_39, %dma_wait3A_47, %dma_wait3A_48] : memref<50x8x128x8x128xf32, #tpu.memory_space<hbm>> -> memref<1x1x1x8x128xf32, #tpu.memory_space<hbm>>
    %dma_wait3A_50 = tpu.memref_squeeze %dma_wait3A_49 : memref<1x1x1x8x128xf32, #tpu.memory_space<hbm>> -> memref<8x128xf32, #tpu.memory_space<hbm>>
    %dma_wait3A_51 = arith.constant 0 : i32
    %dma_wait3A_52 = arith.constant 0 : i32
    %dma_wait3A_53 = tpu.memref_slice %arg9[%dma_wait3A_51, %dma_wait3A_52] : memref<64x128xf32, #tpu.memory_space<vmem>> -> memref<8x128xf32, #tpu.memory_space<vmem>>
    tpu.wait_dma2 semaphore(%arg13 : memref<!tpu.dma_semaphore, #tpu.memory_space<semaphore_mem>>) src(%dma_wait3A_53 : memref<8x128xf32, #tpu.memory_space<vmem>>) dst(%dma_wait3A_50 : memref<8x128xf32, #tpu.memory_space<hbm>>)
    %dma_wait3A_54 = arith.constant 0 : i32
    %dma_wait3A_55 = arith.constant 0 : i32
    %dma_wait3A_56 = arith.constant 0 : i32
    %dma_wait3A_57 = arith.constant 8 : i32
    %dma_wait3A_58 = arith.constant 0 : i32
    %dma_wait3A_59 = tpu.memref_slice %arg9[%dma_wait3A_57, %dma_wait3A_58] : memref<64x128xf32, #tpu.memory_space<vmem>> -> memref<8x128xf32, #tpu.memory_space<vmem>>
    %dma_wait3A_60 = arith.constant 0 : i32
    %dma_wait3A_61 = arith.constant 0 : i32
    %dma_wait3A_62 = tpu.memref_slice %arg4[%dma_wait3A_54, %dma_wait3A_55, %dma_wait3A_56, %dma_wait3A_60, %dma_wait3A_61] : memref<50x8x128x8x128xf32, #tpu.memory_space<hbm>> -> memref<1x1x1x8x128xf32, #tpu.memory_space<hbm>>
    %dma_wait3A_63 = tpu.memref_squeeze %dma_wait3A_62 : memref<1x1x1x8x128xf32, #tpu.memory_space<hbm>> -> memref<8x128xf32, #tpu.memory_space<hbm>>
    %dma_wait3A_64 = arith.constant 0 : i32
    %dma_wait3A_65 = arith.constant 0 : i32
    %dma_wait3A_66 = tpu.memref_slice %arg4[%dma_wait3A_54, %dma_wait3A_55, %dma_wait3A_56, %dma_wait3A_64, %dma_wait3A_65] : memref<50x8x128x8x128xf32, #tpu.memory_space<hbm>> -> memref<1x1x1x8x128xf32, #tpu.memory_space<hbm>>
    %dma_wait3A_67 = tpu.memref_squeeze %dma_wait3A_66 : memref<1x1x1x8x128xf32, #tpu.memory_space<hbm>> -> memref<8x128xf32, #tpu.memory_space<hbm>>
    %dma_wait3A_68 = arith.constant 8 : i32
    %dma_wait3A_69 = arith.constant 0 : i32
    %dma_wait3A_70 = tpu.memref_slice %arg9[%dma_wait3A_68, %dma_wait3A_69] : memref<64x128xf32, #tpu.memory_space<vmem>> -> memref<8x128xf32, #tpu.memory_space<vmem>>
    tpu.wait_dma2 semaphore(%arg13 : memref<!tpu.dma_semaphore, #tpu.memory_space<semaphore_mem>>) src(%dma_wait3A_70 : memref<8x128xf32, #tpu.memory_space<vmem>>) dst(%dma_wait3A_67 : memref<8x128xf32, #tpu.memory_space<hbm>>)
    %dma_wait3A_71 = arith.constant 0 : i32
    %dma_wait3A_72 = arith.constant 0 : i32
    %dma_wait3A_73 = arith.constant 0 : i32
    %dma_wait3A_74 = arith.constant 16 : i32
    %dma_wait3A_75 = arith.constant 0 : i32
    %dma_wait3A_76 = tpu.memref_slice %arg9[%dma_wait3A_74, %dma_wait3A_75] : memref<64x128xf32, #tpu.memory_space<vmem>> -> memref<8x128xf32, #tpu.memory_space<vmem>>
    %dma_wait3A_77 = arith.constant 0 : i32
    %dma_wait3A_78 = arith.constant 0 : i32
    %dma_wait3A_79 = tpu.memref_slice %arg4[%dma_wait3A_71, %dma_wait3A_72, %dma_wait3A_73, %dma_wait3A_77, %dma_wait3A_78] : memref<50x8x128x8x128xf32, #tpu.memory_space<hbm>> -> memref<1x1x1x8x128xf32, #tpu.memory_space<hbm>>
    %dma_wait3A_80 = tpu.memref_squeeze %dma_wait3A_79 : memref<1x1x1x8x128xf32, #tpu.memory_space<hbm>> -> memref<8x128xf32, #tpu.memory_space<hbm>>
    %dma_wait3A_81 = arith.constant 0 : i32
    %dma_wait3A_82 = arith.constant 0 : i32
    %dma_wait3A_83 = tpu.memref_slice %arg4[%dma_wait3A_71, %dma_wait3A_72, %dma_wait3A_73, %dma_wait3A_81, %dma_wait3A_82] : memref<50x8x128x8x128xf32, #tpu.memory_space<hbm>> -> memref<1x1x1x8x128xf32, #tpu.memory_space<hbm>>
    %dma_wait3A_84 = tpu.memref_squeeze %dma_wait3A_83 : memref<1x1x1x8x128xf32, #tpu.memory_space<hbm>> -> memref<8x128xf32, #tpu.memory_space<hbm>>
    %dma_wait3A_85 = arith.constant 16 : i32
    %dma_wait3A_86 = arith.constant 0 : i32
    %dma_wait3A_87 = tpu.memref_slice %arg9[%dma_wait3A_85, %dma_wait3A_86] : memref<64x128xf32, #tpu.memory_space<vmem>> -> memref<8x128xf32, #tpu.memory_space<vmem>>
    tpu.wait_dma2 semaphore(%arg13 : memref<!tpu.dma_semaphore, #tpu.memory_space<semaphore_mem>>) src(%dma_wait3A_87 : memref<8x128xf32, #tpu.memory_space<vmem>>) dst(%dma_wait3A_84 : memref<8x128xf32, #tpu.memory_space<hbm>>)
    %dma_wait3A_88 = arith.constant 0 : i32
    %dma_wait3A_89 = arith.constant 0 : i32
    %dma_wait3A_90 = arith.constant 0 : i32
    %dma_wait3A_91 = arith.constant 24 : i32
    %dma_wait3A_92 = arith.constant 0 : i32
    %dma_wait3A_93 = tpu.memref_slice %arg9[%dma_wait3A_91, %dma_wait3A_92] : memref<64x128xf32, #tpu.memory_space<vmem>> -> memref<8x128xf32, #tpu.memory_space<vmem>>
    %dma_wait3A_94 = arith.constant 0 : i32
    %dma_wait3A_95 = arith.constant 0 : i32
    %dma_wait3A_96 = tpu.memref_slice %arg4[%dma_wait3A_88, %dma_wait3A_89, %dma_wait3A_90, %dma_wait3A_94, %dma_wait3A_95] : memref<50x8x128x8x128xf32, #tpu.memory_space<hbm>> -> memref<1x1x1x8x128xf32, #tpu.memory_space<hbm>>
    %dma_wait3A_97 = tpu.memref_squeeze %dma_wait3A_96 : memref<1x1x1x8x128xf32, #tpu.memory_space<hbm>> -> memref<8x128xf32, #tpu.memory_space<hbm>>
    %dma_wait3A_98 = arith.constant 0 : i32
    %dma_wait3A_99 = arith.constant 0 : i32
    %dma_wait3A_100 = tpu.memref_slice %arg4[%dma_wait3A_88, %dma_wait3A_89, %dma_wait3A_90, %dma_wait3A_98, %dma_wait3A_99] : memref<50x8x128x8x128xf32, #tpu.memory_space<hbm>> -> memref<1x1x1x8x128xf32, #tpu.memory_space<hbm>>
    %dma_wait3A_101 = tpu.memref_squeeze %dma_wait3A_100 : memref<1x1x1x8x128xf32, #tpu.memory_space<hbm>> -> memref<8x128xf32, #tpu.memory_space<hbm>>
    %dma_wait3A_102 = arith.constant 24 : i32
    %dma_wait3A_103 = arith.constant 0 : i32
    %dma_wait3A_104 = tpu.memref_slice %arg9[%dma_wait3A_102, %dma_wait3A_103] : memref<64x128xf32, #tpu.memory_space<vmem>> -> memref<8x128xf32, #tpu.memory_space<vmem>>
    tpu.wait_dma2 semaphore(%arg13 : memref<!tpu.dma_semaphore, #tpu.memory_space<semaphore_mem>>) src(%dma_wait3A_104 : memref<8x128xf32, #tpu.memory_space<vmem>>) dst(%dma_wait3A_101 : memref<8x128xf32, #tpu.memory_space<hbm>>)
    %dma_wait3A_105 = arith.constant 0 : i32
    %dma_wait3A_106 = arith.constant 0 : i32
    %dma_wait3A_107 = arith.constant 0 : i32
    %dma_wait3A_108 = arith.constant 32 : i32
    %dma_wait3A_109 = arith.constant 0 : i32
    %dma_wait3A_110 = tpu.memref_slice %arg9[%dma_wait3A_108, %dma_wait3A_109] : memref<64x128xf32, #tpu.memory_space<vmem>> -> memref<8x128xf32, #tpu.memory_space<vmem>>
    %dma_wait3A_111 = arith.constant 0 : i32
    %dma_wait3A_112 = arith.constant 0 : i32
    %dma_wait3A_113 = tpu.memref_slice %arg4[%dma_wait3A_105, %dma_wait3A_106, %dma_wait3A_107, %dma_wait3A_111, %dma_wait3A_112] : memref<50x8x128x8x128xf32, #tpu.memory_space<hbm>> -> memref<1x1x1x8x128xf32, #tpu.memory_space<hbm>>
    %dma_wait3A_114 = tpu.memref_squeeze %dma_wait3A_113 : memref<1x1x1x8x128xf32, #tpu.memory_space<hbm>> -> memref<8x128xf32, #tpu.memory_space<hbm>>
    %dma_wait3A_115 = arith.constant 0 : i32
    %dma_wait3A_116 = arith.constant 0 : i32
    %dma_wait3A_117 = tpu.memref_slice %arg4[%dma_wait3A_105, %dma_wait3A_106, %dma_wait3A_107, %dma_wait3A_115, %dma_wait3A_116] : memref<50x8x128x8x128xf32, #tpu.memory_space<hbm>> -> memref<1x1x1x8x128xf32, #tpu.memory_space<hbm>>
    %dma_wait3A_118 = tpu.memref_squeeze %dma_wait3A_117 : memref<1x1x1x8x128xf32, #tpu.memory_space<hbm>> -> memref<8x128xf32, #tpu.memory_space<hbm>>
    %dma_wait3A_119 = arith.constant 32 : i32
    %dma_wait3A_120 = arith.constant 0 : i32
    %dma_wait3A_121 = tpu.memref_slice %arg9[%dma_wait3A_119, %dma_wait3A_120] : memref<64x128xf32, #tpu.memory_space<vmem>> -> memref<8x128xf32, #tpu.memory_space<vmem>>
    tpu.wait_dma2 semaphore(%arg13 : memref<!tpu.dma_semaphore, #tpu.memory_space<semaphore_mem>>) src(%dma_wait3A_121 : memref<8x128xf32, #tpu.memory_space<vmem>>) dst(%dma_wait3A_118 : memref<8x128xf32, #tpu.memory_space<hbm>>)
    %dma_wait3A_122 = arith.constant 0 : i32
    %dma_wait3A_123 = arith.constant 0 : i32
    %dma_wait3A_124 = arith.constant 0 : i32
    %dma_wait3A_125 = arith.constant 40 : i32
    %dma_wait3A_126 = arith.constant 0 : i32
    %dma_wait3A_127 = tpu.memref_slice %arg9[%dma_wait3A_125, %dma_wait3A_126] : memref<64x128xf32, #tpu.memory_space<vmem>> -> memref<8x128xf32, #tpu.memory_space<vmem>>
    %dma_wait3A_128 = arith.constant 0 : i32
    %dma_wait3A_129 = arith.constant 0 : i32
    %dma_wait3A_130 = tpu.memref_slice %arg4[%dma_wait3A_122, %dma_wait3A_123, %dma_wait3A_124, %dma_wait3A_128, %dma_wait3A_129] : memref<50x8x128x8x128xf32, #tpu.memory_space<hbm>> -> memref<1x1x1x8x128xf32, #tpu.memory_space<hbm>>
    %dma_wait3A_131 = tpu.memref_squeeze %dma_wait3A_130 : memref<1x1x1x8x128xf32, #tpu.memory_space<hbm>> -> memref<8x128xf32, #tpu.memory_space<hbm>>
    %dma_wait3A_132 = arith.constant 0 : i32
    %dma_wait3A_133 = arith.constant 0 : i32
    %dma_wait3A_134 = tpu.memref_slice %arg4[%dma_wait3A_122, %dma_wait3A_123, %dma_wait3A_124, %dma_wait3A_132, %dma_wait3A_133] : memref<50x8x128x8x128xf32, #tpu.memory_space<hbm>> -> memref<1x1x1x8x128xf32, #tpu.memory_space<hbm>>
    %dma_wait3A_135 = tpu.memref_squeeze %dma_wait3A_134 : memref<1x1x1x8x128xf32, #tpu.memory_space<hbm>> -> memref<8x128xf32, #tpu.memory_space<hbm>>
    %dma_wait3A_136 = arith.constant 40 : i32
    %dma_wait3A_137 = arith.constant 0 : i32
    %dma_wait3A_138 = tpu.memref_slice %arg9[%dma_wait3A_136, %dma_wait3A_137] : memref<64x128xf32, #tpu.memory_space<vmem>> -> memref<8x128xf32, #tpu.memory_space<vmem>>
    tpu.wait_dma2 semaphore(%arg13 : memref<!tpu.dma_semaphore, #tpu.memory_space<semaphore_mem>>) src(%dma_wait3A_138 : memref<8x128xf32, #tpu.memory_space<vmem>>) dst(%dma_wait3A_135 : memref<8x128xf32, #tpu.memory_space<hbm>>)
    %dma_wait3A_139 = arith.constant 0 : i32
    %dma_wait3A_140 = arith.constant 0 : i32
    %dma_wait3A_141 = arith.constant 0 : i32
    %dma_wait3A_142 = arith.constant 48 : i32
    %dma_wait3A_143 = arith.constant 0 : i32
    %dma_wait3A_144 = tpu.memref_slice %arg9[%dma_wait3A_142, %dma_wait3A_143] : memref<64x128xf32, #tpu.memory_space<vmem>> -> memref<8x128xf32, #tpu.memory_space<vmem>>
    %dma_wait3A_145 = arith.constant 0 : i32
    %dma_wait3A_146 = arith.constant 0 : i32
    %dma_wait3A_147 = tpu.memref_slice %arg4[%dma_wait3A_139, %dma_wait3A_140, %dma_wait3A_141, %dma_wait3A_145, %dma_wait3A_146] : memref<50x8x128x8x128xf32, #tpu.memory_space<hbm>> -> memref<1x1x1x8x128xf32, #tpu.memory_space<hbm>>
    %dma_wait3A_148 = tpu.memref_squeeze %dma_wait3A_147 : memref<1x1x1x8x128xf32, #tpu.memory_space<hbm>> -> memref<8x128xf32, #tpu.memory_space<hbm>>
    %dma_wait3A_149 = arith.constant 0 : i32
    %dma_wait3A_150 = arith.constant 0 : i32
    %dma_wait3A_151 = tpu.memref_slice %arg4[%dma_wait3A_139, %dma_wait3A_140, %dma_wait3A_141, %dma_wait3A_149, %dma_wait3A_150] : memref<50x8x128x8x128xf32, #tpu.memory_space<hbm>> -> memref<1x1x1x8x128xf32, #tpu.memory_space<hbm>>
    %dma_wait3A_152 = tpu.memref_squeeze %dma_wait3A_151 : memref<1x1x1x8x128xf32, #tpu.memory_space<hbm>> -> memref<8x128xf32, #tpu.memory_space<hbm>>
    %dma_wait3A_153 = arith.constant 48 : i32
    %dma_wait3A_154 = arith.constant 0 : i32
    %dma_wait3A_155 = tpu.memref_slice %arg9[%dma_wait3A_153, %dma_wait3A_154] : memref<64x128xf32, #tpu.memory_space<vmem>> -> memref<8x128xf32, #tpu.memory_space<vmem>>
    tpu.wait_dma2 semaphore(%arg13 : memref<!tpu.dma_semaphore, #tpu.memory_space<semaphore_mem>>) src(%dma_wait3A_155 : memref<8x128xf32, #tpu.memory_space<vmem>>) dst(%dma_wait3A_152 : memref<8x128xf32, #tpu.memory_space<hbm>>)
    %dma_wait3A_156 = arith.constant 0 : i32
    %dma_wait3A_157 = arith.constant 0 : i32
    %dma_wait3A_158 = arith.constant 0 : i32
    %dma_wait3A_159 = arith.constant 56 : i32
    %dma_wait3A_160 = arith.constant 0 : i32
    %dma_wait3A_161 = tpu.memref_slice %arg9[%dma_wait3A_159, %dma_wait3A_160] : memref<64x128xf32, #tpu.memory_space<vmem>> -> memref<8x128xf32, #tpu.memory_space<vmem>>
    %dma_wait3A_162 = arith.constant 0 : i32
    %dma_wait3A_163 = arith.constant 0 : i32
    %dma_wait3A_164 = tpu.memref_slice %arg4[%dma_wait3A_156, %dma_wait3A_157, %dma_wait3A_158, %dma_wait3A_162, %dma_wait3A_163] : memref<50x8x128x8x128xf32, #tpu.memory_space<hbm>> -> memref<1x1x1x8x128xf32, #tpu.memory_space<hbm>>
    %dma_wait3A_165 = tpu.memref_squeeze %dma_wait3A_164 : memref<1x1x1x8x128xf32, #tpu.memory_space<hbm>> -> memref<8x128xf32, #tpu.memory_space<hbm>>
    %dma_wait3A_166 = arith.constant 0 : i32
    %dma_wait3A_167 = arith.constant 0 : i32
    %dma_wait3A_168 = tpu.memref_slice %arg4[%dma_wait3A_156, %dma_wait3A_157, %dma_wait3A_158, %dma_wait3A_166, %dma_wait3A_167] : memref<50x8x128x8x128xf32, #tpu.memory_space<hbm>> -> memref<1x1x1x8x128xf32, #tpu.memory_space<hbm>>
    %dma_wait3A_169 = tpu.memref_squeeze %dma_wait3A_168 : memref<1x1x1x8x128xf32, #tpu.memory_space<hbm>> -> memref<8x128xf32, #tpu.memory_space<hbm>>
    %dma_wait3A_170 = arith.constant 56 : i32
    %dma_wait3A_171 = arith.constant 0 : i32
    %dma_wait3A_172 = tpu.memref_slice %arg9[%dma_wait3A_170, %dma_wait3A_171] : memref<64x128xf32, #tpu.memory_space<vmem>> -> memref<8x128xf32, #tpu.memory_space<vmem>>
    tpu.wait_dma2 semaphore(%arg13 : memref<!tpu.dma_semaphore, #tpu.memory_space<semaphore_mem>>) src(%dma_wait3A_172 : memref<8x128xf32, #tpu.memory_space<vmem>>) dst(%dma_wait3A_169 : memref<8x128xf32, #tpu.memory_space<hbm>>)
    return
  }
}

</mosaic_0001>

<sc_bundles>
// kernel: kernel.4.cloned.1.call-start
scs
__scs_entry_jumppad:
0x0: {  	(pc) =	sbr.rel $0x88, $3  }
0x1: {  	(tag) =	ssettag $0x0;
	lr =	simm.s32 $0x1  }
0x2: {  	[smem:$0x3F9F] =	sst lr;
	_ =	strace $0xD0000000  }
0x3: {  	_ = 	snop  }
0x4: {  	_ = 	snop  }
0x5: {  	_ = 	snop  }
0x6: {  	_ = 	snop  }
0x7: {  	_ = 	snop  }
__scs_overlays_trampoline_lowered:
0x8: {  	[smem:$0x3FAE] =	sst s0  }
0x9: {  	[smem:$0x3FAF] =	sst s1  }
0xa: {  	[smem:$0x3FB0] =	sst s2  }
0xb: {  	[smem:$0x3FB1] =	sst s3  }
0xc: {  	[smem:$0x3FB2] =	sst s4  }
0xd: {  	[smem:$0x3FB3] =	sst s5  }
0xe: {  	[smem:$0x3FB4] =	sst s6  }
0xf: {  	[smem:$0x3FB5] =	sst s7  }
0x10: {  	[smem:$0x3FB6] =	sst s8  }
0x11: {  	[smem:$0x3FB7] =	sst s9;
	s0 =	simm.s32 @!p0 $0x0  }
0x12: {  	s1 =	sld [smem:$0x3F9D];
	s0 =	simm.s32 @p0 $0x1  }
0x13: {  	[smem:$0x3FB8] =	sst s0;
	s0 =	simm.s32 @!p1 $0x0  }
0x14: {  	s2 =	sld [smem:$0x3F9C];
	s0 =	simm.s32 @p1 $0x1  }
0x15: {  	[smem:$0x3FB9] =	sst s0;
	s0 =	simm.s32 @!p2 $0x0  }
0x16: {  	s3 =	sld [smem:$0x3FDB];
	s0 =	simm.s32 @p2 $0x1  }
0x17: {  	s4 =	simm.s32 $0x1BF5;
	[smem:$0x3FBB] =	sst s0  }
0x18: {  	s0 =	sld [smem:$0x3F9E];
	_ =	swait.ge [sflag:s4], $0x0  }
0x19: {  	s7 =	sld [smem:$0x3F9F]  }
0x1a: {  	s8 =	sadd.s32 $0xFFFFE003, lr  }
0x1b: {  	s9 =	sadd.s32 $0xFFFFFEF7, lr;
	s5 =	simm.s32 $0xFFFFFFFF;
	p2 =	slt.u32 s8, $0xFFFFF086  }
0x1c: {  	p1 =	slt.u32 s9, $0xF7A;
	s5 =	simm.s32 @!p2 $0x0  }
0x1d: {  	s5 =	simm.s32 @p1 $0x1;
	p0 =	seq.s32 s7, s2  }
0x1e: {  	s7 =	smul.u32 @!p0 $0xF7A, s2;
	p2 =	seq.s32 @!p0 s5, $0x0  }
0x1f: {  	s9 =	smul.u32 $0xF7A, s1;
	s8 =	simm.s32 @!p0 $0x1BF5;
	p2 =	por !p2, p0  }
0x20: {  	[sflag:s8] =	ssyncset.s32 @!p0 $0xFFFFF086;
	s6 =	sadd.s32 @!p0 s3, s7;
	s7 =	simm.s32 @!p0 $0x108  }
0x21: {  	s3 =	sadd.s32 s3, s9;
	s6 =	sadd.s32 @!p0 $0x88, s6;
	s7 =	simm.s32 @p2 $0x1082  }
0x22: {  	[simem:s7], [sflag:s8] =	dma.local @!p0 [hbm:s6], $0xF7A  }
0x23: {  	s9 =	sor.u32 $0xD0000000, s2;
	s6 =	simm.s32 $0x108;
	_ =	swait.ge @!p0 [sflag:s8], $0x0  }
0x24: {  	s3 =	sadd.s32 $0x88, s3;
	s6 =	simm.s32 @!p1 $0x1082;
	[sflag:s4] =	ssyncset.s32 $0xFFFFF086  }
0x25: {  	[simem:s6], [sflag:s4] =	dma.local [hbm:s3], $0xF7A  }
0x26: {  	[smem:$0x3F9F] =	sst s1;
	(tag) =	ssettag s2;
	_ =	strace s9  }
0x27: {  	s1 =	sld [smem:$0x3FAF]  }
0x28: {  	s2 =	sld [smem:$0x3FB0]  }
0x29: {  	s4 =	sld [smem:$0x3FB2]  }
0x2a: {  	p0 =	seq.s32 s5, $0x0;
	s5 =	sld [smem:$0x3FB3]  }
0x2b: {  	s6 =	sld [smem:$0x3FB4]  }
0x2c: {  	s7 =	sld [smem:$0x3FB5]  }
0x2d: {  	s3 =	simm.s32 $0x108;
	s8 =	sld [smem:$0x3FB6]  }
0x2e: {  	s3 =	simm.s32 @!p0 $0x1082;
	s9 =	sld [smem:$0x3FB7]  }
0x2f: {  	lr =	sadd.s32 s0, s3;
	s0 =	sld [smem:$0x3FAE]  }
0x30: {  	s3 =	sld [smem:$0x3FB1]  }
0x31: {  	[smem:$0x3FBA] =	sst s10  }
0x32: {  	s10 =	sld [smem:$0x3FB8];
	_ =	sdelay $0x3  }
0x33: {  	p0 =	seq.s32 s10, $0x1;
	s10 =	sld [smem:$0x3FBA];
	_ =	sdelay $0x3  }
0x34: {  	[smem:$0x3FBA] =	sst s10  }
0x35: {  	s10 =	sld [smem:$0x3FB9];
	_ =	sdelay $0x3  }
0x36: {  	p1 =	seq.s32 s10, $0x1;
	s10 =	sld [smem:$0x3FBA];
	_ =	sdelay $0x3  }
0x37: {  	[smem:$0x3FBA] =	sst s10  }
0x38: {  	s10 =	sld [smem:$0x3FBB]  }
0x39: {  	_ = 	snop;
	(pc) =	sbr.ind lr, $3  }
0x3a: {  	_ = 	snop  }
0x3b: {  	_ = 	snop  }
0x3c: {  	p2 =	seq.s32 s10, $0x1;
	s10 =	sld [smem:$0x3FBA]  }
0x3d: {  	_ =	shalt  }
0x3e: {  	_ =	shalt  }
0x3f: {  	_ =	shalt  }
0x40: {  	_ =	shalt  }
0x41: {  	_ =	shalt  }
0x42: {  	_ =	shalt  }
0x43: {  	_ =	shalt  }
0x44: {  	_ =	shalt  }
0x45: {  	_ =	shalt  }
0x46: {  	_ =	shalt  }
0x47: {  	_ =	shalt  }
0x48: {  	_ =	shalt  }
0x49: {  	_ =	shalt  }
0x4a: {  	_ =	shalt  }
0x4b: {  	_ =	shalt  }
0x4c: {  	_ =	shalt  }
0x4d: {  	_ =	shalt  }
0x4e: {  	_ =	shalt  }
0x4f: {  	_ =	shalt  }
0x50: {  	_ =	shalt  }
0x51: {  	_ =	shalt  }
0x52: {  	_ =	shalt  }
0x53: {  	_ =	shalt  }
0x54: {  	_ =	shalt  }
0x55: {  	_ =	shalt  }
0x56: {  	_ =	shalt  }
0x57: {  	_ =	shalt  }
0x58: {  	_ =	shalt  }
0x59: {  	_ =	shalt  }
0x5a: {  	_ =	shalt  }
0x5b: {  	_ =	shalt  }
0x5c: {  	_ =	shalt  }
0x5d: {  	_ =	shalt  }
0x5e: {  	_ =	shalt  }
0x5f: {  	_ =	shalt  }
0x60: {  	_ =	shalt  }
0x61: {  	_ =	shalt  }
0x62: {  	_ =	shalt  }
0x63: {  	_ =	shalt  }
0x64: {  	_ =	shalt  }
0x65: {  	_ =	shalt  }
0x66: {  	_ =	shalt  }
0x67: {  	_ =	shalt  }
0x68: {  	_ =	shalt  }
0x69: {  	_ =	shalt  }
0x6a: {  	_ =	shalt  }
0x6b: {  	_ =	shalt  }
0x6c: {  	_ =	shalt  }
0x6d: {  	_ =	shalt  }
0x6e: {  	_ =	shalt  }
0x6f: {  	_ =	shalt  }
0x70: {  	_ =	shalt  }
0x71: {  	_ =	shalt  }
0x72: {  	_ =	shalt  }
0x73: {  	_ =	shalt  }
0x74: {  	_ =	shalt  }
0x75: {  	_ =	shalt  }
0x76: {  	_ =	shalt  }
0x77: {  	_ =	shalt  }
0x78: {  	_ =	shalt  }
0x79: {  	_ =	shalt  }
0x7a: {  	_ =	shalt  }
0x7b: {  	_ =	shalt  }
0x7c: {  	_ =	shalt  }
0x7d: {  	_ =	shalt  }
0x7e: {  	_ =	shalt  }
0x7f: {  	_ =	shalt  }
0x80: {  	_ =	shalt  }
0x81: {  	_ =	shalt  }
0x82: {  	_ =	shalt  }
0x83: {  	_ =	shalt  }
0x84: {  	_ =	shalt  }
0x85: {  	_ =	shalt  }
0x86: {  	_ =	shalt  }
0x87: {  	_ =	shalt  }
.Lfunc_end0:
.L_simem_size_0:
called_computation_lowered:
.L_overlay_start_0:
0x88: {  	s2 =	sld [smem:$0x3FD9]  }
0x89: {  	s3 =	sld [smem:$0x3FFE];
	_ =	sdelay $0x1  }
0x8a: {  	s1 =	srdreg.scid  }
0x8b: {  	s0 =	sand.u32 $0x1, s1  }
0x8c: {  	s17 =	sshll.u32 s0, $0xA;
	s2 =	sadd.s32 s3, s2  }
0x8d: {  	s2 =	sadd.s32 s2, s17  }
0x8e: {  	[smem:$0x3FC6] =	sst s2  }
0x8f: {  	_ = 	snop  }
0x90: {  	s2 =	sld [smem:$0x3FC8]  }
0x91: {  	s18 =	sld [smem:$0x3FD0];
	(tm) =	ssettm $0x1  }
0x92: {  	s4 =	sld [smem:$0x3FFB];
	_ =	sdelay $0x3  }
0x93: {  	_ =	strace s4  }
0x94: {  	s4 =	sld [smem:$0x3FFC];
	_ =	sdelay $0x3  }
0x95: {  	_ =	strace s4  }
0x96: {  	s4 =	sld [smem:$0x3FFD];
	_ =	sdelay $0x3  }
0x97: {  	_ =	strace s4  }
0x98: {  	_ =	strace $0x8FFFFFFF  }
0x99: {  	s19 =	sld [smem:$0x3FDB];
	_ =	sdelay $0x1  }
0x9a: {  	s5 =	simm.s32 $_scs_section_size  }
0x9b: {  	s6 =	simm.s32 $_size__tile_overlayer_lowered;
	s7 =	simm.s32 $_tile_overlayer_lowered  }
0x9c: {  	s22 =	simm.s32 $0x1BFF;
	s21 =	sshll.u32 s7, $0x1;
	s4 =	sadd.s32 s5, s19  }
0x9d: {  	s8 =	simm.s32 $0x0;
	s20 =	sshll.u32 s6, $0x1;
	s6 =	sadd.s32 s21, s4  }
0x9e: {  	[timem:s8], [sflag:s22] =	dma.local [hbm:s6], s20  }
0x9f: {  	_ =	swait.ge [sflag:s22], s20  }
0xa0: {  	s5 =	ssub.s32 $0x0, s20;
	[sflag:s22] =	ssyncset.done $0x0  }
0xa1: {  	[sflag:s22] =	ssyncadd.s32 s5;
	_ =	sdelay $0x1  }
0xa2: {  	s23 =	simm.s32 $0x1B8B  }
0xa3: {  	_ =	swait.ge [sflag:s23], $0x1  }
0xa4: {  	[sflag:s23] =	ssyncset.done $0x0  }
0xa5: {  	s25 =	simm.s32 $0x1B8E;
	s24 =	sld [smem:$0x3FFE];
	[sflag:s23] =	ssyncadd.s32 $0xFFFFFFFF  }
0xa6: {  	s26 =	simm.s32 $execute0_lowered;
	[smem:$0x3FD2] =	sst s25  }
0xa7: {  	s6 =	sshll.u32 s26, $0x1;
	_ =	strace $0x80000046;
	[dreg:$0x1] =	wrdreg $0xFFFFFFFF  }
0xa8: {  	s28 =	simm.s32 $_size_execute0_lowered;
	s4 =	sadd.s32 s4, s6;
	[dreg:$0x0] =	wrdreg $0x0  }
0xa9: {  	s6 =	sshll.u32 s28, $0x1;
	[dreg:$0x2] =	wrdreg s4  }
0xaa: {  	[dreg:$0x3] =	wrdreg s6  }
0xab: {  	[dreg:$0x4] =	wrdreg $0xC0  }
0xac: {  	_ =	task [dreg:s8], $0x5FFFF  }
0xad: {  	[dreg:$0x1] =	wrdreg $0xFFFFFFFF  }
0xae: {  	[dreg:$0x0] =	wrdreg $0x60  }
0xaf: {  	[dreg:$0x2] =	wrdreg s2  }
0xb0: {  	[dreg:$0x3] =	wrdreg s18  }
0xb1: {  	[dreg:$0x4] =	wrdreg s24  }
0xb2: {  	[dreg:$0x5] =	wrdreg $0x9  }
0xb3: {  	_ =	task.clear_ibuf [dreg:s8], $0x6FFFF;
	_ =	strace $0x90000046  }
0xb4: {  	s29 =	simm.s32 $0x9;
	_ =	strace $0x80000048  }
0xb5: {  	_ =	swait.ge [sflag:s29], $0x1  }
0xb6: {  	[sflag:s29] =	ssyncadd.s32 $0xFFFFFFFF  }
0xb7: {  	_ =	strace $0x90000048  }
0xb8: {  	_ =	sfence  }
0xb9: {  	s30 =	sld [smem:$0x0];
	_ =	sdelay $0x2  }
0xba: {  	s31 =	sshll.u32 s1, $0xD;
	s1 =	sshrl.u32 s1, $0x2  }
0xbb: {  	s3 =	sand.u32 $0x4000, s31;
	s1 =	sadd.s32 s1, s30  }
0xbc: {  	s0 =	sor.u32 s3, s0;
	s1 =	sshll.u32 s1, $0x11  }
0xbd: {  	s0 =	sor.u32 s1, s0  }
0xbe: {  	s0 =	sadd.s32 $0x8F2B, s0  }
0xbf: {  	[sflag:s0] =	ssyncadd.remote.s32 $0x1  }
0xc0: {  	_ =	sfence.sel $0xFFFF  }
0xc1: {  	[dreg:$0x0] =	wrdreg $0xFFFFFFFF;
	(pc) =	sbr.abs _section_cstart, $3  }
0xc2: {  	[dreg:$0x1] =	wrdreg $0xFFFFFFFF  }
0xc3: {  	_ =	task.clear_ibuf [dreg:s8], $0x2FFFF;
	_ =	strace $0x9FFFFFFF  }
0xc4: {  	(tm) =	ssettm $0x7FFFFFFF  }
0xc5: {  	_ =	shalt  }
tec
execute0_lowered:
.L_overlay_start_1:
0x0: {  	(tag) =	ssettag $0x1  }
0x1: {  	v0 =	vimm.s32 $0x4B0A4908;
	v1 =	vimm.s32 $0x4F0E4D0C  }
0x2: {  	vm0 =	vcmask $0x1F10;
	v3 =	vimm.s32 $0x47064504;
	v4 =	vimm.s32 $0x5B1A5918  }
0x3: {  	s0 =	rddreg [dreg:$0x0];
	v5 =	vimm.s32 $0x5F1E5D1C;
	v6 =	vimm.s32 $0x53125110;
	v7 =	vimm.s32 $0x57165514  }
0x4: {  	s1 =	rddreg [dreg:$0x1];
	v8 =	vimm.s32 $0x7B3A7938;
	v2 =	vunpack.c.0.s8.s32 v0;
	v1 =	vunpack.c.0.s8.s32 v1  }
0x5: {  	s11 =	rddreg [dreg:$0x2];
	v9 =	vimm.s32 $0x7F3E7D3C;
	v10 =	vimm.s32 $0x73327130;
	v11 =	vimm.s32 $0x77367534  }
0x6: {  	s2 =	rddreg [dreg:$0x3];
	s4 =	simm.s32 $0x0;
	v0 =	vlaneseq.u32;
	v2 =	vsel vm0, v1, v2;
	v1 =	vimm.s32 $0x43024100  }
0x7: {  	s5 =	srdreg.scid;
	s3 =	stileid.u32;
	s14 =	simm.s32 $0x3;
	v3 =	vunpack.c.0.s8.s32 v3;
	v4 =	vunpack.c.0.s8.s32 v4;
	v1 =	vunpack.c.0.s8.s32 v1  }
0x8: {  	s15 =	simm.s32 $0x400;
	s16 =	simm.s32 $0x7A1400;
	s18 =	simm.s32 $0x4000;
	v5 =	vunpack.c.0.s8.s32 v5;
	v6 =	vunpack.c.0.s8.s32 v6;
	v7 =	vunpack.c.0.s8.s32 v7  }
0x9: {  	s20 =	simm.s32 $0x2000;
	s21 =	simm.s32 $0x6000;
	[smem:$0x7FF] =	sst s4;
	v8 =	vunpack.c.0.s8.s32 v8;
	v9 =	vunpack.c.0.s8.s32 v9;
	v3 =	vsel vm0, v3, v1  }
0xa: {  	s5 =	sand.u32 $0x1, s5;
	s6 =	sshll.u32 s3, $0x1;
	v10 =	vunpack.c.0.s8.s32 v10;
	v11 =	vunpack.c.0.s8.s32 v11;
	_ =	strace $0x80000047;
	v2 =	vcombine.low v3, v2  }
0xb: {  	s7 =	ssub.s32 $0x2, s5;
	s22 =	sor.u32 s5, s6;
	s5 =	sadd.s32 $0xA00, s11;
	v3 =	vsel vm0, v5, v4;
	v4 =	vsel vm0, v7, v6;
	v5 =	vimm.s32 $0x6B2A6928  }
0xc: {  	s17 =	simm.s32 $0x1;
	s19 =	simm.s32 $0x2;
	s11 =	sadd.s32 $0x7A1A00, s11;
	v6 =	vimm.s32 $0x6F2E6D2C;
	v7 =	vimm.s32 $0x67266524;
	v3 =	vcombine.low v4, v3  }
0xd: {  	s31 =	sshrl.u32 s7, $0x1;
	s8 =	ssub.s32 $0x1EA3, s22;
	s9 =	sshll.u32 s22, $0x7;
	v4 =	vunpack.c.0.s8.s32 v5;
	v5 =	vunpack.c.0.s8.s32 v6;
	v6 =	vimm.s32 $0x63226120  }
.Ltmp0:
0xe: {  	v8 =	vsel vm0, v9, v8;
	s13 =	ssub.s32 s7, s31;
	s6 =	sshrl.u32 s8, $0x5;
	v7 =	vunpack.c.0.s8.s32 v7;
	v6 =	vunpack.c.0.s8.s32 v6;
	(pc) =	sbr.rel .LBB2_1-.Ltmp0, $4  }
0xf: {  	v9 =	vsel vm0, v11, v10;
	v10 =	vor.u32 $0x20, v0;
	v11 =	vor.u32 $0x30, v0;
	s7 =	sshll.u32 s22, $0xA;
	s8 =	sshll.u32 s22, $0xD;
	s9 =	sadd.s32 s0, s9  }
0x10: {  	s10 =	sadd.s32 $0x1, s6;
	s12 =	sand.u32 $0x1, s6;
	s13 =	smax.u32 s13, $0x1;
	v1 =	vmul.u32 $0x80, v0;
	v12 =	vsel vm0, v5, v4;
	v6 =	vsel vm0, v7, v6  }
0x11: {  	v8 =	vcombine.low v9, v8;
	v9 =	vor.u32 $0x10, v0;
	s10 =	sshrl.u32 s10, $0x1;
	p0 =	seq.s32 s12, $0x1;
	s12 =	simm.s32 $0x3;
	v6 =	vcombine.low v6, v12  }
0x12: {  	s12 =	simm.s32 @!p0 $0x4;
	p0 =	sne.s32 s22, $0x4;
	s22 =	simm.s32 $0x0;
	v4 =	vor.u32 $0x800, v1;
	v5 =	vor.u32 $0x1000, v1;
	v7 =	vor.u32 $0x1800, v1  }
.LBB2_12:
0x13: {  	_ =	swait.ge [sflag:s12], $0x2000  }
0x14: {  	s23 =	simm.s32 @!p0 $0x0;
	[sflag:s12] =	ssyncset.done $0x0  }
0x15: {  	s24 =	simm.s32 @!p0 $0x4000;
	s25 =	simm.s32 @!p0 $0x5;
	[sflag:s12] =	ssyncadd.s32 $0xFFFFE000  }
0x16: {  	[tilespmem:s24], [sflag:$0x5] =	stream.linear.gather @!p0 [hbm4b:s1+s23], $0x1000, $0x38;
	[tilespmem:$0x8000] =	vst v63  }
0x17: {  	s22 =	sadd.s32 $0x1, s22;
	_ =	swait.ge @!p0 [sflag:s25], $0x1000  }
0x18: {  	p1 =	sne.s32 s22, s13;
	[sflag:s25] =	ssyncset.done @!p0 $0x0  }
.Ltmp1:
0x19: {  	[sflag:s25] =	ssyncadd.s32 @!p0 $0xFFFFF000;
	(pc) =	sbr.rel @!p1 .LBB2_13-.Ltmp1, $4  }
0x1a: {  	[hbm4b:s11+s23] =	stream.linear.scatter @!p0 [tilespmem:s24], [sflag:$0x5], $0x1000, $0x38;
	[tilespmem:$0x8000] =	vst v63  }
0x1b: {  	_ =	swait.ge @!p0 [sflag:s25], $0x1000  }
0x1c: {  	[sflag:s25] =	ssyncset.done @!p0 $0x0  }
0x1d: {  	[sflag:s25] =	ssyncadd.s32 @!p0 $0xFFFFF000  }
.LBB2_1:
.Ltmp2:
0x1e: {  	(pc) =	sbr.rel .LBB2_2-.Ltmp2, $3  }
0x1f: {  	_ =	sdelay $0x1  }
0x20: {  	[tilespmem:s4], [sflag:$0x1] =	stream.strided.gather [hbm4b:s9+s15], $0x2000, s16, s15, $0x38;
	[tilespmem:$0x8000] =	vst v63  }
0x21: {  	s23 =	simm.s32 $0x0  }
.LBB2_10:
0x22: {  	_ =	sdelay $0x2  }
0x23: {  	v40 =	vor.u32 v4, v13  }
0x24: {  	[tilespmem:v38+s21+$0x0] =	vst.idx.msk $0xffff, v36  }
0x25: {  	[tilespmem:v26+s21+$0x0] =	vst.idx.msk $0xffff, v37;
	v61 =	vor.u32 v9, v20;
	v60 =	vld.idx.msk [tilespmem:v39+s20+$0x0], $0xffff  }
0x26: {  	[tilespmem:v35+s21+$0x0] =	vst.idx.msk $0xffff, v31;
	v62 =	vor.u32 v5, v18;
	v63 =	vor.u32 v3, v21;
	v24 =	vld.idx.msk [tilespmem:v24+s20+$0x0], $0xffff  }
0x27: {  	[tilespmem:v34+s21+$0x0] =	vst.idx.msk $0xffff, v30;
	v44 =	vor.u32 v5, v14;
	v45 =	vor.u32 v3, v17;
	v33 =	vld.idx.msk [tilespmem:v33+s20+$0x0], $0xffff  }
0x28: {  	v46 =	vor.u32 v5, v15;
	v47 =	vor.u32 v9, v16;
	v48 =	vld.idx.msk [tilespmem:v40+s20+$0x0], $0xffff  }
0x29: {  	v49 =	vor.u32 v5, v13  }
0x2a: {  	[tilespmem:v61+s21+$0x0] =	vst.idx.msk $0xffff, v60  }
0x2b: {  	v50 =	vor.u32 v10, v20;
	[tilespmem:v63+s21+$0x0] =	vst.idx.msk $0xffff, v24;
	v51 =	vld.idx.msk [tilespmem:v62+s20+$0x0], $0xffff  }
0x2c: {  	v52 =	vor.u32 v6, v21;
	v53 =	vor.u32 v7, v18;
	[tilespmem:v45+s21+$0x0] =	vst.idx.msk $0xffff, v33;
	v30 =	vld.idx.msk [tilespmem:v44+s20+$0x0], $0xffff  }
0x2d: {  	v54 =	vor.u32 v6, v17;
	v55 =	vor.u32 v7, v14;
	v33 =	vld.idx.msk [tilespmem:v46+s20+$0x0], $0xffff;
	[tilespmem:v47+s21+$0x0] =	vst.idx.msk $0xffff, v48  }
0x2e: {  	[tilespmem:v32+s21+$0x0] =	vst.idx.msk $0xffff, v29;
	v57 =	vor.u32 v10, v16;
	v58 =	vor.u32 v7, v15;
	v56 =	vld.idx.msk [tilespmem:v49+s20+$0x0], $0xffff  }
0x2f: {  	v27 =	vld.idx.msk [tilespmem:v27+s20+$0x0], $0xffff;
	[tilespmem:v12+s21+$0x0] =	vst.idx.msk $0xffff, v28;
	v59 =	vor.u32 v7, v13  }
0x30: {  	v60 =	vld.idx.msk [tilespmem:v25+s20+$0x0], $0xffff;
	[tilespmem:v50+s21+$0x0] =	vst.idx.msk $0xffff, v51  }
0x31: {  	v61 =	vor.u32 v11, v20;
	[tilespmem:v52+s21+$0x0] =	vst.idx.msk $0xffff, v30;
	v18 =	vld.idx.msk [tilespmem:v53+s20+$0x0], $0xffff  }
0x32: {  	[tilespmem:v54+s21+$0x0] =	vst.idx.msk $0xffff, v33;
	v14 =	vld.idx.msk [tilespmem:v55+s20+$0x0], $0xffff  }
0x33: {  	v62 =	vor.u32 v8, v17;
	v15 =	vld.idx.msk [tilespmem:v58+s20+$0x0], $0xffff;
	[tilespmem:v57+s21+$0x0] =	vst.idx.msk $0xffff, v56  }
0x34: {  	[tilespmem:v23+s21+$0x0] =	vst.idx.msk $0xffff, v27;
	v63 =	vor.u32 v11, v16;
	v12 =	vld.idx.msk [tilespmem:v59+s20+$0x0], $0xffff  }
0x35: {  	[tilespmem:v22+s21+$0x0] =	vst.idx.msk $0xffff, v60  }
0x36: {  	s24 =	sshll.u32 s24, $0x12;
	[tilespmem:v61+s21+$0x0] =	vst.idx.msk $0xffff, v18  }
0x37: {  	s24 =	sor.u32 s8, s24;
	[tilespmem:v19+s21+$0x0] =	vst.idx.msk $0xffff, v14  }
0x38: {  	s24 =	sshrl.u32 s24, $0x3;
	[tilespmem:v62+s21+$0x0] =	vst.idx.msk $0xffff, v15  }
0x39: {  	s24 =	sadd.s32 s5, s24;
	[tilespmem:v63+s21+$0x0] =	vst.idx.msk $0xffff, v12  }
0x3a: {  	[hbm4b:s24+s4] =	stream.linear.scatter [tilespmem:s21], [sflag:$0x4], $0x2000, $0x38;
	[tilespmem:$0x8000] =	vst v63  }
.LBB2_11:
0x3b: {  	s23 =	sadd.s32 $0x1, s23  }
0x3c: {  	p1 =	sne.s32 s23, s10  }
.Ltmp3:
0x3d: {  	_ = 	snop;
	(pc) =	sbr.rel @!p1 .LBB2_12-.Ltmp3, $1  }
0x3e: {  	_ =	sdelay $0x3  }
.LBB2_2:
0x3f: {  	s25 =	sshll.u32 s23, $0x1  }
0x40: {  	p1 =	slt.u32 s25, s6  }
.Ltmp4:
0x41: {  	_ = 	snop;
	(pc) =	sbr.rel @!p1 .LBB2_3-.Ltmp4, $1  }
0x42: {  	_ =	sdelay $0x3  }
0x43: {  	_ =	swait.ge [sflag:s17], $0x2000;
	s24 =	sor.u32 $0x1, s25;
	s26 =	simm.s32 $0x0  }
0x44: {  	p2 =	seq.s32 s23, $0x0;
	s29 =	simm.s32 $0x3;
	s30 =	simm.s32 $0x2;
	v12 =	vadd.s32 s26, v0  }
0x45: {  	s31 =	simm.s32 $0x1;
	[sflag:s17] =	ssyncset.done $0x0;
	p1 =	sge.u32 s24, s6;
	v13 =	vadd.s32 s29, v0;
	v15 =	vadd.s32 s30, v0;
	v22 =	vand.u32 $0x7F, v12  }
0x46: {  	s26 =	simm.s32 @!p2 $0x4;
	v17 =	vadd.s32 s31, v0;
	[sflag:s17] =	ssyncadd.s32 $0xFFFFE000;
	s28 =	sshll.u32 @!p1 s24, $0xF;
	v19 =	vand.u32 $0x7F, v13;
	v14 =	vor.u32 v1, v22  }
0x47: {  	v23 =	vand.u32 $0x7F, v15;
	s29 =	simm.s32 @!p1 $0x400;
	v12 =	vshll.u32 v12, $0x6;
	_ =	swait.ge @!p2 [sflag:s26], $0x2000;
	s28 =	sor.u32 @!p1 s7, s28;
	v16 =	vor.u32 v1, v19  }
0x48: {  	s30 =	simm.s32 @!p1 $0x7A1400;
	v25 =	vand.u32 $0x7F, v17;
	v13 =	vshll.u32 v13, $0x6;
	v18 =	vor.u32 v1, v23;
	[sflag:s26] =	ssyncset.done @!p2 $0x0;
	s28 =	sshrl.u32 @!p1 s28, $0x3  }
0x49: {  	v15 =	vshll.u32 v15, $0x6;
	v28 =	vand.u32 $0x1F80, v12;
	v12 =	vor.u32 v1, v25;
	[sflag:s26] =	ssyncadd.s32 @!p2 $0xFFFFE000;
	s26 =	sadd.s32 @!p1 s0, s28;
	s28 =	simm.s32 @!p1 $0x2000  }
0x4a: {  	v17 =	vshll.u32 v17, $0x6;
	v32 =	vand.u32 $0x1FC0, v13;
	v26 =	vand.u32 $0x1F80, v15;
	[tilespmem:s28], [sflag:$0x2] =	stream.strided.gather @!p1 [hbm4b:s26+s29], $0x2000, s30, s29, $0x38;
	[tilespmem:$0x8000] =	vst v63  }
0x4b: {  	v13 =	vor.u32 v4, v22;
	v29 =	vand.u32 $0x1FC0, v17;
	v20 =	vor.u32 v2, v28;
	v14 =	vld.idx.msk [tilespmem:v14+s4+$0x0], $0xffff  }
0x4c: {  	v17 =	vor.u32 v4, v23;
	v24 =	vor.u32 v4, v19;
	v15 =	vld.idx.msk [tilespmem:v16+s4+$0x0], $0xffff;
	v16 =	vor.u32 v0, v32  }
0x4d: {  	v31 =	vor.u32 v5, v23;
	v34 =	vor.u32 v5, v25;
	v21 =	vor.u32 v2, v26;
	v18 =	vld.idx.msk [tilespmem:v18+s4+$0x0], $0xffff  }
0x4e: {  	v35 =	vor.u32 v5, v19;
	v48 =	vor.u32 v7, v19;
	v30 =	vor.u32 v0, v29;
	v27 =	vld.idx.msk [tilespmem:v12+s4+$0x0], $0xffff  }
0x4f: {  	v63 =	vor.u32 v7, v23;
	v37 =	vor.u32 v6, v28;
	v39 =	vor.u32 v10, v32  }
0x50: {  	v33 =	vor.u32 v3, v28;
	[tilespmem:v20+s18+$0x0] =	vst.idx.msk $0xffff, v14;
	v14 =	vor.u32 v4, v25  }
0x51: {  	v36 =	vor.u32 v9, v29;
	v47 =	vor.u32 v6, v26;
	[tilespmem:v16+s18+$0x0] =	vst.idx.msk $0xffff, v15;
	v20 =	vld.idx.msk [tilespmem:v13+s4+$0x0], $0xffff  }
0x52: {  	s31 =	simm.s32 $0x7;
	s29 =	simm.s32 $0x4;
	v16 =	vor.u32 v5, v22;
	[tilespmem:v21+s18+$0x0] =	vst.idx.msk $0xffff, v18;
	v21 =	vld.idx.msk [tilespmem:v24+s4+$0x0], $0xffff;
	v24 =	vor.u32 v9, v32  }
0x53: {  	v41 =	vadd.s32 s31, v0;
	[tilespmem:v30+s18+$0x0] =	vst.idx.msk $0xffff, v27;
	v27 =	vor.u32 v3, v26;
	v30 =	vadd.s32 s29, v0;
	v38 =	vld.idx.msk [tilespmem:v17+s4+$0x0], $0xffff  }
0x54: {  	v49 =	vor.u32 v10, v29;
	v23 =	vor.u32 v8, v28;
	s28 =	simm.s32 $0x5;
	s30 =	simm.s32 $0x6;
	v15 =	vand.u32 $0x7F, v30  }
0x55: {  	v40 =	vadd.s32 s30, v0;
	v17 =	vadd.s32 s28, v0;
	v44 =	vor.u32 v1, v15;
	v42 =	vld.idx.msk [tilespmem:v14+s4+$0x0], $0xffff  }
0x56: {  	v12 =	vor.u32 v8, v26;
	v18 =	vand.u32 $0x7F, v41;
	v13 =	vand.u32 $0x7F, v17;
	[tilespmem:v33+s18+$0x0] =	vst.idx.msk $0xffff, v20  }
0x57: {  	v25 =	vor.u32 v7, v25;
	v60 =	vor.u32 v1, v13;
	[tilespmem:v24+s18+$0x0] =	vst.idx.msk $0xffff, v21;
	v45 =	vld.idx.msk [tilespmem:v16+s4+$0x0], $0xffff  }
0x58: {  	v61 =	vor.u32 v1, v18;
	v30 =	vshll.u32 v30, $0x6;
	v14 =	vand.u32 $0x7F, v40;
	[tilespmem:v27+s18+$0x0] =	vst.idx.msk $0xffff, v38;
	v46 =	vld.idx.msk [tilespmem:v35+s4+$0x0], $0xffff  }
0x59: {  	v32 =	vor.u32 v11, v32;
	v43 =	vor.u32 v1, v14;
	v20 =	vshll.u32 v40, $0x6;
	v62 =	vld.idx.msk [tilespmem:v31+s4+$0x0], $0xffff  }
0x5a: {  	v24 =	vor.u32 v4, v14;
	v33 =	vor.u32 v4, v15;
	v31 =	vld.idx.msk [tilespmem:v44+s4+$0x0], $0xffff;
	[tilespmem:v36+s18+$0x0] =	vst.idx.msk $0xffff, v42  }
0x5b: {  	v16 =	vshll.u32 v17, $0x6;
	v21 =	vand.u32 $0x1F80, v20;
	v17 =	vand.u32 $0x1F80, v30;
	v42 =	vld.idx.msk [tilespmem:v34+s4+$0x0], $0xffff  }
0x5c: {  	v20 =	vshll.u32 v41, $0x6;
	v16 =	vand.u32 $0x1FC0, v16;
	v35 =	vor.u32 v2, v17;
	v30 =	vld.idx.msk [tilespmem:v60+s4+$0x0], $0xffff  }
0x5d: {  	v20 =	vand.u32 $0x1FC0, v20;
	v36 =	vld.idx.msk [tilespmem:v61+s4+$0x0], $0xffff;
	v34 =	vor.u32 v0, v16;
	[tilespmem:v37+s18+$0x0] =	vst.idx.msk $0xffff, v45  }
0x5e: {  	v27 =	vor.u32 v7, v22;
	v38 =	vor.u32 v0, v20;
	v37 =	vld.idx.msk [tilespmem:v43+s4+$0x0], $0xffff;
	[tilespmem:v39+s18+$0x0] =	vst.idx.msk $0xffff, v46  }
0x5f: {  	v22 =	vor.u32 v11, v29;
	v26 =	vor.u32 v2, v21;
	[tilespmem:v47+s18+$0x0] =	vst.idx.msk $0xffff, v62;
	v29 =	vld.idx.msk [tilespmem:v48+s4+$0x0], $0xffff  }
0x60: {  	s26 =	simm.s32 $0x8;
	v19 =	vor.u32 v8, v21;
	v39 =	vor.u32 v4, v18;
	v28 =	vld.idx.msk [tilespmem:v63+s4+$0x0], $0xffff;
	[tilespmem:v49+s18+$0x0] =	vst.idx.msk $0xffff, v42  }
.LBB2_5:
0x61: {  	p1 =	slt.u32 s26, $0x7C;
	[tilespmem:v35+s18+$0x0] =	vst.idx.msk $0xffff, v31;
	v40 =	vor.u32 v6, v17;
	v41 =	vor.u32 v10, v20;
	v25 =	vld.idx.msk [tilespmem:v25+s4+$0x0], $0xffff;
	s28 =	smov.u32 s26;
	s26 =	sadd.s32 $0x4, s26  }
0x62: {  	v31 =	vld.idx.msk [tilespmem:v33+s4+$0x0], $0xffff;
	[tilespmem:v34+s18+$0x0] =	vst.idx.msk $0xffff, v30;
	v30 =	vor.u32 v4, v13;
	v33 =	vor.u32 v5, v14  }
0x63: {  	v35 =	vor.u32 v5, v13;
	v34 =	vor.u32 v3, v17;
	[tilespmem:v38+s18+$0x0] =	vst.idx.msk $0xffff, v36;
	v27 =	vld.idx.msk [tilespmem:v27+s4+$0x0], $0xffff  }
0x64: {  	v36 =	vor.u32 v5, v15;
	[tilespmem:v26+s18+$0x0] =	vst.idx.msk $0xffff, v37;
	v26 =	vor.u32 v5, v18;
	v37 =	vmov v18  }
0x65: {  	v42 =	vor.u32 v3, v21;
	v38 =	vor.u32 v9, v16;
	v39 =	vld.idx.msk [tilespmem:v39+s4+$0x0], $0xffff;
	[tilespmem:v32+s18+$0x0] =	vst.idx.msk $0xffff, v29  }
0x66: {  	s29 =	sadd.s32 $0x1, s28;
	s30 =	sadd.s32 $0x2, s28;
	v29 =	vadd.s32 s28, v0;
	s28 =	sadd.s32 $0x3, s28;
	v32 =	vor.u32 v9, v20;
	v24 =	vld.idx.msk [tilespmem:v24+s4+$0x0], $0xffff;
	[tilespmem:v12+s18+$0x0] =	vst.idx.msk $0xffff, v28;
	v28 =	vmov v15  }
0x67: {  	v45 =	vmovc v21;
	v46 =	vmovc v17;
	v43 =	vadd.s32 s30, v0;
	v12 =	vadd.s32 s29, v0;
	v44 =	vadd.s32 s28, v0;
	v30 =	vld.idx.msk [tilespmem:v30+s4+$0x0], $0xffff  }
0x68: {  	v49 =	vmovc v16;
	v50 =	vmovc v20;
	v48 =	vand.u32 $0x7F, v43;
	v47 =	vand.u32 $0x7F, v12;
	v18 =	vand.u32 $0x7F, v44;
	[tilespmem:v34+s18+$0x0] =	vst.idx.msk $0xffff, v31  }
0x69: {  	v51 =	vor.u32 v1, v48;
	v15 =	vand.u32 $0x7F, v29;
	v34 =	vor.u32 v1, v47;
	[tilespmem:v23+s18+$0x0] =	vst.idx.msk $0xffff, v27  }
0x6a: {  	v16 =	vshll.u32 v43, $0x6;
	v23 =	vor.u32 v1, v15;
	v27 =	vor.u32 v1, v18;
	[tilespmem:v22+s18+$0x0] =	vst.idx.msk $0xffff, v25  }
0x6b: {  	v21 =	vand.u32 $0x1F80, v16;
	v17 =	vshll.u32 v29, $0x6;
	v20 =	vshll.u32 v12, $0x6;
	v12 =	vmovc v19;
	v22 =	vld.idx.msk [tilespmem:v36+s4+$0x0], $0xffff;
	[tilespmem:v32+s18+$0x0] =	vst.idx.msk $0xffff, v39  }
0x6c: {  	v17 =	vand.u32 $0x1F80, v17;
	v16 =	vand.u32 $0x1FC0, v20;
	v19 =	vshll.u32 v44, $0x6;
	[tilespmem:v42+s18+$0x0] =	vst.idx.msk $0xffff, v24;
	v29 =	vld.idx.msk [tilespmem:v26+s4+$0x0], $0xffff  }
0x6d: {  	v20 =	vand.u32 $0x1FC0, v19;
	v24 =	vor.u32 v4, v48;
	[tilespmem:v38+s18+$0x0] =	vst.idx.msk $0xffff, v30;
	v32 =	vld.idx.msk [tilespmem:v33+s4+$0x0], $0xffff  }
0x6e: {  	v43 =	vor.u32 v10, v49;
	v44 =	vor.u32 v7, v37;
	v39 =	vor.u32 v6, v45;
	v42 =	vld.idx.msk [tilespmem:v35+s4+$0x0], $0xffff  }
0x6f: {  	v25 =	vor.u32 v7, v13;
	v45 =	vor.u32 v7, v14;
	v26 =	vor.u32 v2, v21;
	v31 =	vld.idx.msk [tilespmem:v23+s4+$0x0], $0xffff  }
.Ltmp5:
0x70: {  	v19 =	vor.u32 v8, v21;
	v13 =	vmovc v47;
	v14 =	vmov v48;
	v35 =	vor.u32 v2, v17;
	v30 =	vld.idx.msk [tilespmem:v34+s4+$0x0], $0xffff;
	(pc) =	sbr.rel @p1 .LBB2_5-.Ltmp5, $4  }
0x71: {  	v33 =	vor.u32 v4, v15;
	v34 =	vor.u32 v0, v16;
	v36 =	vld.idx.msk [tilespmem:v27+s4+$0x0], $0xffff;
	[tilespmem:v40+s18+$0x0] =	vst.idx.msk $0xffff, v22  }
0x72: {  	v38 =	vor.u32 v0, v20;
	v27 =	vor.u32 v7, v28;
	v37 =	vld.idx.msk [tilespmem:v51+s4+$0x0], $0xffff;
	[tilespmem:v41+s18+$0x0] =	vst.idx.msk $0xffff, v29  }
0x73: {  	v23 =	vor.u32 v8, v46;
	v22 =	vor.u32 v11, v49;
	[tilespmem:v39+s18+$0x0] =	vst.idx.msk $0xffff, v32;
	v29 =	vld.idx.msk [tilespmem:v44+s4+$0x0], $0xffff  }
0x74: {  	v39 =	vor.u32 v4, v18;
	v32 =	vor.u32 v11, v50;
	[tilespmem:v43+s18+$0x0] =	vst.idx.msk $0xffff, v42;
	v28 =	vld.idx.msk [tilespmem:v45+s4+$0x0], $0xffff  }
0x75: {  	_ =	sdelay $0x2  }
0x76: {  	v40 =	vor.u32 v4, v13  }
0x77: {  	[tilespmem:v35+s18+$0x0] =	vst.idx.msk $0xffff, v31  }
0x78: {  	v45 =	vor.u32 v3, v17;
	[tilespmem:v38+s18+$0x0] =	vst.idx.msk $0xffff, v36;
	v33 =	vld.idx.msk [tilespmem:v33+s4+$0x0], $0xffff  }
0x79: {  	v61 =	vor.u32 v9, v20;
	v46 =	vor.u32 v5, v15;
	[tilespmem:v26+s18+$0x0] =	vst.idx.msk $0xffff, v37;
	v60 =	vld.idx.msk [tilespmem:v39+s4+$0x0], $0xffff  }
0x7a: {  	v62 =	vor.u32 v5, v18;
	v63 =	vor.u32 v3, v21;
	[tilespmem:v34+s18+$0x0] =	vst.idx.msk $0xffff, v30;
	v24 =	vld.idx.msk [tilespmem:v24+s4+$0x0], $0xffff  }
0x7b: {  	v44 =	vor.u32 v5, v14;
	v47 =	vor.u32 v9, v16;
	v48 =	vld.idx.msk [tilespmem:v40+s4+$0x0], $0xffff  }
0x7c: {  	v49 =	vor.u32 v5, v13  }
0x7d: {  	[tilespmem:v45+s18+$0x0] =	vst.idx.msk $0xffff, v33  }
0x7e: {  	v54 =	vor.u32 v6, v17;
	[tilespmem:v61+s18+$0x0] =	vst.idx.msk $0xffff, v60;
	v33 =	vld.idx.msk [tilespmem:v46+s4+$0x0], $0xffff  }
0x7f: {  	v50 =	vor.u32 v10, v20;
	v58 =	vor.u32 v7, v15;
	[tilespmem:v63+s18+$0x0] =	vst.idx.msk $0xffff, v24;
	v51 =	vld.idx.msk [tilespmem:v62+s4+$0x0], $0xffff  }
0x80: {  	v52 =	vor.u32 v6, v21;
	v53 =	vor.u32 v7, v18;
	v30 =	vld.idx.msk [tilespmem:v44+s4+$0x0], $0xffff;
	[tilespmem:v47+s18+$0x0] =	vst.idx.msk $0xffff, v48  }
0x81: {  	v55 =	vor.u32 v7, v14;
	v57 =	vor.u32 v10, v16;
	[tilespmem:v32+s18+$0x0] =	vst.idx.msk $0xffff, v29;
	v56 =	vld.idx.msk [tilespmem:v49+s4+$0x0], $0xffff  }
0x82: {  	v27 =	vld.idx.msk [tilespmem:v27+s4+$0x0], $0xffff;
	v59 =	vor.u32 v7, v13;
	[tilespmem:v12+s18+$0x0] =	vst.idx.msk $0xffff, v28  }
0x83: {  	v60 =	vld.idx.msk [tilespmem:v25+s4+$0x0], $0xffff;
	[tilespmem:v54+s18+$0x0] =	vst.idx.msk $0xffff, v33  }
0x84: {  	v62 =	vor.u32 v8, v17;
	[tilespmem:v50+s18+$0x0] =	vst.idx.msk $0xffff, v51;
	v15 =	vld.idx.msk [tilespmem:v58+s4+$0x0], $0xffff  }
0x85: {  	v61 =	vor.u32 v11, v20;
	[tilespmem:v52+s18+$0x0] =	vst.idx.msk $0xffff, v30;
	v18 =	vld.idx.msk [tilespmem:v53+s4+$0x0], $0xffff  }
0x86: {  	v14 =	vld.idx.msk [tilespmem:v55+s4+$0x0], $0xffff;
	[tilespmem:v57+s18+$0x0] =	vst.idx.msk $0xffff, v56  }
0x87: {  	[tilespmem:v23+s18+$0x0] =	vst.idx.msk $0xffff, v27;
	v63 =	vor.u32 v11, v16;
	v12 =	vld.idx.msk [tilespmem:v59+s4+$0x0], $0xffff  }
0x88: {  	[tilespmem:v22+s18+$0x0] =	vst.idx.msk $0xffff, v60  }
.Ltmp6:
0x89: {  	s26 =	sshll.u32 s23, $0x13;
	[tilespmem:v62+s18+$0x0] =	vst.idx.msk $0xffff, v15;
	(pc) =	sbr.rel .LBB2_7-.Ltmp6, $4  }
0x8a: {  	s26 =	sor.u32 s8, s26;
	[tilespmem:v61+s18+$0x0] =	vst.idx.msk $0xffff, v18  }
0x8b: {  	s26 =	sshrl.u32 s26, $0x3;
	[tilespmem:v19+s18+$0x0] =	vst.idx.msk $0xffff, v14  }
0x8c: {  	s26 =	sadd.s32 s5, s26;
	[tilespmem:v63+s18+$0x0] =	vst.idx.msk $0xffff, v12  }
0x8d: {  	[hbm4b:s26+s4] =	stream.linear.scatter [tilespmem:s18], [sflag:$0x3], $0x2000, $0x38;
	[tilespmem:$0x8000] =	vst v63  }
.LBB2_3:
0x8e: {  	s24 =	sor.u32 $0x1, s25  }
.LBB2_7:
0x8f: {  	p1 =	sge.u32 s24, s6  }
.Ltmp7:
0x90: {  	_ = 	snop;
	(pc) =	sbr.rel @p1 .LBB2_11-.Ltmp7, $1  }
0x91: {  	_ =	sdelay $0x3  }
0x92: {  	s26 =	simm.s32 $0x0  }
0x93: {  	_ =	swait.ge [sflag:s19], $0x2000;
	s25 =	sadd.s32 $0x2, s25;
	s30 =	simm.s32 $0x3;
	v12 =	vadd.s32 s26, v0  }
0x94: {  	s28 =	simm.s32 $0x2;
	[sflag:s19] =	ssyncset.done $0x0;
	p1 =	sge.u32 s25, s6;
	v13 =	vadd.s32 s30, v0;
	v22 =	vand.u32 $0x7F, v12  }
0x95: {  	s31 =	simm.s32 $0x1;
	v15 =	vadd.s32 s28, v0;
	[sflag:s19] =	ssyncadd.s32 $0xFFFFE000;
	s25 =	sshll.u32 @!p1 s25, $0xF;
	v19 =	vand.u32 $0x7F, v13;
	v14 =	vor.u32 v1, v22  }
0x96: {  	v17 =	vadd.s32 s31, v0;
	v23 =	vand.u32 $0x7F, v15;
	s28 =	simm.s32 @!p1 $0x400;
	_ =	swait.ge [sflag:s14], $0x2000;
	s25 =	sor.u32 @!p1 s7, s25;
	v16 =	vor.u32 v1, v19  }
0x97: {  	s29 =	simm.s32 @!p1 $0x7A1400;
	v12 =	vshll.u32 v12, $0x6;
	v25 =	vand.u32 $0x7F, v17;
	v18 =	vor.u32 v1, v23;
	[sflag:s14] =	ssyncset.done $0x0;
	s25 =	sshrl.u32 @!p1 s25, $0x3  }
0x98: {  	s26 =	simm.s32 @!p1 $0x0;
	v13 =	vshll.u32 v13, $0x6;
	v28 =	vand.u32 $0x1F80, v12;
	v12 =	vor.u32 v1, v25;
	[sflag:s14] =	ssyncadd.s32 $0xFFFFE000;
	s25 =	sadd.s32 @!p1 s0, s25  }
0x99: {  	v15 =	vshll.u32 v15, $0x6;
	v17 =	vshll.u32 v17, $0x6;
	v32 =	vand.u32 $0x1FC0, v13;
	[tilespmem:s26], [sflag:$0x1] =	stream.strided.gather @!p1 [hbm4b:s25+s28], $0x2000, s29, s28, $0x38;
	[tilespmem:$0x8000] =	vst v63  }
0x9a: {  	v26 =	vand.u32 $0x1F80, v15;
	v13 =	vor.u32 v4, v22;
	v20 =	vor.u32 v2, v28;
	v14 =	vld.idx.msk [tilespmem:v14+s20+$0x0], $0xffff  }
0x9b: {  	v29 =	vand.u32 $0x1FC0, v17;
	v17 =	vor.u32 v4, v23;
	v15 =	vld.idx.msk [tilespmem:v16+s20+$0x0], $0xffff;
	v16 =	vor.u32 v0, v32  }
0x9c: {  	v24 =	vor.u32 v4, v19;
	v31 =	vor.u32 v5, v23;
	v21 =	vor.u32 v2, v26;
	v18 =	vld.idx.msk [tilespmem:v18+s20+$0x0], $0xffff  }
0x9d: {  	v34 =	vor.u32 v5, v25;
	v35 =	vor.u32 v5, v19;
	v30 =	vor.u32 v0, v29;
	v27 =	vld.idx.msk [tilespmem:v12+s20+$0x0], $0xffff  }
0x9e: {  	s30 =	simm.s32 $0x6;
	v48 =	vor.u32 v7, v19;
	v63 =	vor.u32 v7, v23;
	v37 =	vor.u32 v6, v28  }
0x9f: {  	v40 =	vadd.s32 s30, v0;
	v39 =	vor.u32 v10, v32;
	[tilespmem:v20+s21+$0x0] =	vst.idx.msk $0xffff, v14;
	v14 =	vor.u32 v4, v25  }
0xa0: {  	v33 =	vor.u32 v3, v28;
	v36 =	vor.u32 v9, v29;
	[tilespmem:v16+s21+$0x0] =	vst.idx.msk $0xffff, v15;
	v20 =	vld.idx.msk [tilespmem:v13+s20+$0x0], $0xffff  }
0xa1: {  	s31 =	simm.s32 $0x7;
	s28 =	simm.s32 $0x4;
	v16 =	vor.u32 v5, v22;
	[tilespmem:v21+s21+$0x0] =	vst.idx.msk $0xffff, v18;
	v21 =	vld.idx.msk [tilespmem:v24+s20+$0x0], $0xffff;
	v24 =	vor.u32 v9, v32  }
0xa2: {  	v41 =	vadd.s32 s31, v0;
	[tilespmem:v30+s21+$0x0] =	vst.idx.msk $0xffff, v27;
	v27 =	vor.u32 v3, v26;
	v30 =	vadd.s32 s28, v0;
	v38 =	vld.idx.msk [tilespmem:v17+s20+$0x0], $0xffff  }
0xa3: {  	v47 =	vor.u32 v6, v26;
	v49 =	vor.u32 v10, v29;
	s29 =	simm.s32 $0x5;
	v15 =	vand.u32 $0x7F, v30  }
0xa4: {  	v23 =	vor.u32 v8, v28;
	v17 =	vadd.s32 s29, v0;
	v44 =	vor.u32 v1, v15;
	v42 =	vld.idx.msk [tilespmem:v14+s20+$0x0], $0xffff  }
0xa5: {  	v12 =	vor.u32 v8, v26;
	v18 =	vand.u32 $0x7F, v41;
	v13 =	vand.u32 $0x7F, v17;
	[tilespmem:v33+s21+$0x0] =	vst.idx.msk $0xffff, v20  }
0xa6: {  	v25 =	vor.u32 v7, v25;
	v60 =	vor.u32 v1, v13;
	[tilespmem:v24+s21+$0x0] =	vst.idx.msk $0xffff, v21;
	v45 =	vld.idx.msk [tilespmem:v16+s20+$0x0], $0xffff  }
0xa7: {  	v61 =	vor.u32 v1, v18;
	v30 =	vshll.u32 v30, $0x6;
	v14 =	vand.u32 $0x7F, v40;
	[tilespmem:v27+s21+$0x0] =	vst.idx.msk $0xffff, v38;
	v46 =	vld.idx.msk [tilespmem:v35+s20+$0x0], $0xffff  }
0xa8: {  	v32 =	vor.u32 v11, v32;
	v43 =	vor.u32 v1, v14;
	v20 =	vshll.u32 v40, $0x6;
	v62 =	vld.idx.msk [tilespmem:v31+s20+$0x0], $0xffff  }
0xa9: {  	v24 =	vor.u32 v4, v14;
	v33 =	vor.u32 v4, v15;
	v31 =	vld.idx.msk [tilespmem:v44+s20+$0x0], $0xffff;
	[tilespmem:v36+s21+$0x0] =	vst.idx.msk $0xffff, v42  }
0xaa: {  	v16 =	vshll.u32 v17, $0x6;
	v21 =	vand.u32 $0x1F80, v20;
	v17 =	vand.u32 $0x1F80, v30;
	v42 =	vld.idx.msk [tilespmem:v34+s20+$0x0], $0xffff  }
0xab: {  	v20 =	vshll.u32 v41, $0x6;
	v16 =	vand.u32 $0x1FC0, v16;
	v35 =	vor.u32 v2, v17;
	v30 =	vld.idx.msk [tilespmem:v60+s20+$0x0], $0xffff  }
0xac: {  	v20 =	vand.u32 $0x1FC0, v20;
	v36 =	vld.idx.msk [tilespmem:v61+s20+$0x0], $0xffff;
	v34 =	vor.u32 v0, v16;
	[tilespmem:v37+s21+$0x0] =	vst.idx.msk $0xffff, v45  }
0xad: {  	v27 =	vor.u32 v7, v22;
	v38 =	vor.u32 v0, v20;
	v37 =	vld.idx.msk [tilespmem:v43+s20+$0x0], $0xffff;
	[tilespmem:v39+s21+$0x0] =	vst.idx.msk $0xffff, v46  }
0xae: {  	v22 =	vor.u32 v11, v29;
	v26 =	vor.u32 v2, v21;
	[tilespmem:v47+s21+$0x0] =	vst.idx.msk $0xffff, v62;
	v29 =	vld.idx.msk [tilespmem:v48+s20+$0x0], $0xffff  }
0xaf: {  	s25 =	simm.s32 $0x8;
	v19 =	vor.u32 v8, v21;
	v39 =	vor.u32 v4, v18;
	v28 =	vld.idx.msk [tilespmem:v63+s20+$0x0], $0xffff;
	[tilespmem:v49+s21+$0x0] =	vst.idx.msk $0xffff, v42  }
.LBB2_9:
0xb0: {  	p1 =	slt.u32 s25, $0x7C;
	[tilespmem:v35+s21+$0x0] =	vst.idx.msk $0xffff, v31;
	v40 =	vor.u32 v6, v17;
	v41 =	vor.u32 v10, v20;
	v25 =	vld.idx.msk [tilespmem:v25+s20+$0x0], $0xffff;
	s26 =	smov.u32 s25;
	s25 =	sadd.s32 $0x4, s25  }
0xb1: {  	v31 =	vld.idx.msk [tilespmem:v33+s20+$0x0], $0xffff;
	[tilespmem:v34+s21+$0x0] =	vst.idx.msk $0xffff, v30;
	v30 =	vor.u32 v4, v13;
	v33 =	vor.u32 v5, v14  }
0xb2: {  	v35 =	vor.u32 v5, v13;
	v34 =	vor.u32 v3, v17;
	[tilespmem:v38+s21+$0x0] =	vst.idx.msk $0xffff, v36;
	v27 =	vld.idx.msk [tilespmem:v27+s20+$0x0], $0xffff  }
0xb3: {  	v36 =	vor.u32 v5, v15;
	[tilespmem:v26+s21+$0x0] =	vst.idx.msk $0xffff, v37;
	v26 =	vor.u32 v5, v18;
	v37 =	vmov v18  }
0xb4: {  	v42 =	vor.u32 v3, v21;
	v38 =	vor.u32 v9, v16;
	v39 =	vld.idx.msk [tilespmem:v39+s20+$0x0], $0xffff;
	[tilespmem:v32+s21+$0x0] =	vst.idx.msk $0xffff, v29  }
0xb5: {  	s28 =	sadd.s32 $0x1, s26;
	s29 =	sadd.s32 $0x2, s26;
	v29 =	vadd.s32 s26, v0;
	s26 =	sadd.s32 $0x3, s26;
	v32 =	vor.u32 v9, v20;
	v24 =	vld.idx.msk [tilespmem:v24+s20+$0x0], $0xffff;
	[tilespmem:v12+s21+$0x0] =	vst.idx.msk $0xffff, v28;
	v28 =	vmov v15  }
0xb6: {  	v45 =	vmovc v21;
	v46 =	vmovc v17;
	v43 =	vadd.s32 s29, v0;
	v12 =	vadd.s32 s28, v0;
	v44 =	vadd.s32 s26, v0;
	v30 =	vld.idx.msk [tilespmem:v30+s20+$0x0], $0xffff  }
0xb7: {  	v49 =	vmovc v16;
	v50 =	vmovc v20;
	v48 =	vand.u32 $0x7F, v43;
	v47 =	vand.u32 $0x7F, v12;
	v18 =	vand.u32 $0x7F, v44;
	[tilespmem:v34+s21+$0x0] =	vst.idx.msk $0xffff, v31  }
0xb8: {  	v51 =	vor.u32 v1, v48;
	v15 =	vand.u32 $0x7F, v29;
	v34 =	vor.u32 v1, v47;
	[tilespmem:v23+s21+$0x0] =	vst.idx.msk $0xffff, v27  }
0xb9: {  	v16 =	vshll.u32 v43, $0x6;
	v23 =	vor.u32 v1, v15;
	v27 =	vor.u32 v1, v18;
	[tilespmem:v22+s21+$0x0] =	vst.idx.msk $0xffff, v25  }
0xba: {  	v21 =	vand.u32 $0x1F80, v16;
	v17 =	vshll.u32 v29, $0x6;
	v20 =	vshll.u32 v12, $0x6;
	v12 =	vmovc v19;
	v22 =	vld.idx.msk [tilespmem:v36+s20+$0x0], $0xffff;
	[tilespmem:v32+s21+$0x0] =	vst.idx.msk $0xffff, v39  }
0xbb: {  	v17 =	vand.u32 $0x1F80, v17;
	v16 =	vand.u32 $0x1FC0, v20;
	v19 =	vshll.u32 v44, $0x6;
	[tilespmem:v42+s21+$0x0] =	vst.idx.msk $0xffff, v24;
	v29 =	vld.idx.msk [tilespmem:v26+s20+$0x0], $0xffff  }
0xbc: {  	v20 =	vand.u32 $0x1FC0, v19;
	v24 =	vor.u32 v4, v48;
	[tilespmem:v38+s21+$0x0] =	vst.idx.msk $0xffff, v30;
	v32 =	vld.idx.msk [tilespmem:v33+s20+$0x0], $0xffff  }
0xbd: {  	v43 =	vor.u32 v10, v49;
	v44 =	vor.u32 v7, v37;
	v39 =	vor.u32 v6, v45;
	v42 =	vld.idx.msk [tilespmem:v35+s20+$0x0], $0xffff  }
0xbe: {  	v25 =	vor.u32 v7, v13;
	v45 =	vor.u32 v7, v14;
	v26 =	vor.u32 v2, v21;
	v31 =	vld.idx.msk [tilespmem:v23+s20+$0x0], $0xffff  }
.Ltmp8:
0xbf: {  	v19 =	vor.u32 v8, v21;
	v13 =	vmovc v47;
	v14 =	vmov v48;
	v35 =	vor.u32 v2, v17;
	v30 =	vld.idx.msk [tilespmem:v34+s20+$0x0], $0xffff;
	(pc) =	sbr.rel @p1 .LBB2_9-.Ltmp8, $4  }
0xc0: {  	v33 =	vor.u32 v4, v15;
	v34 =	vor.u32 v0, v16;
	v36 =	vld.idx.msk [tilespmem:v27+s20+$0x0], $0xffff;
	[tilespmem:v40+s21+$0x0] =	vst.idx.msk $0xffff, v22  }
0xc1: {  	v38 =	vor.u32 v0, v20;
	v27 =	vor.u32 v7, v28;
	v37 =	vld.idx.msk [tilespmem:v51+s20+$0x0], $0xffff;
	[tilespmem:v41+s21+$0x0] =	vst.idx.msk $0xffff, v29  }
0xc2: {  	v23 =	vor.u32 v8, v46;
	v22 =	vor.u32 v11, v49;
	[tilespmem:v39+s21+$0x0] =	vst.idx.msk $0xffff, v32;
	v29 =	vld.idx.msk [tilespmem:v44+s20+$0x0], $0xffff  }
0xc3: {  	v39 =	vor.u32 v4, v18;
	v32 =	vor.u32 v11, v50;
	[tilespmem:v43+s21+$0x0] =	vst.idx.msk $0xffff, v42;
	v28 =	vld.idx.msk [tilespmem:v45+s20+$0x0], $0xffff  }
.Ltmp9:
0xc4: {  	_ = 	snop;
	(pc) =	sbr.rel .LBB2_10-.Ltmp9, $1  }
0xc5: {  	_ =	sdelay $0x3  }
.LBB2_13:
0xc6: {  	_ =	sfence.sel $0x180000  }
0xc7: {  	[bflag:$0x0] =	sbarrier.arrive $0xFFFF  }
0xc8: {  	p0 =	sne.s32 s3, $0x0;
	_ =	strace $0x90000047  }
0xc9: {  	s0 =	sadd.s32 @!p0 $0x100000, s2;
	[bflag:$0x2] =	sbarrier.arrive $0xFFFF  }
0xca: {  	[sflag:s0] =	ssyncadd.tile.s32 @!p0 $0x1;
	_ =	shalt  }
.Lfunc_end2:
_tile_overlayer_lowered:
.L_overlay_start_2:
0xcb: {  	(tag) =	ssettag $0x2  }
0xcc: {  	s0 =	rddreg [dreg:$0x0];
	s2 =	stileid.u32  }
0xcd: {  	s1 =	rddreg [dreg:$0x1];
	p0 =	sne.s32 s2, $0x0  }
0xce: {  	s3 =	rddreg [dreg:$0x2];
	[bflag:$0x3] =	sbarrier.arrive $0xFFFF;
	s2 =	simm.s32 @!p0 $0x1C05  }
0xcf: {  	[timem:s3], [sflag:s2] =	dma.local @!p0 [hbm:s0], s1  }
0xd0: {  	s0 =	simm.s32 @!p0 $0x5  }
0xd1: {  	_ =	swait.ge @!p0 [sflag:s0], s1  }
0xd2: {  	s1 =	ssub.s32 @!p0 $0x0, s1;
	[sflag:s0] =	ssyncset.done @!p0 $0x0  }
0xd3: {  	[sflag:s0] =	ssyncadd.s32 @!p0 s1  }
0xd4: {  	[bflag:$0x3] =	sbarrier.arrive $0xFFFF  }
0xd5: {  	_ =	shalt  }

// kernel: kernel.7.cloned.1.call-start
scs
__scs_entry_jumppad:
0x0: {  	(pc) =	sbr.rel $0x88, $3  }
0x1: {  	(tag) =	ssettag $0x0;
	lr =	simm.s32 $0x1  }
0x2: {  	[smem:$0x3F9F] =	sst lr;
	_ =	strace $0xD0000000  }
0x3: {  	_ = 	snop  }
0x4: {  	_ = 	snop  }
0x5: {  	_ = 	snop  }
0x6: {  	_ = 	snop  }
0x7: {  	_ = 	snop  }
__scs_overlays_trampoline_lowered:
0x8: {  	[smem:$0x3FAE] =	sst s0  }
0x9: {  	[smem:$0x3FAF] =	sst s1  }
0xa: {  	[smem:$0x3FB0] =	sst s2  }
0xb: {  	[smem:$0x3FB1] =	sst s3  }
0xc: {  	[smem:$0x3FB2] =	sst s4  }
0xd: {  	[smem:$0x3FB3] =	sst s5  }
0xe: {  	[smem:$0x3FB4] =	sst s6  }
0xf: {  	[smem:$0x3FB5] =	sst s7  }
0x10: {  	[smem:$0x3FB6] =	sst s8  }
0x11: {  	[smem:$0x3FB7] =	sst s9;
	s0 =	simm.s32 @!p0 $0x0  }
0x12: {  	s1 =	sld [smem:$0x3F9D];
	s0 =	simm.s32 @p0 $0x1  }
0x13: {  	[smem:$0x3FB8] =	sst s0;
	s0 =	simm.s32 @!p1 $0x0  }
0x14: {  	s2 =	sld [smem:$0x3F9C];
	s0 =	simm.s32 @p1 $0x1  }
0x15: {  	[smem:$0x3FB9] =	sst s0;
	s0 =	simm.s32 @!p2 $0x0  }
0x16: {  	s3 =	sld [smem:$0x3FDB];
	s0 =	simm.s32 @p2 $0x1  }
0x17: {  	s4 =	simm.s32 $0x1BF5;
	[smem:$0x3FBB] =	sst s0  }
0x18: {  	s0 =	sld [smem:$0x3F9E];
	_ =	swait.ge [sflag:s4], $0x0  }
0x19: {  	s7 =	sld [smem:$0x3F9F]  }
0x1a: {  	s8 =	sadd.s32 $0xFFFFE003, lr  }
0x1b: {  	s9 =	sadd.s32 $0xFFFFFEF7, lr;
	s5 =	simm.s32 $0xFFFFFFFF;
	p2 =	slt.u32 s8, $0xFFFFF086  }
0x1c: {  	p1 =	slt.u32 s9, $0xF7A;
	s5 =	simm.s32 @!p2 $0x0  }
0x1d: {  	s5 =	simm.s32 @p1 $0x1;
	p0 =	seq.s32 s7, s2  }
0x1e: {  	s7 =	smul.u32 @!p0 $0xF7A, s2;
	p2 =	seq.s32 @!p0 s5, $0x0  }
0x1f: {  	s9 =	smul.u32 $0xF7A, s1;
	s8 =	simm.s32 @!p0 $0x1BF5;
	p2 =	por !p2, p0  }
0x20: {  	[sflag:s8] =	ssyncset.s32 @!p0 $0xFFFFF086;
	s6 =	sadd.s32 @!p0 s3, s7;
	s7 =	simm.s32 @!p0 $0x108  }
0x21: {  	s3 =	sadd.s32 s3, s9;
	s6 =	sadd.s32 @!p0 $0x88, s6;
	s7 =	simm.s32 @p2 $0x1082  }
0x22: {  	[simem:s7], [sflag:s8] =	dma.local @!p0 [hbm:s6], $0xF7A  }
0x23: {  	s9 =	sor.u32 $0xD0000000, s2;
	s6 =	simm.s32 $0x108;
	_ =	swait.ge @!p0 [sflag:s8], $0x0  }
0x24: {  	s3 =	sadd.s32 $0x88, s3;
	s6 =	simm.s32 @!p1 $0x1082;
	[sflag:s4] =	ssyncset.s32 $0xFFFFF086  }
0x25: {  	[simem:s6], [sflag:s4] =	dma.local [hbm:s3], $0xF7A  }
0x26: {  	[smem:$0x3F9F] =	sst s1;
	(tag) =	ssettag s2;
	_ =	strace s9  }
0x27: {  	s1 =	sld [smem:$0x3FAF]  }
0x28: {  	s2 =	sld [smem:$0x3FB0]  }
0x29: {  	s4 =	sld [smem:$0x3FB2]  }
0x2a: {  	p0 =	seq.s32 s5, $0x0;
	s5 =	sld [smem:$0x3FB3]  }
0x2b: {  	s6 =	sld [smem:$0x3FB4]  }
0x2c: {  	s7 =	sld [smem:$0x3FB5]  }
0x2d: {  	s3 =	simm.s32 $0x108;
	s8 =	sld [smem:$0x3FB6]  }
0x2e: {  	s3 =	simm.s32 @!p0 $0x1082;
	s9 =	sld [smem:$0x3FB7]  }
0x2f: {  	lr =	sadd.s32 s0, s3;
	s0 =	sld [smem:$0x3FAE]  }
0x30: {  	s3 =	sld [smem:$0x3FB1]  }
0x31: {  	[smem:$0x3FBA] =	sst s10  }
0x32: {  	s10 =	sld [smem:$0x3FB8];
	_ =	sdelay $0x3  }
0x33: {  	p0 =	seq.s32 s10, $0x1;
	s10 =	sld [smem:$0x3FBA];
	_ =	sdelay $0x3  }
0x34: {  	[smem:$0x3FBA] =	sst s10  }
0x35: {  	s10 =	sld [smem:$0x3FB9];
	_ =	sdelay $0x3  }
0x36: {  	p1 =	seq.s32 s10, $0x1;
	s10 =	sld [smem:$0x3FBA];
	_ =	sdelay $0x3  }
0x37: {  	[smem:$0x3FBA] =	sst s10  }
0x38: {  	s10 =	sld [smem:$0x3FBB]  }
0x39: {  	_ = 	snop;
	(pc) =	sbr.ind lr, $3  }
0x3a: {  	_ = 	snop  }
0x3b: {  	_ = 	snop  }
0x3c: {  	p2 =	seq.s32 s10, $0x1;
	s10 =	sld [smem:$0x3FBA]  }
0x3d: {  	_ =	shalt  }
0x3e: {  	_ =	shalt  }
0x3f: {  	_ =	shalt  }
0x40: {  	_ =	shalt  }
0x41: {  	_ =	shalt  }
0x42: {  	_ =	shalt  }
0x43: {  	_ =	shalt  }
0x44: {  	_ =	shalt  }
0x45: {  	_ =	shalt  }
0x46: {  	_ =	shalt  }
0x47: {  	_ =	shalt  }
0x48: {  	_ =	shalt  }
0x49: {  	_ =	shalt  }
0x4a: {  	_ =	shalt  }
0x4b: {  	_ =	shalt  }
0x4c: {  	_ =	shalt  }
0x4d: {  	_ =	shalt  }
0x4e: {  	_ =	shalt  }
0x4f: {  	_ =	shalt  }
0x50: {  	_ =	shalt  }
0x51: {  	_ =	shalt  }
0x52: {  	_ =	shalt  }
0x53: {  	_ =	shalt  }
0x54: {  	_ =	shalt  }
0x55: {  	_ =	shalt  }
0x56: {  	_ =	shalt  }
0x57: {  	_ =	shalt  }
0x58: {  	_ =	shalt  }
0x59: {  	_ =	shalt  }
0x5a: {  	_ =	shalt  }
0x5b: {  	_ =	shalt  }
0x5c: {  	_ =	shalt  }
0x5d: {  	_ =	shalt  }
0x5e: {  	_ =	shalt  }
0x5f: {  	_ =	shalt  }
0x60: {  	_ =	shalt  }
0x61: {  	_ =	shalt  }
0x62: {  	_ =	shalt  }
0x63: {  	_ =	shalt  }
0x64: {  	_ =	shalt  }
0x65: {  	_ =	shalt  }
0x66: {  	_ =	shalt  }
0x67: {  	_ =	shalt  }
0x68: {  	_ =	shalt  }
0x69: {  	_ =	shalt  }
0x6a: {  	_ =	shalt  }
0x6b: {  	_ =	shalt  }
0x6c: {  	_ =	shalt  }
0x6d: {  	_ =	shalt  }
0x6e: {  	_ =	shalt  }
0x6f: {  	_ =	shalt  }
0x70: {  	_ =	shalt  }
0x71: {  	_ =	shalt  }
0x72: {  	_ =	shalt  }
0x73: {  	_ =	shalt  }
0x74: {  	_ =	shalt  }
0x75: {  	_ =	shalt  }
0x76: {  	_ =	shalt  }
0x77: {  	_ =	shalt  }
0x78: {  	_ =	shalt  }
0x79: {  	_ =	shalt  }
0x7a: {  	_ =	shalt  }
0x7b: {  	_ =	shalt  }
0x7c: {  	_ =	shalt  }
0x7d: {  	_ =	shalt  }
0x7e: {  	_ =	shalt  }
0x7f: {  	_ =	shalt  }
0x80: {  	_ =	shalt  }
0x81: {  	_ =	shalt  }
0x82: {  	_ =	shalt  }
0x83: {  	_ =	shalt  }
0x84: {  	_ =	shalt  }
0x85: {  	_ =	shalt  }
0x86: {  	_ =	shalt  }
0x87: {  	_ =	shalt  }
.Lfunc_end0:
.L_simem_size_0:
called_computation.1_lowered:
.L_overlay_start_0:
0x88: {  	s2 =	sld [smem:$0x3FD9]  }
0x89: {  	s3 =	sld [smem:$0x3FFE];
	_ =	sdelay $0x1  }
0x8a: {  	s1 =	srdreg.scid  }
0x8b: {  	s0 =	sand.u32 $0x1, s1  }
0x8c: {  	s17 =	sshll.u32 s0, $0xA;
	s2 =	sadd.s32 s3, s2  }
0x8d: {  	s2 =	sadd.s32 s2, s17  }
0x8e: {  	[smem:$0x3FC6] =	sst s2  }
0x8f: {  	_ = 	snop  }
0x90: {  	s2 =	sld [smem:$0x3FD0];
	(tm) =	ssettm $0x1  }
0x91: {  	s18 =	sld [smem:$0x3FFB];
	_ =	sdelay $0x3  }
0x92: {  	_ =	strace s18  }
0x93: {  	s3 =	sld [smem:$0x3FFC];
	_ =	sdelay $0x3  }
0x94: {  	_ =	strace s3  }
0x95: {  	s3 =	sld [smem:$0x3FFD];
	_ =	sdelay $0x3  }
0x96: {  	_ =	strace s3  }
0x97: {  	_ =	strace $0x8FFFFFFF  }
0x98: {  	s19 =	sld [smem:$0x3FDB];
	_ =	sdelay $0x1  }
0x99: {  	s4 =	simm.s32 $_scs_section_size  }
0x9a: {  	s5 =	simm.s32 $_size__tile_overlayer_lowered;
	s6 =	simm.s32 $_tile_overlayer_lowered  }
0x9b: {  	s22 =	simm.s32 $0x1BFF;
	s21 =	sshll.u32 s6, $0x1;
	s3 =	sadd.s32 s4, s19  }
0x9c: {  	s7 =	simm.s32 $0x0;
	s20 =	sshll.u32 s5, $0x1;
	s5 =	sadd.s32 s21, s3  }
0x9d: {  	[timem:s7], [sflag:s22] =	dma.local [hbm:s5], s20  }
0x9e: {  	_ =	swait.ge [sflag:s22], s20  }
0x9f: {  	s4 =	ssub.s32 $0x0, s20;
	[sflag:s22] =	ssyncset.done $0x0  }
0xa0: {  	[sflag:s22] =	ssyncadd.s32 s4;
	_ =	sdelay $0x1  }
0xa1: {  	s23 =	simm.s32 $0x1B8B  }
0xa2: {  	_ =	swait.ge [sflag:s23], $0x1  }
0xa3: {  	[sflag:s23] =	ssyncset.done $0x0  }
0xa4: {  	s25 =	simm.s32 $0x1B8E;
	s24 =	sld [smem:$0x3FFE];
	[sflag:s23] =	ssyncadd.s32 $0xFFFFFFFF  }
0xa5: {  	s26 =	simm.s32 $execute0_lowered;
	[smem:$0x3FD2] =	sst s25  }
0xa6: {  	s5 =	sshll.u32 s26, $0x1;
	_ =	strace $0x80000049;
	[dreg:$0x1] =	wrdreg $0xFFFFFFFF  }
0xa7: {  	s28 =	simm.s32 $_size_execute0_lowered;
	s3 =	sadd.s32 s3, s5;
	[dreg:$0x0] =	wrdreg $0x0  }
0xa8: {  	s5 =	sshll.u32 s28, $0x1;
	[dreg:$0x2] =	wrdreg s3  }
0xa9: {  	[dreg:$0x3] =	wrdreg s5  }
0xaa: {  	[dreg:$0x4] =	wrdreg $0xC0  }
0xab: {  	_ =	task [dreg:s7], $0x5FFFF  }
0xac: {  	[dreg:$0x1] =	wrdreg $0xFFFFFFFF  }
0xad: {  	[dreg:$0x0] =	wrdreg $0x60  }
0xae: {  	[dreg:$0x2] =	wrdreg s24  }
0xaf: {  	[dreg:$0x3] =	wrdreg s2  }
0xb0: {  	[dreg:$0x4] =	wrdreg $0x9  }
0xb1: {  	_ =	task.clear_ibuf [dreg:s7], $0x5FFFF;
	_ =	strace $0x90000049  }
0xb2: {  	s29 =	simm.s32 $0x9;
	_ =	strace $0x8000004B  }
0xb3: {  	_ =	swait.ge [sflag:s29], $0x1  }
0xb4: {  	[sflag:s29] =	ssyncadd.s32 $0xFFFFFFFF  }
0xb5: {  	_ =	strace $0x9000004B  }
0xb6: {  	_ =	sfence  }
0xb7: {  	s30 =	sld [smem:$0x0];
	_ =	sdelay $0x2  }
0xb8: {  	s31 =	sshll.u32 s1, $0xD;
	s1 =	sshrl.u32 s1, $0x2  }
0xb9: {  	s3 =	sand.u32 $0x4000, s31;
	s1 =	sadd.s32 s1, s30  }
0xba: {  	s0 =	sor.u32 s3, s0;
	s1 =	sshll.u32 s1, $0x11  }
0xbb: {  	s0 =	sor.u32 s1, s0  }
0xbc: {  	s0 =	sadd.s32 $0x8F2B, s0  }
0xbd: {  	[sflag:s0] =	ssyncadd.remote.s32 $0x1  }
0xbe: {  	_ =	sfence.sel $0xFFFF  }
0xbf: {  	[dreg:$0x0] =	wrdreg $0xFFFFFFFF;
	(pc) =	sbr.abs _section_cstart, $3  }
0xc0: {  	[dreg:$0x1] =	wrdreg $0xFFFFFFFF  }
0xc1: {  	_ =	task.clear_ibuf [dreg:s7], $0x2FFFF;
	_ =	strace $0x9FFFFFFF  }
0xc2: {  	(tm) =	ssettm $0x7FFFFFFF  }
0xc3: {  	_ =	shalt  }
tec
execute0_lowered:
.L_overlay_start_1:
0x0: {  	(tag) =	ssettag $0x1  }
0x1: {  	s0 =	rddreg [dreg:$0x0];
	s3 =	simm.s32 $0x0;
	v33 =	vlaneseq.u32  }
0x2: {  	[smem:$0x7FF] =	sst s3;
	v42 =	vor.u32 $0x10, v33  }
0x3: {  	s2 =	rddreg [dreg:$0x1];
	v37 =	vor.u32 $0x60, v33;
	_ =	strace $0x8000004A;
	[tilespmem:$0x1FF30] =	vst v42  }
0x4: {  	v30 =	vor.u32 $0x70, v33;
	[tilespmem:$0x1FF40] =	vst v37  }
0x5: {  	s1 =	srdreg.scid;
	v31 =	vor.u32 $0x30, v33;
	[tilespmem:$0x1FF50] =	vst v30  }
0x6: {  	s4 =	stileid.u32;
	s11 =	simm.s32 $0x80;
	s12 =	simm.s32 $0x6400;
	v61 =	vor.u32 $0x50, v33;
	[tilespmem:$0x1FF90] =	vst v31  }
0x7: {  	s13 =	simm.s32 $0x1;
	s14 =	simm.s32 $0x8400;
	s15 =	simm.s32 $0xA400;
	v39 =	vor.u32 $0x20, v33;
	[tilespmem:$0x1FFB0] =	vst v61  }
0x8: {  	s19 =	simm.s32 $0xB400;
	s20 =	simm.s32 $0xB800;
	s21 =	simm.s32 $0xBC00;
	v20 =	vmul.u32 $0x40, v33;
	v53 =	vor.u32 $0x40, v33;
	[tilespmem:$0x1FFC0] =	vst v39  }
0x9: {  	s22 =	simm.s32 $0xC000;
	s23 =	simm.s32 $0x2;
	s24 =	simm.s32 $0x3;
	[tilespmem:$0x1FFF0] =	vst v53  }
0xa: {  	s28 =	simm.s32 $0xCC00;
	s29 =	simm.s32 $0xD000;
	s30 =	simm.s32 $0xD400;
	v28 =	vor.u32 $0x400, v20;
	[tilespmem:$0x1FF10] =	vst v20  }
0xb: {  	s31 =	simm.s32 $0xD800;
	s1 =	sand.u32 $0x1, s1;
	s4 =	sshll.u32 s4, $0x1;
	v38 =	vor.u32 $0x1800, v20;
	[tilespmem:$0x1FF20] =	vst v28  }
0xc: {  	s8 =	simm.s32 $0x0;
	s5 =	sor.u32 s1, s4;
	s1 =	ssub.s32 $0x2, s1;
	v54 =	vor.u32 $0x1400, v20;
	[tilespmem:$0x1FF60] =	vst v38  }
.Ltmp0:
0xd: {  	s4 =	sshll.u32 s5, $0x6;
	s6 =	sshrl.u32 s1, $0x1;
	v49 =	vor.u32 $0x1C00, v20;
	[tilespmem:$0x1FF70] =	vst v54;
	(pc) =	sbr.rel .LBB2_1-.Ltmp0, $4  }
0xe: {  	v51 =	vor.u32 $0x1000, v20;
	s7 =	sadd.s32 s4, s0;
	s4 =	sadd.s32 $0xA00, s0;
	s25 =	ssub.s32 s1, s6;
	[tilespmem:$0x1FF80] =	vst v49  }
0xf: {  	v26 =	vor.u32 $0x800, v20;
	s6 =	sshll.u32 s5, $0x2;
	s1 =	simm.s32 $0xE000;
	[tilespmem:$0x1FFA0] =	vst v51;
	s26 =	sadd.s32 $0x7A1C00, s7  }
0x10: {  	v40 =	vor.u32 $0xC00, v20;
	[tilespmem:$0x1FFD0] =	vst v26;
	s0 =	smax.u32 s25, $0x1;
	s25 =	simm.s32 $0xC400;
	[dreg:$0x3] =	wrdreg s26  }
0x11: {  	[tilespmem:$0x1FFE0] =	vst v40;
	[dreg:$0x4] =	wrdreg s0;
	s26 =	simm.s32 $0xC800;
	s0 =	simm.s32 $0xDC00  }
.LBB2_15:
0x12: {  	s7 =	simm.s32 $0x4  }
0x13: {  	_ =	swait.ge [sflag:s7], $0x400  }
0x14: {  	[sflag:s7] =	ssyncset.done $0x0  }
0x15: {  	[sflag:s7] =	ssyncadd.s32 $0xFFFFFC00  }
0x16: {  	_ =	swait.ge [sflag:s7], $0x400  }
0x17: {  	[sflag:s7] =	ssyncset.done $0x0  }
0x18: {  	[sflag:s7] =	ssyncadd.s32 $0xFFFFFC00  }
0x19: {  	_ =	swait.ge [sflag:s7], $0x400  }
0x1a: {  	[sflag:s7] =	ssyncset.done $0x0  }
0x1b: {  	[sflag:s7] =	ssyncadd.s32 $0xFFFFFC00  }
0x1c: {  	_ =	swait.ge [sflag:s7], $0x400  }
0x1d: {  	[sflag:s7] =	ssyncset.done $0x0  }
0x1e: {  	[sflag:s7] =	ssyncadd.s32 $0xFFFFFC00  }
0x1f: {  	_ =	swait.ge [sflag:s7], $0x400  }
0x20: {  	[sflag:s7] =	ssyncset.done $0x0  }
0x21: {  	[sflag:s7] =	ssyncadd.s32 $0xFFFFFC00  }
0x22: {  	_ =	swait.ge [sflag:s7], $0x400  }
0x23: {  	[sflag:s7] =	ssyncset.done $0x0  }
0x24: {  	[sflag:s7] =	ssyncadd.s32 $0xFFFFFC00  }
0x25: {  	_ =	swait.ge [sflag:s7], $0x400  }
0x26: {  	[sflag:s7] =	ssyncset.done $0x0  }
0x27: {  	[sflag:s7] =	ssyncadd.s32 $0xFFFFFC00  }
0x28: {  	_ =	swait.ge [sflag:s7], $0x400  }
0x29: {  	s8 =	rddreg [dreg:$0x5]  }
0x2a: {  	s5 =	rddreg [dreg:$0x4];
	s8 =	sadd.s32 $0x1, s8  }
0x2b: {  	p0 =	sne.s32 s8, s5  }
.Ltmp1:
0x2c: {  	_ = 	snop;
	(pc) =	sbr.rel @!p0 .LBB2_16-.Ltmp1, $3  }
0x2d: {  	_ =	sdelay $0x1  }
0x2e: {  	[sflag:s7] =	ssyncset.done $0x0  }
0x2f: {  	[sflag:s7] =	ssyncadd.s32 $0xFFFFFC00  }
.LBB2_1:
0x30: {  	s5 =	rddreg [dreg:$0x3];
	s7 =	simm.s32 $0x200;
	s17 =	simm.s32 $0x4000  }
0x31: {  	[tilespmem:s3], [sflag:$0x5] =	stream.strided.gather [hbm4b:s5+s7], $0x6400, s17, s7, $0x38;
	[tilespmem:$0xE400] =	vst v63  }
.Ltmp2:
0x32: {  	[dreg:$0x5] =	wrdreg s8;
	s18 =	simm.s32 $0x5;
	(pc) =	sbr.rel .LBB2_2-.Ltmp2, $4  }
0x33: {  	_ =	swait.ge [sflag:s18], $0x6400  }
0x34: {  	[sflag:s18] =	ssyncset.done $0x0  }
0x35: {  	s5 =	simm.s32 $0x0;
	[sflag:s18] =	ssyncadd.s32 $0xFFFF9C00  }
0x36: {  	[tilespmem:s12], [sflag:$0x1] =	stream.indirect.gather [hbm4b:s4+s11], $0x40, s3, s11, $0xb8;
	[tilespmem:$0xE400] =	vst v63  }
.LBB2_14:
0x37: {  	s7 =	sand.u32 $0x3, s7  }
0x38: {  	s7 =	sor.u32 s6, s7  }
0x39: {  	s7 =	sshll.u32 s7, $0xA  }
0x3a: {  	s7 =	sor.u32 s9, s7  }
0x3b: {  	s7 =	sshrl.u32 s7, $0x3  }
0x3c: {  	s7 =	sadd.s32 s2, s7  }
0x3d: {  	[hbm4b:s7+s3] =	stream.linear.scatter [tilespmem:s25], [sflag:$0x4], $0x400, $0x38;
	[tilespmem:$0xE400] =	vst v63  }
0x3e: {  	s8 =	sadd.s32 $0x4000, s7  }
0x3f: {  	[hbm4b:s8+s3] =	stream.linear.scatter [tilespmem:s26], [sflag:$0x4], $0x400, $0x38;
	[tilespmem:$0xE400] =	vst v63  }
0x40: {  	s9 =	sadd.s32 $0x8000, s7  }
0x41: {  	[hbm4b:s9+s3] =	stream.linear.scatter [tilespmem:s28], [sflag:$0x4], $0x400, $0x38;
	[tilespmem:$0xE400] =	vst v63  }
0x42: {  	s10 =	sadd.s32 $0xC000, s7  }
0x43: {  	[hbm4b:s10+s3] =	stream.linear.scatter [tilespmem:s29], [sflag:$0x4], $0x400, $0x38;
	[tilespmem:$0xE400] =	vst v63  }
0x44: {  	s5 =	sadd.s32 $0x1, s5;
	s16 =	sadd.s32 $0x10000, s7  }
0x45: {  	[hbm4b:s16+s3] =	stream.linear.scatter [tilespmem:s30], [sflag:$0x4], $0x400, $0x38;
	[tilespmem:$0xE400] =	vst v63  }
0x46: {  	p0 =	sne.s32 s5, $0x64;
	s17 =	sadd.s32 $0x14000, s7  }
0x47: {  	[hbm4b:s17+s3] =	stream.linear.scatter [tilespmem:s31], [sflag:$0x4], $0x400, $0x38;
	[tilespmem:$0xE400] =	vst v63  }
.Ltmp3:
0x48: {  	_ = 	snop;
	(pc) =	sbr.rel @!p0 .LBB2_15-.Ltmp3, $4  }
0x49: {  	s18 =	sadd.s32 $0x18000, s7  }
0x4a: {  	v20 =	vld [tilespmem:$0x1FF10];
	[hbm4b:s18+s3] =	stream.linear.scatter [tilespmem:s0], [sflag:$0x4], $0x400, $0x38  }
0x4b: {  	v28 =	vld [tilespmem:$0x1FF20];
	s7 =	sadd.s32 $0x1C000, s7  }
0x4c: {  	v33 =	vlaneseq.u32;
	v42 =	vld [tilespmem:$0x1FF30];
	[hbm4b:s7+s3] =	stream.linear.scatter [tilespmem:s1], [sflag:$0x4], $0x400, $0x38  }
.LBB2_2:
0x4d: {  	_ =	swait.ge [sflag:s13], $0x2000  }
0x4e: {  	p0 =	seq.s32 s5, $0x0;
	[sflag:s13] =	ssyncset.done $0x0  }
0x4f: {  	s8 =	simm.s32 @!p0 $0x4;
	[sflag:s13] =	ssyncadd.s32 $0xFFFFE000  }
0x50: {  	_ =	swait.ge @!p0 [sflag:s8], $0x400  }
0x51: {  	[sflag:s8] =	ssyncset.done @!p0 $0x0  }
0x52: {  	[sflag:s8] =	ssyncadd.s32 @!p0 $0xFFFFFC00  }
0x53: {  	_ =	swait.ge @!p0 [sflag:s8], $0x400  }
0x54: {  	[sflag:s8] =	ssyncset.done @!p0 $0x0  }
0x55: {  	[sflag:s8] =	ssyncadd.s32 @!p0 $0xFFFFFC00  }
0x56: {  	_ =	swait.ge @!p0 [sflag:s8], $0x400  }
0x57: {  	[sflag:s8] =	ssyncset.done @!p0 $0x0  }
0x58: {  	[sflag:s8] =	ssyncadd.s32 @!p0 $0xFFFFFC00  }
0x59: {  	_ =	swait.ge @!p0 [sflag:s8], $0x400  }
0x5a: {  	[sflag:s8] =	ssyncset.done @!p0 $0x0  }
0x5b: {  	[sflag:s8] =	ssyncadd.s32 @!p0 $0xFFFFFC00  }
0x5c: {  	_ =	swait.ge @!p0 [sflag:s8], $0x400  }
0x5d: {  	[sflag:s8] =	ssyncset.done @!p0 $0x0  }
0x5e: {  	[sflag:s8] =	ssyncadd.s32 @!p0 $0xFFFFFC00  }
0x5f: {  	_ =	swait.ge @!p0 [sflag:s8], $0x400  }
0x60: {  	[sflag:s8] =	ssyncset.done @!p0 $0x0  }
0x61: {  	s7 =	simm.s32 $0x0;
	[sflag:s8] =	ssyncadd.s32 @!p0 $0xFFFFFC00  }
0x62: {  	s10 =	simm.s32 $0x1;
	v0 =	vadd.s32 s7, v33;
	_ =	swait.ge @!p0 [sflag:s8], $0x400  }
0x63: {  	s9 =	sshll.u32 s5, $0x1;
	s17 =	simm.s32 $0x2;
	v3 =	vadd.s32 s10, v33;
	v1 =	vand.u32 $0x3F, v0;
	[sflag:s8] =	ssyncset.done @!p0 $0x0  }
0x64: {  	s7 =	sor.u32 $0x1, s9;
	s10 =	sshll.u32 s5, $0x8;
	v4 =	vand.u32 $0x3F, v3;
	v2 =	vor.u32 v20, v1;
	[sflag:s8] =	ssyncadd.s32 @!p0 $0xFFFFFC00  }
0x65: {  	v5 =	vadd.s32 s17, v33;
	s17 =	simm.s32 $0x3;
	s16 =	sshll.u32 s7, $0x7;
	v6 =	vor.u32 v20, v4;
	_ =	swait.ge @!p0 [sflag:s8], $0x400  }
0x66: {  	s18 =	sand.u32 $0x7E00, s10;
	v0 =	vshll.u32 v0, $0x7;
	s16 =	sand.u32 $0x180, s16;
	[sflag:s8] =	ssyncset.done @!p0 $0x0  }
0x67: {  	v7 =	vadd.s32 s17, v33;
	v8 =	vand.u32 $0x3F, v5;
	v9 =	vand.u32 $0x1F80, v0;
	s16 =	sor.u32 s16, s18;
	[sflag:s8] =	ssyncadd.s32 @!p0 $0xFFFFFC00  }
0x68: {  	v10 =	vand.u32 $0x3F, v7;
	v11 =	vor.u32 v20, v8;
	v0 =	vshll.u32 v3, $0x7;
	[tilespmem:s14], [sflag:$0x2] =	stream.indirect.gather [hbm4b:s4+s11], $0x40, s16, s11, $0xb8;
	[tilespmem:$0xE400] =	vst v63  }
0x69: {  	v12 =	vor.u32 v33, v9;
	v13 =	vor.u32 v20, v10;
	v16 =	vand.u32 $0x1F80, v0;
	v2 =	vld.idx.msk [tilespmem:v2+s12+$0x0], $0xffff  }
0x6a: {  	v3 =	vor.u32 v28, v1;
	v0 =	vshll.u32 v5, $0x7;
	v5 =	vor.u32 v33, v16;
	v62 =	vld.idx.msk [tilespmem:v6+s12+$0x0], $0xffff  }
0x6b: {  	v17 =	vor.u32 v28, v4  }
0x6c: {  	v21 =	vand.u32 $0x1F80, v0;
	v0 =	vshll.u32 v7, $0x7  }
0x6d: {  	v7 =	vor.u32 v33, v21;
	v0 =	vand.u32 $0x1F80, v0;
	v59 =	vld.idx.msk [tilespmem:v11+s12+$0x0], $0xffff  }
0x6e: {  	v56 =	vld.idx.msk [tilespmem:v13+s12+$0x0], $0xffff;
	v13 =	vor.u32 v33, v0;
	[tilespmem:v12+s15+$0x0] =	vst.idx.msk $0xffff, v2  }
0x6f: {  	v18 =	vor.u32 v28, v8;
	[tilespmem:v5+s15+$0x0] =	vst.idx.msk $0xffff, v62;
	v55 =	vld.idx.msk [tilespmem:v3+s12+$0x0], $0xffff;
	v3 =	vor.u32 v42, v9  }
0x70: {  	v5 =	vor.u32 v26, v1;
	v32 =	vld.idx.msk [tilespmem:v17+s12+$0x0], $0xffff;
	v17 =	vor.u32 v42, v16  }
0x71: {  	v19 =	vor.u32 v28, v10  }
0x72: {  	[tilespmem:v7+s15+$0x0] =	vst.idx.msk $0xffff, v59  }
0x73: {  	v7 =	vor.u32 v26, v4;
	[tilespmem:v13+s15+$0x0] =	vst.idx.msk $0xffff, v56  }
0x74: {  	v22 =	vor.u32 v42, v21;
	v15 =	vld.idx.msk [tilespmem:v18+s12+$0x0], $0xffff;
	[tilespmem:v3+s15+$0x0] =	vst.idx.msk $0xffff, v55  }
0x75: {  	v23 =	vor.u32 v42, v0;
	[tilespmem:v17+s15+$0x0] =	vst.idx.msk $0xffff, v32;
	v24 =	vld.idx.msk [tilespmem:v5+s12+$0x0], $0xffff;
	v5 =	vor.u32 v30, v16  }
0x76: {  	v11 =	vld.idx.msk [tilespmem:v19+s12+$0x0], $0xffff;
	v3 =	vor.u32 v26, v8;
	[tilespmem:$0x1FE60] =	vst v5;
	v5 =	vor.u32 v30, v21  }
0x77: {  	v25 =	vor.u32 v39, v9;
	[tilespmem:$0x1FE70] =	vst v5;
	v5 =	vor.u32 v30, v0  }
0x78: {  	v26 =	vor.u32 v26, v10;
	v7 =	vld.idx.msk [tilespmem:v7+s12+$0x0], $0xffff;
	[tilespmem:$0x1FE80] =	vst v5;
	v5 =	vor.u32 v30, v9  }
0x79: {  	v27 =	vor.u32 v40, v1;
	[tilespmem:$0x1FE90] =	vst v5  }
0x7a: {  	v29 =	vor.u32 v39, v16;
	[tilespmem:v22+s15+$0x0] =	vst.idx.msk $0xffff, v15  }
0x7b: {  	[tilespmem:v23+s15+$0x0] =	vst.idx.msk $0xffff, v11;
	v23 =	vor.u32 v39, v21;
	v5 =	vld.idx.msk [tilespmem:v3+s12+$0x0], $0xffff  }
0x7c: {  	v30 =	vor.u32 v40, v4  }
0x7d: {  	[tilespmem:v25+s15+$0x0] =	vst.idx.msk $0xffff, v24;
	v35 =	vld.idx.msk [tilespmem:v26+s12+$0x0], $0xffff;
	v26 =	vor.u32 v40, v8  }
0x7e: {  	v41 =	vld.idx.msk [tilespmem:v27+s12+$0x0], $0xffff;
	v27 =	vor.u32 v39, v0  }
0x7f: {  	[tilespmem:v29+s15+$0x0] =	vst.idx.msk $0xffff, v7  }
0x80: {  	s18 =	simm.s32 $0x4;
	v58 =	vor.u32 v31, v9;
	v12 =	vor.u32 v49, v8;
	[tilespmem:v23+s15+$0x0] =	vst.idx.msk $0xffff, v5  }
0x81: {  	v60 =	vor.u32 v40, v10;
	v22 =	vadd.s32 s18, v33;
	v44 =	vld.idx.msk [tilespmem:v30+s12+$0x0], $0xffff;
	[tilespmem:$0x1FEA0] =	vst v12;
	v12 =	vor.u32 v49, v10  }
0x82: {  	v43 =	vor.u32 v51, v1;
	v45 =	vor.u32 v31, v16;
	v3 =	vshll.u32 v22, $0x7;
	v48 =	vld.idx.msk [tilespmem:v26+s12+$0x0], $0xffff;
	[tilespmem:$0x1FEB0] =	vst v12  }
0x83: {  	v25 =	vand.u32 $0x3F, v22;
	v22 =	vand.u32 $0x1F80, v3;
	v3 =	vor.u32 v49, v4;
	[tilespmem:v27+s15+$0x0] =	vst.idx.msk $0xffff, v35  }
0x84: {  	v46 =	vor.u32 v31, v21;
	v6 =	vmov v38;
	v19 =	vor.u32 v49, v1;
	[tilespmem:$0x1FEC0] =	vst v3  }
0x85: {  	v23 =	vor.u32 v51, v4;
	v12 =	vor.u32 v6, v8;
	[tilespmem:v58+s15+$0x0] =	vst.idx.msk $0xffff, v41  }
0x86: {  	v49 =	vor.u32 v31, v0;
	v3 =	vor.u32 v51, v8;
	v52 =	vld.idx.msk [tilespmem:v60+s12+$0x0], $0xffff;
	[tilespmem:$0x1FED0] =	vst v12  }
0x87: {  	v50 =	vor.u32 v53, v9;
	[tilespmem:v45+s15+$0x0] =	vst.idx.msk $0xffff, v44;
	v43 =	vld.idx.msk [tilespmem:v43+s12+$0x0], $0xffff;
	v45 =	vor.u32 v51, v10  }
0x88: {  	v63 =	vor.u32 v38, v1;
	v1 =	vor.u32 v54, v1  }
0x89: {  	v14 =	vor.u32 v6, v4;
	v17 =	vmov v61;
	v39 =	vor.u32 v37, v9  }
0x8a: {  	v58 =	vor.u32 v61, v9;
	v9 =	vor.u32 v53, v16;
	[tilespmem:v46+s15+$0x0] =	vst.idx.msk $0xffff, v48;
	v61 =	vld.idx.msk [tilespmem:v23+s12+$0x0], $0xffff  }
0x8b: {  	v4 =	vor.u32 v54, v4;
	v31 =	vld.idx.msk [tilespmem:v3+s12+$0x0], $0xffff;
	v3 =	vor.u32 v53, v21;
	[tilespmem:v49+s15+$0x0] =	vst.idx.msk $0xffff, v52  }
0x8c: {  	v8 =	vor.u32 v54, v8;
	v12 =	vor.u32 v53, v0;
	[tilespmem:v50+s15+$0x0] =	vst.idx.msk $0xffff, v43;
	v45 =	vld.idx.msk [tilespmem:v45+s12+$0x0], $0xffff  }
0x8d: {  	v40 =	vor.u32 v6, v10;
	v6 =	vor.u32 v54, v10;
	v13 =	vld.idx.msk [tilespmem:v1+s12+$0x0], $0xffff  }
0x8e: {  	v57 =	vor.u32 v37, v16;
	s16 =	simm.s32 $0x6  }
0x8f: {  	v34 =	vadd.s32 s16, v33;
	v53 =	vmul.f32 v2, v2;
	[tilespmem:v9+s15+$0x0] =	vst.idx.msk $0xffff, v61;
	v1 =	vor.u32 v17, v16  }
0x90: {  	v26 =	vand.u32 $0x3F, v34;
	v16 =	vor.u32 v17, v21;
	[tilespmem:v3+s15+$0x0] =	vst.idx.msk $0xffff, v31;
	v2 =	vld.idx.msk [tilespmem:v4+s12+$0x0], $0xffff;
	v4 =	vshll.u32 v34, $0x7  }
0x91: {  	v3 =	vmul.f32 v59, v59;
	v34 =	vmul.f32 v55, v55;
	v59 =	vld.idx.msk [tilespmem:v8+s12+$0x0], $0xffff;
	[tilespmem:v12+s15+$0x0] =	vst.idx.msk $0xffff, v45  }
0x92: {  	v55 =	vor.u32 v17, v0;
	[tilespmem:v58+s15+$0x0] =	vst.idx.msk $0xffff, v13;
	v58 =	vmul.f32 v35, v35;
	v35 =	vld.idx.msk [tilespmem:v6+s12+$0x0], $0xffff  }
0x93: {  	s17 =	simm.s32 $0x7  }
0x94: {  	v36 =	vadd.s32 s17, v33;
	s18 =	simm.s32 $0x5  }
0x95: {  	v56 =	vmul.f32 v56, v56;
	v47 =	vadd.s32 s18, v33;
	v18 =	vor.u32 v20, v25;
	[tilespmem:v1+s15+$0x0] =	vst.idx.msk $0xffff, v2  }
0x96: {  	v29 =	vor.u32 v28, v25;
	v27 =	vand.u32 $0x3F, v47;
	v30 =	vor.u32 v28, v26;
	[tilespmem:v16+s15+$0x0] =	vst.idx.msk $0xffff, v59  }
0x97: {  	v47 =	vshll.u32 v47, $0x7;
	v38 =	vor.u32 v28, v27;
	v54 =	vor.u32 v20, v27;
	[tilespmem:v55+s15+$0x0] =	vst.idx.msk $0xffff, v35  }
0x98: {  	v60 =	vor.u32 v37, v21;
	v21 =	vand.u32 $0x1F80, v4;
	v4 =	vmul.f32 v13, v13;
	v13 =	vld [tilespmem:$0x1FED0]  }
0x99: {  	v46 =	vor.u32 v33, v22;
	v51 =	vor.u32 v20, v26;
	v10 =	vmul.f32 v32, v32;
	v6 =	vld.idx.msk [tilespmem:v63+s12+$0x0], $0xffff  }
0x9a: {  	v32 =	vmul.f32 v24, v24;
	v48 =	vmul.f32 v48, v48;
	v24 =	vand.u32 $0x1F80, v47  }
0x9b: {  	v23 =	vand.u32 $0x3F, v36;
	v9 =	vmul.f32 v62, v62;
	v62 =	vmul.f32 v11, v11  }
0x9c: {  	v49 =	vor.u32 v20, v23;
	v11 =	vmul.f32 v7, v7;
	v7 =	vmul.f32 v5, v5  }
0x9d: {  	v50 =	vor.u32 v37, v0;
	v8 =	vmul.f32 v15, v15;
	v15 =	vmul.f32 v41, v41  }
0x9e: {  	v37 =	vimm.f32 $0.0e+00;
	v5 =	vor.u32 v33, v24;
	v61 =	vmul.f32 v61, v61;
	v16 =	vld.idx.msk [tilespmem:v14+s12+$0x0], $0xffff;
	[tilespmem:v39+s15+$0x0] =	vst.idx.msk $0xffff, v6  }
0x9f: {  	v0 =	vmul.f32 v52, v52;
	v12 =	vmul.f32 v44, v44;
	v44 =	vadd.f32 v15, v37;
	v15 =	vld.idx.msk [tilespmem:v19+s12+$0x0], $0xffff  }
0xa0: {  	v52 =	vmul.f32 v31, v31;
	v41 =	vadd.f32 v32, v37;
	v14 =	vimm.f32 $0.0e+00;
	v55 =	vld.idx.msk [tilespmem:v13+s12+$0x0], $0xffff  }
0xa1: {  	v45 =	vmul.f32 v45, v45;
	v13 =	vadd.f32 v53, v37;
	v53 =	vld.idx.msk [tilespmem:v40+s12+$0x0], $0xffff;
	[tilespmem:$0x1FEE0] =	vst v14;
	v14 =	vimm.f32 $0.0e+00  }
0xa2: {  	v63 =	vor.u32 v33, v21;
	v1 =	vmul.f32 v43, v43;
	[tilespmem:$0x1FEF0] =	vst v14;
	v14 =	vimm.f32 $0.0e+00  }
0xa3: {  	s8 =	simm.s32 $0x8;
	v43 =	vadd.f32 v34, v37;
	v59 =	vmul.f32 v59, v59;
	v47 =	vmul.f32 v35, v35;
	[tilespmem:$0x1FF00] =	vst v14  }
.LBB2_3:
0xa4: {  	v12 =	vadd.f32 v12, v44;
	v9 =	vadd.f32 v9, v13;
	_ =	sdelay $0x1  }
0xa5: {  	v3 =	vadd.f32 v3, v9;
	v9 =	vadd.f32 v48, v12;
	_ =	sdelay $0x1  }
0xa6: {  	v0 =	vadd.f32 v0, v9;
	_ =	sdelay $0x1  }
0xa7: {  	[tilespmem:$0x1FE30] =	vst v0;
	v0 =	vld [tilespmem:$0x1FEB0];
	_ =	sdelay $0x1  }
0xa8: {  	v11 =	vadd.f32 v11, v41;
	_ =	sdelay $0x1  }
0xa9: {  	v7 =	vadd.f32 v7, v11;
	_ =	sdelay $0x1  }
0xaa: {  	v7 =	vadd.f32 v58, v7  }
0xab: {  	[tilespmem:v50+s15+$0x0] =	vst.idx.msk $0xffff, v53  }
0xac: {  	[tilespmem:$0x1FE20] =	vst v7;
	v7 =	vld.idx.msk [tilespmem:v0+s12+$0x0], $0xffff  }
0xad: {  	v0 =	vld [tilespmem:$0x1FEE0]  }
0xae: {  	v10 =	vadd.f32 v10, v43;
	v13 =	vld [tilespmem:$0x1FEC0];
	_ =	sdelay $0x1  }
0xaf: {  	v8 =	vadd.f32 v8, v10;
	v10 =	vld [tilespmem:$0x1FEA0];
	_ =	sdelay $0x1  }
0xb0: {  	v4 =	vadd.f32 v4, v0;
	v0 =	vld [tilespmem:$0x1FEF0];
	_ =	sdelay $0x2  }
0xb1: {  	v6 =	vmul.f32 v6, v6;
	[tilespmem:v57+s15+$0x0] =	vst.idx.msk $0xffff, v16;
	v1 =	vadd.f32 v1, v37  }
0xb2: {  	v2 =	vmul.f32 v2, v2;
	v13 =	vld.idx.msk [tilespmem:v13+s12+$0x0], $0xffff  }
0xb3: {  	[tilespmem:v60+s15+$0x0] =	vst.idx.msk $0xffff, v55;
	v1 =	vadd.f32 v61, v1;
	v6 =	vadd.f32 v6, v0;
	v0 =	vld [tilespmem:$0x1FF00]  }
0xb4: {  	v43 =	vadd.f32 v56, v3;
	v3 =	vadd.f32 v62, v8;
	v10 =	vld.idx.msk [tilespmem:v10+s12+$0x0], $0xffff  }
0xb5: {  	v1 =	vadd.f32 v52, v1;
	v2 =	vadd.f32 v2, v4  }
0xb6: {  	v8 =	vmul.f32 v16, v16;
	[tilespmem:$0x1FE00] =	vst v3;
	v3 =	vmul.f32 v15, v15  }
0xb7: {  	v1 =	vadd.f32 v45, v1;
	v9 =	vmul.f32 v13, v13;
	v2 =	vadd.f32 v59, v2  }
0xb8: {  	v4 =	vmul.f32 v55, v55;
	v6 =	vadd.f32 v8, v6;
	v3 =	vadd.f32 v3, v0  }
0xb9: {  	[tilespmem:$0x1FE50] =	vst v1;
	v1 =	vadd.f32 v47, v2;
	v8 =	vmul.f32 v10, v10  }
0xba: {  	v4 =	vadd.f32 v4, v6;
	v3 =	vadd.f32 v9, v3;
	v9 =	vmul.f32 v53, v53;
	_ =	sdelay $0x1  }
0xbb: {  	[tilespmem:$0x1FEE0] =	vst v1;
	v6 =	vmul.f32 v7, v7;
	v3 =	vadd.f32 v8, v3;
	v1 =	vadd.f32 v9, v4;
	_ =	sdelay $0x1  }
0xbc: {  	v57 =	vmov v26;
	v26 =	vshll.u32 v36, $0x7;
	v58 =	vld.idx.msk [tilespmem:v54+s12+$0x0], $0xffff;
	[tilespmem:$0x1FEF0] =	vst v1;
	v1 =	vadd.f32 v6, v3  }
0xbd: {  	v48 =	vand.u32 $0x1F80, v26;
	v16 =	vld.idx.msk [tilespmem:v49+s12+$0x0], $0xffff  }
0xbe: {  	v2 =	vor.u32 v33, v48;
	[tilespmem:$0x1FF00] =	vst v1;
	v1 =	vld [tilespmem:$0x1FF50]  }
0xbf: {  	v14 =	vld [tilespmem:$0x1FE60];
	v4 =	vor.u32 v28, v23;
	_ =	sdelay $0x2  }
0xc0: {  	v17 =	vld [tilespmem:$0x1FFD0];
	[tilespmem:v5+s15+$0x0] =	vst.idx.msk $0xffff, v58  }
0xc1: {  	v55 =	vld.idx.msk [tilespmem:v51+s12+$0x0], $0xffff;
	[tilespmem:v2+s15+$0x0] =	vst.idx.msk $0xffff, v16;
	v5 =	vor.u32 v1, v24  }
0xc2: {  	v2 =	vmov v5;
	v5 =	vld.idx.msk [tilespmem:v4+s12+$0x0], $0xffff  }
0xc3: {  	v4 =	vld [tilespmem:$0x1FE70]  }
0xc4: {  	v56 =	vld.idx.msk [tilespmem:v18+s12+$0x0], $0xffff  }
0xc5: {  	v47 =	vld.idx.msk [tilespmem:v38+s12+$0x0], $0xffff;
	[tilespmem:v14+s15+$0x0] =	vst.idx.msk $0xffff, v13  }
0xc6: {  	v13 =	vor.u32 v42, v21;
	[tilespmem:v63+s15+$0x0] =	vst.idx.msk $0xffff, v55  }
0xc7: {  	v8 =	vor.u32 v1, v21;
	v11 =	vor.u32 v1, v48;
	v12 =	vor.u32 v1, v22;
	v1 =	vld.idx.msk [tilespmem:v30+s12+$0x0], $0xffff  }
0xc8: {  	[tilespmem:$0x1FE60] =	vst v2;
	v2 =	vor.u32 v17, v57  }
0xc9: {  	[tilespmem:v46+s15+$0x0] =	vst.idx.msk $0xffff, v56  }
0xca: {  	v45 =	vld.idx.msk [tilespmem:v29+s12+$0x0], $0xffff  }
0xcb: {  	v3 =	vor.u32 v42, v22;
	[tilespmem:v4+s15+$0x0] =	vst.idx.msk $0xffff, v10;
	v10 =	vld [tilespmem:$0x1FE80]  }
0xcc: {  	v14 =	vld [tilespmem:$0x1FFC0];
	v9 =	vor.u32 v42, v24;
	[tilespmem:v13+s15+$0x0] =	vst.idx.msk $0xffff, v1  }
0xcd: {  	v13 =	vld.idx.msk [tilespmem:v2+s12+$0x0], $0xffff  }
0xce: {  	v0 =	vmov v27;
	v6 =	vor.u32 v17, v25;
	v2 =	vld [tilespmem:$0x1FE90]  }
0xcf: {  	v26 =	vor.u32 v17, v0;
	v4 =	vmov v8;
	v8 =	vor.u32 v17, v23;
	v17 =	vld [tilespmem:$0x1FFE0]  }
0xd0: {  	[tilespmem:v3+s15+$0x0] =	vst.idx.msk $0xffff, v45;
	v3 =	vor.u32 v42, v48  }
0xd1: {  	[tilespmem:v9+s15+$0x0] =	vst.idx.msk $0xffff, v47  }
0xd2: {  	v18 =	vld [tilespmem:$0x1FF80];
	[tilespmem:$0x1FE70] =	vst v4  }
0xd3: {  	v52 =	vld.idx.msk [tilespmem:v6+s12+$0x0], $0xffff;
	v6 =	vor.u32 v14, v22;
	[tilespmem:v10+s15+$0x0] =	vst.idx.msk $0xffff, v7;
	v7 =	vmov v11  }
0xd4: {  	v29 =	vld [tilespmem:$0x1FF90];
	v9 =	vor.u32 v17, v25;
	[tilespmem:$0x1FE80] =	vst v7  }
0xd5: {  	v4 =	vld.idx.msk [tilespmem:v26+s12+$0x0], $0xffff;
	v7 =	vor.u32 v14, v24;
	[tilespmem:v3+s15+$0x0] =	vst.idx.msk $0xffff, v5  }
0xd6: {  	v31 =	vld [tilespmem:$0x1FFA0];
	[tilespmem:v2+s15+$0x0] =	vst.idx.msk $0xffff, v15;
	v2 =	vmov v12  }
0xd7: {  	v32 =	vld [tilespmem:$0x1FF70];
	v10 =	vadd.s32 s8, v33;
	[tilespmem:$0x1FE90] =	vst v2  }
0xd8: {  	v12 =	vor.u32 v14, v21;
	v53 =	vld.idx.msk [tilespmem:v8+s12+$0x0], $0xffff;
	v8 =	vor.u32 v18, v25;
	[tilespmem:v6+s15+$0x0] =	vst.idx.msk $0xffff, v52  }
0xd9: {  	v11 =	vor.u32 v17, v0;
	v2 =	vshll.u32 v10, $0x7;
	[tilespmem:$0x1FE40] =	vst v8;
	v8 =	vor.u32 v14, v48;
	v59 =	vld.idx.msk [tilespmem:v9+s12+$0x0], $0xffff  }
0xda: {  	v34 =	vld [tilespmem:$0x1FF40];
	v9 =	vand.u32 $0x3F, v10;
	v10 =	vor.u32 v29, v22;
	[tilespmem:v7+s15+$0x0] =	vst.idx.msk $0xffff, v4;
	v7 =	vor.u32 v17, v23  }
0xdb: {  	v35 =	vld [tilespmem:$0x1FFF0];
	v26 =	vor.u32 v31, v25;
	v14 =	vor.u32 v28, v9  }
0xdc: {  	v30 =	vld [tilespmem:$0x1FF60];
	v6 =	vor.u32 v17, v57;
	[tilespmem:$0x1FE10] =	vst v14  }
0xdd: {  	v39 =	vld [tilespmem:$0x1FFB0];
	[tilespmem:v12+s15+$0x0] =	vst.idx.msk $0xffff, v13  }
0xde: {  	v27 =	vor.u32 v29, v24;
	v14 =	vld.idx.msk [tilespmem:v11+s12+$0x0], $0xffff;
	[tilespmem:v8+s15+$0x0] =	vst.idx.msk $0xffff, v53  }
0xdf: {  	v12 =	vor.u32 v31, v0;
	[tilespmem:v10+s15+$0x0] =	vst.idx.msk $0xffff, v59;
	v63 =	vld.idx.msk [tilespmem:v7+s12+$0x0], $0xffff;
	v7 =	vor.u32 v29, v48  }
0xe0: {  	v8 =	vor.u32 v35, v22;
	v10 =	vor.u32 v31, v23;
	v19 =	vld.idx.msk [tilespmem:v26+s12+$0x0], $0xffff  }
0xe1: {  	s16 =	sadd.s32 $0x2, s8;
	s17 =	sadd.s32 $0x3, s8;
	v61 =	vor.u32 v30, v25;
	v25 =	vor.u32 v32, v25;
	v15 =	vld.idx.msk [tilespmem:v6+s12+$0x0], $0xffff;
	v6 =	vor.u32 v18, v57  }
0xe2: {  	s18 =	sadd.s32 $0x1, s8;
	v36 =	vadd.s32 s17, v33;
	v3 =	vadd.s32 s16, v33;
	v17 =	vand.u32 $0x1F80, v2;
	[tilespmem:$0x1FEA0] =	vst v6  }
0xe3: {  	v2 =	vor.u32 v18, v0;
	v11 =	vadd.s32 s18, v33;
	v46 =	vor.u32 v33, v17;
	[tilespmem:v27+s15+$0x0] =	vst.idx.msk $0xffff, v14  }
0xe4: {  	v6 =	vor.u32 v18, v23;
	v18 =	vor.u32 v34, v22;
	v42 =	vld.idx.msk [tilespmem:v12+s12+$0x0], $0xffff;
	[tilespmem:v7+s15+$0x0] =	vst.idx.msk $0xffff, v63  }
0xe5: {  	v22 =	vor.u32 v39, v22;
	[tilespmem:v8+s15+$0x0] =	vst.idx.msk $0xffff, v19;
	v7 =	vor.u32 v35, v48;
	v33 =	vld.idx.msk [tilespmem:v10+s12+$0x0], $0xffff  }
0xe6: {  	[tilespmem:$0x1FEB0] =	vst v6;
	v6 =	vor.u32 v31, v57;
	v12 =	vor.u32 v32, v23;
	v31 =	vld.idx.msk [tilespmem:v25+s12+$0x0], $0xffff;
	_ =	sdelay $0x1  }
0xe7: {  	[tilespmem:$0x1FEC0] =	vst v2;
	v2 =	vor.u32 v29, v21;
	_ =	sdelay $0x1  }
0xe8: {  	v60 =	vor.u32 v35, v24;
	v62 =	vor.u32 v32, v57;
	[tilespmem:v7+s15+$0x0] =	vst.idx.msk $0xffff, v33  }
0xe9: {  	v40 =	vor.u32 v30, v0;
	v0 =	vor.u32 v32, v0;
	[tilespmem:v22+s15+$0x0] =	vst.idx.msk $0xffff, v31;
	v22 =	vld.idx.msk [tilespmem:v12+s12+$0x0], $0xffff  }
0xea: {  	v7 =	vmul.f32 v13, v13;
	v13 =	vor.u32 v39, v48;
	v12 =	vmul.f32 v14, v14;
	v14 =	vld [tilespmem:$0x1FE00]  }
0xeb: {  	v50 =	vor.u32 v34, v48;
	v20 =	vor.u32 v30, v57;
	[tilespmem:v2+s15+$0x0] =	vst.idx.msk $0xffff, v15  }
0xec: {  	v57 =	vor.u32 v34, v24;
	v32 =	vld.idx.msk [tilespmem:v6+s12+$0x0], $0xffff;
	v6 =	vor.u32 v35, v21;
	v35 =	vmul.f32 v45, v45  }
0xed: {  	[tilespmem:v60+s15+$0x0] =	vst.idx.msk $0xffff, v42;
	v60 =	vor.u32 v34, v21;
	v34 =	vmul.f32 v56, v56  }
0xee: {  	v2 =	vld.idx.msk [tilespmem:v0+s12+$0x0], $0xffff;
	v0 =	vor.u32 v39, v24  }
0xef: {  	[tilespmem:v13+s15+$0x0] =	vst.idx.msk $0xffff, v22;
	v13 =	vadd.f32 v34, v43;
	v43 =	vadd.f32 v35, v14;
	v14 =	vld [tilespmem:$0x1FE20]  }
0xf0: {  	v26 =	vand.u32 $0x3F, v3;
	v29 =	vor.u32 v30, v23;
	v27 =	vand.u32 $0x3F, v11  }
0xf1: {  	v30 =	vor.u32 v28, v26;
	v38 =	vor.u32 v28, v27;
	v28 =	vmul.f32 v52, v52  }
0xf2: {  	v54 =	vld [tilespmem:$0x1FF10];
	v56 =	vmul.f32 v16, v16;
	v16 =	vshll.u32 v3, $0x7;
	v3 =	vmul.f32 v55, v55;
	[tilespmem:v6+s15+$0x0] =	vst.idx.msk $0xffff, v32  }
0xf3: {  	v41 =	vlaneseq.u32;
	v55 =	vor.u32 v39, v21;
	v21 =	vand.u32 $0x1F80, v16;
	v6 =	vld.idx.msk [tilespmem:v61+s12+$0x0], $0xffff;
	[tilespmem:v0+s15+$0x0] =	vst.idx.msk $0xffff, v2  }
0xf4: {  	v0 =	vmul.f32 v63, v63;
	v63 =	vor.u32 v41, v21;
	v41 =	vadd.f32 v28, v14;
	v14 =	vld [tilespmem:$0x1FE30];
	_ =	sdelay $0x1  }
0xf5: {  	v37 =	vld.idx.msk [tilespmem:v62+s12+$0x0], $0xffff  }
0xf6: {  	v59 =	vmul.f32 v59, v59  }
0xf7: {  	v44 =	vor.u32 v54, v9  }
0xf8: {  	v23 =	vand.u32 $0x3F, v36;
	[tilespmem:v18+s15+$0x0] =	vst.idx.msk $0xffff, v6;
	v18 =	vmov v44;
	v44 =	vadd.f32 v59, v14;
	v14 =	vld [tilespmem:$0x1FE40]  }
0xf9: {  	v51 =	vor.u32 v54, v26;
	v49 =	vor.u32 v54, v23;
	v61 =	vmul.f32 v42, v42;
	v42 =	vld [tilespmem:$0x1FF30]  }
0xfa: {  	v8 =	vmul.f32 v1, v1;
	v1 =	vmul.f32 v19, v19;
	v16 =	vld.idx.msk [tilespmem:v40+s12+$0x0], $0xffff;
	[tilespmem:v55+s15+$0x0] =	vst.idx.msk $0xffff, v37  }
0xfb: {  	p0 =	slt.u32 s8, $0x3C;
	v25 =	vmov v9;
	v9 =	vmul.f32 v58, v58;
	v58 =	vmul.f32 v53, v53;
	v55 =	vld.idx.msk [tilespmem:v20+s12+$0x0], $0xffff  }
.Ltmp4:
0xfc: {  	v54 =	vor.u32 v54, v27;
	v10 =	vmul.f32 v47, v47;
	v52 =	vmul.f32 v32, v32;
	v53 =	vld.idx.msk [tilespmem:v29+s12+$0x0], $0xffff;
	(pc) =	sbr.rel @p0 .LBB2_3-.Ltmp4, $4  }
0xfd: {  	v62 =	vmul.f32 v5, v5;
	v5 =	vshll.u32 v11, $0x7;
	v11 =	vmul.f32 v4, v4;
	v29 =	vld [tilespmem:$0x1FE10]  }
0xfe: {  	v4 =	vmul.f32 v31, v31;
	v48 =	vmul.f32 v15, v15;
	v24 =	vand.u32 $0x1F80, v5;
	v28 =	vld [tilespmem:$0x1FF20]  }
0xff: {  	v45 =	vmul.f32 v33, v33;
	v33 =	vlaneseq.u32;
	v59 =	vmul.f32 v37, v37;
	v37 =	vld [tilespmem:$0x1FE50]  }
0x100: {  	s8 =	sadd.s32 $0x4, s8;
	v5 =	vor.u32 v33, v24;
	v47 =	vmul.f32 v22, v22;
	v22 =	vmov v17;
	v15 =	vld.idx.msk [tilespmem:v14+s12+$0x0], $0xffff  }
0x101: {  	_ =	sdelay $0x3  }
0x102: {  	v39 =	vld.idx.msk [tilespmem:v18+s12+$0x0], $0xffff  }
0x103: {  	v14 =	vld.idx.msk [tilespmem:v54+s12+$0x0], $0xffff;
	_ =	sdelay $0x1  }
0x104: {  	v17 =	vshll.u32 v36, $0x7;
	v51 =	vld.idx.msk [tilespmem:v51+s12+$0x0], $0xffff  }
0x105: {  	[tilespmem:v57+s15+$0x0] =	vst.idx.msk $0xffff, v16;
	v36 =	vand.u32 $0x1F80, v17  }
0x106: {  	v13 =	vadd.f32 v9, v13;
	v9 =	vld.idx.msk [tilespmem:v49+s12+$0x0], $0xffff;
	v17 =	vor.u32 v33, v36;
	[tilespmem:v46+s15+$0x0] =	vst.idx.msk $0xffff, v39  }
0x107: {  	v35 =	vor.u32 v28, v23;
	v28 =	vor.u32 v42, v22;
	[tilespmem:v5+s15+$0x0] =	vst.idx.msk $0xffff, v14;
	v20 =	vld.idx.msk [tilespmem:v29+s12+$0x0], $0xffff  }
0x108: {  	v57 =	vld [tilespmem:$0x1FFD0]  }
0x109: {  	v10 =	vadd.f32 v10, v43;
	[tilespmem:v63+s15+$0x0] =	vst.idx.msk $0xffff, v51  }
0x10a: {  	[tilespmem:v60+s15+$0x0] =	vst.idx.msk $0xffff, v55  }
0x10b: {  	v40 =	vor.u32 v42, v24;
	v8 =	vadd.f32 v8, v10;
	v10 =	vld.idx.msk [tilespmem:v38+s12+$0x0], $0xffff;
	[tilespmem:v17+s15+$0x0] =	vst.idx.msk $0xffff, v9  }
0x10c: {  	[tilespmem:v28+s15+$0x0] =	vst.idx.msk $0xffff, v20  }
0x10d: {  	v5 =	vor.u32 v57, v25;
	v54 =	vld [tilespmem:$0x1FFC0];
	_ =	sdelay $0x1  }
0x10e: {  	v19 =	vmul.f32 v2, v2;
	v2 =	vld.idx.msk [tilespmem:v30+s12+$0x0], $0xffff;
	v30 =	vor.u32 v42, v21  }
0x10f: {  	v42 =	vor.u32 v42, v36;
	v38 =	vld.idx.msk [tilespmem:v35+s12+$0x0], $0xffff;
	[tilespmem:v40+s15+$0x0] =	vst.idx.msk $0xffff, v10  }
0x110: {  	v63 =	vld [tilespmem:$0x1FFE0]  }
0x111: {  	v29 =	vor.u32 v57, v27;
	v5 =	vld.idx.msk [tilespmem:v5+s12+$0x0], $0xffff;
	v43 =	vor.u32 v54, v22;
	_ =	sdelay $0x1  }
0x112: {  	v11 =	vadd.f32 v11, v41;
	v41 =	vor.u32 v57, v26;
	[tilespmem:v30+s15+$0x0] =	vst.idx.msk $0xffff, v2  }
0x113: {  	v12 =	vadd.f32 v12, v44;
	v28 =	vor.u32 v57, v23;
	[tilespmem:v42+s15+$0x0] =	vst.idx.msk $0xffff, v38  }
0x114: {  	v3 =	vadd.f32 v3, v13;
	[tilespmem:v50+s15+$0x0] =	vst.idx.msk $0xffff, v53;
	v44 =	vor.u32 v63, v25  }
0x115: {  	v29 =	vld.idx.msk [tilespmem:v29+s12+$0x0], $0xffff;
	v31 =	vor.u32 v54, v24;
	[tilespmem:v43+s15+$0x0] =	vst.idx.msk $0xffff, v5  }
0x116: {  	v3 =	vadd.f32 v56, v3;
	v56 =	vld [tilespmem:$0x1FF90]  }
0x117: {  	v17 =	vld.idx.msk [tilespmem:v41+s12+$0x0], $0xffff;
	v32 =	vor.u32 v54, v21  }
0x118: {  	v28 =	vld.idx.msk [tilespmem:v28+s12+$0x0], $0xffff;
	v34 =	vor.u32 v54, v36;
	v30 =	vor.u32 v63, v27  }
0x119: {  	v7 =	vadd.f32 v7, v11;
	v11 =	vadd.f32 v48, v12;
	v13 =	vld.idx.msk [tilespmem:v44+s12+$0x0], $0xffff  }
0x11a: {  	v49 =	vld [tilespmem:$0x1FEC0];
	[tilespmem:v31+s15+$0x0] =	vst.idx.msk $0xffff, v29  }
0x11b: {  	v11 =	vadd.f32 v0, v11;
	v46 =	vor.u32 v63, v26;
	v60 =	vld [tilespmem:$0x1FFA0];
	v0 =	vor.u32 v56, v22  }
0x11c: {  	v50 =	vld [tilespmem:$0x1FEE0];
	[tilespmem:v32+s15+$0x0] =	vst.idx.msk $0xffff, v17  }
0x11d: {  	v1 =	vadd.f32 v1, v37;
	v48 =	vor.u32 v63, v23;
	v37 =	vld.idx.msk [tilespmem:v30+s12+$0x0], $0xffff;
	[tilespmem:v34+s15+$0x0] =	vst.idx.msk $0xffff, v28  }
0x11e: {  	v30 =	vld [tilespmem:$0x1FEF0];
	_ =	sdelay $0x1  }
0x11f: {  	v18 =	vld.idx.msk [tilespmem:v46+s12+$0x0], $0xffff;
	[tilespmem:v0+s15+$0x0] =	vst.idx.msk $0xffff, v13  }
0x120: {  	v6 =	vmul.f32 v6, v6;
	v8 =	vadd.f32 v62, v8;
	v31 =	vor.u32 v60, v25;
	v62 =	vld [tilespmem:$0x1FFF0]  }
0x121: {  	v12 =	vld.idx.msk [tilespmem:v48+s12+$0x0], $0xffff  }
0x122: {  	v40 =	vor.u32 v56, v24;
	v6 =	vadd.f32 v6, v30;
	v30 =	vld [tilespmem:$0x1FF00]  }
0x123: {  	v42 =	vor.u32 v56, v36;
	v33 =	vld.idx.msk [tilespmem:v49+s12+$0x0], $0xffff  }
0x124: {  	v1 =	vadd.f32 v61, v1;
	v41 =	vor.u32 v56, v21;
	v0 =	vor.u32 v60, v23;
	v61 =	vld [tilespmem:$0x1FF70]  }
0x125: {  	v7 =	vadd.f32 v58, v7;
	v35 =	vmul.f32 v15, v15;
	v31 =	vld.idx.msk [tilespmem:v31+s12+$0x0], $0xffff;
	v58 =	vor.u32 v62, v22  }
0x126: {  	v16 =	vmul.f32 v16, v16  }
0x127: {  	v32 =	vor.u32 v60, v27;
	v35 =	vadd.f32 v35, v30;
	v30 =	vld [tilespmem:$0x1FEA0];
	[tilespmem:v40+s15+$0x0] =	vst.idx.msk $0xffff, v37  }
0x128: {  	v4 =	vadd.f32 v4, v50;
	v34 =	vor.u32 v60, v26;
	[tilespmem:v42+s15+$0x0] =	vst.idx.msk $0xffff, v12  }
0x129: {  	v43 =	vmul.f32 v33, v33;
	v46 =	vor.u32 v61, v25;
	[tilespmem:v41+s15+$0x0] =	vst.idx.msk $0xffff, v18;
	v42 =	vld.idx.msk [tilespmem:v0+s12+$0x0], $0xffff  }
0x12a: {  	v6 =	vadd.f32 v16, v6;
	v40 =	vor.u32 v61, v27;
	v0 =	vld [tilespmem:$0x1FEB0];
	[tilespmem:v58+s15+$0x0] =	vst.idx.msk $0xffff, v31  }
0x12b: {  	v16 =	vor.u32 v61, v26;
	v35 =	vadd.f32 v43, v35;
	v43 =	vor.u32 v61, v23;
	v58 =	vmovc v61;
	v61 =	vld [tilespmem:$0x1FFB0]  }
0x12c: {  	v4 =	vadd.f32 v19, v4;
	v19 =	vld.idx.msk [tilespmem:v32+s12+$0x0], $0xffff  }
0x12d: {  	v32 =	vor.u32 v62, v24;
	v34 =	vld.idx.msk [tilespmem:v34+s12+$0x0], $0xffff  }
0x12e: {  	v41 =	vor.u32 v62, v21;
	v46 =	vld.idx.msk [tilespmem:v46+s12+$0x0], $0xffff  }
0x12f: {  	v48 =	vor.u32 v62, v36;
	v30 =	vld.idx.msk [tilespmem:v30+s12+$0x0], $0xffff  }
0x130: {  	v44 =	vmul.f32 v55, v55;
	v55 =	vld [tilespmem:$0x1FF60];
	v49 =	vor.u32 v61, v22;
	_ =	sdelay $0x1  }
0x131: {  	[tilespmem:v32+s15+$0x0] =	vst.idx.msk $0xffff, v19  }
0x132: {  	[tilespmem:v41+s15+$0x0] =	vst.idx.msk $0xffff, v34  }
0x133: {  	v1 =	vadd.f32 v52, v1;
	[tilespmem:v48+s15+$0x0] =	vst.idx.msk $0xffff, v42;
	v40 =	vld.idx.msk [tilespmem:v40+s12+$0x0], $0xffff;
	v52 =	vmul.f32 v30, v30  }
0x134: {  	v0 =	vld.idx.msk [tilespmem:v0+s12+$0x0], $0xffff;
	v50 =	vor.u32 v55, v25;
	[tilespmem:v49+s15+$0x0] =	vst.idx.msk $0xffff, v46  }
0x135: {  	v41 =	vor.u32 v61, v24;
	v32 =	vadd.f32 v52, v35;
	v52 =	vmul.f32 v53, v53;
	v53 =	vld [tilespmem:$0x1FF40]  }
0x136: {  	v35 =	vor.u32 v55, v27  }
0x137: {  	v45 =	vadd.f32 v45, v1  }
0x138: {  	v4 =	vadd.f32 v59, v4;
	v6 =	vadd.f32 v44, v6;
	v16 =	vld.idx.msk [tilespmem:v16+s12+$0x0], $0xffff;
	v44 =	vor.u32 v61, v21  }
0x139: {  	v20 =	vmul.f32 v20, v20;
	v43 =	vld.idx.msk [tilespmem:v43+s12+$0x0], $0xffff;
	v48 =	vor.u32 v61, v36;
	v59 =	vmul.f32 v0, v0  }
0x13a: {  	v4 =	vadd.f32 v47, v4;
	v47 =	vld.idx.msk [tilespmem:v50+s12+$0x0], $0xffff;
	[tilespmem:v41+s15+$0x0] =	vst.idx.msk $0xffff, v40;
	v1 =	vor.u32 v53, v22  }
0x13b: {  	v39 =	vmul.f32 v39, v39;
	v32 =	vadd.f32 v59, v32;
	v35 =	vld.idx.msk [tilespmem:v35+s12+$0x0], $0xffff;
	v59 =	vor.u32 v53, v24  }
0x13c: {  	v51 =	vmul.f32 v51, v51;
	v10 =	vmul.f32 v10, v10;
	v8 =	vadd.f32 v20, v8  }
0x13d: {  	v2 =	vmul.f32 v2, v2;
	v5 =	vmul.f32 v5, v5;
	[tilespmem:v44+s15+$0x0] =	vst.idx.msk $0xffff, v16  }
0x13e: {  	v6 =	vadd.f32 v52, v6;
	v52 =	vor.u32 v55, v26;
	[tilespmem:v48+s15+$0x0] =	vst.idx.msk $0xffff, v43  }
0x13f: {  	v8 =	vadd.f32 v10, v8;
	v5 =	vadd.f32 v5, v7;
	[tilespmem:v1+s15+$0x0] =	vst.idx.msk $0xffff, v47  }
0x140: {  	v13 =	vmul.f32 v13, v13;
	v7 =	vor.u32 v55, v23;
	[tilespmem:v59+s15+$0x0] =	vst.idx.msk $0xffff, v35  }
0x141: {  	v3 =	vadd.f32 v39, v3;
	v2 =	vadd.f32 v2, v8;
	v8 =	vmul.f32 v9, v9;
	v50 =	vld [tilespmem:$0x1FF80]  }
0x142: {  	v17 =	vmul.f32 v17, v17;
	v11 =	vadd.f32 v13, v11;
	v1 =	vmul.f32 v14, v14  }
0x143: {  	v12 =	vmul.f32 v12, v12;
	v48 =	vmul.f32 v37, v37;
	v10 =	vor.u32 v53, v21;
	v44 =	vld.idx.msk [tilespmem:v52+s12+$0x0], $0xffff  }
0x144: {  	v39 =	vmul.f32 v34, v34;
	v1 =	vadd.f32 v1, v3;
	v3 =	vmul.f32 v29, v29  }
0x145: {  	v41 =	vmul.f32 v42, v42;
	v11 =	vadd.f32 v48, v11;
	v59 =	vld.idx.msk [tilespmem:v7+s12+$0x0], $0xffff;
	v7 =	vmul.f32 v18, v18  }
0x146: {  	v52 =	vor.u32 v53, v36;
	v3 =	vadd.f32 v3, v5;
	v5 =	vor.u32 v50, v25  }
0x147: {  	v9 =	vadd.f32 v7, v11;
	v11 =	vmul.f32 v38, v38;
	v1 =	vadd.f32 v51, v1  }
0x148: {  	[tilespmem:v10+s15+$0x0] =	vst.idx.msk $0xffff, v44;
	v49 =	vor.u32 v50, v27;
	v10 =	vor.u32 v50, v26  }
0x149: {  	v7 =	vadd.f32 v8, v1;
	v8 =	vadd.f32 v11, v2;
	v2 =	vmul.f32 v31, v31  }
0x14a: {  	v37 =	vmul.f32 v35, v35;
	v3 =	vadd.f32 v17, v3;
	v1 =	vmul.f32 v28, v28  }
0x14b: {  	v13 =	vmul.f32 v44, v44;
	v25 =	vmul.f32 v19, v19;
	v2 =	vadd.f32 v2, v45;
	v17 =	vld.idx.msk [tilespmem:v5+s12+$0x0], $0xffff  }
0x14c: {  	v5 =	vadd.f32 v1, v3;
	v1 =	vadd.f32 v12, v9;
	v9 =	vor.u32 v50, v23  }
0x14d: {  	v11 =	vld.idx.msk [tilespmem:v49+s12+$0x0], $0xffff;
	v3 =	vmul.f32 v46, v46;
	v23 =	vmul.f32 v47, v47  }
0x14e: {  	v26 =	vmul.f32 v40, v40;
	v40 =	vmul.f32 v16, v16;
	v2 =	vadd.f32 v25, v2;
	v10 =	vld.idx.msk [tilespmem:v10+s12+$0x0], $0xffff  }
0x14f: {  	vm4 =	vgt.f32 v7, $9.999799720e-01;
	v3 =	vadd.f32 v3, v4;
	v6 =	vadd.f32 v23, v6  }
0x150: {  	[tilespmem:v52+s15+$0x0] =	vst.idx.msk $0xffff, v59;
	vm1 =	vgt.f32 v8, $9.999799720e-01;
	v2 =	vadd.f32 v39, v2;
	v4 =	vmul.f32 v17, v17  }
0x151: {  	vm2 =	vmor vm4, vm1;
	v3 =	vadd.f32 v26, v3;
	v6 =	vadd.f32 v37, v6;
	v9 =	vld.idx.msk [tilespmem:v9+s12+$0x0], $0xffff  }
0x152: {  	vm0 =	vgt.f32 v5, $9.999799720e-01;
	v38 =	vmul.f32 v11, v11;
	v4 =	vadd.f32 v4, v32  }
0x153: {  	v42 =	vmul.f32 v10, v10;
	v3 =	vadd.f32 v40, v3;
	v13 =	vadd.f32 v13, v6  }
0x154: {  	v6 =	vadd.f32 v41, v2;
	v2 =	vmul.f32 v43, v43;
	v4 =	vadd.f32 v38, v4  }
0x155: {  	v44 =	vmul.f32 v59, v59;
	v48 =	vld [tilespmem:$0x1FE60];
	vm3 =	vmor vm2, vm0;
	vm2 =	vgt.f32 v1, $9.999799720e-01  }
0x156: {  	v2 =	vadd.f32 v2, v3;
	v45 =	vmul.f32 v9, v9;
	v4 =	vadd.f32 v42, v4  }
0x157: {  	vm5 =	vmor vm3, vm2;
	v3 =	vadd.f32 v44, v13;
	vm3 =	vgt.f32 v6, $9.999799720e-01  }
0x158: {  	vm6 =	vmor vm5, vm3;
	vm5 =	vgt.f32 v2, $9.999799720e-01;
	v4 =	vadd.f32 v45, v4  }
0x159: {  	vm7 =	vmor vm6, vm5;
	vm6 =	vgt.f32 v3, $9.999799720e-01  }
0x15a: {  	vm8 =	vmor vm7, vm6;
	vm7 =	vgt.f32 v4, $9.999799720e-01  }
0x15b: {  	v46 =	vimm.f32 $0.0e+00;
	vm8 =	vmor vm8, vm7  }
0x15c: {  	v12 =	vsel vm8, $0x3F800000, v46  }
0x15d: {  	v35 =	vld [tilespmem:$0x1FF50];
	[tilespmem:v48+s15+$0x0] =	vst.idx.msk $0xffff, v33;
	(xrf0) =	vmax.scan.msk.f32 $0xffff, v12  }
0x15e: {  	v51 =	vld [tilespmem:$0x1FE70];
	_ =	sdelay $0x4  }
0x15f: {  	v12, _, _ =	vpop (xrf0)  }
0x160: {  	(v2sf) =	vpush v12, $0xF;
	_ =	sdelay $0x1  }
0x161: {  	[tilespmem:v51+s15+$0x0] =	vst.idx.msk $0xffff, v30  }
0x162: {  	v59 =	vld [tilespmem:$0x1FE80];
	_ =	sdelay $0x7  }
0x163: {  	v47 =	vor.u32 v35, v24;
	[tilespmem:v59+s15+$0x0] =	vst.idx.msk $0xffff, v0  }
0x164: {  	v49 =	vor.u32 v35, v21;
	v16 =	vld [tilespmem:$0x1FE90]  }
0x165: {  	v52 =	vor.u32 v35, v36  }
0x166: {  	v0 =	vor.u32 v35, v22  }
0x167: {  	s8 =	spop (v2sf)  }
0x168: {  	[tilespmem:v47+s15+$0x0] =	vst.idx.msk $0xffff, v11;
	p0 =	sgt.f32 s8, $0.0e+00  }
.Ltmp5:
0x169: {  	[tilespmem:v49+s15+$0x0] =	vst.idx.msk $0xffff, v10;
	(pc) =	sbr.rel @!p0 .LBB2_8-.Ltmp5, $4  }
0x16a: {  	[tilespmem:v52+s15+$0x0] =	vst.idx.msk $0xffff, v9  }
0x16b: {  	[tilespmem:v0+s15+$0x0] =	vst.idx.msk $0xffff, v17  }
0x16c: {  	v34 =	vmov v57;
	v57 =	vmov v63;
	v31 =	vmov v56;
	[tilespmem:v16+s15+$0x0] =	vst.idx.msk $0xffff, v15  }
0x16d: {  	v48 =	vmovc v53;
	v41 =	vmovc v60;
	v60 =	vmov v62;
	v38 =	vmov v55;
	v49 =	vmov v61;
	v30 =	vld [tilespmem:$0x1FF10]  }
0x16e: {  	v0 =	vshra.s32 v7, $0x1;
	v7 =	vmul.f32 $5.000000000e-01, v7  }
0x16f: {  	v9 =	vshra.s32 v8, $0x1;
	v8 =	vmul.f32 $5.000000000e-01, v8;
	v0 =	vsub.s32 $0x5F3759DF, v0  }
0x170: {  	v9 =	vsub.s32 $0x5F3759DF, v9;
	v10 =	vmul.f32 v0, v7  }
0x171: {  	v11 =	vmul.f32 v9, v8  }
0x172: {  	v10 =	vmul.f32 v0, v10  }
0x173: {  	v11 =	vmul.f32 v9, v11  }
0x174: {  	v10 =	vsub.f32 $1.500000000e+00, v10  }
0x175: {  	v11 =	vsub.f32 $1.500000000e+00, v11  }
0x176: {  	v0 =	vmul.f32 v0, v10  }
0x177: {  	v9 =	vmul.f32 v9, v11  }
0x178: {  	v10 =	vmul.f32 v0, v7  }
0x179: {  	v11 =	vmul.f32 v9, v8  }
0x17a: {  	v10 =	vmul.f32 v10, v0  }
0x17b: {  	v11 =	vmul.f32 v11, v9  }
0x17c: {  	v10 =	vsub.f32 $1.500000000e+00, v10  }
0x17d: {  	v11 =	vsub.f32 $1.500000000e+00, v11  }
0x17e: {  	v0 =	vmul.f32 v10, v0  }
0x17f: {  	v9 =	vmul.f32 v11, v9  }
0x180: {  	v12 =	vshra.s32 v5, $0x1;
	v5 =	vmul.f32 $5.000000000e-01, v5;
	v10 =	vmul.f32 v0, v7  }
0x181: {  	v12 =	vsub.s32 $0x5F3759DF, v12;
	v11 =	vmul.f32 v9, v8  }
0x182: {  	v13 =	vmul.f32 v12, v5;
	v10 =	vmul.f32 v10, v0  }
0x183: {  	v11 =	vmul.f32 v11, v9  }
0x184: {  	v13 =	vmul.f32 v12, v13;
	v10 =	vsub.f32 $1.500000000e+00, v10  }
0x185: {  	v11 =	vsub.f32 $1.500000000e+00, v11  }
0x186: {  	v0 =	vmul.f32 v10, v0;
	v10 =	vsub.f32 $1.500000000e+00, v13  }
0x187: {  	v14 =	vshra.s32 v6, $0x1;
	v6 =	vmul.f32 $5.000000000e-01, v6;
	v9 =	vmul.f32 v11, v9  }
0x188: {  	v7 =	vmul.f32 v0, v7;
	v10 =	vmul.f32 v12, v10  }
0x189: {  	v11 =	vshra.s32 v1, $0x1;
	v1 =	vmul.f32 $5.000000000e-01, v1;
	v8 =	vmul.f32 v9, v8  }
0x18a: {  	v11 =	vsub.s32 $0x5F3759DF, v11;
	v7 =	vmul.f32 v7, v0;
	v12 =	vmul.f32 v10, v5  }
0x18b: {  	v13 =	vmul.f32 v11, v1;
	v8 =	vmul.f32 v8, v9  }
0x18c: {  	v14 =	vsub.s32 $0x5F3759DF, v14;
	v7 =	vsub.f32 $1.500000000e+00, v7;
	v12 =	vmul.f32 v12, v10  }
0x18d: {  	v15 =	vmul.f32 v14, v6;
	v13 =	vmul.f32 v11, v13;
	v8 =	vsub.f32 $1.500000000e+00, v8  }
0x18e: {  	v0 =	vmul.f32 v7, v0;
	v7 =	vsub.f32 $1.500000000e+00, v12  }
0x18f: {  	v8 =	vmul.f32 v8, v9;
	v9 =	vsub.f32 $1.500000000e+00, v13;
	v12 =	vmul.f32 v14, v15  }
0x190: {  	v13 =	vshra.s32 v3, $0x1;
	v3 =	vmul.f32 $5.000000000e-01, v3;
	v15 =	vshra.s32 v4, $0x1  }
0x191: {  	v7 =	vmul.f32 v7, v10;
	v10 =	vshra.s32 v2, $0x1;
	v2 =	vmul.f32 $5.000000000e-01, v2  }
0x192: {  	v9 =	vmul.f32 v11, v9;
	v11 =	vsub.f32 $1.500000000e+00, v12;
	v10 =	vsub.s32 $0x5F3759DF, v10  }
0x193: {  	v4 =	vmul.f32 $5.000000000e-01, v4;
	v13 =	vsub.s32 $0x5F3759DF, v13;
	v12 =	vmul.f32 v10, v2  }
0x194: {  	v15 =	vsub.s32 $0x5F3759DF, v15;
	v16 =	vmul.f32 v13, v3;
	v11 =	vmul.f32 v14, v11  }
0x195: {  	v14 =	vmul.f32 v15, v4;
	v12 =	vmul.f32 v10, v12  }
0x196: {  	v17 =	vmul.f32 v9, v1;
	v16 =	vmul.f32 v13, v16  }
0x197: {  	v18 =	vmul.f32 v11, v6;
	v14 =	vmul.f32 v15, v14;
	v12 =	vsub.f32 $1.500000000e+00, v12  }
0x198: {  	v16 =	vsub.f32 $1.500000000e+00, v16;
	v17 =	vmul.f32 v17, v9  }
0x199: {  	v18 =	vmul.f32 v18, v11;
	v14 =	vsub.f32 $1.500000000e+00, v14;
	v10 =	vmul.f32 v10, v12  }
0x19a: {  	v13 =	vmul.f32 v13, v16;
	v17 =	vsub.f32 $1.500000000e+00, v17;
	v12 =	vmul.f32 v7, v5  }
0x19b: {  	v14 =	vmul.f32 v15, v14;
	v16 =	vmul.f32 v10, v2  }
0x19c: {  	v15 =	vsub.f32 $1.500000000e+00, v18;
	v9 =	vmul.f32 v17, v9;
	v12 =	vmul.f32 v12, v7  }
0x19d: {  	v17 =	vmul.f32 v14, v4;
	v16 =	vmul.f32 v16, v10  }
0x19e: {  	v18 =	vmul.f32 v13, v3;
	v11 =	vmul.f32 v15, v11  }
0x19f: {  	v12 =	vsub.f32 $1.500000000e+00, v12;
	v17 =	vmul.f32 v17, v14;
	v15 =	vsub.f32 $1.500000000e+00, v16  }
0x1a0: {  	v16 =	vmul.f32 v18, v13;
	v18 =	vmul.f32 v9, v1  }
0x1a1: {  	v7 =	vmul.f32 v12, v7;
	v17 =	vsub.f32 $1.500000000e+00, v17;
	v10 =	vmul.f32 v15, v10  }
0x1a2: {  	v12 =	vsub.f32 $1.500000000e+00, v16;
	v15 =	vmul.f32 v18, v9;
	v16 =	vmul.f32 v11, v6  }
0x1a3: {  	v14 =	vmul.f32 v17, v14;
	v5 =	vmul.f32 v7, v5  }
0x1a4: {  	v12 =	vmul.f32 v12, v13;
	v13 =	vmul.f32 v10, v2  }
0x1a5: {  	v15 =	vsub.f32 $1.500000000e+00, v15;
	v16 =	vmul.f32 v16, v11;
	v5 =	vmul.f32 v5, v7  }
0x1a6: {  	v13 =	vmul.f32 v13, v10;
	v17 =	vmul.f32 v12, v3  }
0x1a7: {  	v9 =	vmul.f32 v15, v9;
	v15 =	vmul.f32 v14, v4;
	v16 =	vsub.f32 $1.500000000e+00, v16  }
0x1a8: {  	v0 =	vmul.f32 $9.999899860e-01, v0;
	v13 =	vsub.f32 $1.500000000e+00, v13;
	v17 =	vmul.f32 v17, v12  }
0x1a9: {  	v5 =	vsub.f32 $1.500000000e+00, v5;
	v15 =	vmul.f32 v15, v14;
	v11 =	vmul.f32 v16, v11  }
0x1aa: {  	v1 =	vmul.f32 v9, v1;
	v10 =	vmul.f32 v13, v10;
	v13 =	vsub.f32 $1.500000000e+00, v17  }
0x1ab: {  	v5 =	vmul.f32 v5, v7;
	v15 =	vsub.f32 $1.500000000e+00, v15;
	v6 =	vmul.f32 v11, v6  }
0x1ac: {  	v1 =	vmul.f32 v1, v9;
	v12 =	vmul.f32 v13, v12  }
0x1ad: {  	v13 =	vmul.f32 v15, v14;
	v6 =	vmul.f32 v6, v11  }
0x1ae: {  	v2 =	vmul.f32 v10, v2;
	v3 =	vmul.f32 v12, v3  }
0x1af: {  	s8 =	simm.s32 $0x0;
	v7 =	vmul.f32 $9.999899860e-01, v8;
	v1 =	vsub.f32 $1.500000000e+00, v1;
	v4 =	vmul.f32 v13, v4  }
0x1b0: {  	v14 =	vld [tilespmem:s8+$0xA400];
	v6 =	vsub.f32 $1.500000000e+00, v6;
	v2 =	vmul.f32 v2, v10;
	v3 =	vmul.f32 v3, v12  }
0x1b1: {  	v1 =	vmul.f32 v1, v9;
	v4 =	vmul.f32 v4, v13  }
0x1b2: {  	v6 =	vmul.f32 v6, v11;
	v2 =	vsub.f32 $1.500000000e+00, v2;
	v3 =	vsub.f32 $1.500000000e+00, v3  }
0x1b3: {  	v11 =	vmul.f32 $9.999899860e-01, v5;
	v1 =	vmul.f32 $9.999899860e-01, v1;
	v4 =	vsub.f32 $1.500000000e+00, v4  }
0x1b4: {  	v0 =	vnsel vm4, $0x3F800000, v0;
	v2 =	vmul.f32 v2, v10;
	v3 =	vmul.f32 v3, v12;
	v12 =	vld [tilespmem:s8+$0xA410]  }
0x1b5: {  	v8 =	vld [tilespmem:s8+$0xA420];
	v16 =	vmul.f32 v14, v0;
	v4 =	vmul.f32 v4, v13  }
0x1b6: {  	v9 =	vld [tilespmem:s8+$0xA430];
	v5 =	vnsel vm1, $0x3F800000, v7;
	v6 =	vmul.f32 $9.999899860e-01, v6;
	v2 =	vmul.f32 $9.999899860e-01, v2  }
0x1b7: {  	v7 =	vnsel vm0, $0x3F800000, v11;
	v10 =	vld [tilespmem:s8+$0xA440];
	v13 =	vmul.f32 $9.999899860e-01, v3;
	v15 =	vmul.f32 $9.999899860e-01, v4  }
0x1b8: {  	v11 =	vld [tilespmem:s8+$0xA450];
	v6 =	vnsel vm3, $0x3F800000, v6;
	v3 =	vnsel vm2, $0x3F800000, v1;
	v4 =	vnsel vm5, $0x3F800000, v2  }
0x1b9: {  	s16 =	simm.s32 $0x200;
	v1 =	vnsel vm6, $0x3F800000, v13;
	v2 =	vnsel vm7, $0x3F800000, v15;
	v13 =	vmul.f32 v12, v5;
	v12 =	vld [tilespmem:s8+$0xA460]  }
.LBB2_6:
0x1ba: {  	s17 =	sshra.s32 s16, $0x2;
	p0 =	sne.s32 s16, $0x7E00;
	[tilespmem:s8+$0xA400] =	vst v16;
	v8 =	vmul.f32 v8, v7;
	v14 =	vld [tilespmem:s8+$0xA470]  }
0x1bb: {  	v15 =	vld [tilespmem:s17+$0xA400];
	[tilespmem:s8+$0xA410] =	vst v13;
	v9 =	vmul.f32 v9, v3  }
0x1bc: {  	v13 =	vld [tilespmem:s17+$0xA410];
	[tilespmem:s8+$0xA420] =	vst v8;
	v10 =	vmul.f32 v10, v6  }
.Ltmp6:
0x1bd: {  	v8 =	vld [tilespmem:s17+$0xA420];
	[tilespmem:s8+$0xA430] =	vst v9;
	v11 =	vmul.f32 v11, v4;
	(pc) =	sbr.rel @p0 .LBB2_6-.Ltmp6, $4  }
0x1be: {  	v9 =	vld [tilespmem:s17+$0xA430];
	[tilespmem:s8+$0xA440] =	vst v10;
	v12 =	vmul.f32 v12, v1  }
0x1bf: {  	v10 =	vld [tilespmem:s17+$0xA440];
	[tilespmem:s8+$0xA450] =	vst v11;
	v14 =	vmul.f32 v14, v2  }
0x1c0: {  	v16 =	vmul.f32 v15, v0;
	v11 =	vld [tilespmem:s17+$0xA450];
	[tilespmem:s8+$0xA460] =	vst v12  }
0x1c1: {  	s16 =	sadd.s32 $0x200, s16;
	v13 =	vmul.f32 v13, v5;
	v12 =	vld [tilespmem:s17+$0xA460];
	[tilespmem:s8+$0xA470] =	vst v14;
	s8 =	smov.u32 s17  }
0x1c2: {  	[tilespmem:s8+$0xA400] =	vst v16;
	v0 =	vmul.f32 v8, v7;
	v5 =	vld [tilespmem:s8+$0xA470]  }
0x1c3: {  	[tilespmem:s8+$0xA410] =	vst v13;
	v3 =	vmul.f32 v9, v3  }
0x1c4: {  	[tilespmem:s8+$0xA420] =	vst v0;
	v59 =	vmul.f32 v10, v6  }
0x1c5: {  	[tilespmem:s8+$0xA430] =	vst v3;
	v61 =	vmul.f32 v11, v4  }
0x1c6: {  	[tilespmem:s8+$0xA440] =	vst v59;
	v62 =	vmul.f32 v12, v1  }
0x1c7: {  	[tilespmem:s8+$0xA450] =	vst v61;
	v63 =	vmul.f32 v5, v2  }
0x1c8: {  	[tilespmem:s8+$0xA460] =	vst v62  }
0x1c9: {  	[tilespmem:s8+$0xA470] =	vst v63  }
.LBB2_8:
0x1ca: {  	s8 =	sand.u32 $0x2, s9  }
0x1cb: {  	s16 =	sshll.u32 s5, $0x13;
	s8 =	sor.u32 s6, s8  }
0x1cc: {  	s9 =	sand.u32 $0x3F00000, s16;
	s8 =	sshll.u32 s8, $0xA  }
0x1cd: {  	s8 =	sor.u32 s9, s8  }
0x1ce: {  	s8 =	sshrl.u32 s8, $0x3  }
0x1cf: {  	s8 =	sadd.s32 s2, s8  }
0x1d0: {  	[hbm4b:s8+s3] =	stream.linear.scatter [tilespmem:s15], [sflag:$0x3], $0x400, $0x38;
	[tilespmem:$0xE400] =	vst v63  }
0x1d1: {  	s17 =	simm.s32 $0xA800;
	s16 =	sadd.s32 $0x4000, s8  }
0x1d2: {  	[hbm4b:s16+s3] =	stream.linear.scatter [tilespmem:s17], [sflag:$0x3], $0x400, $0x38;
	[tilespmem:$0xE400] =	vst v63  }
0x1d3: {  	s18 =	simm.s32 $0xAC00;
	s17 =	sadd.s32 $0x8000, s8  }
0x1d4: {  	[hbm4b:s17+s3] =	stream.linear.scatter [tilespmem:s18], [sflag:$0x3], $0x400, $0x38;
	[tilespmem:$0xE400] =	vst v63  }
0x1d5: {  	s17 =	sadd.s32 $0xC000, s8;
	s18 =	simm.s32 $0xB000  }
0x1d6: {  	[hbm4b:s17+s3] =	stream.linear.scatter [tilespmem:s18], [sflag:$0x3], $0x400, $0x38;
	[tilespmem:$0xE400] =	vst v63  }
0x1d7: {  	s17 =	sadd.s32 $0x10000, s8  }
0x1d8: {  	[hbm4b:s17+s3] =	stream.linear.scatter [tilespmem:s19], [sflag:$0x3], $0x400, $0x38;
	[tilespmem:$0xE400] =	vst v63  }
0x1d9: {  	s18 =	sadd.s32 $0x14000, s8  }
0x1da: {  	[hbm4b:s18+s3] =	stream.linear.scatter [tilespmem:s20], [sflag:$0x3], $0x400, $0x38;
	[tilespmem:$0xE400] =	vst v63  }
0x1db: {  	s17 =	sadd.s32 $0x18000, s8  }
0x1dc: {  	[hbm4b:s17+s3] =	stream.linear.scatter [tilespmem:s21], [sflag:$0x3], $0x400, $0x38;
	[tilespmem:$0xE400] =	vst v63  }
0x1dd: {  	s8 =	sadd.s32 $0x1C000, s8  }
0x1de: {  	[hbm4b:s8+s3] =	stream.linear.scatter [tilespmem:s22], [sflag:$0x3], $0x400, $0x38;
	[tilespmem:$0xE400] =	vst v63  }
0x1df: {  	_ =	swait.ge [sflag:s23], $0x2000  }
0x1e0: {  	[sflag:s23] =	ssyncset.done $0x0  }
0x1e1: {  	[sflag:s23] =	ssyncadd.s32 $0xFFFFE000  }
0x1e2: {  	_ =	swait.ge [sflag:s24], $0x400  }
0x1e3: {  	[sflag:s24] =	ssyncset.done $0x0  }
0x1e4: {  	[sflag:s24] =	ssyncadd.s32 $0xFFFFFC00  }
0x1e5: {  	_ =	swait.ge [sflag:s24], $0x400  }
0x1e6: {  	[sflag:s24] =	ssyncset.done $0x0  }
0x1e7: {  	[sflag:s24] =	ssyncadd.s32 $0xFFFFFC00  }
0x1e8: {  	_ =	swait.ge [sflag:s24], $0x400  }
0x1e9: {  	[sflag:s24] =	ssyncset.done $0x0  }
0x1ea: {  	[sflag:s24] =	ssyncadd.s32 $0xFFFFFC00  }
0x1eb: {  	_ =	swait.ge [sflag:s24], $0x400  }
0x1ec: {  	[sflag:s24] =	ssyncset.done $0x0  }
0x1ed: {  	[sflag:s24] =	ssyncadd.s32 $0xFFFFFC00  }
0x1ee: {  	_ =	swait.ge [sflag:s24], $0x400  }
0x1ef: {  	[sflag:s24] =	ssyncset.done $0x0  }
0x1f0: {  	[sflag:s24] =	ssyncadd.s32 $0xFFFFFC00  }
0x1f1: {  	_ =	swait.ge [sflag:s24], $0x400  }
0x1f2: {  	[sflag:s24] =	ssyncset.done $0x0  }
0x1f3: {  	v33 =	vlaneseq.u32;
	s18 =	simm.s32 $0x0;
	[sflag:s24] =	ssyncadd.s32 $0xFFFFFC00  }
0x1f4: {  	v0 =	vadd.s32 s18, v33;
	_ =	swait.ge [sflag:s24], $0x400  }
0x1f5: {  	v1 =	vand.u32 $0x3F, v0;
	[sflag:s24] =	ssyncset.done $0x0  }
0x1f6: {  	v2 =	vor.u32 v30, v1;
	[sflag:s24] =	ssyncadd.s32 $0xFFFFFC00  }
0x1f7: {  	p0 =	seq.s32 s5, $0x63;
	s16 =	simm.s32 $0x1;
	_ =	swait.ge [sflag:s24], $0x400  }
0x1f8: {  	s10 =	sadd.s32 @!p0 $0x100, s10;
	v3 =	vadd.s32 s16, v33;
	s16 =	simm.s32 @!p0 $0x6400;
	[sflag:s24] =	ssyncset.done $0x0  }
0x1f9: {  	v0 =	vshll.u32 v0, $0x7;
	s8 =	sand.u32 @!p0 $0xFF00, s10;
	s10 =	simm.s32 @!p0 $0x80;
	[sflag:s24] =	ssyncadd.s32 $0xFFFFFC00  }
0x1fa: {  	v4 =	vand.u32 $0x3F, v3;
	v9 =	vand.u32 $0x1F80, v0;
	[tilespmem:s16], [sflag:$0x1] =	stream.indirect.gather @!p0 [hbm4b:s4+s10], $0x40, s8, s10, $0xb8;
	[tilespmem:$0xE400] =	vst v63  }
0x1fb: {  	v6 =	vor.u32 v30, v4;
	v12 =	vor.u32 v33, v9;
	v2 =	vld.idx.msk [tilespmem:v2+s14+$0x0], $0xffff  }
0x1fc: {  	s17 =	simm.s32 $0x2;
	v37 =	vld [tilespmem:$0x1FF20]  }
0x1fd: {  	s18 =	simm.s32 $0x3;
	v5 =	vadd.s32 s17, v33  }
0x1fe: {  	v7 =	vadd.s32 s18, v33;
	v8 =	vand.u32 $0x3F, v5  }
0x1ff: {  	v10 =	vand.u32 $0x3F, v7;
	v0 =	vshll.u32 v3, $0x7;
	v11 =	vor.u32 v30, v8  }
0x200: {  	v13 =	vor.u32 v30, v10;
	v14 =	vand.u32 $0x1F80, v0;
	v62 =	vld.idx.msk [tilespmem:v6+s14+$0x0], $0xffff;
	[tilespmem:v12+s25+$0x0] =	vst.idx.msk $0xffff, v2  }
0x201: {  	v0 =	vshll.u32 v5, $0x7;
	v5 =	vor.u32 v33, v14;
	v3 =	vor.u32 v37, v1;
	v42 =	vld [tilespmem:$0x1FF30]  }
0x202: {  	v15 =	vor.u32 v37, v4  }
0x203: {  	v16 =	vand.u32 $0x1F80, v0;
	v0 =	vshll.u32 v7, $0x7  }
0x204: {  	v7 =	vor.u32 v33, v16;
	v0 =	vand.u32 $0x1F80, v0;
	v53 =	vld.idx.msk [tilespmem:v11+s14+$0x0], $0xffff  }
0x205: {  	v56 =	vld.idx.msk [tilespmem:v13+s14+$0x0], $0xffff;
	v13 =	vor.u32 v33, v0  }
0x206: {  	v17 =	vor.u32 v37, v8;
	[tilespmem:v5+s25+$0x0] =	vst.idx.msk $0xffff, v62;
	v21 =	vld.idx.msk [tilespmem:v3+s14+$0x0], $0xffff;
	v3 =	vor.u32 v42, v9  }
0x207: {  	v18 =	vor.u32 v37, v10;
	v20 =	vld.idx.msk [tilespmem:v15+s14+$0x0], $0xffff;
	v19 =	vor.u32 v42, v14  }
0x208: {  	v5 =	vor.u32 v34, v1  }
0x209: {  	[tilespmem:v7+s25+$0x0] =	vst.idx.msk $0xffff, v53  }
0x20a: {  	v7 =	vor.u32 v34, v4;
	[tilespmem:v13+s25+$0x0] =	vst.idx.msk $0xffff, v56  }
0x20b: {  	v6 =	vor.u32 v35, v14;
	v24 =	vld.idx.msk [tilespmem:v17+s14+$0x0], $0xffff;
	[tilespmem:v3+s25+$0x0] =	vst.idx.msk $0xffff, v21  }
0x20c: {  	v11 =	vld.idx.msk [tilespmem:v18+s14+$0x0], $0xffff;
	v22 =	vor.u32 v42, v16;
	v23 =	vor.u32 v42, v0;
	[tilespmem:v19+s25+$0x0] =	vst.idx.msk $0xffff, v20  }
0x20d: {  	v3 =	vor.u32 v34, v8;
	v5 =	vld.idx.msk [tilespmem:v5+s14+$0x0], $0xffff;
	[tilespmem:$0x1FD40] =	vst v6;
	v6 =	vor.u32 v35, v16  }
0x20e: {  	v25 =	vor.u32 v54, v9;
	[tilespmem:$0x1FD50] =	vst v6;
	v6 =	vor.u32 v35, v0  }
0x20f: {  	v26 =	vor.u32 v34, v10;
	v7 =	vld.idx.msk [tilespmem:v7+s14+$0x0], $0xffff;
	[tilespmem:$0x1FD60] =	vst v6;
	v6 =	vor.u32 v35, v9  }
0x210: {  	v27 =	vor.u32 v57, v1;
	v28 =	vor.u32 v54, v14;
	[tilespmem:$0x1FD70] =	vst v6  }
0x211: {  	[tilespmem:v22+s25+$0x0] =	vst.idx.msk $0xffff, v24  }
0x212: {  	s10 =	simm.s32 $0x4;
	[tilespmem:v23+s25+$0x0] =	vst.idx.msk $0xffff, v11;
	v23 =	vor.u32 v54, v16;
	v13 =	vld.idx.msk [tilespmem:v3+s14+$0x0], $0xffff  }
0x213: {  	v29 =	vor.u32 v57, v4;
	v22 =	vadd.s32 s10, v33  }
0x214: {  	[tilespmem:v25+s25+$0x0] =	vst.idx.msk $0xffff, v5;
	v12 =	vld.idx.msk [tilespmem:v26+s14+$0x0], $0xffff;
	v26 =	vor.u32 v57, v8;
	v25 =	vand.u32 $0x3F, v22  }
0x215: {  	v35 =	vld.idx.msk [tilespmem:v27+s14+$0x0], $0xffff;
	v27 =	vor.u32 v54, v0;
	v17 =	vor.u32 v37, v25;
	[tilespmem:v28+s25+$0x0] =	vst.idx.msk $0xffff, v7  }
0x216: {  	[tilespmem:$0x1FD80] =	vst v17  }
0x217: {  	v61 =	vor.u32 v31, v9;
	v18 =	vor.u32 v50, v8;
	[tilespmem:v23+s25+$0x0] =	vst.idx.msk $0xffff, v13  }
0x218: {  	v43 =	vld.idx.msk [tilespmem:v29+s14+$0x0], $0xffff;
	[tilespmem:$0x1FD90] =	vst v18;
	v18 =	vor.u32 v50, v10  }
0x219: {  	v6 =	vor.u32 v57, v10;
	v3 =	vshll.u32 v22, $0x7;
	v47 =	vld.idx.msk [tilespmem:v26+s14+$0x0], $0xffff;
	[tilespmem:$0x1FDA0] =	vst v18  }
0x21a: {  	v22 =	vand.u32 $0x1F80, v3;
	v3 =	vor.u32 v50, v4;
	[tilespmem:v27+s25+$0x0] =	vst.idx.msk $0xffff, v12  }
0x21b: {  	v40 =	vor.u32 v41, v1;
	[tilespmem:$0x1FDB0] =	vst v3  }
0x21c: {  	v44 =	vor.u32 v31, v14;
	v18 =	vor.u32 v48, v9;
	[tilespmem:v61+s25+$0x0] =	vst.idx.msk $0xffff, v35  }
0x21d: {  	v46 =	vor.u32 v31, v16;
	v23 =	vor.u32 v41, v4;
	[tilespmem:$0x1FDC0] =	vst v18  }
0x21e: {  	v19 =	vmov v48;
	v48 =	vor.u32 v31, v0;
	v3 =	vor.u32 v41, v8;
	v18 =	vld.idx.msk [tilespmem:v6+s14+$0x0], $0xffff  }
0x21f: {  	v63 =	vor.u32 v38, v1;
	v52 =	vor.u32 v41, v10  }
0x220: {  	v39 =	vor.u32 v50, v1;
	v1 =	vor.u32 v58, v1;
	v34 =	vor.u32 v60, v9  }
0x221: {  	v15 =	vmov v38;
	v17 =	vmov v58;
	v58 =	vor.u32 v49, v9;
	[tilespmem:v44+s25+$0x0] =	vst.idx.msk $0xffff, v43;
	v44 =	vld.idx.msk [tilespmem:v40+s14+$0x0], $0xffff  }
0x222: {  	v9 =	vor.u32 v60, v14;
	v41 =	vor.u32 v15, v4;
	[tilespmem:v46+s25+$0x0] =	vst.idx.msk $0xffff, v47;
	v61 =	vld.idx.msk [tilespmem:v23+s14+$0x0], $0xffff  }
0x223: {  	v4 =	vor.u32 v17, v4;
	v31 =	vld.idx.msk [tilespmem:v3+s14+$0x0], $0xffff;
	v3 =	vor.u32 v60, v16;
	[tilespmem:v48+s25+$0x0] =	vst.idx.msk $0xffff, v18  }
0x224: {  	s16 =	simm.s32 $0x6;
	v55 =	vor.u32 v15, v8;
	v8 =	vor.u32 v17, v8;
	v48 =	vor.u32 v60, v0;
	v52 =	vld.idx.msk [tilespmem:v52+s14+$0x0], $0xffff  }
0x225: {  	v32 =	vadd.s32 s16, v33;
	v59 =	vor.u32 v15, v10;
	v6 =	vor.u32 v17, v10  }
0x226: {  	v28 =	vmov v49;
	[tilespmem:v34+s25+$0x0] =	vst.idx.msk $0xffff, v44;
	v60 =	vor.u32 v19, v16;
	v34 =	vmul.f32 v2, v2  }
0x227: {  	v16 =	vor.u32 v28, v16;
	[tilespmem:v9+s25+$0x0] =	vst.idx.msk $0xffff, v61;
	v15 =	vld.idx.msk [tilespmem:v1+s14+$0x0], $0xffff;
	v1 =	vor.u32 v28, v14  }
0x228: {  	v9 =	vmul.f32 v62, v62;
	v62 =	vmul.f32 v11, v11;
	[tilespmem:v3+s25+$0x0] =	vst.idx.msk $0xffff, v31;
	v2 =	vld.idx.msk [tilespmem:v4+s14+$0x0], $0xffff  }
0x229: {  	v26 =	vand.u32 $0x3F, v32;
	v11 =	vmul.f32 v7, v7;
	v4 =	vshll.u32 v32, $0x7;
	v32 =	vld.idx.msk [tilespmem:v8+s14+$0x0], $0xffff;
	[tilespmem:v48+s25+$0x0] =	vst.idx.msk $0xffff, v52  }
0x22a: {  	v7 =	vmul.f32 v13, v13;
	v13 =	vor.u32 v28, v0;
	v3 =	vmul.f32 v53, v53;
	v53 =	vld.idx.msk [tilespmem:v6+s14+$0x0], $0xffff;
	_ =	sdelay $0x1  }
0x22b: {  	s18 =	simm.s32 $0x5;
	[tilespmem:v58+s25+$0x0] =	vst.idx.msk $0xffff, v15  }
0x22c: {  	s17 =	simm.s32 $0x7;
	v45 =	vadd.s32 s18, v33;
	[tilespmem:v1+s25+$0x0] =	vst.idx.msk $0xffff, v2  }
0x22d: {  	v36 =	vadd.s32 s17, v33;
	v57 =	vor.u32 v19, v14;
	v14 =	vmul.f32 v21, v21;
	[tilespmem:v16+s25+$0x0] =	vst.idx.msk $0xffff, v32  }
0x22e: {  	v56 =	vmul.f32 v56, v56;
	v50 =	vor.u32 v19, v0;
	v19 =	vimm.f32 $0.0e+00;
	[tilespmem:v13+s25+$0x0] =	vst.idx.msk $0xffff, v53  }
0x22f: {  	v58 =	vmul.f32 v12, v12;
	v12 =	vmul.f32 v43, v43;
	v43 =	vadd.f32 v14, v19;
	v14 =	vld [tilespmem:$0x1FDC0]  }
0x230: {  	v29 =	vor.u32 v30, v25;
	v27 =	vand.u32 $0x3F, v45;
	v38 =	vor.u32 v37, v26  }
0x231: {  	v51 =	vor.u32 v30, v26;
	v45 =	vshll.u32 v45, $0x7;
	v54 =	vor.u32 v30, v27  }
0x232: {  	v35 =	vmul.f32 v35, v35;
	v40 =	vor.u32 v37, v27;
	v46 =	vor.u32 v33, v22;
	v6 =	vld.idx.msk [tilespmem:v63+s14+$0x0], $0xffff  }
0x233: {  	v10 =	vmul.f32 v20, v20;
	v17 =	vmul.f32 v5, v5;
	v23 =	vand.u32 $0x3F, v36  }
0x234: {  	v49 =	vor.u32 v30, v23;
	v0 =	vmul.f32 v18, v18;
	v61 =	vmul.f32 v61, v61  }
0x235: {  	v8 =	vmul.f32 v24, v24;
	v21 =	vand.u32 $0x1F80, v4;
	v24 =	vand.u32 $0x1F80, v45;
	v16 =	vld.idx.msk [tilespmem:v41+s14+$0x0], $0xffff  }
0x236: {  	v5 =	vor.u32 v33, v24;
	v48 =	vmul.f32 v47, v47;
	v45 =	vmul.f32 v52, v52;
	v55 =	vld.idx.msk [tilespmem:v55+s14+$0x0], $0xffff  }
0x237: {  	v52 =	vmul.f32 v31, v31;
	v47 =	vmul.f32 v53, v53;
	v53 =	vld.idx.msk [tilespmem:v59+s14+$0x0], $0xffff;
	[tilespmem:v14+s25+$0x0] =	vst.idx.msk $0xffff, v6;
	v14 =	vimm.f32 $0.0e+00  }
0x238: {  	v4 =	vmul.f32 v15, v15;
	v63 =	vor.u32 v33, v21;
	v15 =	vld.idx.msk [tilespmem:v39+s14+$0x0], $0xffff;
	[tilespmem:$0x1FDD0] =	vst v14;
	v14 =	vimm.f32 $0.0e+00  }
0x239: {  	v1 =	vmul.f32 v44, v44;
	v44 =	vadd.f32 v35, v19;
	[tilespmem:$0x1FDE0] =	vst v14;
	v14 =	vimm.f32 $0.0e+00  }
0x23a: {  	s8 =	simm.s32 $0x8;
	v41 =	vadd.f32 v17, v19;
	v13 =	vadd.f32 v34, v19;
	v59 =	vmul.f32 v32, v32;
	[tilespmem:$0x1FDF0] =	vst v14  }
.LBB2_9:
0x23b: {  	_ = 	snop  }
0x23c: {  	v9 =	vadd.f32 v9, v13;
	v12 =	vadd.f32 v12, v44;
	_ =	sdelay $0x1  }
0x23d: {  	v3 =	vadd.f32 v3, v9;
	v9 =	vadd.f32 v48, v12;
	_ =	sdelay $0x1  }
0x23e: {  	v0 =	vadd.f32 v0, v9;
	_ =	sdelay $0x1  }
0x23f: {  	[tilespmem:$0x1FD20] =	vst v0;
	v0 =	vld [tilespmem:$0x1FDA0];
	_ =	sdelay $0x1  }
0x240: {  	v11 =	vadd.f32 v11, v41;
	_ =	sdelay $0x1  }
0x241: {  	v7 =	vadd.f32 v7, v11;
	_ =	sdelay $0x1  }
0x242: {  	v7 =	vadd.f32 v58, v7  }
0x243: {  	[tilespmem:v50+s25+$0x0] =	vst.idx.msk $0xffff, v53  }
0x244: {  	[tilespmem:$0x1FD10] =	vst v7;
	v7 =	vld.idx.msk [tilespmem:v0+s14+$0x0], $0xffff  }
0x245: {  	v0 =	vld [tilespmem:$0x1FDD0]  }
0x246: {  	v10 =	vadd.f32 v10, v43  }
0x247: {  	v13 =	vld [tilespmem:$0x1FDB0]  }
0x248: {  	v8 =	vadd.f32 v8, v10;
	v10 =	vld [tilespmem:$0x1FD90];
	_ =	sdelay $0x1  }
0x249: {  	v2 =	vmul.f32 v2, v2;
	v1 =	vadd.f32 v1, v19;
	v4 =	vadd.f32 v4, v0;
	_ =	sdelay $0x1  }
0x24a: {  	v1 =	vadd.f32 v61, v1;
	v0 =	vld [tilespmem:$0x1FDE0];
	v2 =	vadd.f32 v2, v4;
	_ =	sdelay $0x1  }
0x24b: {  	[tilespmem:v57+s25+$0x0] =	vst.idx.msk $0xffff, v16;
	v1 =	vadd.f32 v52, v1;
	v2 =	vadd.f32 v59, v2  }
0x24c: {  	v6 =	vmul.f32 v6, v6;
	[tilespmem:v60+s25+$0x0] =	vst.idx.msk $0xffff, v55;
	v3 =	vadd.f32 v56, v3;
	v13 =	vld.idx.msk [tilespmem:v13+s14+$0x0], $0xffff  }
0x24d: {  	v43 =	vadd.f32 v45, v1;
	v10 =	vld.idx.msk [tilespmem:v10+s14+$0x0], $0xffff;
	v1 =	vadd.f32 v47, v2  }
0x24e: {  	[tilespmem:$0x1FCF0] =	vst v3;
	v6 =	vadd.f32 v6, v0;
	v0 =	vld [tilespmem:$0x1FDF0]  }
0x24f: {  	v3 =	vadd.f32 v62, v8;
	[tilespmem:$0x1FDD0] =	vst v1;
	v1 =	vld [tilespmem:$0x1FD80];
	_ =	sdelay $0x1  }
0x250: {  	v56 =	vld.idx.msk [tilespmem:v29+s14+$0x0], $0xffff;
	v8 =	vmul.f32 v16, v16;
	[tilespmem:$0x1FD00] =	vst v3;
	v3 =	vmul.f32 v15, v15  }
0x251: {  	v9 =	vmul.f32 v13, v13  }
0x252: {  	v4 =	vmul.f32 v55, v55;
	v6 =	vadd.f32 v8, v6;
	v3 =	vadd.f32 v3, v0  }
0x253: {  	v8 =	vmul.f32 v10, v10  }
0x254: {  	v4 =	vadd.f32 v4, v6;
	v3 =	vadd.f32 v9, v3;
	v9 =	vmul.f32 v53, v53  }
0x255: {  	[tilespmem:v46+s25+$0x0] =	vst.idx.msk $0xffff, v56  }
0x256: {  	v6 =	vmul.f32 v7, v7;
	v3 =	vadd.f32 v8, v3;
	v45 =	vld.idx.msk [tilespmem:v1+s14+$0x0], $0xffff;
	v1 =	vadd.f32 v9, v4;
	_ =	sdelay $0x1  }
0x257: {  	v14 =	vshll.u32 v36, $0x7;
	v58 =	vld.idx.msk [tilespmem:v54+s14+$0x0], $0xffff;
	[tilespmem:$0x1FDE0] =	vst v1;
	v1 =	vadd.f32 v6, v3  }
0x258: {  	v48 =	vand.u32 $0x1F80, v14;
	v16 =	vld.idx.msk [tilespmem:v49+s14+$0x0], $0xffff  }
0x259: {  	v2 =	vor.u32 v33, v48;
	[tilespmem:$0x1FDF0] =	vst v1;
	v1 =	vld [tilespmem:$0x1FF50]  }
0x25a: {  	v17 =	vld [tilespmem:$0x1FD40];
	v4 =	vor.u32 v37, v23;
	_ =	sdelay $0x2  }
0x25b: {  	v18 =	vld [tilespmem:$0x1FFD0];
	[tilespmem:v5+s25+$0x0] =	vst.idx.msk $0xffff, v58  }
0x25c: {  	v55 =	vld.idx.msk [tilespmem:v51+s14+$0x0], $0xffff;
	[tilespmem:v2+s25+$0x0] =	vst.idx.msk $0xffff, v16;
	v5 =	vor.u32 v1, v24  }
0x25d: {  	v2 =	vmov v5;
	v5 =	vld.idx.msk [tilespmem:v4+s14+$0x0], $0xffff  }
0x25e: {  	v4 =	vld [tilespmem:$0x1FD50];
	_ =	sdelay $0x1  }
0x25f: {  	v47 =	vld.idx.msk [tilespmem:v40+s14+$0x0], $0xffff;
	[tilespmem:v17+s25+$0x0] =	vst.idx.msk $0xffff, v13  }
0x260: {  	v57 =	vmov v26;
	v13 =	vor.u32 v42, v21;
	[tilespmem:v63+s25+$0x0] =	vst.idx.msk $0xffff, v55  }
0x261: {  	v8 =	vor.u32 v1, v21;
	v11 =	vor.u32 v1, v48;
	v12 =	vor.u32 v1, v22;
	v1 =	vld.idx.msk [tilespmem:v38+s14+$0x0], $0xffff  }
0x262: {  	[tilespmem:$0x1FD40] =	vst v2;
	v2 =	vor.u32 v18, v57;
	_ =	sdelay $0x2  }
0x263: {  	v3 =	vor.u32 v42, v22;
	[tilespmem:v4+s25+$0x0] =	vst.idx.msk $0xffff, v10;
	v10 =	vld [tilespmem:$0x1FD60]  }
0x264: {  	v17 =	vld [tilespmem:$0x1FFC0];
	v9 =	vor.u32 v42, v24;
	v6 =	vor.u32 v18, v25;
	[tilespmem:v13+s25+$0x0] =	vst.idx.msk $0xffff, v1  }
0x265: {  	v13 =	vld.idx.msk [tilespmem:v2+s14+$0x0], $0xffff  }
0x266: {  	v0 =	vmov v27;
	v2 =	vld [tilespmem:$0x1FD70]  }
0x267: {  	v14 =	vor.u32 v18, v0  }
0x268: {  	v19 =	vld [tilespmem:$0x1FFE0];
	[tilespmem:v3+s25+$0x0] =	vst.idx.msk $0xffff, v45;
	v3 =	vor.u32 v42, v48  }
0x269: {  	[tilespmem:v9+s25+$0x0] =	vst.idx.msk $0xffff, v47;
	v52 =	vld.idx.msk [tilespmem:v6+s14+$0x0], $0xffff;
	v4 =	vmov v8  }
0x26a: {  	v6 =	vor.u32 v17, v22;
	v8 =	vor.u32 v18, v23;
	v18 =	vld [tilespmem:$0x1FF80];
	[tilespmem:$0x1FD50] =	vst v4  }
0x26b: {  	[tilespmem:v10+s25+$0x0] =	vst.idx.msk $0xffff, v7;
	v7 =	vmov v11  }
0x26c: {  	v4 =	vld.idx.msk [tilespmem:v14+s14+$0x0], $0xffff;
	[tilespmem:$0x1FD60] =	vst v7;
	v7 =	vor.u32 v17, v24  }
0x26d: {  	v29 =	vld [tilespmem:$0x1FF90];
	v9 =	vor.u32 v19, v25;
	[tilespmem:v3+s25+$0x0] =	vst.idx.msk $0xffff, v5  }
0x26e: {  	[tilespmem:v2+s25+$0x0] =	vst.idx.msk $0xffff, v15  }
0x26f: {  	v14 =	vld.idx.msk [tilespmem:v8+s14+$0x0], $0xffff;
	v8 =	vor.u32 v18, v25;
	[tilespmem:v6+s25+$0x0] =	vst.idx.msk $0xffff, v52  }
0x270: {  	v10 =	vadd.s32 s8, v33;
	[tilespmem:$0x1FD30] =	vst v8;
	v8 =	vor.u32 v17, v48  }
0x271: {  	v30 =	vld [tilespmem:$0x1FFA0];
	v11 =	vor.u32 v19, v0;
	v2 =	vmov v12;
	[tilespmem:v7+s25+$0x0] =	vst.idx.msk $0xffff, v4;
	v7 =	vor.u32 v19, v23  }
0x272: {  	[tilespmem:$0x1FD70] =	vst v2;
	v2 =	vshll.u32 v10, $0x7;
	v15 =	vld.idx.msk [tilespmem:v9+s14+$0x0], $0xffff;
	v9 =	vand.u32 $0x3F, v10;
	v10 =	vor.u32 v29, v22  }
0x273: {  	v28 =	vld [tilespmem:$0x1FF60];
	v12 =	vor.u32 v17, v21  }
0x274: {  	v31 =	vld [tilespmem:$0x1FF70]  }
0x275: {  	v35 =	vld [tilespmem:$0x1FFF0];
	v6 =	vor.u32 v19, v57;
	[tilespmem:v8+s25+$0x0] =	vst.idx.msk $0xffff, v14  }
0x276: {  	v26 =	vor.u32 v30, v25;
	v63 =	vld.idx.msk [tilespmem:v7+s14+$0x0], $0xffff;
	v7 =	vor.u32 v29, v48  }
0x277: {  	v27 =	vor.u32 v29, v24;
	v59 =	vld.idx.msk [tilespmem:v11+s14+$0x0], $0xffff;
	[tilespmem:v10+s25+$0x0] =	vst.idx.msk $0xffff, v15;
	v10 =	vor.u32 v30, v23  }
0x278: {  	s16 =	sadd.s32 $0x3, s8;
	v39 =	vld [tilespmem:$0x1FFB0];
	[tilespmem:v12+s25+$0x0] =	vst.idx.msk $0xffff, v13;
	v12 =	vor.u32 v30, v0  }
0x279: {  	s10 =	sadd.s32 $0x2, s8;
	v36 =	vadd.s32 s16, v33;
	v54 =	vld [tilespmem:$0x1FF10];
	v17 =	vor.u32 v37, v9  }
0x27a: {  	s18 =	sadd.s32 $0x1, s8;
	v53 =	vor.u32 v28, v25;
	v3 =	vadd.s32 s10, v33;
	v25 =	vor.u32 v31, v25;
	[tilespmem:$0x1FD80] =	vst v17;
	v61 =	vld.idx.msk [tilespmem:v6+s14+$0x0], $0xffff  }
0x27b: {  	v17 =	vand.u32 $0x1F80, v2;
	v11 =	vadd.s32 s18, v33;
	v8 =	vor.u32 v35, v22;
	v19 =	vld.idx.msk [tilespmem:v26+s14+$0x0], $0xffff;
	[tilespmem:v7+s25+$0x0] =	vst.idx.msk $0xffff, v63  }
0x27c: {  	v46 =	vor.u32 v33, v17;
	[tilespmem:v27+s25+$0x0] =	vst.idx.msk $0xffff, v59;
	v7 =	vor.u32 v35, v48;
	v33 =	vld.idx.msk [tilespmem:v10+s14+$0x0], $0xffff  }
0x27d: {  	v6 =	vor.u32 v18, v57;
	v42 =	vld.idx.msk [tilespmem:v12+s14+$0x0], $0xffff;
	v12 =	vor.u32 v31, v23  }
0x27e: {  	v62 =	vor.u32 v31, v57;
	[tilespmem:$0x1FD90] =	vst v6;
	v6 =	vor.u32 v18, v23  }
0x27f: {  	v44 =	vor.u32 v54, v9;
	v2 =	vor.u32 v18, v0;
	[tilespmem:$0x1FDA0] =	vst v6;
	v6 =	vor.u32 v30, v57  }
0x280: {  	v30 =	vor.u32 v28, v0;
	v0 =	vor.u32 v31, v0;
	[tilespmem:v8+s25+$0x0] =	vst.idx.msk $0xffff, v19  }
0x281: {  	v31 =	vld.idx.msk [tilespmem:v25+s14+$0x0], $0xffff;
	v25 =	vmov v9;
	v9 =	vmul.f32 v58, v58;
	[tilespmem:v7+s25+$0x0] =	vst.idx.msk $0xffff, v33  }
0x282: {  	v58 =	vmul.f32 v14, v14;
	v7 =	vmul.f32 v13, v13;
	v13 =	vor.u32 v39, v48;
	v14 =	vld.idx.msk [tilespmem:v12+s14+$0x0], $0xffff;
	_ =	sdelay $0x1  }
0x283: {  	[tilespmem:$0x1FDB0] =	vst v2;
	v2 =	vor.u32 v29, v21  }
0x284: {  	v60 =	vor.u32 v35, v24  }
0x285: {  	v34 =	vld [tilespmem:$0x1FF40]  }
0x286: {  	v10 =	vmul.f32 v47, v47;
	[tilespmem:v13+s25+$0x0] =	vst.idx.msk $0xffff, v14;
	v47 =	vmul.f32 v14, v14;
	v14 =	vld [tilespmem:$0x1FD00];
	_ =	sdelay $0x1  }
0x287: {  	v20 =	vor.u32 v28, v57;
	[tilespmem:v2+s25+$0x0] =	vst.idx.msk $0xffff, v61  }
0x288: {  	v41 =	vlaneseq.u32;
	v32 =	vld.idx.msk [tilespmem:v6+s14+$0x0], $0xffff;
	v6 =	vor.u32 v35, v21;
	v35 =	vmul.f32 v45, v45;
	[tilespmem:v60+s25+$0x0] =	vst.idx.msk $0xffff, v42  }
0x289: {  	v50 =	vor.u32 v34, v48;
	v18 =	vor.u32 v34, v22;
	v2 =	vld.idx.msk [tilespmem:v0+s14+$0x0], $0xffff;
	v0 =	vor.u32 v39, v24  }
0x28a: {  	v8 =	vmul.f32 v1, v1;
	v1 =	vmul.f32 v19, v19;
	v19 =	vmovc v43;
	v43 =	vadd.f32 v35, v14;
	v14 =	vld [tilespmem:$0x1FD10]  }
0x28b: {  	v22 =	vor.u32 v39, v22;
	v26 =	vand.u32 $0x3F, v3;
	v57 =	vor.u32 v34, v24  }
0x28c: {  	v29 =	vor.u32 v28, v23;
	v28 =	vmul.f32 v52, v52;
	v60 =	vor.u32 v34, v21  }
0x28d: {  	v34 =	vmul.f32 v56, v56;
	v56 =	vmul.f32 v16, v16;
	v16 =	vshll.u32 v3, $0x7  }
0x28e: {  	v3 =	vmul.f32 v55, v55;
	v55 =	vor.u32 v39, v21;
	v21 =	vand.u32 $0x1F80, v16;
	[tilespmem:v0+s25+$0x0] =	vst.idx.msk $0xffff, v2  }
0x28f: {  	v0 =	vmul.f32 v63, v63;
	v63 =	vor.u32 v41, v21;
	v41 =	vadd.f32 v28, v14;
	v14 =	vld [tilespmem:$0x1FD20];
	_ =	sdelay $0x1  }
0x290: {  	[tilespmem:v22+s25+$0x0] =	vst.idx.msk $0xffff, v31  }
0x291: {  	v15 =	vmul.f32 v15, v15;
	[tilespmem:v6+s25+$0x0] =	vst.idx.msk $0xffff, v32;
	v6 =	vld.idx.msk [tilespmem:v53+s14+$0x0], $0xffff  }
0x292: {  	v53 =	vld.idx.msk [tilespmem:v29+s14+$0x0], $0xffff  }
0x293: {  	v27 =	vand.u32 $0x3F, v11;
	v29 =	vmov v44;
	v44 =	vadd.f32 v15, v14;
	v14 =	vld [tilespmem:$0x1FD30]  }
0x294: {  	v38 =	vor.u32 v37, v26;
	v40 =	vor.u32 v37, v27;
	v37 =	vld.idx.msk [tilespmem:v62+s14+$0x0], $0xffff  }
0x295: {  	v51 =	vor.u32 v54, v26;
	v23 =	vand.u32 $0x3F, v36  }
0x296: {  	p0 =	slt.u32 s8, $0x3C;
	v49 =	vor.u32 v54, v23;
	v52 =	vmul.f32 v32, v32;
	v62 =	vmul.f32 v5, v5;
	v13 =	vld [tilespmem:$0x1FCF0]  }
.Ltmp7:
0x297: {  	v54 =	vor.u32 v54, v27;
	v48 =	vmul.f32 v61, v61;
	v61 =	vmul.f32 v42, v42;
	v42 =	vld [tilespmem:$0x1FF30];
	(pc) =	sbr.rel @p0 .LBB2_9-.Ltmp7, $4  }
0x298: {  	v5 =	vshll.u32 v11, $0x7;
	v11 =	vmul.f32 v4, v4;
	v4 =	vmul.f32 v31, v31;
	v16 =	vld.idx.msk [tilespmem:v30+s14+$0x0], $0xffff  }
0x299: {  	v12 =	vmul.f32 v59, v59;
	[tilespmem:v55+s25+$0x0] =	vst.idx.msk $0xffff, v37;
	v59 =	vmul.f32 v37, v37;
	v37 =	vld [tilespmem:$0x1FF20]  }
0x29a: {  	v24 =	vand.u32 $0x1F80, v5;
	v45 =	vmul.f32 v33, v33;
	v33 =	vlaneseq.u32;
	v55 =	vld.idx.msk [tilespmem:v20+s14+$0x0], $0xffff;
	[tilespmem:v18+s25+$0x0] =	vst.idx.msk $0xffff, v6  }
0x29b: {  	s8 =	sadd.s32 $0x4, s8;
	v22 =	vmov v17;
	v5 =	vor.u32 v33, v24;
	v13 =	vadd.f32 v34, v13;
	v15 =	vld.idx.msk [tilespmem:v14+s14+$0x0], $0xffff  }
0x29c: {  	_ =	sdelay $0x3  }
0x29d: {  	v31 =	vld.idx.msk [tilespmem:v49+s14+$0x0], $0xffff  }
0x29e: {  	v39 =	vld.idx.msk [tilespmem:v29+s14+$0x0], $0xffff;
	_ =	sdelay $0x2  }
0x29f: {  	v14 =	vld.idx.msk [tilespmem:v54+s14+$0x0], $0xffff;
	[tilespmem:v57+s25+$0x0] =	vst.idx.msk $0xffff, v16  }
0x2a0: {  	v13 =	vadd.f32 v9, v13;
	v9 =	vld.idx.msk [tilespmem:v51+s14+$0x0], $0xffff;
	[tilespmem:$0x1FCE0] =	vst v31  }
0x2a1: {  	[tilespmem:v46+s25+$0x0] =	vst.idx.msk $0xffff, v39  }
0x2a2: {  	v49 =	vmul.f32 v2, v2;
	v2 =	vld [tilespmem:$0x1FD80];
	_ =	sdelay $0x3  }
0x2a3: {  	v17 =	vshll.u32 v36, $0x7  }
0x2a4: {  	v36 =	vand.u32 $0x1F80, v17  }
0x2a5: {  	v17 =	vor.u32 v33, v36;
	_ =	sdelay $0x1  }
0x2a6: {  	v28 =	vor.u32 v42, v22;
	[tilespmem:v5+s25+$0x0] =	vst.idx.msk $0xffff, v14;
	v20 =	vld.idx.msk [tilespmem:v2+s14+$0x0], $0xffff  }
0x2a7: {  	v57 =	vld [tilespmem:$0x1FFD0]  }
0x2a8: {  	v10 =	vadd.f32 v10, v43;
	[tilespmem:v63+s25+$0x0] =	vst.idx.msk $0xffff, v9  }
0x2a9: {  	v11 =	vadd.f32 v11, v41;
	v41 =	vor.u32 v42, v24;
	[tilespmem:v17+s25+$0x0] =	vst.idx.msk $0xffff, v31  }
0x2aa: {  	v18 =	vor.u32 v37, v23;
	v8 =	vadd.f32 v8, v10;
	v10 =	vld.idx.msk [tilespmem:v40+s14+$0x0], $0xffff;
	[tilespmem:v60+s25+$0x0] =	vst.idx.msk $0xffff, v55  }
0x2ab: {  	[tilespmem:v28+s25+$0x0] =	vst.idx.msk $0xffff, v20  }
0x2ac: {  	v5 =	vor.u32 v57, v25;
	v63 =	vld [tilespmem:$0x1FFC0];
	_ =	sdelay $0x1  }
0x2ad: {  	v30 =	vor.u32 v42, v21;
	v2 =	vld.idx.msk [tilespmem:v38+s14+$0x0], $0xffff  }
0x2ae: {  	v12 =	vadd.f32 v12, v44;
	v44 =	vor.u32 v42, v36;
	v51 =	vld.idx.msk [tilespmem:v18+s14+$0x0], $0xffff;
	[tilespmem:v41+s25+$0x0] =	vst.idx.msk $0xffff, v10  }
0x2af: {  	v33 =	vld [tilespmem:$0x1FFE0]  }
0x2b0: {  	v29 =	vor.u32 v57, v27;
	v5 =	vld.idx.msk [tilespmem:v5+s14+$0x0], $0xffff;
	v46 =	vor.u32 v63, v22;
	_ =	sdelay $0x1  }
0x2b1: {  	v43 =	vor.u32 v57, v26;
	[tilespmem:v30+s25+$0x0] =	vst.idx.msk $0xffff, v2  }
0x2b2: {  	v7 =	vadd.f32 v7, v11;
	v28 =	vor.u32 v57, v23;
	[tilespmem:v44+s25+$0x0] =	vst.idx.msk $0xffff, v51  }
0x2b3: {  	v11 =	vadd.f32 v48, v12;
	[tilespmem:v50+s25+$0x0] =	vst.idx.msk $0xffff, v53;
	v48 =	vor.u32 v33, v25  }
0x2b4: {  	v29 =	vld.idx.msk [tilespmem:v29+s14+$0x0], $0xffff;
	v31 =	vor.u32 v63, v24;
	[tilespmem:v46+s25+$0x0] =	vst.idx.msk $0xffff, v5  }
0x2b5: {  	v60 =	vld [tilespmem:$0x1FF90]  }
0x2b6: {  	v17 =	vld.idx.msk [tilespmem:v43+s14+$0x0], $0xffff  }
0x2b7: {  	v38 =	vld.idx.msk [tilespmem:v28+s14+$0x0], $0xffff  }
0x2b8: {  	v3 =	vadd.f32 v3, v13;
	v32 =	vor.u32 v63, v21;
	v30 =	vor.u32 v33, v27;
	v13 =	vld.idx.msk [tilespmem:v48+s14+$0x0], $0xffff  }
0x2b9: {  	v34 =	vor.u32 v63, v36;
	v54 =	vor.u32 v33, v26;
	v28 =	vld [tilespmem:$0x1FDB0];
	[tilespmem:v31+s25+$0x0] =	vst.idx.msk $0xffff, v29  }
0x2ba: {  	v7 =	vadd.f32 v58, v7;
	v11 =	vadd.f32 v0, v11;
	v58 =	vld [tilespmem:$0x1FFA0];
	v0 =	vor.u32 v60, v22;
	_ =	sdelay $0x1  }
0x2bb: {  	v46 =	vld [tilespmem:$0x1FDD0]  }
0x2bc: {  	v44 =	vor.u32 v33, v23;
	v37 =	vld.idx.msk [tilespmem:v30+s14+$0x0], $0xffff;
	[tilespmem:v32+s25+$0x0] =	vst.idx.msk $0xffff, v17  }
0x2bd: {  	[tilespmem:v34+s25+$0x0] =	vst.idx.msk $0xffff, v38;
	v18 =	vld.idx.msk [tilespmem:v54+s14+$0x0], $0xffff  }
0x2be: {  	v50 =	vld [tilespmem:$0x1FDE0];
	v31 =	vor.u32 v58, v25;
	[tilespmem:v0+s25+$0x0] =	vst.idx.msk $0xffff, v13  }
0x2bf: {  	v1 =	vadd.f32 v1, v19;
	v19 =	vld [tilespmem:$0x1FFF0]  }
0x2c0: {  	v54 =	vld [tilespmem:$0x1FDF0]  }
0x2c1: {  	v12 =	vld.idx.msk [tilespmem:v44+s14+$0x0], $0xffff;
	v40 =	vor.u32 v60, v24  }
0x2c2: {  	v8 =	vadd.f32 v62, v8;
	v48 =	vor.u32 v60, v36;
	v62 =	vld.idx.msk [tilespmem:v28+s14+$0x0], $0xffff  }
0x2c3: {  	v35 =	vmul.f32 v15, v15;
	v41 =	vor.u32 v60, v21;
	v0 =	vor.u32 v58, v23;
	v31 =	vld.idx.msk [tilespmem:v31+s14+$0x0], $0xffff  }
0x2c4: {  	v28 =	vld [tilespmem:$0x1FD90];
	v44 =	vor.u32 v19, v22  }
0x2c5: {  	v35 =	vadd.f32 v35, v54;
	v54 =	vld [tilespmem:$0x1FF70]  }
0x2c6: {  	[tilespmem:v40+s25+$0x0] =	vst.idx.msk $0xffff, v37  }
0x2c7: {  	v34 =	vor.u32 v58, v26;
	[tilespmem:v48+s25+$0x0] =	vst.idx.msk $0xffff, v12  }
0x2c8: {  	[tilespmem:v41+s25+$0x0] =	vst.idx.msk $0xffff, v18;
	v42 =	vld.idx.msk [tilespmem:v0+s14+$0x0], $0xffff  }
0x2c9: {  	v32 =	vor.u32 v58, v27;
	v0 =	vld [tilespmem:$0x1FDA0];
	[tilespmem:v44+s25+$0x0] =	vst.idx.msk $0xffff, v31  }
0x2ca: {  	v1 =	vadd.f32 v61, v1;
	v3 =	vadd.f32 v56, v3;
	v56 =	vor.u32 v54, v25;
	v61 =	vld [tilespmem:$0x1FFB0];
	_ =	sdelay $0x1  }
0x2cb: {  	v41 =	vor.u32 v19, v21;
	v34 =	vld.idx.msk [tilespmem:v34+s14+$0x0], $0xffff  }
0x2cc: {  	v4 =	vadd.f32 v4, v46;
	v48 =	vor.u32 v19, v36;
	v30 =	vld.idx.msk [tilespmem:v28+s14+$0x0], $0xffff  }
0x2cd: {  	v6 =	vmul.f32 v6, v6;
	v28 =	vld.idx.msk [tilespmem:v32+s14+$0x0], $0xffff;
	v32 =	vor.u32 v19, v24  }
0x2ce: {  	v4 =	vadd.f32 v49, v4;
	v40 =	vor.u32 v54, v27;
	v46 =	vld.idx.msk [tilespmem:v56+s14+$0x0], $0xffff;
	v49 =	vor.u32 v61, v22  }
0x2cf: {  	v16 =	vmul.f32 v16, v16;
	v6 =	vadd.f32 v6, v50;
	v44 =	vmul.f32 v55, v55;
	v55 =	vld [tilespmem:$0x1FF60]  }
0x2d0: {  	v43 =	vmul.f32 v62, v62;
	[tilespmem:v41+s25+$0x0] =	vst.idx.msk $0xffff, v34  }
0x2d1: {  	v6 =	vadd.f32 v16, v6;
	v16 =	vor.u32 v54, v26;
	[tilespmem:v48+s25+$0x0] =	vst.idx.msk $0xffff, v42  }
0x2d2: {  	v1 =	vadd.f32 v52, v1;
	v35 =	vadd.f32 v43, v35;
	[tilespmem:v32+s25+$0x0] =	vst.idx.msk $0xffff, v28  }
0x2d3: {  	v43 =	vor.u32 v54, v23;
	v52 =	vmul.f32 v30, v30;
	v40 =	vld.idx.msk [tilespmem:v40+s14+$0x0], $0xffff;
	[tilespmem:v49+s25+$0x0] =	vst.idx.msk $0xffff, v46  }
0x2d4: {  	v50 =	vor.u32 v55, v25;
	v41 =	vor.u32 v61, v24;
	v56 =	vld [tilespmem:$0x1FF40]  }
0x2d5: {  	v32 =	vadd.f32 v52, v35;
	v35 =	vor.u32 v55, v27  }
0x2d6: {  	v6 =	vadd.f32 v44, v6;
	v16 =	vld.idx.msk [tilespmem:v16+s14+$0x0], $0xffff;
	v44 =	vor.u32 v61, v21  }
0x2d7: {  	v45 =	vadd.f32 v45, v1;
	v49 =	vor.u32 v55, v26  }
0x2d8: {  	v20 =	vmul.f32 v20, v20;
	v10 =	vmul.f32 v10, v10;
	v43 =	vld.idx.msk [tilespmem:v43+s14+$0x0], $0xffff;
	v48 =	vor.u32 v61, v36  }
0x2d9: {  	v4 =	vadd.f32 v59, v4;
	v59 =	vld.idx.msk [tilespmem:v50+s14+$0x0], $0xffff;
	[tilespmem:v41+s25+$0x0] =	vst.idx.msk $0xffff, v40;
	v1 =	vor.u32 v56, v22  }
0x2da: {  	v8 =	vadd.f32 v20, v8;
	v52 =	vmul.f32 v53, v53;
	v35 =	vld.idx.msk [tilespmem:v35+s14+$0x0], $0xffff;
	v50 =	vor.u32 v56, v24  }
0x2db: {  	v39 =	vmul.f32 v39, v39;
	v2 =	vmul.f32 v2, v2;
	v0 =	vld.idx.msk [tilespmem:v0+s14+$0x0], $0xffff;
	[tilespmem:v44+s25+$0x0] =	vst.idx.msk $0xffff, v16  }
0x2dc: {  	v8 =	vadd.f32 v10, v8;
	v6 =	vadd.f32 v52, v6;
	v52 =	vld.idx.msk [tilespmem:v49+s14+$0x0], $0xffff;
	v10 =	vor.u32 v56, v21  }
0x2dd: {  	v3 =	vadd.f32 v39, v3;
	v5 =	vmul.f32 v5, v5;
	[tilespmem:v48+s25+$0x0] =	vst.idx.msk $0xffff, v43  }
0x2de: {  	v2 =	vadd.f32 v2, v8;
	v13 =	vmul.f32 v13, v13;
	[tilespmem:v1+s25+$0x0] =	vst.idx.msk $0xffff, v59  }
0x2df: {  	v5 =	vadd.f32 v5, v7;
	v17 =	vmul.f32 v17, v17;
	[tilespmem:v50+s25+$0x0] =	vst.idx.msk $0xffff, v35  }
0x2e0: {  	v39 =	vmul.f32 v37, v37;
	v11 =	vadd.f32 v13, v11;
	v53 =	vmul.f32 v0, v0;
	v49 =	vld [tilespmem:$0x1FF80]  }
0x2e1: {  	v7 =	vor.u32 v55, v23;
	v1 =	vmul.f32 v14, v14;
	[tilespmem:v10+s25+$0x0] =	vst.idx.msk $0xffff, v52  }
0x2e2: {  	v11 =	vadd.f32 v39, v11;
	v32 =	vadd.f32 v53, v32;
	v53 =	vmul.f32 v59, v59;
	v8 =	vld [tilespmem:$0x1FCE0]  }
0x2e3: {  	v12 =	vmul.f32 v12, v12;
	v1 =	vadd.f32 v1, v3;
	v3 =	vmul.f32 v29, v29  }
0x2e4: {  	v39 =	vmul.f32 v34, v34;
	v37 =	vmul.f32 v35, v35;
	v6 =	vadd.f32 v53, v6  }
0x2e5: {  	v3 =	vadd.f32 v3, v5;
	v5 =	vor.u32 v49, v25;
	v25 =	vmul.f32 v9, v9  }
0x2e6: {  	v44 =	vor.u32 v56, v36;
	v41 =	vor.u32 v49, v27;
	v27 =	vld.idx.msk [tilespmem:v7+s14+$0x0], $0xffff;
	v7 =	vmul.f32 v18, v18  }
0x2e7: {  	v6 =	vadd.f32 v37, v6;
	v8 =	vmul.f32 v8, v8;
	v1 =	vadd.f32 v25, v1  }
0x2e8: {  	v10 =	vor.u32 v49, v26;
	v9 =	vadd.f32 v7, v11;
	v11 =	vmul.f32 v51, v51  }
0x2e9: {  	v3 =	vadd.f32 v17, v3;
	v7 =	vadd.f32 v8, v1;
	v1 =	vmul.f32 v38, v38  }
0x2ea: {  	v13 =	vmul.f32 v52, v52;
	v8 =	vadd.f32 v11, v2;
	v2 =	vmul.f32 v31, v31;
	v48 =	vld.idx.msk [tilespmem:v5+s14+$0x0], $0xffff  }
0x2eb: {  	v5 =	vadd.f32 v1, v3;
	v1 =	vadd.f32 v12, v9;
	v9 =	vor.u32 v49, v23  }
0x2ec: {  	v4 =	vadd.f32 v47, v4;
	v59 =	vmul.f32 v28, v28;
	v11 =	vld.idx.msk [tilespmem:v41+s14+$0x0], $0xffff;
	v3 =	vmul.f32 v46, v46  }
0x2ed: {  	v13 =	vadd.f32 v13, v6;
	v10 =	vld.idx.msk [tilespmem:v10+s14+$0x0], $0xffff;
	v41 =	vmul.f32 v42, v42;
	v2 =	vadd.f32 v2, v45  }
0x2ee: {  	v23 =	vmul.f32 v40, v40;
	vm4 =	vgt.f32 v7, $9.999799720e-01;
	v3 =	vadd.f32 v3, v4  }
0x2ef: {  	[tilespmem:v44+s25+$0x0] =	vst.idx.msk $0xffff, v27;
	vm1 =	vgt.f32 v8, $9.999799720e-01;
	v2 =	vadd.f32 v59, v2;
	v4 =	vmul.f32 v48, v48  }
0x2f0: {  	v40 =	vmul.f32 v16, v16;
	vm2 =	vmor vm4, vm1;
	v3 =	vadd.f32 v23, v3;
	v9 =	vld.idx.msk [tilespmem:v9+s14+$0x0], $0xffff  }
0x2f1: {  	v38 =	vmul.f32 v11, v11;
	v2 =	vadd.f32 v39, v2;
	v4 =	vadd.f32 v4, v32  }
0x2f2: {  	vm0 =	vgt.f32 v5, $9.999799720e-01;
	v42 =	vmul.f32 v10, v10;
	v3 =	vadd.f32 v40, v3  }
0x2f3: {  	v6 =	vadd.f32 v41, v2;
	v2 =	vmul.f32 v43, v43;
	v4 =	vadd.f32 v38, v4  }
0x2f4: {  	v44 =	vmul.f32 v27, v27;
	vm3 =	vmor vm2, vm0;
	vm2 =	vgt.f32 v1, $9.999799720e-01  }
0x2f5: {  	v51 =	vld [tilespmem:$0x1FD40];
	v2 =	vadd.f32 v2, v3;
	v4 =	vadd.f32 v42, v4;
	v45 =	vmul.f32 v9, v9  }
0x2f6: {  	vm5 =	vmor vm3, vm2;
	v3 =	vadd.f32 v44, v13;
	vm3 =	vgt.f32 v6, $9.999799720e-01  }
0x2f7: {  	vm6 =	vmor vm5, vm3;
	vm5 =	vgt.f32 v2, $9.999799720e-01;
	v4 =	vadd.f32 v45, v4  }
0x2f8: {  	vm7 =	vmor vm6, vm5;
	vm6 =	vgt.f32 v3, $9.999799720e-01  }
0x2f9: {  	vm8 =	vmor vm7, vm6;
	vm7 =	vgt.f32 v4, $9.999799720e-01  }
0x2fa: {  	v46 =	vimm.f32 $0.0e+00;
	vm8 =	vmor vm8, vm7  }
0x2fb: {  	v12 =	vsel vm8, $0x3F800000, v46  }
0x2fc: {  	(xrf0) =	vmax.scan.msk.f32 $0xffff, v12  }
0x2fd: {  	v47 =	vld [tilespmem:$0x1FF50];
	[tilespmem:v51+s25+$0x0] =	vst.idx.msk $0xffff, v62  }
0x2fe: {  	v53 =	vld [tilespmem:$0x1FD50];
	_ =	sdelay $0x3  }
0x2ff: {  	v12, _, _ =	vpop (xrf0)  }
0x300: {  	(v2sf) =	vpush v12, $0xF;
	_ =	sdelay $0x2  }
0x301: {  	[tilespmem:v53+s25+$0x0] =	vst.idx.msk $0xffff, v30  }
0x302: {  	v62 =	vld [tilespmem:$0x1FD60];
	_ =	sdelay $0x7  }
0x303: {  	v50 =	vor.u32 v47, v24;
	[tilespmem:v62+s25+$0x0] =	vst.idx.msk $0xffff, v0  }
0x304: {  	v52 =	vor.u32 v47, v21;
	v16 =	vld [tilespmem:$0x1FD70]  }
0x305: {  	v59 =	vor.u32 v47, v36  }
0x306: {  	v0 =	vor.u32 v47, v22;
	s8 =	spop (v2sf)  }
0x307: {  	p0 =	sgt.f32 s8, $0.0e+00  }
.Ltmp8:
0x308: {  	[tilespmem:v50+s25+$0x0] =	vst.idx.msk $0xffff, v11;
	(pc) =	sbr.rel @!p0 .LBB2_14-.Ltmp8, $4  }
0x309: {  	[tilespmem:v52+s25+$0x0] =	vst.idx.msk $0xffff, v10  }
0x30a: {  	[tilespmem:v59+s25+$0x0] =	vst.idx.msk $0xffff, v9  }
0x30b: {  	v37 =	vmovc v56;
	v26 =	vmov v57;
	v31 =	vmov v60;
	v39 =	vmov v63;
	[tilespmem:v0+s25+$0x0] =	vst.idx.msk $0xffff, v48  }
0x30c: {  	v40 =	vmovc v33;
	v51 =	vmovc v58;
	v38 =	vmov v55;
	v53 =	vmov v19;
	v30 =	vmov v47;
	[tilespmem:v16+s25+$0x0] =	vst.idx.msk $0xffff, v15  }
0x30d: {  	v0 =	vshra.s32 v7, $0x1;
	v7 =	vmul.f32 $5.000000000e-01, v7  }
0x30e: {  	v9 =	vshra.s32 v8, $0x1;
	v8 =	vmul.f32 $5.000000000e-01, v8;
	v0 =	vsub.s32 $0x5F3759DF, v0  }
0x30f: {  	v9 =	vsub.s32 $0x5F3759DF, v9;
	v10 =	vmul.f32 v0, v7  }
0x310: {  	v11 =	vmul.f32 v9, v8  }
0x311: {  	v10 =	vmul.f32 v0, v10  }
0x312: {  	v11 =	vmul.f32 v9, v11  }
0x313: {  	v10 =	vsub.f32 $1.500000000e+00, v10  }
0x314: {  	v11 =	vsub.f32 $1.500000000e+00, v11  }
0x315: {  	v0 =	vmul.f32 v0, v10  }
0x316: {  	v9 =	vmul.f32 v9, v11  }
0x317: {  	v10 =	vmul.f32 v0, v7  }
0x318: {  	v11 =	vmul.f32 v9, v8  }
0x319: {  	v10 =	vmul.f32 v10, v0  }
0x31a: {  	v11 =	vmul.f32 v11, v9  }
0x31b: {  	v10 =	vsub.f32 $1.500000000e+00, v10  }
0x31c: {  	v11 =	vsub.f32 $1.500000000e+00, v11  }
0x31d: {  	v0 =	vmul.f32 v10, v0  }
0x31e: {  	v9 =	vmul.f32 v11, v9  }
0x31f: {  	v12 =	vshra.s32 v5, $0x1;
	v5 =	vmul.f32 $5.000000000e-01, v5;
	v10 =	vmul.f32 v0, v7  }
0x320: {  	v12 =	vsub.s32 $0x5F3759DF, v12;
	v11 =	vmul.f32 v9, v8  }
0x321: {  	v13 =	vmul.f32 v12, v5;
	v10 =	vmul.f32 v10, v0  }
0x322: {  	v11 =	vmul.f32 v11, v9  }
0x323: {  	v13 =	vmul.f32 v12, v13;
	v10 =	vsub.f32 $1.500000000e+00, v10  }
0x324: {  	v11 =	vsub.f32 $1.500000000e+00, v11  }
0x325: {  	v0 =	vmul.f32 v10, v0;
	v10 =	vsub.f32 $1.500000000e+00, v13  }
0x326: {  	v14 =	vshra.s32 v6, $0x1;
	v6 =	vmul.f32 $5.000000000e-01, v6;
	v9 =	vmul.f32 v11, v9  }
0x327: {  	v7 =	vmul.f32 v0, v7;
	v10 =	vmul.f32 v12, v10  }
0x328: {  	v11 =	vshra.s32 v1, $0x1;
	v1 =	vmul.f32 $5.000000000e-01, v1;
	v8 =	vmul.f32 v9, v8  }
0x329: {  	v11 =	vsub.s32 $0x5F3759DF, v11;
	v7 =	vmul.f32 v7, v0;
	v12 =	vmul.f32 v10, v5  }
0x32a: {  	v13 =	vmul.f32 v11, v1;
	v8 =	vmul.f32 v8, v9  }
0x32b: {  	v14 =	vsub.s32 $0x5F3759DF, v14;
	v7 =	vsub.f32 $1.500000000e+00, v7;
	v12 =	vmul.f32 v12, v10  }
0x32c: {  	v15 =	vmul.f32 v14, v6;
	v13 =	vmul.f32 v11, v13;
	v8 =	vsub.f32 $1.500000000e+00, v8  }
0x32d: {  	v0 =	vmul.f32 v7, v0;
	v7 =	vsub.f32 $1.500000000e+00, v12  }
0x32e: {  	v8 =	vmul.f32 v8, v9;
	v9 =	vsub.f32 $1.500000000e+00, v13;
	v12 =	vmul.f32 v14, v15  }
0x32f: {  	v13 =	vshra.s32 v3, $0x1;
	v3 =	vmul.f32 $5.000000000e-01, v3;
	v15 =	vshra.s32 v4, $0x1  }
0x330: {  	v7 =	vmul.f32 v7, v10;
	v10 =	vshra.s32 v2, $0x1;
	v2 =	vmul.f32 $5.000000000e-01, v2  }
0x331: {  	v9 =	vmul.f32 v11, v9;
	v11 =	vsub.f32 $1.500000000e+00, v12;
	v10 =	vsub.s32 $0x5F3759DF, v10  }
0x332: {  	v4 =	vmul.f32 $5.000000000e-01, v4;
	v13 =	vsub.s32 $0x5F3759DF, v13;
	v12 =	vmul.f32 v10, v2  }
0x333: {  	v15 =	vsub.s32 $0x5F3759DF, v15;
	v16 =	vmul.f32 v13, v3;
	v11 =	vmul.f32 v14, v11  }
0x334: {  	v14 =	vmul.f32 v15, v4;
	v12 =	vmul.f32 v10, v12  }
0x335: {  	v17 =	vmul.f32 v9, v1;
	v16 =	vmul.f32 v13, v16  }
0x336: {  	v18 =	vmul.f32 v11, v6;
	v14 =	vmul.f32 v15, v14;
	v12 =	vsub.f32 $1.500000000e+00, v12  }
0x337: {  	v16 =	vsub.f32 $1.500000000e+00, v16;
	v17 =	vmul.f32 v17, v9  }
0x338: {  	v18 =	vmul.f32 v18, v11;
	v14 =	vsub.f32 $1.500000000e+00, v14;
	v10 =	vmul.f32 v10, v12  }
0x339: {  	v13 =	vmul.f32 v13, v16;
	v17 =	vsub.f32 $1.500000000e+00, v17;
	v12 =	vmul.f32 v7, v5  }
0x33a: {  	v14 =	vmul.f32 v15, v14;
	v16 =	vmul.f32 v10, v2  }
0x33b: {  	v15 =	vsub.f32 $1.500000000e+00, v18;
	v9 =	vmul.f32 v17, v9;
	v12 =	vmul.f32 v12, v7  }
0x33c: {  	v17 =	vmul.f32 v14, v4;
	v16 =	vmul.f32 v16, v10  }
0x33d: {  	v18 =	vmul.f32 v13, v3;
	v11 =	vmul.f32 v15, v11  }
0x33e: {  	v12 =	vsub.f32 $1.500000000e+00, v12;
	v17 =	vmul.f32 v17, v14;
	v15 =	vsub.f32 $1.500000000e+00, v16  }
0x33f: {  	v16 =	vmul.f32 v18, v13;
	v18 =	vmul.f32 v9, v1  }
0x340: {  	v7 =	vmul.f32 v12, v7;
	v17 =	vsub.f32 $1.500000000e+00, v17;
	v10 =	vmul.f32 v15, v10  }
0x341: {  	v12 =	vsub.f32 $1.500000000e+00, v16;
	v15 =	vmul.f32 v18, v9;
	v16 =	vmul.f32 v11, v6  }
0x342: {  	v14 =	vmul.f32 v17, v14;
	v5 =	vmul.f32 v7, v5  }
0x343: {  	v12 =	vmul.f32 v12, v13;
	v13 =	vmul.f32 v10, v2  }
0x344: {  	v15 =	vsub.f32 $1.500000000e+00, v15;
	v16 =	vmul.f32 v16, v11;
	v5 =	vmul.f32 v5, v7  }
0x345: {  	v13 =	vmul.f32 v13, v10;
	v17 =	vmul.f32 v12, v3  }
0x346: {  	v9 =	vmul.f32 v15, v9;
	v15 =	vmul.f32 v14, v4;
	v16 =	vsub.f32 $1.500000000e+00, v16  }
0x347: {  	v0 =	vmul.f32 $9.999899860e-01, v0;
	v13 =	vsub.f32 $1.500000000e+00, v13;
	v17 =	vmul.f32 v17, v12  }
0x348: {  	v5 =	vsub.f32 $1.500000000e+00, v5;
	v15 =	vmul.f32 v15, v14;
	v11 =	vmul.f32 v16, v11  }
0x349: {  	v1 =	vmul.f32 v9, v1;
	v10 =	vmul.f32 v13, v10;
	v13 =	vsub.f32 $1.500000000e+00, v17  }
0x34a: {  	v5 =	vmul.f32 v5, v7;
	v15 =	vsub.f32 $1.500000000e+00, v15;
	v6 =	vmul.f32 v11, v6  }
0x34b: {  	v1 =	vmul.f32 v1, v9;
	v12 =	vmul.f32 v13, v12  }
0x34c: {  	v13 =	vmul.f32 v15, v14;
	v6 =	vmul.f32 v6, v11  }
0x34d: {  	v2 =	vmul.f32 v10, v2;
	v3 =	vmul.f32 v12, v3  }
0x34e: {  	s8 =	simm.s32 $0x0;
	v7 =	vmul.f32 $9.999899860e-01, v8;
	v1 =	vsub.f32 $1.500000000e+00, v1;
	v4 =	vmul.f32 v13, v4  }
0x34f: {  	v14 =	vld [tilespmem:s8+$0xC400];
	v6 =	vsub.f32 $1.500000000e+00, v6;
	v2 =	vmul.f32 v2, v10;
	v3 =	vmul.f32 v3, v12  }
0x350: {  	v1 =	vmul.f32 v1, v9;
	v4 =	vmul.f32 v4, v13  }
0x351: {  	v6 =	vmul.f32 v6, v11;
	v2 =	vsub.f32 $1.500000000e+00, v2;
	v3 =	vsub.f32 $1.500000000e+00, v3  }
0x352: {  	v11 =	vmul.f32 $9.999899860e-01, v5;
	v1 =	vmul.f32 $9.999899860e-01, v1;
	v4 =	vsub.f32 $1.500000000e+00, v4  }
0x353: {  	v0 =	vnsel vm4, $0x3F800000, v0;
	v2 =	vmul.f32 v2, v10;
	v3 =	vmul.f32 v3, v12;
	v12 =	vld [tilespmem:s8+$0xC410]  }
0x354: {  	v8 =	vld [tilespmem:s8+$0xC420];
	v16 =	vmul.f32 v14, v0;
	v4 =	vmul.f32 v4, v13  }
0x355: {  	v9 =	vld [tilespmem:s8+$0xC430];
	v5 =	vnsel vm1, $0x3F800000, v7;
	v6 =	vmul.f32 $9.999899860e-01, v6;
	v2 =	vmul.f32 $9.999899860e-01, v2  }
0x356: {  	v7 =	vnsel vm0, $0x3F800000, v11;
	v10 =	vld [tilespmem:s8+$0xC440];
	v13 =	vmul.f32 $9.999899860e-01, v3;
	v15 =	vmul.f32 $9.999899860e-01, v4  }
0x357: {  	v11 =	vld [tilespmem:s8+$0xC450];
	v6 =	vnsel vm3, $0x3F800000, v6;
	v3 =	vnsel vm2, $0x3F800000, v1;
	v4 =	vnsel vm5, $0x3F800000, v2  }
0x358: {  	s10 =	simm.s32 $0x200;
	v1 =	vnsel vm6, $0x3F800000, v13;
	v2 =	vnsel vm7, $0x3F800000, v15;
	v13 =	vmul.f32 v12, v5;
	v12 =	vld [tilespmem:s8+$0xC460]  }
.LBB2_12:
0x359: {  	s16 =	sshra.s32 s10, $0x2;
	p0 =	sne.s32 s10, $0x7E00;
	[tilespmem:s8+$0xC400] =	vst v16;
	v8 =	vmul.f32 v8, v7;
	v14 =	vld [tilespmem:s8+$0xC470]  }
0x35a: {  	v15 =	vld [tilespmem:s16+$0xC400];
	[tilespmem:s8+$0xC410] =	vst v13;
	v9 =	vmul.f32 v9, v3  }
0x35b: {  	v13 =	vld [tilespmem:s16+$0xC410];
	[tilespmem:s8+$0xC420] =	vst v8;
	v10 =	vmul.f32 v10, v6  }
.Ltmp9:
0x35c: {  	v8 =	vld [tilespmem:s16+$0xC420];
	[tilespmem:s8+$0xC430] =	vst v9;
	v11 =	vmul.f32 v11, v4;
	(pc) =	sbr.rel @p0 .LBB2_12-.Ltmp9, $4  }
0x35d: {  	v9 =	vld [tilespmem:s16+$0xC430];
	[tilespmem:s8+$0xC440] =	vst v10;
	v12 =	vmul.f32 v12, v1  }
0x35e: {  	v10 =	vld [tilespmem:s16+$0xC440];
	[tilespmem:s8+$0xC450] =	vst v11;
	v14 =	vmul.f32 v14, v2  }
0x35f: {  	v16 =	vmul.f32 v15, v0;
	v11 =	vld [tilespmem:s16+$0xC450];
	[tilespmem:s8+$0xC460] =	vst v12  }
0x360: {  	s10 =	sadd.s32 $0x200, s10;
	v13 =	vmul.f32 v13, v5;
	v12 =	vld [tilespmem:s16+$0xC460];
	[tilespmem:s8+$0xC470] =	vst v14;
	s8 =	smov.u32 s16  }
0x361: {  	[tilespmem:s8+$0xC400] =	vst v16;
	v0 =	vmul.f32 v8, v7;
	v5 =	vld [tilespmem:s8+$0xC470]  }
0x362: {  	[tilespmem:s8+$0xC410] =	vst v13;
	v3 =	vmul.f32 v9, v3  }
0x363: {  	[tilespmem:s8+$0xC420] =	vst v0;
	v59 =	vmul.f32 v10, v6  }
.Ltmp10:
0x364: {  	[tilespmem:s8+$0xC430] =	vst v3;
	v60 =	vmul.f32 v11, v4;
	(pc) =	sbr.rel .LBB2_14-.Ltmp10, $4  }
0x365: {  	[tilespmem:s8+$0xC440] =	vst v59;
	v62 =	vmul.f32 v12, v1  }
0x366: {  	[tilespmem:s8+$0xC450] =	vst v60;
	v63 =	vmul.f32 v5, v2  }
0x367: {  	[tilespmem:s8+$0xC460] =	vst v62  }
0x368: {  	[tilespmem:s8+$0xC470] =	vst v63  }
.LBB2_16:
0x369: {  	_ =	sfence.sel $0x180000  }
0x36a: {  	[bflag:$0x0] =	sbarrier.arrive $0xFFFF  }
0x36b: {  	_ =	strace $0x9000004A  }
0x36c: {  	s0 =	stileid.u32;
	[bflag:$0x2] =	sbarrier.arrive $0xFFFF  }
0x36d: {  	p0 =	sne.s32 s0, $0x0;
	s0 =	rddreg [dreg:$0x2]  }
0x36e: {  	s0 =	sadd.s32 @!p0 $0x100000, s0  }
0x36f: {  	[sflag:s0] =	ssyncadd.tile.s32 @!p0 $0x1;
	_ =	shalt  }
.Lfunc_end2:
_tile_overlayer_lowered:
.L_overlay_start_2:
0x370: {  	(tag) =	ssettag $0x2  }
0x371: {  	s0 =	rddreg [dreg:$0x0];
	s2 =	stileid.u32  }
0x372: {  	s1 =	rddreg [dreg:$0x1];
	p0 =	sne.s32 s2, $0x0  }
0x373: {  	s3 =	rddreg [dreg:$0x2];
	[bflag:$0x3] =	sbarrier.arrive $0xFFFF;
	s2 =	simm.s32 @!p0 $0x1C05  }
0x374: {  	[timem:s3], [sflag:s2] =	dma.local @!p0 [hbm:s0], s1  }
0x375: {  	s0 =	simm.s32 @!p0 $0x5  }
0x376: {  	_ =	swait.ge @!p0 [sflag:s0], s1  }
0x377: {  	s1 =	ssub.s32 @!p0 $0x0, s1;
	[sflag:s0] =	ssyncset.done @!p0 $0x0  }
0x378: {  	[sflag:s0] =	ssyncadd.s32 @!p0 s1  }
0x379: {  	[bflag:$0x3] =	sbarrier.arrive $0xFFFF  }
0x37a: {  	_ =	shalt  }

</sc_bundles>
